<compile_context>
chip_gen: v7x
topology: tpu7x:2x2x1
jax: 0.10.2.dev20260603
libtpu: 0.0.44.dev20260713+nightly
codegen_flags: <defaults>
</compile_context>

<pallas_src>
import jax
import jax.numpy as jnp
from jax import lax
from jax.experimental import pallas as pl
from jax.experimental.pallas import tpu as pltpu
from jax.experimental.pallas import tpu_sc as plsc

VOCAB = 100000
D = 64
B = 16384
CTX = 20

NC = 2
NS = 16
NW = NC * NS
BW = B // NW
G = 32
ROWS = G * CTX
CH = 128
NCH = ROWS // CH
NG = BW // G
PW = BW * CTX


def _sc_body(cen_ids_hbm, ctx_ids_hbm, in_hbm, out_hbm, scores_hbm,
             cen_idx_v, ctx_idx_v, cen_rows_v, ctx_rows_v,
             scores_v, sem0, sem1):
    wid = lax.axis_index("s") * NC + lax.axis_index("c")

    pltpu.sync_copy(cen_ids_hbm.at[pl.ds(wid * BW, BW)], cen_idx_v)
    pltpu.sync_copy(ctx_ids_hbm.at[pl.ds(wid * BW * CTX, BW * CTX)], ctx_idx_v)

    lane = lax.iota(jnp.int32, 16)
    mask15 = lane == 15
    l0 = lane * 0

    sems = (sem0, sem1)

    def _descs(g, b):
        sem = sems[b]
        ds = []
        for k in range(NCH):
            ds.append(pltpu.make_async_copy(
                out_hbm.at[ctx_idx_v.at[pl.ds((g * NCH + k) * CH, CH)]],
                ctx_rows_v.at[b, pl.ds(k * CH, CH)],
                sem))
        ds.append(pltpu.make_async_copy(
            in_hbm.at[cen_idx_v.at[pl.ds(g * G, G)]],
            cen_rows_v.at[b],
            sem))
        return ds

    def _issue(g, b):
        for d in _descs(g, b):
            d.start()

    def _wait(g, b):
        for d in _descs(g, b):
            d.wait()

    def _compute(g, b):
        @plsc.parallel_loop(0, G, unroll=4)
        def _item(i):
            cen = [cen_rows_v[b, i, pl.ds(16 * k, 16)] for k in range(4)]
            base = i * CTX
            iv = (g * G + i) * CTX + l0
            for c in range(CTX):
                r = base + c
                p = ctx_rows_v[b, r, pl.ds(0, 16)] * cen[0]
                p += ctx_rows_v[b, r, pl.ds(16, 16)] * cen[1]
                p += ctx_rows_v[b, r, pl.ds(32, 16)] * cen[2]
                p += ctx_rows_v[b, r, pl.ds(48, 16)] * cen[3]
                s = plsc.cumsum(p)
                plsc.store_scatter(scores_v, [iv + c], s, mask=mask15)

    _issue(0, 0)
    _issue(1, 1)

    @pl.loop(0, NG, step=2)
    def _group(g):
        for b in range(2):
            gg = g + b
            _wait(gg, b)

            @pl.when(gg + 2 < NG)
            def _():
                _issue(gg + 2, b)

            _compute(gg, b)

    pltpu.sync_copy(scores_v, scores_hbm.at[wid])


def _tc_loss_body(s_ref, o_ref):
    s = s_ref[...]
    sp = jnp.maximum(-s, 0.0) + jnp.log1p(jnp.exp(-jnp.abs(s)))
    o_ref[...] = (jnp.sum(sp) / jnp.float32(B * CTX)).reshape(1, 1)


@jax.jit
def kernel(center_ids, context_ids, in_embed, out_embed):
    cen_ids = center_ids.astype(jnp.int32)
    ctx_ids = context_ids.astype(jnp.int32).reshape(-1)

    mesh = plsc.VectorSubcoreMesh(core_axis_name="c", subcore_axis_name="s")
    scores = pl.kernel(
        _sc_body,
        out_type=jax.ShapeDtypeStruct((NW, PW), jnp.float32),
        mesh=mesh,
        compiler_params=pltpu.CompilerParams(
            needs_layout_passes=False, use_tc_tiling_on_sc=False),
        scratch_types=[
            pltpu.VMEM((BW,), jnp.int32),
            pltpu.VMEM((BW * CTX,), jnp.int32),
            pltpu.VMEM((2, G, D), jnp.float32),
            pltpu.VMEM((2, ROWS, D), jnp.float32),
            pltpu.VMEM((PW,), jnp.float32),
            pltpu.SemaphoreType.DMA,
            pltpu.SemaphoreType.DMA,
        ],
    )(cen_ids, ctx_ids, in_embed, out_embed)

    loss = pl.pallas_call(
        _tc_loss_body,
        out_shape=jax.ShapeDtypeStruct((1, 1), jnp.float32),
    )(scores)
    return loss[0, 0]

# --- scband reference (transcript-rebuilt; emitter-appended) ---
"""Pipeline reference for scband-block2-vec-88502096101818 (READ-ONLY COPY).

The authoritative reference and input builder live on the scoring server;
editing this copy changes nothing except your own understanding.
"""

import jax, jax.numpy as jnp
import numpy as np

VOCAB = 100000
EMBED_DIM = 64
BATCH = 16384
CTX = 20

def setup_inputs(seed: int = 0) -> dict:
    key = jax.random.key(seed)
    k1, k2, k3, k4 = jax.random.split(key, 4)
    center_ids = jax.random.randint(k1, (BATCH,), 0, VOCAB, dtype=jnp.int64 if jax.config.jax_enable_x64 else jnp.int32)
    context_ids = jax.random.randint(k2, (BATCH, CTX), 0, VOCAB, dtype=jnp.int64 if jax.config.jax_enable_x64 else jnp.int32)
    in_embed = jax.random.normal(k3, (VOCAB, EMBED_DIM), dtype=jnp.float32) * 0.02
    out_embed = jax.random.normal(k4, (VOCAB, EMBED_DIM), dtype=jnp.float32) * 0.02
    return {"center_ids": center_ids, "context_ids": context_ids, "in_embed": in_embed, "out_embed": out_embed}

def reference(center_ids, context_ids, in_embed, out_embed):
    batch_size, context_len = context_ids.shape
    center_ids_expanded = jnp.broadcast_to(center_ids[:, None], (batch_size, context_len)).reshape(-1)
    context_ids_flat = context_ids.reshape(-1)
    center_vec = jnp.take(in_embed, center_ids_expanded, axis=0)
    context_vec = jnp.take(out_embed, context_ids_flat, axis=0)
    scores = jnp.sum(center_vec * context_vec, axis=1)
    # binary_cross_entropy_with_logits with target=1 reduces to softplus(-scores)
    loss = jnp.mean(jax.nn.softplus(-scores))
    return loss

if __name__ == "__main__":
    import jax
    _d = setup_inputs()
    print(jax.jit(kernel)(*tuple(_d.values())))

</pallas_src>

<mosaic_0001>
#map = affine_map<(d0, d1) -> (0)>
#map1 = affine_map<(d0, d1) -> (0, 0)>
module attributes {stable_mosaic.version = 14 : i64} {
  func.func @_sc_body(%arg0: i32, %arg1: i32, %arg2: memref<16384xi32, #tpu.memory_space<hbm>>, %arg3: memref<327680xi32, #tpu.memory_space<hbm>>, %arg4: memref<100000x64xf32, #tpu.memory_space<hbm>>, %arg5: memref<100000x64xf32, #tpu.memory_space<hbm>>, %arg6: memref<32x10240xf32, #tpu.memory_space<hbm>>, %arg7: memref<512xi32, #tpu.memory_space<vmem>>, %arg8: memref<10240xi32, #tpu.memory_space<vmem>>, %arg9: memref<2x32x64xf32, #tpu.memory_space<vmem>>, %arg10: memref<2x640x64xf32, #tpu.memory_space<vmem>>, %arg11: memref<10240xf32, #tpu.memory_space<vmem>>, %arg12: memref<!tpu.dma_semaphore, #tpu.memory_space<semaphore_mem>>, %arg13: memref<!tpu.dma_semaphore, #tpu.memory_space<semaphore_mem>>) attributes {dimension_semantics = [#tpu.dimension_semantics<core_parallel>, #tpu.dimension_semantics<subcore_parallel>], iteration_bounds = array<i64: 2, 16>, scalar_prefetch = 0 : i64, scratch_operands = 7 : i64, tpu.core_type = #tpu.core_type<sc_vector_subcore>, window_params = [{transform_indices = #map}, {transform_indices = #map}, {transform_indices = #map1}, {transform_indices = #map1}, {transform_indices = #map1}]} {
    %mul3A = arith.constant 2 : i32
    %mul3A_0 = arith.muli %arg1, %mul3A : i32
    %add3A = arith.addi %mul3A_0, %arg0 : i32
    %mul3A_1 = arith.constant 512 : i32
    %mul3A_2 = arith.muli %add3A, %mul3A_1 : i32
    "tpu.region"() ({
      %run_scoped3A = tpu.sem_alloc : memref<!tpu.dma_semaphore, #tpu.memory_space<semaphore_mem>>
      %dma_start3A_135 = tpu.memref_slice %arg2[%mul3A_2] : memref<16384xi32, #tpu.memory_space<hbm>> -> memref<512xi32, #tpu.memory_space<hbm>>
      %dma_start3A_136 = tpu.memref_slice %arg2[%mul3A_2] : memref<16384xi32, #tpu.memory_space<hbm>> -> memref<512xi32, #tpu.memory_space<hbm>>
      tpu.enqueue_dma source(%dma_start3A_136 : memref<512xi32, #tpu.memory_space<hbm>>) target(%arg7 : memref<512xi32, #tpu.memory_space<vmem>>) target_semaphore(%run_scoped3A : memref<!tpu.dma_semaphore, #tpu.memory_space<semaphore_mem>>)
      %dma_wait3A = tpu.memref_slice %arg2[%mul3A_2] : memref<16384xi32, #tpu.memory_space<hbm>> -> memref<512xi32, #tpu.memory_space<hbm>>
      %dma_wait3A_137 = tpu.memref_slice %arg2[%mul3A_2] : memref<16384xi32, #tpu.memory_space<hbm>> -> memref<512xi32, #tpu.memory_space<hbm>>
      tpu.wait_dma2 semaphore(%run_scoped3A : memref<!tpu.dma_semaphore, #tpu.memory_space<semaphore_mem>>) src(%dma_wait3A_137 : memref<512xi32, #tpu.memory_space<hbm>>) dst(%arg7 : memref<512xi32, #tpu.memory_space<vmem>>)
      tpu.yield
    }) : () -> ()
    %mul3A_3 = arith.constant 512 : i32
    %mul3A_4 = arith.muli %add3A, %mul3A_3 : i32
    %mul3A_5 = arith.constant 20 : i32
    %mul3A_6 = arith.muli %mul3A_4, %mul3A_5 : i32
    "tpu.region"() ({
      %run_scoped3A = tpu.sem_alloc : memref<!tpu.dma_semaphore, #tpu.memory_space<semaphore_mem>>
      %dma_start3A_135 = tpu.memref_slice %arg3[%mul3A_6] : memref<327680xi32, #tpu.memory_space<hbm>> -> memref<10240xi32, #tpu.memory_space<hbm>>
      %dma_start3A_136 = tpu.memref_slice %arg3[%mul3A_6] : memref<327680xi32, #tpu.memory_space<hbm>> -> memref<10240xi32, #tpu.memory_space<hbm>>
      tpu.enqueue_dma source(%dma_start3A_136 : memref<10240xi32, #tpu.memory_space<hbm>>) target(%arg8 : memref<10240xi32, #tpu.memory_space<vmem>>) target_semaphore(%run_scoped3A : memref<!tpu.dma_semaphore, #tpu.memory_space<semaphore_mem>>)
      %dma_wait3A = tpu.memref_slice %arg3[%mul3A_6] : memref<327680xi32, #tpu.memory_space<hbm>> -> memref<10240xi32, #tpu.memory_space<hbm>>
      %dma_wait3A_137 = tpu.memref_slice %arg3[%mul3A_6] : memref<327680xi32, #tpu.memory_space<hbm>> -> memref<10240xi32, #tpu.memory_space<hbm>>
      tpu.wait_dma2 semaphore(%run_scoped3A : memref<!tpu.dma_semaphore, #tpu.memory_space<semaphore_mem>>) src(%dma_wait3A_137 : memref<10240xi32, #tpu.memory_space<hbm>>) dst(%arg8 : memref<10240xi32, #tpu.memory_space<vmem>>)
      tpu.yield
    }) : () -> ()
    %iota3A = tpu.iota {dimensions = array<i32: 0>} : vector<16xi32>
    %eq3A = arith.constant 15 : i32
    %eq3A_7 = vector.broadcast %eq3A : i32 to vector<16xi32>
    %eq3A_8 = arith.cmpi eq, %iota3A, %eq3A_7 : vector<16xi32>
    %mul3A_9 = arith.constant 0 : i32
    %mul3A_10 = vector.broadcast %mul3A_9 : i32 to vector<16xi32>
    %mul3A_11 = arith.muli %iota3A, %mul3A_10 : vector<16xi32>
    %dma_start3A = arith.constant 0 : i32
    %dma_start3A_12 = arith.constant 0 : i32
    %dma_start3A_13 = arith.constant 0 : i32
    %dma_start3A_14 = tpu.memref_slice %arg10[%dma_start3A, %dma_start3A_12, %dma_start3A_13] : memref<2x640x64xf32, #tpu.memory_space<vmem>> -> memref<1x128x64xf32, #tpu.memory_space<vmem>>
    %dma_start3A_15 = tpu.memref_squeeze %dma_start3A_14 : memref<1x128x64xf32, #tpu.memory_space<vmem>> -> memref<128x64xf32, #tpu.memory_space<vmem>>
    %dma_start3A_16 = arith.constant 0 : i32
    %dma_start3A_17 = tpu.memref_slice %arg8[%dma_start3A_16] : memref<10240xi32, #tpu.memory_space<vmem>> -> memref<128xi32, #tpu.memory_space<vmem>>
    %dma_start3A_18 = arith.constant 0 : i32
    %dma_start3A_19 = arith.constant 0 : i32
    %dma_start3A_20 = tpu.memref_slice %arg5[%dma_start3A_18, %dma_start3A_19] : memref<100000x64xf32, #tpu.memory_space<hbm>> -> memref<100000x64xf32, #tpu.memory_space<hbm>>
    tpu.enqueue_indirect_dma source(%dma_start3A_20 : memref<100000x64xf32, #tpu.memory_space<hbm>>) target(%dma_start3A_15 : memref<128x64xf32, #tpu.memory_space<vmem>>) offsets(%dma_start3A_17 : memref<128xi32, #tpu.memory_space<vmem>>) semaphore(%arg12 : memref<!tpu.dma_semaphore, #tpu.memory_space<semaphore_mem>>)
    %dma_start3A_21 = arith.constant 0 : i32
    %dma_start3A_22 = arith.constant 128 : i32
    %dma_start3A_23 = arith.constant 0 : i32
    %dma_start3A_24 = tpu.memref_slice %arg10[%dma_start3A_21, %dma_start3A_22, %dma_start3A_23] : memref<2x640x64xf32, #tpu.memory_space<vmem>> -> memref<1x128x64xf32, #tpu.memory_space<vmem>>
    %dma_start3A_25 = tpu.memref_squeeze %dma_start3A_24 : memref<1x128x64xf32, #tpu.memory_space<vmem>> -> memref<128x64xf32, #tpu.memory_space<vmem>>
    %dma_start3A_26 = arith.constant 128 : i32
    %dma_start3A_27 = tpu.memref_slice %arg8[%dma_start3A_26] : memref<10240xi32, #tpu.memory_space<vmem>> -> memref<128xi32, #tpu.memory_space<vmem>>
    %dma_start3A_28 = arith.constant 0 : i32
    %dma_start3A_29 = arith.constant 0 : i32
    %dma_start3A_30 = tpu.memref_slice %arg5[%dma_start3A_28, %dma_start3A_29] : memref<100000x64xf32, #tpu.memory_space<hbm>> -> memref<100000x64xf32, #tpu.memory_space<hbm>>
    tpu.enqueue_indirect_dma source(%dma_start3A_30 : memref<100000x64xf32, #tpu.memory_space<hbm>>) target(%dma_start3A_25 : memref<128x64xf32, #tpu.memory_space<vmem>>) offsets(%dma_start3A_27 : memref<128xi32, #tpu.memory_space<vmem>>) semaphore(%arg12 : memref<!tpu.dma_semaphore, #tpu.memory_space<semaphore_mem>>)
    %dma_start3A_31 = arith.constant 0 : i32
    %dma_start3A_32 = arith.constant 256 : i32
    %dma_start3A_33 = arith.constant 0 : i32
    %dma_start3A_34 = tpu.memref_slice %arg10[%dma_start3A_31, %dma_start3A_32, %dma_start3A_33] : memref<2x640x64xf32, #tpu.memory_space<vmem>> -> memref<1x128x64xf32, #tpu.memory_space<vmem>>
    %dma_start3A_35 = tpu.memref_squeeze %dma_start3A_34 : memref<1x128x64xf32, #tpu.memory_space<vmem>> -> memref<128x64xf32, #tpu.memory_space<vmem>>
    %dma_start3A_36 = arith.constant 256 : i32
    %dma_start3A_37 = tpu.memref_slice %arg8[%dma_start3A_36] : memref<10240xi32, #tpu.memory_space<vmem>> -> memref<128xi32, #tpu.memory_space<vmem>>
    %dma_start3A_38 = arith.constant 0 : i32
    %dma_start3A_39 = arith.constant 0 : i32
    %dma_start3A_40 = tpu.memref_slice %arg5[%dma_start3A_38, %dma_start3A_39] : memref<100000x64xf32, #tpu.memory_space<hbm>> -> memref<100000x64xf32, #tpu.memory_space<hbm>>
    tpu.enqueue_indirect_dma source(%dma_start3A_40 : memref<100000x64xf32, #tpu.memory_space<hbm>>) target(%dma_start3A_35 : memref<128x64xf32, #tpu.memory_space<vmem>>) offsets(%dma_start3A_37 : memref<128xi32, #tpu.memory_space<vmem>>) semaphore(%arg12 : memref<!tpu.dma_semaphore, #tpu.memory_space<semaphore_mem>>)
    %dma_start3A_41 = arith.constant 0 : i32
    %dma_start3A_42 = arith.constant 384 : i32
    %dma_start3A_43 = arith.constant 0 : i32
    %dma_start3A_44 = tpu.memref_slice %arg10[%dma_start3A_41, %dma_start3A_42, %dma_start3A_43] : memref<2x640x64xf32, #tpu.memory_space<vmem>> -> memref<1x128x64xf32, #tpu.memory_space<vmem>>
    %dma_start3A_45 = tpu.memref_squeeze %dma_start3A_44 : memref<1x128x64xf32, #tpu.memory_space<vmem>> -> memref<128x64xf32, #tpu.memory_space<vmem>>
    %dma_start3A_46 = arith.constant 384 : i32
    %dma_start3A_47 = tpu.memref_slice %arg8[%dma_start3A_46] : memref<10240xi32, #tpu.memory_space<vmem>> -> memref<128xi32, #tpu.memory_space<vmem>>
    %dma_start3A_48 = arith.constant 0 : i32
    %dma_start3A_49 = arith.constant 0 : i32
    %dma_start3A_50 = tpu.memref_slice %arg5[%dma_start3A_48, %dma_start3A_49] : memref<100000x64xf32, #tpu.memory_space<hbm>> -> memref<100000x64xf32, #tpu.memory_space<hbm>>
    tpu.enqueue_indirect_dma source(%dma_start3A_50 : memref<100000x64xf32, #tpu.memory_space<hbm>>) target(%dma_start3A_45 : memref<128x64xf32, #tpu.memory_space<vmem>>) offsets(%dma_start3A_47 : memref<128xi32, #tpu.memory_space<vmem>>) semaphore(%arg12 : memref<!tpu.dma_semaphore, #tpu.memory_space<semaphore_mem>>)
    %dma_start3A_51 = arith.constant 0 : i32
    %dma_start3A_52 = arith.constant 512 : i32
    %dma_start3A_53 = arith.constant 0 : i32
    %dma_start3A_54 = tpu.memref_slice %arg10[%dma_start3A_51, %dma_start3A_52, %dma_start3A_53] : memref<2x640x64xf32, #tpu.memory_space<vmem>> -> memref<1x128x64xf32, #tpu.memory_space<vmem>>
    %dma_start3A_55 = tpu.memref_squeeze %dma_start3A_54 : memref<1x128x64xf32, #tpu.memory_space<vmem>> -> memref<128x64xf32, #tpu.memory_space<vmem>>
    %dma_start3A_56 = arith.constant 512 : i32
    %dma_start3A_57 = tpu.memref_slice %arg8[%dma_start3A_56] : memref<10240xi32, #tpu.memory_space<vmem>> -> memref<128xi32, #tpu.memory_space<vmem>>
    %dma_start3A_58 = arith.constant 0 : i32
    %dma_start3A_59 = arith.constant 0 : i32
    %dma_start3A_60 = tpu.memref_slice %arg5[%dma_start3A_58, %dma_start3A_59] : memref<100000x64xf32, #tpu.memory_space<hbm>> -> memref<100000x64xf32, #tpu.memory_space<hbm>>
    tpu.enqueue_indirect_dma source(%dma_start3A_60 : memref<100000x64xf32, #tpu.memory_space<hbm>>) target(%dma_start3A_55 : memref<128x64xf32, #tpu.memory_space<vmem>>) offsets(%dma_start3A_57 : memref<128xi32, #tpu.memory_space<vmem>>) semaphore(%arg12 : memref<!tpu.dma_semaphore, #tpu.memory_space<semaphore_mem>>)
    %dma_start3A_61 = arith.constant 0 : i32
    %dma_start3A_62 = arith.constant 0 : i32
    %dma_start3A_63 = arith.constant 0 : i32
    %dma_start3A_64 = tpu.memref_slice %arg9[%dma_start3A_61, %dma_start3A_62, %dma_start3A_63] : memref<2x32x64xf32, #tpu.memory_space<vmem>> -> memref<1x32x64xf32, #tpu.memory_space<vmem>>
    %dma_start3A_65 = tpu.memref_squeeze %dma_start3A_64 : memref<1x32x64xf32, #tpu.memory_space<vmem>> -> memref<32x64xf32, #tpu.memory_space<vmem>>
    %dma_start3A_66 = arith.constant 0 : i32
    %dma_start3A_67 = tpu.memref_slice %arg7[%dma_start3A_66] : memref<512xi32, #tpu.memory_space<vmem>> -> memref<32xi32, #tpu.memory_space<vmem>>
    %dma_start3A_68 = arith.constant 0 : i32
    %dma_start3A_69 = arith.constant 0 : i32
    %dma_start3A_70 = tpu.memref_slice %arg4[%dma_start3A_68, %dma_start3A_69] : memref<100000x64xf32, #tpu.memory_space<hbm>> -> memref<100000x64xf32, #tpu.memory_space<hbm>>
    tpu.enqueue_indirect_dma source(%dma_start3A_70 : memref<100000x64xf32, #tpu.memory_space<hbm>>) target(%dma_start3A_65 : memref<32x64xf32, #tpu.memory_space<vmem>>) offsets(%dma_start3A_67 : memref<32xi32, #tpu.memory_space<vmem>>) semaphore(%arg12 : memref<!tpu.dma_semaphore, #tpu.memory_space<semaphore_mem>>)
    %dma_start3A_71 = arith.constant 1 : i32
    %dma_start3A_72 = arith.constant 0 : i32
    %dma_start3A_73 = arith.constant 0 : i32
    %dma_start3A_74 = tpu.memref_slice %arg10[%dma_start3A_71, %dma_start3A_72, %dma_start3A_73] : memref<2x640x64xf32, #tpu.memory_space<vmem>> -> memref<1x128x64xf32, #tpu.memory_space<vmem>>
    %dma_start3A_75 = tpu.memref_squeeze %dma_start3A_74 : memref<1x128x64xf32, #tpu.memory_space<vmem>> -> memref<128x64xf32, #tpu.memory_space<vmem>>
    %dma_start3A_76 = arith.constant 640 : i32
    %dma_start3A_77 = tpu.memref_slice %arg8[%dma_start3A_76] : memref<10240xi32, #tpu.memory_space<vmem>> -> memref<128xi32, #tpu.memory_space<vmem>>
    %dma_start3A_78 = arith.constant 0 : i32
    %dma_start3A_79 = arith.constant 0 : i32
    %dma_start3A_80 = tpu.memref_slice %arg5[%dma_start3A_78, %dma_start3A_79] : memref<100000x64xf32, #tpu.memory_space<hbm>> -> memref<100000x64xf32, #tpu.memory_space<hbm>>
    tpu.enqueue_indirect_dma source(%dma_start3A_80 : memref<100000x64xf32, #tpu.memory_space<hbm>>) target(%dma_start3A_75 : memref<128x64xf32, #tpu.memory_space<vmem>>) offsets(%dma_start3A_77 : memref<128xi32, #tpu.memory_space<vmem>>) semaphore(%arg13 : memref<!tpu.dma_semaphore, #tpu.memory_space<semaphore_mem>>)
    %dma_start3A_81 = arith.constant 1 : i32
    %dma_start3A_82 = arith.constant 128 : i32
    %dma_start3A_83 = arith.constant 0 : i32
    %dma_start3A_84 = tpu.memref_slice %arg10[%dma_start3A_81, %dma_start3A_82, %dma_start3A_83] : memref<2x640x64xf32, #tpu.memory_space<vmem>> -> memref<1x128x64xf32, #tpu.memory_space<vmem>>
    %dma_start3A_85 = tpu.memref_squeeze %dma_start3A_84 : memref<1x128x64xf32, #tpu.memory_space<vmem>> -> memref<128x64xf32, #tpu.memory_space<vmem>>
    %dma_start3A_86 = arith.constant 768 : i32
    %dma_start3A_87 = tpu.memref_slice %arg8[%dma_start3A_86] : memref<10240xi32, #tpu.memory_space<vmem>> -> memref<128xi32, #tpu.memory_space<vmem>>
    %dma_start3A_88 = arith.constant 0 : i32
    %dma_start3A_89 = arith.constant 0 : i32
    %dma_start3A_90 = tpu.memref_slice %arg5[%dma_start3A_88, %dma_start3A_89] : memref<100000x64xf32, #tpu.memory_space<hbm>> -> memref<100000x64xf32, #tpu.memory_space<hbm>>
    tpu.enqueue_indirect_dma source(%dma_start3A_90 : memref<100000x64xf32, #tpu.memory_space<hbm>>) target(%dma_start3A_85 : memref<128x64xf32, #tpu.memory_space<vmem>>) offsets(%dma_start3A_87 : memref<128xi32, #tpu.memory_space<vmem>>) semaphore(%arg13 : memref<!tpu.dma_semaphore, #tpu.memory_space<semaphore_mem>>)
    %dma_start3A_91 = arith.constant 1 : i32
    %dma_start3A_92 = arith.constant 256 : i32
    %dma_start3A_93 = arith.constant 0 : i32
    %dma_start3A_94 = tpu.memref_slice %arg10[%dma_start3A_91, %dma_start3A_92, %dma_start3A_93] : memref<2x640x64xf32, #tpu.memory_space<vmem>> -> memref<1x128x64xf32, #tpu.memory_space<vmem>>
    %dma_start3A_95 = tpu.memref_squeeze %dma_start3A_94 : memref<1x128x64xf32, #tpu.memory_space<vmem>> -> memref<128x64xf32, #tpu.memory_space<vmem>>
    %dma_start3A_96 = arith.constant 896 : i32
    %dma_start3A_97 = tpu.memref_slice %arg8[%dma_start3A_96] : memref<10240xi32, #tpu.memory_space<vmem>> -> memref<128xi32, #tpu.memory_space<vmem>>
    %dma_start3A_98 = arith.constant 0 : i32
    %dma_start3A_99 = arith.constant 0 : i32
    %dma_start3A_100 = tpu.memref_slice %arg5[%dma_start3A_98, %dma_start3A_99] : memref<100000x64xf32, #tpu.memory_space<hbm>> -> memref<100000x64xf32, #tpu.memory_space<hbm>>
    tpu.enqueue_indirect_dma source(%dma_start3A_100 : memref<100000x64xf32, #tpu.memory_space<hbm>>) target(%dma_start3A_95 : memref<128x64xf32, #tpu.memory_space<vmem>>) offsets(%dma_start3A_97 : memref<128xi32, #tpu.memory_space<vmem>>) semaphore(%arg13 : memref<!tpu.dma_semaphore, #tpu.memory_space<semaphore_mem>>)
    %dma_start3A_101 = arith.constant 1 : i32
    %dma_start3A_102 = arith.constant 384 : i32
    %dma_start3A_103 = arith.constant 0 : i32
    %dma_start3A_104 = tpu.memref_slice %arg10[%dma_start3A_101, %dma_start3A_102, %dma_start3A_103] : memref<2x640x64xf32, #tpu.memory_space<vmem>> -> memref<1x128x64xf32, #tpu.memory_space<vmem>>
    %dma_start3A_105 = tpu.memref_squeeze %dma_start3A_104 : memref<1x128x64xf32, #tpu.memory_space<vmem>> -> memref<128x64xf32, #tpu.memory_space<vmem>>
    %dma_start3A_106 = arith.constant 1024 : i32
    %dma_start3A_107 = tpu.memref_slice %arg8[%dma_start3A_106] : memref<10240xi32, #tpu.memory_space<vmem>> -> memref<128xi32, #tpu.memory_space<vmem>>
    %dma_start3A_108 = arith.constant 0 : i32
    %dma_start3A_109 = arith.constant 0 : i32
    %dma_start3A_110 = tpu.memref_slice %arg5[%dma_start3A_108, %dma_start3A_109] : memref<100000x64xf32, #tpu.memory_space<hbm>> -> memref<100000x64xf32, #tpu.memory_space<hbm>>
    tpu.enqueue_indirect_dma source(%dma_start3A_110 : memref<100000x64xf32, #tpu.memory_space<hbm>>) target(%dma_start3A_105 : memref<128x64xf32, #tpu.memory_space<vmem>>) offsets(%dma_start3A_107 : memref<128xi32, #tpu.memory_space<vmem>>) semaphore(%arg13 : memref<!tpu.dma_semaphore, #tpu.memory_space<semaphore_mem>>)
    %dma_start3A_111 = arith.constant 1 : i32
    %dma_start3A_112 = arith.constant 512 : i32
    %dma_start3A_113 = arith.constant 0 : i32
    %dma_start3A_114 = tpu.memref_slice %arg10[%dma_start3A_111, %dma_start3A_112, %dma_start3A_113] : memref<2x640x64xf32, #tpu.memory_space<vmem>> -> memref<1x128x64xf32, #tpu.memory_space<vmem>>
    %dma_start3A_115 = tpu.memref_squeeze %dma_start3A_114 : memref<1x128x64xf32, #tpu.memory_space<vmem>> -> memref<128x64xf32, #tpu.memory_space<vmem>>
    %dma_start3A_116 = arith.constant 1152 : i32
    %dma_start3A_117 = tpu.memref_slice %arg8[%dma_start3A_116] : memref<10240xi32, #tpu.memory_space<vmem>> -> memref<128xi32, #tpu.memory_space<vmem>>
    %dma_start3A_118 = arith.constant 0 : i32
    %dma_start3A_119 = arith.constant 0 : i32
    %dma_start3A_120 = tpu.memref_slice %arg5[%dma_start3A_118, %dma_start3A_119] : memref<100000x64xf32, #tpu.memory_space<hbm>> -> memref<100000x64xf32, #tpu.memory_space<hbm>>
    tpu.enqueue_indirect_dma source(%dma_start3A_120 : memref<100000x64xf32, #tpu.memory_space<hbm>>) target(%dma_start3A_115 : memref<128x64xf32, #tpu.memory_space<vmem>>) offsets(%dma_start3A_117 : memref<128xi32, #tpu.memory_space<vmem>>) semaphore(%arg13 : memref<!tpu.dma_semaphore, #tpu.memory_space<semaphore_mem>>)
    %dma_start3A_121 = arith.constant 1 : i32
    %dma_start3A_122 = arith.constant 0 : i32
    %dma_start3A_123 = arith.constant 0 : i32
    %dma_start3A_124 = tpu.memref_slice %arg9[%dma_start3A_121, %dma_start3A_122, %dma_start3A_123] : memref<2x32x64xf32, #tpu.memory_space<vmem>> -> memref<1x32x64xf32, #tpu.memory_space<vmem>>
    %dma_start3A_125 = tpu.memref_squeeze %dma_start3A_124 : memref<1x32x64xf32, #tpu.memory_space<vmem>> -> memref<32x64xf32, #tpu.memory_space<vmem>>
    %dma_start3A_126 = arith.constant 32 : i32
    %dma_start3A_127 = tpu.memref_slice %arg7[%dma_start3A_126] : memref<512xi32, #tpu.memory_space<vmem>> -> memref<32xi32, #tpu.memory_space<vmem>>
    %dma_start3A_128 = arith.constant 0 : i32
    %dma_start3A_129 = arith.constant 0 : i32
    %dma_start3A_130 = tpu.memref_slice %arg4[%dma_start3A_128, %dma_start3A_129] : memref<100000x64xf32, #tpu.memory_space<hbm>> -> memref<100000x64xf32, #tpu.memory_space<hbm>>
    tpu.enqueue_indirect_dma source(%dma_start3A_130 : memref<100000x64xf32, #tpu.memory_space<hbm>>) target(%dma_start3A_125 : memref<32x64xf32, #tpu.memory_space<vmem>>) offsets(%dma_start3A_127 : memref<32xi32, #tpu.memory_space<vmem>>) semaphore(%arg13 : memref<!tpu.dma_semaphore, #tpu.memory_space<semaphore_mem>>)
    %scan3A = arith.constant 0 : i32
    %scan3A_131 = arith.constant 8 : i32
    %scan3A_132 = arith.addi %scan3A, %scan3A_131 : i32
    %scan3A_133 = arith.constant 1 : i32
    scf.for %scan3A_135 = %scan3A to %scan3A_132 step %scan3A_133  : i32 {
      %mul3A_136 = arith.constant 2 : i32
      %mul3A_137 = arith.muli %scan3A_135, %mul3A_136 : i32
      %add3A_138 = arith.constant 0 : i32
      %add3A_139 = arith.addi %add3A_138, %mul3A_137 : i32
      %add3A_140 = arith.constant 0 : i32
      %add3A_141 = arith.addi %add3A_139, %add3A_140 : i32
      %mul3A_142 = arith.constant 5 : i32
      %mul3A_143 = arith.muli %add3A_141, %mul3A_142 : i32
      %add3A_144 = arith.constant 0 : i32
      %add3A_145 = arith.addi %mul3A_143, %add3A_144 : i32
      %mul3A_146 = arith.constant 128 : i32
      %mul3A_147 = arith.muli %add3A_145, %mul3A_146 : i32
      %mul3A_148 = arith.constant 5 : i32
      %mul3A_149 = arith.muli %add3A_141, %mul3A_148 : i32
      %add3A_150 = arith.constant 1 : i32
      %add3A_151 = arith.addi %mul3A_149, %add3A_150 : i32
      %mul3A_152 = arith.constant 128 : i32
      %mul3A_153 = arith.muli %add3A_151, %mul3A_152 : i32
      %mul3A_154 = arith.constant 5 : i32
      %mul3A_155 = arith.muli %add3A_141, %mul3A_154 : i32
      %add3A_156 = arith.constant 2 : i32
      %add3A_157 = arith.addi %mul3A_155, %add3A_156 : i32
      %mul3A_158 = arith.constant 128 : i32
      %mul3A_159 = arith.muli %add3A_157, %mul3A_158 : i32
      %mul3A_160 = arith.constant 5 : i32
      %mul3A_161 = arith.muli %add3A_141, %mul3A_160 : i32
      %add3A_162 = arith.constant 3 : i32
      %add3A_163 = arith.addi %mul3A_161, %add3A_162 : i32
      %mul3A_164 = arith.constant 128 : i32
      %mul3A_165 = arith.muli %add3A_163, %mul3A_164 : i32
      %mul3A_166 = arith.constant 5 : i32
      %mul3A_167 = arith.muli %add3A_141, %mul3A_166 : i32
      %add3A_168 = arith.constant 4 : i32
      %add3A_169 = arith.addi %mul3A_167, %add3A_168 : i32
      %mul3A_170 = arith.constant 128 : i32
      %mul3A_171 = arith.muli %add3A_169, %mul3A_170 : i32
      %mul3A_172 = arith.constant 32 : i32
      %mul3A_173 = arith.muli %add3A_141, %mul3A_172 : i32
      %dma_wait3A = arith.constant 0 : i32
      %dma_wait3A_174 = arith.constant 0 : i32
      %dma_wait3A_175 = arith.constant 0 : i32
      %dma_wait3A_176 = tpu.memref_slice %arg10[%dma_wait3A, %dma_wait3A_174, %dma_wait3A_175] : memref<2x640x64xf32, #tpu.memory_space<vmem>> -> memref<1x128x64xf32, #tpu.memory_space<vmem>>
      %dma_wait3A_177 = tpu.memref_squeeze %dma_wait3A_176 : memref<1x128x64xf32, #tpu.memory_space<vmem>> -> memref<128x64xf32, #tpu.memory_space<vmem>>
      %dma_wait3A_178 = tpu.memref_slice %arg8[%mul3A_147] : memref<10240xi32, #tpu.memory_space<vmem>> -> memref<128xi32, #tpu.memory_space<vmem>>
      %dma_wait3A_179 = arith.constant 0 : i32
      %dma_wait3A_180 = arith.constant 0 : i32
      %dma_wait3A_181 = tpu.memref_slice %arg5[%dma_wait3A_179, %dma_wait3A_180] : memref<100000x64xf32, #tpu.memory_space<hbm>> -> memref<100000x64xf32, #tpu.memory_space<hbm>>
      tpu.wait_indirect_dma semaphore(%arg12 : memref<!tpu.dma_semaphore, #tpu.memory_space<semaphore_mem>>) src(%dma_wait3A_181 : memref<100000x64xf32, #tpu.memory_space<hbm>>) dst(%dma_wait3A_177 : memref<128x64xf32, #tpu.memory_space<vmem>>)
      %dma_wait3A_182 = arith.constant 0 : i32
      %dma_wait3A_183 = arith.constant 128 : i32
      %dma_wait3A_184 = arith.constant 0 : i32
      %dma_wait3A_185 = tpu.memref_slice %arg10[%dma_wait3A_182, %dma_wait3A_183, %dma_wait3A_184] : memref<2x640x64xf32, #tpu.memory_space<vmem>> -> memref<1x128x64xf32, #tpu.memory_space<vmem>>
      %dma_wait3A_186 = tpu.memref_squeeze %dma_wait3A_185 : memref<1x128x64xf32, #tpu.memory_space<vmem>> -> memref<128x64xf32, #tpu.memory_space<vmem>>
      %dma_wait3A_187 = tpu.memref_slice %arg8[%mul3A_153] : memref<10240xi32, #tpu.memory_space<vmem>> -> memref<128xi32, #tpu.memory_space<vmem>>
      %dma_wait3A_188 = arith.constant 0 : i32
      %dma_wait3A_189 = arith.constant 0 : i32
      %dma_wait3A_190 = tpu.memref_slice %arg5[%dma_wait3A_188, %dma_wait3A_189] : memref<100000x64xf32, #tpu.memory_space<hbm>> -> memref<100000x64xf32, #tpu.memory_space<hbm>>
      tpu.wait_indirect_dma semaphore(%arg12 : memref<!tpu.dma_semaphore, #tpu.memory_space<semaphore_mem>>) src(%dma_wait3A_190 : memref<100000x64xf32, #tpu.memory_space<hbm>>) dst(%dma_wait3A_186 : memref<128x64xf32, #tpu.memory_space<vmem>>)
      %dma_wait3A_191 = arith.constant 0 : i32
      %dma_wait3A_192 = arith.constant 256 : i32
      %dma_wait3A_193 = arith.constant 0 : i32
      %dma_wait3A_194 = tpu.memref_slice %arg10[%dma_wait3A_191, %dma_wait3A_192, %dma_wait3A_193] : memref<2x640x64xf32, #tpu.memory_space<vmem>> -> memref<1x128x64xf32, #tpu.memory_space<vmem>>
      %dma_wait3A_195 = tpu.memref_squeeze %dma_wait3A_194 : memref<1x128x64xf32, #tpu.memory_space<vmem>> -> memref<128x64xf32, #tpu.memory_space<vmem>>
      %dma_wait3A_196 = tpu.memref_slice %arg8[%mul3A_159] : memref<10240xi32, #tpu.memory_space<vmem>> -> memref<128xi32, #tpu.memory_space<vmem>>
      %dma_wait3A_197 = arith.constant 0 : i32
      %dma_wait3A_198 = arith.constant 0 : i32
      %dma_wait3A_199 = tpu.memref_slice %arg5[%dma_wait3A_197, %dma_wait3A_198] : memref<100000x64xf32, #tpu.memory_space<hbm>> -> memref<100000x64xf32, #tpu.memory_space<hbm>>
      tpu.wait_indirect_dma semaphore(%arg12 : memref<!tpu.dma_semaphore, #tpu.memory_space<semaphore_mem>>) src(%dma_wait3A_199 : memref<100000x64xf32, #tpu.memory_space<hbm>>) dst(%dma_wait3A_195 : memref<128x64xf32, #tpu.memory_space<vmem>>)
      %dma_wait3A_200 = arith.constant 0 : i32
      %dma_wait3A_201 = arith.constant 384 : i32
      %dma_wait3A_202 = arith.constant 0 : i32
      %dma_wait3A_203 = tpu.memref_slice %arg10[%dma_wait3A_200, %dma_wait3A_201, %dma_wait3A_202] : memref<2x640x64xf32, #tpu.memory_space<vmem>> -> memref<1x128x64xf32, #tpu.memory_space<vmem>>
      %dma_wait3A_204 = tpu.memref_squeeze %dma_wait3A_203 : memref<1x128x64xf32, #tpu.memory_space<vmem>> -> memref<128x64xf32, #tpu.memory_space<vmem>>
      %dma_wait3A_205 = tpu.memref_slice %arg8[%mul3A_165] : memref<10240xi32, #tpu.memory_space<vmem>> -> memref<128xi32, #tpu.memory_space<vmem>>
      %dma_wait3A_206 = arith.constant 0 : i32
      %dma_wait3A_207 = arith.constant 0 : i32
      %dma_wait3A_208 = tpu.memref_slice %arg5[%dma_wait3A_206, %dma_wait3A_207] : memref<100000x64xf32, #tpu.memory_space<hbm>> -> memref<100000x64xf32, #tpu.memory_space<hbm>>
      tpu.wait_indirect_dma semaphore(%arg12 : memref<!tpu.dma_semaphore, #tpu.memory_space<semaphore_mem>>) src(%dma_wait3A_208 : memref<100000x64xf32, #tpu.memory_space<hbm>>) dst(%dma_wait3A_204 : memref<128x64xf32, #tpu.memory_space<vmem>>)
      %dma_wait3A_209 = arith.constant 0 : i32
      %dma_wait3A_210 = arith.constant 512 : i32
      %dma_wait3A_211 = arith.constant 0 : i32
      %dma_wait3A_212 = tpu.memref_slice %arg10[%dma_wait3A_209, %dma_wait3A_210, %dma_wait3A_211] : memref<2x640x64xf32, #tpu.memory_space<vmem>> -> memref<1x128x64xf32, #tpu.memory_space<vmem>>
      %dma_wait3A_213 = tpu.memref_squeeze %dma_wait3A_212 : memref<1x128x64xf32, #tpu.memory_space<vmem>> -> memref<128x64xf32, #tpu.memory_space<vmem>>
      %dma_wait3A_214 = tpu.memref_slice %arg8[%mul3A_171] : memref<10240xi32, #tpu.memory_space<vmem>> -> memref<128xi32, #tpu.memory_space<vmem>>
      %dma_wait3A_215 = arith.constant 0 : i32
      %dma_wait3A_216 = arith.constant 0 : i32
      %dma_wait3A_217 = tpu.memref_slice %arg5[%dma_wait3A_215, %dma_wait3A_216] : memref<100000x64xf32, #tpu.memory_space<hbm>> -> memref<100000x64xf32, #tpu.memory_space<hbm>>
      tpu.wait_indirect_dma semaphore(%arg12 : memref<!tpu.dma_semaphore, #tpu.memory_space<semaphore_mem>>) src(%dma_wait3A_217 : memref<100000x64xf32, #tpu.memory_space<hbm>>) dst(%dma_wait3A_213 : memref<128x64xf32, #tpu.memory_space<vmem>>)
      %dma_wait3A_218 = arith.constant 0 : i32
      %dma_wait3A_219 = arith.constant 0 : i32
      %dma_wait3A_220 = arith.constant 0 : i32
      %dma_wait3A_221 = tpu.memref_slice %arg9[%dma_wait3A_218, %dma_wait3A_219, %dma_wait3A_220] : memref<2x32x64xf32, #tpu.memory_space<vmem>> -> memref<1x32x64xf32, #tpu.memory_space<vmem>>
      %dma_wait3A_222 = tpu.memref_squeeze %dma_wait3A_221 : memref<1x32x64xf32, #tpu.memory_space<vmem>> -> memref<32x64xf32, #tpu.memory_space<vmem>>
      %dma_wait3A_223 = tpu.memref_slice %arg7[%mul3A_173] : memref<512xi32, #tpu.memory_space<vmem>> -> memref<32xi32, #tpu.memory_space<vmem>>
      %dma_wait3A_224 = arith.constant 0 : i32
      %dma_wait3A_225 = arith.constant 0 : i32
      %dma_wait3A_226 = tpu.memref_slice %arg4[%dma_wait3A_224, %dma_wait3A_225] : memref<100000x64xf32, #tpu.memory_space<hbm>> -> memref<100000x64xf32, #tpu.memory_space<hbm>>
      tpu.wait_indirect_dma semaphore(%arg12 : memref<!tpu.dma_semaphore, #tpu.memory_space<semaphore_mem>>) src(%dma_wait3A_226 : memref<100000x64xf32, #tpu.memory_space<hbm>>) dst(%dma_wait3A_222 : memref<32x64xf32, #tpu.memory_space<vmem>>)
      %add3A_227 = arith.constant 2 : i32
      %add3A_228 = arith.addi %add3A_141, %add3A_227 : i32
      %lt3A = arith.constant 16 : i32
      %lt3A_229 = arith.cmpi slt, %add3A_228, %lt3A : i32
      %convert_element_type3A = arith.extui %lt3A_229 : i1 to i32
      %cond3A = arith.constant 0 : i32
      %cond3A_230 = arith.cmpi ne, %convert_element_type3A, %cond3A : i32
      scf.if %cond3A_230 {
        %add3A_331 = arith.constant 2 : i32
        %add3A_332 = arith.addi %add3A_141, %add3A_331 : i32
        %mul3A_333 = arith.constant 5 : i32
        %mul3A_334 = arith.muli %add3A_332, %mul3A_333 : i32
        %add3A_335 = arith.constant 0 : i32
        %add3A_336 = arith.addi %mul3A_334, %add3A_335 : i32
        %mul3A_337 = arith.constant 128 : i32
        %mul3A_338 = arith.muli %add3A_336, %mul3A_337 : i32
        %mul3A_339 = arith.constant 5 : i32
        %mul3A_340 = arith.muli %add3A_332, %mul3A_339 : i32
        %add3A_341 = arith.constant 1 : i32
        %add3A_342 = arith.addi %mul3A_340, %add3A_341 : i32
        %mul3A_343 = arith.constant 128 : i32
        %mul3A_344 = arith.muli %add3A_342, %mul3A_343 : i32
        %mul3A_345 = arith.constant 5 : i32
        %mul3A_346 = arith.muli %add3A_332, %mul3A_345 : i32
        %add3A_347 = arith.constant 2 : i32
        %add3A_348 = arith.addi %mul3A_346, %add3A_347 : i32
        %mul3A_349 = arith.constant 128 : i32
        %mul3A_350 = arith.muli %add3A_348, %mul3A_349 : i32
        %mul3A_351 = arith.constant 5 : i32
        %mul3A_352 = arith.muli %add3A_332, %mul3A_351 : i32
        %add3A_353 = arith.constant 3 : i32
        %add3A_354 = arith.addi %mul3A_352, %add3A_353 : i32
        %mul3A_355 = arith.constant 128 : i32
        %mul3A_356 = arith.muli %add3A_354, %mul3A_355 : i32
        %mul3A_357 = arith.constant 5 : i32
        %mul3A_358 = arith.muli %add3A_332, %mul3A_357 : i32
        %add3A_359 = arith.constant 4 : i32
        %add3A_360 = arith.addi %mul3A_358, %add3A_359 : i32
        %mul3A_361 = arith.constant 128 : i32
        %mul3A_362 = arith.muli %add3A_360, %mul3A_361 : i32
        %mul3A_363 = arith.constant 32 : i32
        %mul3A_364 = arith.muli %add3A_332, %mul3A_363 : i32
        %dma_start3A_365 = arith.constant 0 : i32
        %dma_start3A_366 = arith.constant 0 : i32
        %dma_start3A_367 = arith.constant 0 : i32
        %dma_start3A_368 = tpu.memref_slice %arg10[%dma_start3A_365, %dma_start3A_366, %dma_start3A_367] : memref<2x640x64xf32, #tpu.memory_space<vmem>> -> memref<1x128x64xf32, #tpu.memory_space<vmem>>
        %dma_start3A_369 = tpu.memref_squeeze %dma_start3A_368 : memref<1x128x64xf32, #tpu.memory_space<vmem>> -> memref<128x64xf32, #tpu.memory_space<vmem>>
        %dma_start3A_370 = tpu.memref_slice %arg8[%mul3A_338] : memref<10240xi32, #tpu.memory_space<vmem>> -> memref<128xi32, #tpu.memory_space<vmem>>
        %dma_start3A_371 = arith.constant 0 : i32
        %dma_start3A_372 = arith.constant 0 : i32
        %dma_start3A_373 = tpu.memref_slice %arg5[%dma_start3A_371, %dma_start3A_372] : memref<100000x64xf32, #tpu.memory_space<hbm>> -> memref<100000x64xf32, #tpu.memory_space<hbm>>
        tpu.enqueue_indirect_dma source(%dma_start3A_373 : memref<100000x64xf32, #tpu.memory_space<hbm>>) target(%dma_start3A_369 : memref<128x64xf32, #tpu.memory_space<vmem>>) offsets(%dma_start3A_370 : memref<128xi32, #tpu.memory_space<vmem>>) semaphore(%arg12 : memref<!tpu.dma_semaphore, #tpu.memory_space<semaphore_mem>>)
        %dma_start3A_374 = arith.constant 0 : i32
        %dma_start3A_375 = arith.constant 128 : i32
        %dma_start3A_376 = arith.constant 0 : i32
        %dma_start3A_377 = tpu.memref_slice %arg10[%dma_start3A_374, %dma_start3A_375, %dma_start3A_376] : memref<2x640x64xf32, #tpu.memory_space<vmem>> -> memref<1x128x64xf32, #tpu.memory_space<vmem>>
        %dma_start3A_378 = tpu.memref_squeeze %dma_start3A_377 : memref<1x128x64xf32, #tpu.memory_space<vmem>> -> memref<128x64xf32, #tpu.memory_space<vmem>>
        %dma_start3A_379 = tpu.memref_slice %arg8[%mul3A_344] : memref<10240xi32, #tpu.memory_space<vmem>> -> memref<128xi32, #tpu.memory_space<vmem>>
        %dma_start3A_380 = arith.constant 0 : i32
        %dma_start3A_381 = arith.constant 0 : i32
        %dma_start3A_382 = tpu.memref_slice %arg5[%dma_start3A_380, %dma_start3A_381] : memref<100000x64xf32, #tpu.memory_space<hbm>> -> memref<100000x64xf32, #tpu.memory_space<hbm>>
        tpu.enqueue_indirect_dma source(%dma_start3A_382 : memref<100000x64xf32, #tpu.memory_space<hbm>>) target(%dma_start3A_378 : memref<128x64xf32, #tpu.memory_space<vmem>>) offsets(%dma_start3A_379 : memref<128xi32, #tpu.memory_space<vmem>>) semaphore(%arg12 : memref<!tpu.dma_semaphore, #tpu.memory_space<semaphore_mem>>)
        %dma_start3A_383 = arith.constant 0 : i32
        %dma_start3A_384 = arith.constant 256 : i32
        %dma_start3A_385 = arith.constant 0 : i32
        %dma_start3A_386 = tpu.memref_slice %arg10[%dma_start3A_383, %dma_start3A_384, %dma_start3A_385] : memref<2x640x64xf32, #tpu.memory_space<vmem>> -> memref<1x128x64xf32, #tpu.memory_space<vmem>>
        %dma_start3A_387 = tpu.memref_squeeze %dma_start3A_386 : memref<1x128x64xf32, #tpu.memory_space<vmem>> -> memref<128x64xf32, #tpu.memory_space<vmem>>
        %dma_start3A_388 = tpu.memref_slice %arg8[%mul3A_350] : memref<10240xi32, #tpu.memory_space<vmem>> -> memref<128xi32, #tpu.memory_space<vmem>>
        %dma_start3A_389 = arith.constant 0 : i32
        %dma_start3A_390 = arith.constant 0 : i32
        %dma_start3A_391 = tpu.memref_slice %arg5[%dma_start3A_389, %dma_start3A_390] : memref<100000x64xf32, #tpu.memory_space<hbm>> -> memref<100000x64xf32, #tpu.memory_space<hbm>>
        tpu.enqueue_indirect_dma source(%dma_start3A_391 : memref<100000x64xf32, #tpu.memory_space<hbm>>) target(%dma_start3A_387 : memref<128x64xf32, #tpu.memory_space<vmem>>) offsets(%dma_start3A_388 : memref<128xi32, #tpu.memory_space<vmem>>) semaphore(%arg12 : memref<!tpu.dma_semaphore, #tpu.memory_space<semaphore_mem>>)
        %dma_start3A_392 = arith.constant 0 : i32
        %dma_start3A_393 = arith.constant 384 : i32
        %dma_start3A_394 = arith.constant 0 : i32
        %dma_start3A_395 = tpu.memref_slice %arg10[%dma_start3A_392, %dma_start3A_393, %dma_start3A_394] : memref<2x640x64xf32, #tpu.memory_space<vmem>> -> memref<1x128x64xf32, #tpu.memory_space<vmem>>
        %dma_start3A_396 = tpu.memref_squeeze %dma_start3A_395 : memref<1x128x64xf32, #tpu.memory_space<vmem>> -> memref<128x64xf32, #tpu.memory_space<vmem>>
        %dma_start3A_397 = tpu.memref_slice %arg8[%mul3A_356] : memref<10240xi32, #tpu.memory_space<vmem>> -> memref<128xi32, #tpu.memory_space<vmem>>
        %dma_start3A_398 = arith.constant 0 : i32
        %dma_start3A_399 = arith.constant 0 : i32
        %dma_start3A_400 = tpu.memref_slice %arg5[%dma_start3A_398, %dma_start3A_399] : memref<100000x64xf32, #tpu.memory_space<hbm>> -> memref<100000x64xf32, #tpu.memory_space<hbm>>
        tpu.enqueue_indirect_dma source(%dma_start3A_400 : memref<100000x64xf32, #tpu.memory_space<hbm>>) target(%dma_start3A_396 : memref<128x64xf32, #tpu.memory_space<vmem>>) offsets(%dma_start3A_397 : memref<128xi32, #tpu.memory_space<vmem>>) semaphore(%arg12 : memref<!tpu.dma_semaphore, #tpu.memory_space<semaphore_mem>>)
        %dma_start3A_401 = arith.constant 0 : i32
        %dma_start3A_402 = arith.constant 512 : i32
        %dma_start3A_403 = arith.constant 0 : i32
        %dma_start3A_404 = tpu.memref_slice %arg10[%dma_start3A_401, %dma_start3A_402, %dma_start3A_403] : memref<2x640x64xf32, #tpu.memory_space<vmem>> -> memref<1x128x64xf32, #tpu.memory_space<vmem>>
        %dma_start3A_405 = tpu.memref_squeeze %dma_start3A_404 : memref<1x128x64xf32, #tpu.memory_space<vmem>> -> memref<128x64xf32, #tpu.memory_space<vmem>>
        %dma_start3A_406 = tpu.memref_slice %arg8[%mul3A_362] : memref<10240xi32, #tpu.memory_space<vmem>> -> memref<128xi32, #tpu.memory_space<vmem>>
        %dma_start3A_407 = arith.constant 0 : i32
        %dma_start3A_408 = arith.constant 0 : i32
        %dma_start3A_409 = tpu.memref_slice %arg5[%dma_start3A_407, %dma_start3A_408] : memref<100000x64xf32, #tpu.memory_space<hbm>> -> memref<100000x64xf32, #tpu.memory_space<hbm>>
        tpu.enqueue_indirect_dma source(%dma_start3A_409 : memref<100000x64xf32, #tpu.memory_space<hbm>>) target(%dma_start3A_405 : memref<128x64xf32, #tpu.memory_space<vmem>>) offsets(%dma_start3A_406 : memref<128xi32, #tpu.memory_space<vmem>>) semaphore(%arg12 : memref<!tpu.dma_semaphore, #tpu.memory_space<semaphore_mem>>)
        %dma_start3A_410 = arith.constant 0 : i32
        %dma_start3A_411 = arith.constant 0 : i32
        %dma_start3A_412 = arith.constant 0 : i32
        %dma_start3A_413 = tpu.memref_slice %arg9[%dma_start3A_410, %dma_start3A_411, %dma_start3A_412] : memref<2x32x64xf32, #tpu.memory_space<vmem>> -> memref<1x32x64xf32, #tpu.memory_space<vmem>>
        %dma_start3A_414 = tpu.memref_squeeze %dma_start3A_413 : memref<1x32x64xf32, #tpu.memory_space<vmem>> -> memref<32x64xf32, #tpu.memory_space<vmem>>
        %dma_start3A_415 = tpu.memref_slice %arg7[%mul3A_364] : memref<512xi32, #tpu.memory_space<vmem>> -> memref<32xi32, #tpu.memory_space<vmem>>
        %dma_start3A_416 = arith.constant 0 : i32
        %dma_start3A_417 = arith.constant 0 : i32
        %dma_start3A_418 = tpu.memref_slice %arg4[%dma_start3A_416, %dma_start3A_417] : memref<100000x64xf32, #tpu.memory_space<hbm>> -> memref<100000x64xf32, #tpu.memory_space<hbm>>
        tpu.enqueue_indirect_dma source(%dma_start3A_418 : memref<100000x64xf32, #tpu.memory_space<hbm>>) target(%dma_start3A_414 : memref<32x64xf32, #tpu.memory_space<vmem>>) offsets(%dma_start3A_415 : memref<32xi32, #tpu.memory_space<vmem>>) semaphore(%arg12 : memref<!tpu.dma_semaphore, #tpu.memory_space<semaphore_mem>>)
      } else {
      }
      %parallel_loop3A = arith.constant 0 : i32
      %parallel_loop3A_231 = arith.constant 32 : i32
      %parallel_loop3A_232 = arith.constant 1 : i32
      scf.for %parallel_loop3A_331 = %parallel_loop3A to %parallel_loop3A_231 step %parallel_loop3A_232  : i32 {
        %parallel_loop3A_332 = arith.constant 0 : i32
        %parallel_loop3A_333 = arith.index_cast %parallel_loop3A_332 : i32 to index
        %parallel_loop3A_334 = arith.index_cast %parallel_loop3A_331 : i32 to index
        %parallel_loop3A_335 = arith.constant 0 : index
        %parallel_loop3A_336 = tpu.vector_load %arg9[%parallel_loop3A_333, %parallel_loop3A_334, %parallel_loop3A_335] {strides = array<i32>} : memref<2x32x64xf32, #tpu.memory_space<vmem>>, vector<16xf32>,
        %parallel_loop3A_337 = arith.constant 0 : i32
        %parallel_loop3A_338 = arith.index_cast %parallel_loop3A_337 : i32 to index
        %parallel_loop3A_339 = arith.index_cast %parallel_loop3A_331 : i32 to index
        %parallel_loop3A_340 = arith.constant 16 : index
        %parallel_loop3A_341 = tpu.vector_load %arg9[%parallel_loop3A_338, %parallel_loop3A_339, %parallel_loop3A_340] {strides = array<i32>} : memref<2x32x64xf32, #tpu.memory_space<vmem>>, vector<16xf32>,
        %parallel_loop3A_342 = arith.constant 0 : i32
        %parallel_loop3A_343 = arith.index_cast %parallel_loop3A_342 : i32 to index
        %parallel_loop3A_344 = arith.index_cast %parallel_loop3A_331 : i32 to index
        %parallel_loop3A_345 = arith.constant 32 : index
        %parallel_loop3A_346 = tpu.vector_load %arg9[%parallel_loop3A_343, %parallel_loop3A_344, %parallel_loop3A_345] {strides = array<i32>} : memref<2x32x64xf32, #tpu.memory_space<vmem>>, vector<16xf32>,
        %parallel_loop3A_347 = arith.constant 0 : i32
        %parallel_loop3A_348 = arith.index_cast %parallel_loop3A_347 : i32 to index
        %parallel_loop3A_349 = arith.index_cast %parallel_loop3A_331 : i32 to index
        %parallel_loop3A_350 = arith.constant 48 : index
        %parallel_loop3A_351 = tpu.vector_load %arg9[%parallel_loop3A_348, %parallel_loop3A_349, %parallel_loop3A_350] {strides = array<i32>} : memref<2x32x64xf32, #tpu.memory_space<vmem>>, vector<16xf32>,
        %parallel_loop3A_352 = arith.constant 20 : i32
        %parallel_loop3A_353 = arith.muli %parallel_loop3A_331, %parallel_loop3A_352 : i32
        %parallel_loop3A_354 = arith.constant 32 : i32
        %parallel_loop3A_355 = arith.muli %add3A_141, %parallel_loop3A_354 : i32
        %parallel_loop3A_356 = arith.addi %parallel_loop3A_355, %parallel_loop3A_331 : i32
        %parallel_loop3A_357 = arith.constant 20 : i32
        %parallel_loop3A_358 = arith.muli %parallel_loop3A_356, %parallel_loop3A_357 : i32
        %parallel_loop3A_359 = vector.broadcast %parallel_loop3A_358 : i32 to vector<16xi32>
        %parallel_loop3A_360 = arith.addi %parallel_loop3A_359, %mul3A_11 : vector<16xi32>
        %parallel_loop3A_361 = arith.constant 0 : i32
        %parallel_loop3A_362 = arith.addi %parallel_loop3A_353, %parallel_loop3A_361 : i32
        %parallel_loop3A_363 = arith.constant 0 : i32
        %parallel_loop3A_364 = arith.index_cast %parallel_loop3A_363 : i32 to index
        %parallel_loop3A_365 = arith.index_cast %parallel_loop3A_362 : i32 to index
        %parallel_loop3A_366 = arith.constant 0 : index
        %parallel_loop3A_367 = tpu.vector_load %arg10[%parallel_loop3A_364, %parallel_loop3A_365, %parallel_loop3A_366] {strides = array<i32>} : memref<2x640x64xf32, #tpu.memory_space<vmem>>, vector<16xf32>,
        %parallel_loop3A_368 = arith.mulf %parallel_loop3A_367, %parallel_loop3A_336 : vector<16xf32>
        %parallel_loop3A_369 = arith.constant 0 : i32
        %parallel_loop3A_370 = arith.index_cast %parallel_loop3A_369 : i32 to index
        %parallel_loop3A_371 = arith.index_cast %parallel_loop3A_362 : i32 to index
        %parallel_loop3A_372 = arith.constant 16 : index
        %parallel_loop3A_373 = tpu.vector_load %arg10[%parallel_loop3A_370, %parallel_loop3A_371, %parallel_loop3A_372] {strides = array<i32>} : memref<2x640x64xf32, #tpu.memory_space<vmem>>, vector<16xf32>,
        %parallel_loop3A_374 = arith.mulf %parallel_loop3A_373, %parallel_loop3A_341 : vector<16xf32>
        %parallel_loop3A_375 = arith.addf %parallel_loop3A_368, %parallel_loop3A_374 : vector<16xf32>
        %parallel_loop3A_376 = arith.constant 0 : i32
        %parallel_loop3A_377 = arith.index_cast %parallel_loop3A_376 : i32 to index
        %parallel_loop3A_378 = arith.index_cast %parallel_loop3A_362 : i32 to index
        %parallel_loop3A_379 = arith.constant 32 : index
        %parallel_loop3A_380 = tpu.vector_load %arg10[%parallel_loop3A_377, %parallel_loop3A_378, %parallel_loop3A_379] {strides = array<i32>} : memref<2x640x64xf32, #tpu.memory_space<vmem>>, vector<16xf32>,
        %parallel_loop3A_381 = arith.mulf %parallel_loop3A_380, %parallel_loop3A_346 : vector<16xf32>
        %parallel_loop3A_382 = arith.addf %parallel_loop3A_375, %parallel_loop3A_381 : vector<16xf32>
        %parallel_loop3A_383 = arith.constant 0 : i32
        %parallel_loop3A_384 = arith.index_cast %parallel_loop3A_383 : i32 to index
        %parallel_loop3A_385 = arith.index_cast %parallel_loop3A_362 : i32 to index
        %parallel_loop3A_386 = arith.constant 48 : index
        %parallel_loop3A_387 = tpu.vector_load %arg10[%parallel_loop3A_384, %parallel_loop3A_385, %parallel_loop3A_386] {strides = array<i32>} : memref<2x640x64xf32, #tpu.memory_space<vmem>>, vector<16xf32>,
        %parallel_loop3A_388 = arith.mulf %parallel_loop3A_387, %parallel_loop3A_351 : vector<16xf32>
        %parallel_loop3A_389 = arith.addf %parallel_loop3A_382, %parallel_loop3A_388 : vector<16xf32>
        %parallel_loop3A_390 = arith.constant true
        %parallel_loop3A_391 = vector.broadcast %parallel_loop3A_390 : i1 to vector<16xi1>
        %parallel_loop3A_392 = tpu.scan <sum>, %parallel_loop3A_389 masked %parallel_loop3A_391 : vector<16xf32>, vector<16xi1> -> vector<16xf32>
        %parallel_loop3A_393 = arith.constant 0 : i32
        %parallel_loop3A_394 = vector.broadcast %parallel_loop3A_393 : i32 to vector<16xi32>
        %parallel_loop3A_395 = arith.addi %parallel_loop3A_360, %parallel_loop3A_394 : vector<16xi32>
        tpu.vector_store_idx %arg11[%parallel_loop3A_395], %parallel_loop3A_392 masked %eq3A_8 : memref<10240xf32, #tpu.memory_space<vmem>>[vector<16xi32>], vector<16xf32>, vector<16xi1>
        %parallel_loop3A_396 = arith.constant 1 : i32
        %parallel_loop3A_397 = arith.addi %parallel_loop3A_353, %parallel_loop3A_396 : i32
        %parallel_loop3A_398 = arith.constant 0 : i32
        %parallel_loop3A_399 = arith.index_cast %parallel_loop3A_398 : i32 to index
        %parallel_loop3A_400 = arith.index_cast %parallel_loop3A_397 : i32 to index
        %parallel_loop3A_401 = arith.constant 0 : index
        %parallel_loop3A_402 = tpu.vector_load %arg10[%parallel_loop3A_399, %parallel_loop3A_400, %parallel_loop3A_401] {strides = array<i32>} : memref<2x640x64xf32, #tpu.memory_space<vmem>>, vector<16xf32>,
        %parallel_loop3A_403 = arith.mulf %parallel_loop3A_402, %parallel_loop3A_336 : vector<16xf32>
        %parallel_loop3A_404 = arith.constant 0 : i32
        %parallel_loop3A_405 = arith.index_cast %parallel_loop3A_404 : i32 to index
        %parallel_loop3A_406 = arith.index_cast %parallel_loop3A_397 : i32 to index
        %parallel_loop3A_407 = arith.constant 16 : index
        %parallel_loop3A_408 = tpu.vector_load %arg10[%parallel_loop3A_405, %parallel_loop3A_406, %parallel_loop3A_407] {strides = array<i32>} : memref<2x640x64xf32, #tpu.memory_space<vmem>>, vector<16xf32>,
        %parallel_loop3A_409 = arith.mulf %parallel_loop3A_408, %parallel_loop3A_341 : vector<16xf32>
        %parallel_loop3A_410 = arith.addf %parallel_loop3A_403, %parallel_loop3A_409 : vector<16xf32>
        %parallel_loop3A_411 = arith.constant 0 : i32
        %parallel_loop3A_412 = arith.index_cast %parallel_loop3A_411 : i32 to index
        %parallel_loop3A_413 = arith.index_cast %parallel_loop3A_397 : i32 to index
        %parallel_loop3A_414 = arith.constant 32 : index
        %parallel_loop3A_415 = tpu.vector_load %arg10[%parallel_loop3A_412, %parallel_loop3A_413, %parallel_loop3A_414] {strides = array<i32>} : memref<2x640x64xf32, #tpu.memory_space<vmem>>, vector<16xf32>,
        %parallel_loop3A_416 = arith.mulf %parallel_loop3A_415, %parallel_loop3A_346 : vector<16xf32>
        %parallel_loop3A_417 = arith.addf %parallel_loop3A_410, %parallel_loop3A_416 : vector<16xf32>
        %parallel_loop3A_418 = arith.constant 0 : i32
        %parallel_loop3A_419 = arith.index_cast %parallel_loop3A_418 : i32 to index
        %parallel_loop3A_420 = arith.index_cast %parallel_loop3A_397 : i32 to index
        %parallel_loop3A_421 = arith.constant 48 : index
        %parallel_loop3A_422 = tpu.vector_load %arg10[%parallel_loop3A_419, %parallel_loop3A_420, %parallel_loop3A_421] {strides = array<i32>} : memref<2x640x64xf32, #tpu.memory_space<vmem>>, vector<16xf32>,
        %parallel_loop3A_423 = arith.mulf %parallel_loop3A_422, %parallel_loop3A_351 : vector<16xf32>
        %parallel_loop3A_424 = arith.addf %parallel_loop3A_417, %parallel_loop3A_423 : vector<16xf32>
        %parallel_loop3A_425 = arith.constant true
        %parallel_loop3A_426 = vector.broadcast %parallel_loop3A_425 : i1 to vector<16xi1>
        %parallel_loop3A_427 = tpu.scan <sum>, %parallel_loop3A_424 masked %parallel_loop3A_426 : vector<16xf32>, vector<16xi1> -> vector<16xf32>
        %parallel_loop3A_428 = arith.constant 1 : i32
        %parallel_loop3A_429 = vector.broadcast %parallel_loop3A_428 : i32 to vector<16xi32>
        %parallel_loop3A_430 = arith.addi %parallel_loop3A_360, %parallel_loop3A_429 : vector<16xi32>
        tpu.vector_store_idx %arg11[%parallel_loop3A_430], %parallel_loop3A_427 masked %eq3A_8 : memref<10240xf32, #tpu.memory_space<vmem>>[vector<16xi32>], vector<16xf32>, vector<16xi1>
        %parallel_loop3A_431 = arith.constant 2 : i32
        %parallel_loop3A_432 = arith.addi %parallel_loop3A_353, %parallel_loop3A_431 : i32
        %parallel_loop3A_433 = arith.constant 0 : i32
        %parallel_loop3A_434 = arith.index_cast %parallel_loop3A_433 : i32 to index
        %parallel_loop3A_435 = arith.index_cast %parallel_loop3A_432 : i32 to index
        %parallel_loop3A_436 = arith.constant 0 : index
        %parallel_loop3A_437 = tpu.vector_load %arg10[%parallel_loop3A_434, %parallel_loop3A_435, %parallel_loop3A_436] {strides = array<i32>} : memref<2x640x64xf32, #tpu.memory_space<vmem>>, vector<16xf32>,
        %parallel_loop3A_438 = arith.mulf %parallel_loop3A_437, %parallel_loop3A_336 : vector<16xf32>
        %parallel_loop3A_439 = arith.constant 0 : i32
        %parallel_loop3A_440 = arith.index_cast %parallel_loop3A_439 : i32 to index
        %parallel_loop3A_441 = arith.index_cast %parallel_loop3A_432 : i32 to index
        %parallel_loop3A_442 = arith.constant 16 : index
        %parallel_loop3A_443 = tpu.vector_load %arg10[%parallel_loop3A_440, %parallel_loop3A_441, %parallel_loop3A_442] {strides = array<i32>} : memref<2x640x64xf32, #tpu.memory_space<vmem>>, vector<16xf32>,
        %parallel_loop3A_444 = arith.mulf %parallel_loop3A_443, %parallel_loop3A_341 : vector<16xf32>
        %parallel_loop3A_445 = arith.addf %parallel_loop3A_438, %parallel_loop3A_444 : vector<16xf32>
        %parallel_loop3A_446 = arith.constant 0 : i32
        %parallel_loop3A_447 = arith.index_cast %parallel_loop3A_446 : i32 to index
        %parallel_loop3A_448 = arith.index_cast %parallel_loop3A_432 : i32 to index
        %parallel_loop3A_449 = arith.constant 32 : index
        %parallel_loop3A_450 = tpu.vector_load %arg10[%parallel_loop3A_447, %parallel_loop3A_448, %parallel_loop3A_449] {strides = array<i32>} : memref<2x640x64xf32, #tpu.memory_space<vmem>>, vector<16xf32>,
        %parallel_loop3A_451 = arith.mulf %parallel_loop3A_450, %parallel_loop3A_346 : vector<16xf32>
        %parallel_loop3A_452 = arith.addf %parallel_loop3A_445, %parallel_loop3A_451 : vector<16xf32>
        %parallel_loop3A_453 = arith.constant 0 : i32
        %parallel_loop3A_454 = arith.index_cast %parallel_loop3A_453 : i32 to index
        %parallel_loop3A_455 = arith.index_cast %parallel_loop3A_432 : i32 to index
        %parallel_loop3A_456 = arith.constant 48 : index
        %parallel_loop3A_457 = tpu.vector_load %arg10[%parallel_loop3A_454, %parallel_loop3A_455, %parallel_loop3A_456] {strides = array<i32>} : memref<2x640x64xf32, #tpu.memory_space<vmem>>, vector<16xf32>,
        %parallel_loop3A_458 = arith.mulf %parallel_loop3A_457, %parallel_loop3A_351 : vector<16xf32>
        %parallel_loop3A_459 = arith.addf %parallel_loop3A_452, %parallel_loop3A_458 : vector<16xf32>
        %parallel_loop3A_460 = arith.constant true
        %parallel_loop3A_461 = vector.broadcast %parallel_loop3A_460 : i1 to vector<16xi1>
        %parallel_loop3A_462 = tpu.scan <sum>, %parallel_loop3A_459 masked %parallel_loop3A_461 : vector<16xf32>, vector<16xi1> -> vector<16xf32>
        %parallel_loop3A_463 = arith.constant 2 : i32
        %parallel_loop3A_464 = vector.broadcast %parallel_loop3A_463 : i32 to vector<16xi32>
        %parallel_loop3A_465 = arith.addi %parallel_loop3A_360, %parallel_loop3A_464 : vector<16xi32>
        tpu.vector_store_idx %arg11[%parallel_loop3A_465], %parallel_loop3A_462 masked %eq3A_8 : memref<10240xf32, #tpu.memory_space<vmem>>[vector<16xi32>], vector<16xf32>, vector<16xi1>
        %parallel_loop3A_466 = arith.constant 3 : i32
        %parallel_loop3A_467 = arith.addi %parallel_loop3A_353, %parallel_loop3A_466 : i32
        %parallel_loop3A_468 = arith.constant 0 : i32
        %parallel_loop3A_469 = arith.index_cast %parallel_loop3A_468 : i32 to index
        %parallel_loop3A_470 = arith.index_cast %parallel_loop3A_467 : i32 to index
        %parallel_loop3A_471 = arith.constant 0 : index
        %parallel_loop3A_472 = tpu.vector_load %arg10[%parallel_loop3A_469, %parallel_loop3A_470, %parallel_loop3A_471] {strides = array<i32>} : memref<2x640x64xf32, #tpu.memory_space<vmem>>, vector<16xf32>,
        %parallel_loop3A_473 = arith.mulf %parallel_loop3A_472, %parallel_loop3A_336 : vector<16xf32>
        %parallel_loop3A_474 = arith.constant 0 : i32
        %parallel_loop3A_475 = arith.index_cast %parallel_loop3A_474 : i32 to index
        %parallel_loop3A_476 = arith.index_cast %parallel_loop3A_467 : i32 to index
        %parallel_loop3A_477 = arith.constant 16 : index
        %parallel_loop3A_478 = tpu.vector_load %arg10[%parallel_loop3A_475, %parallel_loop3A_476, %parallel_loop3A_477] {strides = array<i32>} : memref<2x640x64xf32, #tpu.memory_space<vmem>>, vector<16xf32>,
        %parallel_loop3A_479 = arith.mulf %parallel_loop3A_478, %parallel_loop3A_341 : vector<16xf32>
        %parallel_loop3A_480 = arith.addf %parallel_loop3A_473, %parallel_loop3A_479 : vector<16xf32>
        %parallel_loop3A_481 = arith.constant 0 : i32
        %parallel_loop3A_482 = arith.index_cast %parallel_loop3A_481 : i32 to index
        %parallel_loop3A_483 = arith.index_cast %parallel_loop3A_467 : i32 to index
        %parallel_loop3A_484 = arith.constant 32 : index
        %parallel_loop3A_485 = tpu.vector_load %arg10[%parallel_loop3A_482, %parallel_loop3A_483, %parallel_loop3A_484] {strides = array<i32>} : memref<2x640x64xf32, #tpu.memory_space<vmem>>, vector<16xf32>,
        %parallel_loop3A_486 = arith.mulf %parallel_loop3A_485, %parallel_loop3A_346 : vector<16xf32>
        %parallel_loop3A_487 = arith.addf %parallel_loop3A_480, %parallel_loop3A_486 : vector<16xf32>
        %parallel_loop3A_488 = arith.constant 0 : i32
        %parallel_loop3A_489 = arith.index_cast %parallel_loop3A_488 : i32 to index
        %parallel_loop3A_490 = arith.index_cast %parallel_loop3A_467 : i32 to index
        %parallel_loop3A_491 = arith.constant 48 : index
        %parallel_loop3A_492 = tpu.vector_load %arg10[%parallel_loop3A_489, %parallel_loop3A_490, %parallel_loop3A_491] {strides = array<i32>} : memref<2x640x64xf32, #tpu.memory_space<vmem>>, vector<16xf32>,
        %parallel_loop3A_493 = arith.mulf %parallel_loop3A_492, %parallel_loop3A_351 : vector<16xf32>
        %parallel_loop3A_494 = arith.addf %parallel_loop3A_487, %parallel_loop3A_493 : vector<16xf32>
        %parallel_loop3A_495 = arith.constant true
        %parallel_loop3A_496 = vector.broadcast %parallel_loop3A_495 : i1 to vector<16xi1>
        %parallel_loop3A_497 = tpu.scan <sum>, %parallel_loop3A_494 masked %parallel_loop3A_496 : vector<16xf32>, vector<16xi1> -> vector<16xf32>
        %parallel_loop3A_498 = arith.constant 3 : i32
        %parallel_loop3A_499 = vector.broadcast %parallel_loop3A_498 : i32 to vector<16xi32>
        %parallel_loop3A_500 = arith.addi %parallel_loop3A_360, %parallel_loop3A_499 : vector<16xi32>
        tpu.vector_store_idx %arg11[%parallel_loop3A_500], %parallel_loop3A_497 masked %eq3A_8 : memref<10240xf32, #tpu.memory_space<vmem>>[vector<16xi32>], vector<16xf32>, vector<16xi1>
        %parallel_loop3A_501 = arith.constant 4 : i32
        %parallel_loop3A_502 = arith.addi %parallel_loop3A_353, %parallel_loop3A_501 : i32
        %parallel_loop3A_503 = arith.constant 0 : i32
        %parallel_loop3A_504 = arith.index_cast %parallel_loop3A_503 : i32 to index
        %parallel_loop3A_505 = arith.index_cast %parallel_loop3A_502 : i32 to index
        %parallel_loop3A_506 = arith.constant 0 : index
        %parallel_loop3A_507 = tpu.vector_load %arg10[%parallel_loop3A_504, %parallel_loop3A_505, %parallel_loop3A_506] {strides = array<i32>} : memref<2x640x64xf32, #tpu.memory_space<vmem>>, vector<16xf32>,
        %parallel_loop3A_508 = arith.mulf %parallel_loop3A_507, %parallel_loop3A_336 : vector<16xf32>
        %parallel_loop3A_509 = arith.constant 0 : i32
        %parallel_loop3A_510 = arith.index_cast %parallel_loop3A_509 : i32 to index
        %parallel_loop3A_511 = arith.index_cast %parallel_loop3A_502 : i32 to index
        %parallel_loop3A_512 = arith.constant 16 : index
        %parallel_loop3A_513 = tpu.vector_load %arg10[%parallel_loop3A_510, %parallel_loop3A_511, %parallel_loop3A_512] {strides = array<i32>} : memref<2x640x64xf32, #tpu.memory_space<vmem>>, vector<16xf32>,
        %parallel_loop3A_514 = arith.mulf %parallel_loop3A_513, %parallel_loop3A_341 : vector<16xf32>
        %parallel_loop3A_515 = arith.addf %parallel_loop3A_508, %parallel_loop3A_514 : vector<16xf32>
        %parallel_loop3A_516 = arith.constant 0 : i32
        %parallel_loop3A_517 = arith.index_cast %parallel_loop3A_516 : i32 to index
        %parallel_loop3A_518 = arith.index_cast %parallel_loop3A_502 : i32 to index
        %parallel_loop3A_519 = arith.constant 32 : index
        %parallel_loop3A_520 = tpu.vector_load %arg10[%parallel_loop3A_517, %parallel_loop3A_518, %parallel_loop3A_519] {strides = array<i32>} : memref<2x640x64xf32, #tpu.memory_space<vmem>>, vector<16xf32>,
        %parallel_loop3A_521 = arith.mulf %parallel_loop3A_520, %parallel_loop3A_346 : vector<16xf32>
        %parallel_loop3A_522 = arith.addf %parallel_loop3A_515, %parallel_loop3A_521 : vector<16xf32>
        %parallel_loop3A_523 = arith.constant 0 : i32
        %parallel_loop3A_524 = arith.index_cast %parallel_loop3A_523 : i32 to index
        %parallel_loop3A_525 = arith.index_cast %parallel_loop3A_502 : i32 to index
        %parallel_loop3A_526 = arith.constant 48 : index
        %parallel_loop3A_527 = tpu.vector_load %arg10[%parallel_loop3A_524, %parallel_loop3A_525, %parallel_loop3A_526] {strides = array<i32>} : memref<2x640x64xf32, #tpu.memory_space<vmem>>, vector<16xf32>,
        %parallel_loop3A_528 = arith.mulf %parallel_loop3A_527, %parallel_loop3A_351 : vector<16xf32>
        %parallel_loop3A_529 = arith.addf %parallel_loop3A_522, %parallel_loop3A_528 : vector<16xf32>
        %parallel_loop3A_530 = arith.constant true
        %parallel_loop3A_531 = vector.broadcast %parallel_loop3A_530 : i1 to vector<16xi1>
        %parallel_loop3A_532 = tpu.scan <sum>, %parallel_loop3A_529 masked %parallel_loop3A_531 : vector<16xf32>, vector<16xi1> -> vector<16xf32>
        %parallel_loop3A_533 = arith.constant 4 : i32
        %parallel_loop3A_534 = vector.broadcast %parallel_loop3A_533 : i32 to vector<16xi32>
        %parallel_loop3A_535 = arith.addi %parallel_loop3A_360, %parallel_loop3A_534 : vector<16xi32>
        tpu.vector_store_idx %arg11[%parallel_loop3A_535], %parallel_loop3A_532 masked %eq3A_8 : memref<10240xf32, #tpu.memory_space<vmem>>[vector<16xi32>], vector<16xf32>, vector<16xi1>
        %parallel_loop3A_536 = arith.constant 5 : i32
        %parallel_loop3A_537 = arith.addi %parallel_loop3A_353, %parallel_loop3A_536 : i32
        %parallel_loop3A_538 = arith.constant 0 : i32
        %parallel_loop3A_539 = arith.index_cast %parallel_loop3A_538 : i32 to index
        %parallel_loop3A_540 = arith.index_cast %parallel_loop3A_537 : i32 to index
        %parallel_loop3A_541 = arith.constant 0 : index
        %parallel_loop3A_542 = tpu.vector_load %arg10[%parallel_loop3A_539, %parallel_loop3A_540, %parallel_loop3A_541] {strides = array<i32>} : memref<2x640x64xf32, #tpu.memory_space<vmem>>, vector<16xf32>,
        %parallel_loop3A_543 = arith.mulf %parallel_loop3A_542, %parallel_loop3A_336 : vector<16xf32>
        %parallel_loop3A_544 = arith.constant 0 : i32
        %parallel_loop3A_545 = arith.index_cast %parallel_loop3A_544 : i32 to index
        %parallel_loop3A_546 = arith.index_cast %parallel_loop3A_537 : i32 to index
        %parallel_loop3A_547 = arith.constant 16 : index
        %parallel_loop3A_548 = tpu.vector_load %arg10[%parallel_loop3A_545, %parallel_loop3A_546, %parallel_loop3A_547] {strides = array<i32>} : memref<2x640x64xf32, #tpu.memory_space<vmem>>, vector<16xf32>,
        %parallel_loop3A_549 = arith.mulf %parallel_loop3A_548, %parallel_loop3A_341 : vector<16xf32>
        %parallel_loop3A_550 = arith.addf %parallel_loop3A_543, %parallel_loop3A_549 : vector<16xf32>
        %parallel_loop3A_551 = arith.constant 0 : i32
        %parallel_loop3A_552 = arith.index_cast %parallel_loop3A_551 : i32 to index
        %parallel_loop3A_553 = arith.index_cast %parallel_loop3A_537 : i32 to index
        %parallel_loop3A_554 = arith.constant 32 : index
        %parallel_loop3A_555 = tpu.vector_load %arg10[%parallel_loop3A_552, %parallel_loop3A_553, %parallel_loop3A_554] {strides = array<i32>} : memref<2x640x64xf32, #tpu.memory_space<vmem>>, vector<16xf32>,
        %parallel_loop3A_556 = arith.mulf %parallel_loop3A_555, %parallel_loop3A_346 : vector<16xf32>
        %parallel_loop3A_557 = arith.addf %parallel_loop3A_550, %parallel_loop3A_556 : vector<16xf32>
        %parallel_loop3A_558 = arith.constant 0 : i32
        %parallel_loop3A_559 = arith.index_cast %parallel_loop3A_558 : i32 to index
        %parallel_loop3A_560 = arith.index_cast %parallel_loop3A_537 : i32 to index
        %parallel_loop3A_561 = arith.constant 48 : index
        %parallel_loop3A_562 = tpu.vector_load %arg10[%parallel_loop3A_559, %parallel_loop3A_560, %parallel_loop3A_561] {strides = array<i32>} : memref<2x640x64xf32, #tpu.memory_space<vmem>>, vector<16xf32>,
        %parallel_loop3A_563 = arith.mulf %parallel_loop3A_562, %parallel_loop3A_351 : vector<16xf32>
        %parallel_loop3A_564 = arith.addf %parallel_loop3A_557, %parallel_loop3A_563 : vector<16xf32>
        %parallel_loop3A_565 = arith.constant true
        %parallel_loop3A_566 = vector.broadcast %parallel_loop3A_565 : i1 to vector<16xi1>
        %parallel_loop3A_567 = tpu.scan <sum>, %parallel_loop3A_564 masked %parallel_loop3A_566 : vector<16xf32>, vector<16xi1> -> vector<16xf32>
        %parallel_loop3A_568 = arith.constant 5 : i32
        %parallel_loop3A_569 = vector.broadcast %parallel_loop3A_568 : i32 to vector<16xi32>
        %parallel_loop3A_570 = arith.addi %parallel_loop3A_360, %parallel_loop3A_569 : vector<16xi32>
        tpu.vector_store_idx %arg11[%parallel_loop3A_570], %parallel_loop3A_567 masked %eq3A_8 : memref<10240xf32, #tpu.memory_space<vmem>>[vector<16xi32>], vector<16xf32>, vector<16xi1>
        %parallel_loop3A_571 = arith.constant 6 : i32
        %parallel_loop3A_572 = arith.addi %parallel_loop3A_353, %parallel_loop3A_571 : i32
        %parallel_loop3A_573 = arith.constant 0 : i32
        %parallel_loop3A_574 = arith.index_cast %parallel_loop3A_573 : i32 to index
        %parallel_loop3A_575 = arith.index_cast %parallel_loop3A_572 : i32 to index
        %parallel_loop3A_576 = arith.constant 0 : index
        %parallel_loop3A_577 = tpu.vector_load %arg10[%parallel_loop3A_574, %parallel_loop3A_575, %parallel_loop3A_576] {strides = array<i32>} : memref<2x640x64xf32, #tpu.memory_space<vmem>>, vector<16xf32>,
        %parallel_loop3A_578 = arith.mulf %parallel_loop3A_577, %parallel_loop3A_336 : vector<16xf32>
        %parallel_loop3A_579 = arith.constant 0 : i32
        %parallel_loop3A_580 = arith.index_cast %parallel_loop3A_579 : i32 to index
        %parallel_loop3A_581 = arith.index_cast %parallel_loop3A_572 : i32 to index
        %parallel_loop3A_582 = arith.constant 16 : index
        %parallel_loop3A_583 = tpu.vector_load %arg10[%parallel_loop3A_580, %parallel_loop3A_581, %parallel_loop3A_582] {strides = array<i32>} : memref<2x640x64xf32, #tpu.memory_space<vmem>>, vector<16xf32>,
        %parallel_loop3A_584 = arith.mulf %parallel_loop3A_583, %parallel_loop3A_341 : vector<16xf32>
        %parallel_loop3A_585 = arith.addf %parallel_loop3A_578, %parallel_loop3A_584 : vector<16xf32>
        %parallel_loop3A_586 = arith.constant 0 : i32
        %parallel_loop3A_587 = arith.index_cast %parallel_loop3A_586 : i32 to index
        %parallel_loop3A_588 = arith.index_cast %parallel_loop3A_572 : i32 to index
        %parallel_loop3A_589 = arith.constant 32 : index
        %parallel_loop3A_590 = tpu.vector_load %arg10[%parallel_loop3A_587, %parallel_loop3A_588, %parallel_loop3A_589] {strides = array<i32>} : memref<2x640x64xf32, #tpu.memory_space<vmem>>, vector<16xf32>,
        %parallel_loop3A_591 = arith.mulf %parallel_loop3A_590, %parallel_loop3A_346 : vector<16xf32>
        %parallel_loop3A_592 = arith.addf %parallel_loop3A_585, %parallel_loop3A_591 : vector<16xf32>
        %parallel_loop3A_593 = arith.constant 0 : i32
        %parallel_loop3A_594 = arith.index_cast %parallel_loop3A_593 : i32 to index
        %parallel_loop3A_595 = arith.index_cast %parallel_loop3A_572 : i32 to index
        %parallel_loop3A_596 = arith.constant 48 : index
        %parallel_loop3A_597 = tpu.vector_load %arg10[%parallel_loop3A_594, %parallel_loop3A_595, %parallel_loop3A_596] {strides = array<i32>} : memref<2x640x64xf32, #tpu.memory_space<vmem>>, vector<16xf32>,
        %parallel_loop3A_598 = arith.mulf %parallel_loop3A_597, %parallel_loop3A_351 : vector<16xf32>
        %parallel_loop3A_599 = arith.addf %parallel_loop3A_592, %parallel_loop3A_598 : vector<16xf32>
        %parallel_loop3A_600 = arith.constant true
        %parallel_loop3A_601 = vector.broadcast %parallel_loop3A_600 : i1 to vector<16xi1>
        %parallel_loop3A_602 = tpu.scan <sum>, %parallel_loop3A_599 masked %parallel_loop3A_601 : vector<16xf32>, vector<16xi1> -> vector<16xf32>
        %parallel_loop3A_603 = arith.constant 6 : i32
        %parallel_loop3A_604 = vector.broadcast %parallel_loop3A_603 : i32 to vector<16xi32>
        %parallel_loop3A_605 = arith.addi %parallel_loop3A_360, %parallel_loop3A_604 : vector<16xi32>
        tpu.vector_store_idx %arg11[%parallel_loop3A_605], %parallel_loop3A_602 masked %eq3A_8 : memref<10240xf32, #tpu.memory_space<vmem>>[vector<16xi32>], vector<16xf32>, vector<16xi1>
        %parallel_loop3A_606 = arith.constant 7 : i32
        %parallel_loop3A_607 = arith.addi %parallel_loop3A_353, %parallel_loop3A_606 : i32
        %parallel_loop3A_608 = arith.constant 0 : i32
        %parallel_loop3A_609 = arith.index_cast %parallel_loop3A_608 : i32 to index
        %parallel_loop3A_610 = arith.index_cast %parallel_loop3A_607 : i32 to index
        %parallel_loop3A_611 = arith.constant 0 : index
        %parallel_loop3A_612 = tpu.vector_load %arg10[%parallel_loop3A_609, %parallel_loop3A_610, %parallel_loop3A_611] {strides = array<i32>} : memref<2x640x64xf32, #tpu.memory_space<vmem>>, vector<16xf32>,
        %parallel_loop3A_613 = arith.mulf %parallel_loop3A_612, %parallel_loop3A_336 : vector<16xf32>
        %parallel_loop3A_614 = arith.constant 0 : i32
        %parallel_loop3A_615 = arith.index_cast %parallel_loop3A_614 : i32 to index
        %parallel_loop3A_616 = arith.index_cast %parallel_loop3A_607 : i32 to index
        %parallel_loop3A_617 = arith.constant 16 : index
        %parallel_loop3A_618 = tpu.vector_load %arg10[%parallel_loop3A_615, %parallel_loop3A_616, %parallel_loop3A_617] {strides = array<i32>} : memref<2x640x64xf32, #tpu.memory_space<vmem>>, vector<16xf32>,
        %parallel_loop3A_619 = arith.mulf %parallel_loop3A_618, %parallel_loop3A_341 : vector<16xf32>
        %parallel_loop3A_620 = arith.addf %parallel_loop3A_613, %parallel_loop3A_619 : vector<16xf32>
        %parallel_loop3A_621 = arith.constant 0 : i32
        %parallel_loop3A_622 = arith.index_cast %parallel_loop3A_621 : i32 to index
        %parallel_loop3A_623 = arith.index_cast %parallel_loop3A_607 : i32 to index
        %parallel_loop3A_624 = arith.constant 32 : index
        %parallel_loop3A_625 = tpu.vector_load %arg10[%parallel_loop3A_622, %parallel_loop3A_623, %parallel_loop3A_624] {strides = array<i32>} : memref<2x640x64xf32, #tpu.memory_space<vmem>>, vector<16xf32>,
        %parallel_loop3A_626 = arith.mulf %parallel_loop3A_625, %parallel_loop3A_346 : vector<16xf32>
        %parallel_loop3A_627 = arith.addf %parallel_loop3A_620, %parallel_loop3A_626 : vector<16xf32>
        %parallel_loop3A_628 = arith.constant 0 : i32
        %parallel_loop3A_629 = arith.index_cast %parallel_loop3A_628 : i32 to index
        %parallel_loop3A_630 = arith.index_cast %parallel_loop3A_607 : i32 to index
        %parallel_loop3A_631 = arith.constant 48 : index
        %parallel_loop3A_632 = tpu.vector_load %arg10[%parallel_loop3A_629, %parallel_loop3A_630, %parallel_loop3A_631] {strides = array<i32>} : memref<2x640x64xf32, #tpu.memory_space<vmem>>, vector<16xf32>,
        %parallel_loop3A_633 = arith.mulf %parallel_loop3A_632, %parallel_loop3A_351 : vector<16xf32>
        %parallel_loop3A_634 = arith.addf %parallel_loop3A_627, %parallel_loop3A_633 : vector<16xf32>
        %parallel_loop3A_635 = arith.constant true
        %parallel_loop3A_636 = vector.broadcast %parallel_loop3A_635 : i1 to vector<16xi1>
        %parallel_loop3A_637 = tpu.scan <sum>, %parallel_loop3A_634 masked %parallel_loop3A_636 : vector<16xf32>, vector<16xi1> -> vector<16xf32>
        %parallel_loop3A_638 = arith.constant 7 : i32
        %parallel_loop3A_639 = vector.broadcast %parallel_loop3A_638 : i32 to vector<16xi32>
        %parallel_loop3A_640 = arith.addi %parallel_loop3A_360, %parallel_loop3A_639 : vector<16xi32>
        tpu.vector_store_idx %arg11[%parallel_loop3A_640], %parallel_loop3A_637 masked %eq3A_8 : memref<10240xf32, #tpu.memory_space<vmem>>[vector<16xi32>], vector<16xf32>, vector<16xi1>
        %parallel_loop3A_641 = arith.constant 8 : i32
        %parallel_loop3A_642 = arith.addi %parallel_loop3A_353, %parallel_loop3A_641 : i32
        %parallel_loop3A_643 = arith.constant 0 : i32
        %parallel_loop3A_644 = arith.index_cast %parallel_loop3A_643 : i32 to index
        %parallel_loop3A_645 = arith.index_cast %parallel_loop3A_642 : i32 to index
        %parallel_loop3A_646 = arith.constant 0 : index
        %parallel_loop3A_647 = tpu.vector_load %arg10[%parallel_loop3A_644, %parallel_loop3A_645, %parallel_loop3A_646] {strides = array<i32>} : memref<2x640x64xf32, #tpu.memory_space<vmem>>, vector<16xf32>,
        %parallel_loop3A_648 = arith.mulf %parallel_loop3A_647, %parallel_loop3A_336 : vector<16xf32>
        %parallel_loop3A_649 = arith.constant 0 : i32
        %parallel_loop3A_650 = arith.index_cast %parallel_loop3A_649 : i32 to index
        %parallel_loop3A_651 = arith.index_cast %parallel_loop3A_642 : i32 to index
        %parallel_loop3A_652 = arith.constant 16 : index
        %parallel_loop3A_653 = tpu.vector_load %arg10[%parallel_loop3A_650, %parallel_loop3A_651, %parallel_loop3A_652] {strides = array<i32>} : memref<2x640x64xf32, #tpu.memory_space<vmem>>, vector<16xf32>,
        %parallel_loop3A_654 = arith.mulf %parallel_loop3A_653, %parallel_loop3A_341 : vector<16xf32>
        %parallel_loop3A_655 = arith.addf %parallel_loop3A_648, %parallel_loop3A_654 : vector<16xf32>
        %parallel_loop3A_656 = arith.constant 0 : i32
        %parallel_loop3A_657 = arith.index_cast %parallel_loop3A_656 : i32 to index
        %parallel_loop3A_658 = arith.index_cast %parallel_loop3A_642 : i32 to index
        %parallel_loop3A_659 = arith.constant 32 : index
        %parallel_loop3A_660 = tpu.vector_load %arg10[%parallel_loop3A_657, %parallel_loop3A_658, %parallel_loop3A_659] {strides = array<i32>} : memref<2x640x64xf32, #tpu.memory_space<vmem>>, vector<16xf32>,
        %parallel_loop3A_661 = arith.mulf %parallel_loop3A_660, %parallel_loop3A_346 : vector<16xf32>
        %parallel_loop3A_662 = arith.addf %parallel_loop3A_655, %parallel_loop3A_661 : vector<16xf32>
        %parallel_loop3A_663 = arith.constant 0 : i32
        %parallel_loop3A_664 = arith.index_cast %parallel_loop3A_663 : i32 to index
        %parallel_loop3A_665 = arith.index_cast %parallel_loop3A_642 : i32 to index
        %parallel_loop3A_666 = arith.constant 48 : index
        %parallel_loop3A_667 = tpu.vector_load %arg10[%parallel_loop3A_664, %parallel_loop3A_665, %parallel_loop3A_666] {strides = array<i32>} : memref<2x640x64xf32, #tpu.memory_space<vmem>>, vector<16xf32>,
        %parallel_loop3A_668 = arith.mulf %parallel_loop3A_667, %parallel_loop3A_351 : vector<16xf32>
        %parallel_loop3A_669 = arith.addf %parallel_loop3A_662, %parallel_loop3A_668 : vector<16xf32>
        %parallel_loop3A_670 = arith.constant true
        %parallel_loop3A_671 = vector.broadcast %parallel_loop3A_670 : i1 to vector<16xi1>
        %parallel_loop3A_672 = tpu.scan <sum>, %parallel_loop3A_669 masked %parallel_loop3A_671 : vector<16xf32>, vector<16xi1> -> vector<16xf32>
        %parallel_loop3A_673 = arith.constant 8 : i32
        %parallel_loop3A_674 = vector.broadcast %parallel_loop3A_673 : i32 to vector<16xi32>
        %parallel_loop3A_675 = arith.addi %parallel_loop3A_360, %parallel_loop3A_674 : vector<16xi32>
        tpu.vector_store_idx %arg11[%parallel_loop3A_675], %parallel_loop3A_672 masked %eq3A_8 : memref<10240xf32, #tpu.memory_space<vmem>>[vector<16xi32>], vector<16xf32>, vector<16xi1>
        %parallel_loop3A_676 = arith.constant 9 : i32
        %parallel_loop3A_677 = arith.addi %parallel_loop3A_353, %parallel_loop3A_676 : i32
        %parallel_loop3A_678 = arith.constant 0 : i32
        %parallel_loop3A_679 = arith.index_cast %parallel_loop3A_678 : i32 to index
        %parallel_loop3A_680 = arith.index_cast %parallel_loop3A_677 : i32 to index
        %parallel_loop3A_681 = arith.constant 0 : index
        %parallel_loop3A_682 = tpu.vector_load %arg10[%parallel_loop3A_679, %parallel_loop3A_680, %parallel_loop3A_681] {strides = array<i32>} : memref<2x640x64xf32, #tpu.memory_space<vmem>>, vector<16xf32>,
        %parallel_loop3A_683 = arith.mulf %parallel_loop3A_682, %parallel_loop3A_336 : vector<16xf32>
        %parallel_loop3A_684 = arith.constant 0 : i32
        %parallel_loop3A_685 = arith.index_cast %parallel_loop3A_684 : i32 to index
        %parallel_loop3A_686 = arith.index_cast %parallel_loop3A_677 : i32 to index
        %parallel_loop3A_687 = arith.constant 16 : index
        %parallel_loop3A_688 = tpu.vector_load %arg10[%parallel_loop3A_685, %parallel_loop3A_686, %parallel_loop3A_687] {strides = array<i32>} : memref<2x640x64xf32, #tpu.memory_space<vmem>>, vector<16xf32>,
        %parallel_loop3A_689 = arith.mulf %parallel_loop3A_688, %parallel_loop3A_341 : vector<16xf32>
        %parallel_loop3A_690 = arith.addf %parallel_loop3A_683, %parallel_loop3A_689 : vector<16xf32>
        %parallel_loop3A_691 = arith.constant 0 : i32
        %parallel_loop3A_692 = arith.index_cast %parallel_loop3A_691 : i32 to index
        %parallel_loop3A_693 = arith.index_cast %parallel_loop3A_677 : i32 to index
        %parallel_loop3A_694 = arith.constant 32 : index
        %parallel_loop3A_695 = tpu.vector_load %arg10[%parallel_loop3A_692, %parallel_loop3A_693, %parallel_loop3A_694] {strides = array<i32>} : memref<2x640x64xf32, #tpu.memory_space<vmem>>, vector<16xf32>,
        %parallel_loop3A_696 = arith.mulf %parallel_loop3A_695, %parallel_loop3A_346 : vector<16xf32>
        %parallel_loop3A_697 = arith.addf %parallel_loop3A_690, %parallel_loop3A_696 : vector<16xf32>
        %parallel_loop3A_698 = arith.constant 0 : i32
        %parallel_loop3A_699 = arith.index_cast %parallel_loop3A_698 : i32 to index
        %parallel_loop3A_700 = arith.index_cast %parallel_loop3A_677 : i32 to index
        %parallel_loop3A_701 = arith.constant 48 : index
        %parallel_loop3A_702 = tpu.vector_load %arg10[%parallel_loop3A_699, %parallel_loop3A_700, %parallel_loop3A_701] {strides = array<i32>} : memref<2x640x64xf32, #tpu.memory_space<vmem>>, vector<16xf32>,
        %parallel_loop3A_703 = arith.mulf %parallel_loop3A_702, %parallel_loop3A_351 : vector<16xf32>
        %parallel_loop3A_704 = arith.addf %parallel_loop3A_697, %parallel_loop3A_703 : vector<16xf32>
        %parallel_loop3A_705 = arith.constant true
        %parallel_loop3A_706 = vector.broadcast %parallel_loop3A_705 : i1 to vector<16xi1>
        %parallel_loop3A_707 = tpu.scan <sum>, %parallel_loop3A_704 masked %parallel_loop3A_706 : vector<16xf32>, vector<16xi1> -> vector<16xf32>
        %parallel_loop3A_708 = arith.constant 9 : i32
        %parallel_loop3A_709 = vector.broadcast %parallel_loop3A_708 : i32 to vector<16xi32>
        %parallel_loop3A_710 = arith.addi %parallel_loop3A_360, %parallel_loop3A_709 : vector<16xi32>
        tpu.vector_store_idx %arg11[%parallel_loop3A_710], %parallel_loop3A_707 masked %eq3A_8 : memref<10240xf32, #tpu.memory_space<vmem>>[vector<16xi32>], vector<16xf32>, vector<16xi1>
        %parallel_loop3A_711 = arith.constant 10 : i32
        %parallel_loop3A_712 = arith.addi %parallel_loop3A_353, %parallel_loop3A_711 : i32
        %parallel_loop3A_713 = arith.constant 0 : i32
        %parallel_loop3A_714 = arith.index_cast %parallel_loop3A_713 : i32 to index
        %parallel_loop3A_715 = arith.index_cast %parallel_loop3A_712 : i32 to index
        %parallel_loop3A_716 = arith.constant 0 : index
        %parallel_loop3A_717 = tpu.vector_load %arg10[%parallel_loop3A_714, %parallel_loop3A_715, %parallel_loop3A_716] {strides = array<i32>} : memref<2x640x64xf32, #tpu.memory_space<vmem>>, vector<16xf32>,
        %parallel_loop3A_718 = arith.mulf %parallel_loop3A_717, %parallel_loop3A_336 : vector<16xf32>
        %parallel_loop3A_719 = arith.constant 0 : i32
        %parallel_loop3A_720 = arith.index_cast %parallel_loop3A_719 : i32 to index
        %parallel_loop3A_721 = arith.index_cast %parallel_loop3A_712 : i32 to index
        %parallel_loop3A_722 = arith.constant 16 : index
        %parallel_loop3A_723 = tpu.vector_load %arg10[%parallel_loop3A_720, %parallel_loop3A_721, %parallel_loop3A_722] {strides = array<i32>} : memref<2x640x64xf32, #tpu.memory_space<vmem>>, vector<16xf32>,
        %parallel_loop3A_724 = arith.mulf %parallel_loop3A_723, %parallel_loop3A_341 : vector<16xf32>
        %parallel_loop3A_725 = arith.addf %parallel_loop3A_718, %parallel_loop3A_724 : vector<16xf32>
        %parallel_loop3A_726 = arith.constant 0 : i32
        %parallel_loop3A_727 = arith.index_cast %parallel_loop3A_726 : i32 to index
        %parallel_loop3A_728 = arith.index_cast %parallel_loop3A_712 : i32 to index
        %parallel_loop3A_729 = arith.constant 32 : index
        %parallel_loop3A_730 = tpu.vector_load %arg10[%parallel_loop3A_727, %parallel_loop3A_728, %parallel_loop3A_729] {strides = array<i32>} : memref<2x640x64xf32, #tpu.memory_space<vmem>>, vector<16xf32>,
        %parallel_loop3A_731 = arith.mulf %parallel_loop3A_730, %parallel_loop3A_346 : vector<16xf32>
        %parallel_loop3A_732 = arith.addf %parallel_loop3A_725, %parallel_loop3A_731 : vector<16xf32>
        %parallel_loop3A_733 = arith.constant 0 : i32
        %parallel_loop3A_734 = arith.index_cast %parallel_loop3A_733 : i32 to index
        %parallel_loop3A_735 = arith.index_cast %parallel_loop3A_712 : i32 to index
        %parallel_loop3A_736 = arith.constant 48 : index
        %parallel_loop3A_737 = tpu.vector_load %arg10[%parallel_loop3A_734, %parallel_loop3A_735, %parallel_loop3A_736] {strides = array<i32>} : memref<2x640x64xf32, #tpu.memory_space<vmem>>, vector<16xf32>,
        %parallel_loop3A_738 = arith.mulf %parallel_loop3A_737, %parallel_loop3A_351 : vector<16xf32>
        %parallel_loop3A_739 = arith.addf %parallel_loop3A_732, %parallel_loop3A_738 : vector<16xf32>
        %parallel_loop3A_740 = arith.constant true
        %parallel_loop3A_741 = vector.broadcast %parallel_loop3A_740 : i1 to vector<16xi1>
        %parallel_loop3A_742 = tpu.scan <sum>, %parallel_loop3A_739 masked %parallel_loop3A_741 : vector<16xf32>, vector<16xi1> -> vector<16xf32>
        %parallel_loop3A_743 = arith.constant 10 : i32
        %parallel_loop3A_744 = vector.broadcast %parallel_loop3A_743 : i32 to vector<16xi32>
        %parallel_loop3A_745 = arith.addi %parallel_loop3A_360, %parallel_loop3A_744 : vector<16xi32>
        tpu.vector_store_idx %arg11[%parallel_loop3A_745], %parallel_loop3A_742 masked %eq3A_8 : memref<10240xf32, #tpu.memory_space<vmem>>[vector<16xi32>], vector<16xf32>, vector<16xi1>
        %parallel_loop3A_746 = arith.constant 11 : i32
        %parallel_loop3A_747 = arith.addi %parallel_loop3A_353, %parallel_loop3A_746 : i32
        %parallel_loop3A_748 = arith.constant 0 : i32
        %parallel_loop3A_749 = arith.index_cast %parallel_loop3A_748 : i32 to index
        %parallel_loop3A_750 = arith.index_cast %parallel_loop3A_747 : i32 to index
        %parallel_loop3A_751 = arith.constant 0 : index
        %parallel_loop3A_752 = tpu.vector_load %arg10[%parallel_loop3A_749, %parallel_loop3A_750, %parallel_loop3A_751] {strides = array<i32>} : memref<2x640x64xf32, #tpu.memory_space<vmem>>, vector<16xf32>,
        %parallel_loop3A_753 = arith.mulf %parallel_loop3A_752, %parallel_loop3A_336 : vector<16xf32>
        %parallel_loop3A_754 = arith.constant 0 : i32
        %parallel_loop3A_755 = arith.index_cast %parallel_loop3A_754 : i32 to index
        %parallel_loop3A_756 = arith.index_cast %parallel_loop3A_747 : i32 to index
        %parallel_loop3A_757 = arith.constant 16 : index
        %parallel_loop3A_758 = tpu.vector_load %arg10[%parallel_loop3A_755, %parallel_loop3A_756, %parallel_loop3A_757] {strides = array<i32>} : memref<2x640x64xf32, #tpu.memory_space<vmem>>, vector<16xf32>,
        %parallel_loop3A_759 = arith.mulf %parallel_loop3A_758, %parallel_loop3A_341 : vector<16xf32>
        %parallel_loop3A_760 = arith.addf %parallel_loop3A_753, %parallel_loop3A_759 : vector<16xf32>
        %parallel_loop3A_761 = arith.constant 0 : i32
        %parallel_loop3A_762 = arith.index_cast %parallel_loop3A_761 : i32 to index
        %parallel_loop3A_763 = arith.index_cast %parallel_loop3A_747 : i32 to index
        %parallel_loop3A_764 = arith.constant 32 : index
        %parallel_loop3A_765 = tpu.vector_load %arg10[%parallel_loop3A_762, %parallel_loop3A_763, %parallel_loop3A_764] {strides = array<i32>} : memref<2x640x64xf32, #tpu.memory_space<vmem>>, vector<16xf32>,
        %parallel_loop3A_766 = arith.mulf %parallel_loop3A_765, %parallel_loop3A_346 : vector<16xf32>
        %parallel_loop3A_767 = arith.addf %parallel_loop3A_760, %parallel_loop3A_766 : vector<16xf32>
        %parallel_loop3A_768 = arith.constant 0 : i32
        %parallel_loop3A_769 = arith.index_cast %parallel_loop3A_768 : i32 to index
        %parallel_loop3A_770 = arith.index_cast %parallel_loop3A_747 : i32 to index
        %parallel_loop3A_771 = arith.constant 48 : index
        %parallel_loop3A_772 = tpu.vector_load %arg10[%parallel_loop3A_769, %parallel_loop3A_770, %parallel_loop3A_771] {strides = array<i32>} : memref<2x640x64xf32, #tpu.memory_space<vmem>>, vector<16xf32>,
        %parallel_loop3A_773 = arith.mulf %parallel_loop3A_772, %parallel_loop3A_351 : vector<16xf32>
        %parallel_loop3A_774 = arith.addf %parallel_loop3A_767, %parallel_loop3A_773 : vector<16xf32>
        %parallel_loop3A_775 = arith.constant true
        %parallel_loop3A_776 = vector.broadcast %parallel_loop3A_775 : i1 to vector<16xi1>
        %parallel_loop3A_777 = tpu.scan <sum>, %parallel_loop3A_774 masked %parallel_loop3A_776 : vector<16xf32>, vector<16xi1> -> vector<16xf32>
        %parallel_loop3A_778 = arith.constant 11 : i32
        %parallel_loop3A_779 = vector.broadcast %parallel_loop3A_778 : i32 to vector<16xi32>
        %parallel_loop3A_780 = arith.addi %parallel_loop3A_360, %parallel_loop3A_779 : vector<16xi32>
        tpu.vector_store_idx %arg11[%parallel_loop3A_780], %parallel_loop3A_777 masked %eq3A_8 : memref<10240xf32, #tpu.memory_space<vmem>>[vector<16xi32>], vector<16xf32>, vector<16xi1>
        %parallel_loop3A_781 = arith.constant 12 : i32
        %parallel_loop3A_782 = arith.addi %parallel_loop3A_353, %parallel_loop3A_781 : i32
        %parallel_loop3A_783 = arith.constant 0 : i32
        %parallel_loop3A_784 = arith.index_cast %parallel_loop3A_783 : i32 to index
        %parallel_loop3A_785 = arith.index_cast %parallel_loop3A_782 : i32 to index
        %parallel_loop3A_786 = arith.constant 0 : index
        %parallel_loop3A_787 = tpu.vector_load %arg10[%parallel_loop3A_784, %parallel_loop3A_785, %parallel_loop3A_786] {strides = array<i32>} : memref<2x640x64xf32, #tpu.memory_space<vmem>>, vector<16xf32>,
        %parallel_loop3A_788 = arith.mulf %parallel_loop3A_787, %parallel_loop3A_336 : vector<16xf32>
        %parallel_loop3A_789 = arith.constant 0 : i32
        %parallel_loop3A_790 = arith.index_cast %parallel_loop3A_789 : i32 to index
        %parallel_loop3A_791 = arith.index_cast %parallel_loop3A_782 : i32 to index
        %parallel_loop3A_792 = arith.constant 16 : index
        %parallel_loop3A_793 = tpu.vector_load %arg10[%parallel_loop3A_790, %parallel_loop3A_791, %parallel_loop3A_792] {strides = array<i32>} : memref<2x640x64xf32, #tpu.memory_space<vmem>>, vector<16xf32>,
        %parallel_loop3A_794 = arith.mulf %parallel_loop3A_793, %parallel_loop3A_341 : vector<16xf32>
        %parallel_loop3A_795 = arith.addf %parallel_loop3A_788, %parallel_loop3A_794 : vector<16xf32>
        %parallel_loop3A_796 = arith.constant 0 : i32
        %parallel_loop3A_797 = arith.index_cast %parallel_loop3A_796 : i32 to index
        %parallel_loop3A_798 = arith.index_cast %parallel_loop3A_782 : i32 to index
        %parallel_loop3A_799 = arith.constant 32 : index
        %parallel_loop3A_800 = tpu.vector_load %arg10[%parallel_loop3A_797, %parallel_loop3A_798, %parallel_loop3A_799] {strides = array<i32>} : memref<2x640x64xf32, #tpu.memory_space<vmem>>, vector<16xf32>,
        %parallel_loop3A_801 = arith.mulf %parallel_loop3A_800, %parallel_loop3A_346 : vector<16xf32>
        %parallel_loop3A_802 = arith.addf %parallel_loop3A_795, %parallel_loop3A_801 : vector<16xf32>
        %parallel_loop3A_803 = arith.constant 0 : i32
        %parallel_loop3A_804 = arith.index_cast %parallel_loop3A_803 : i32 to index
        %parallel_loop3A_805 = arith.index_cast %parallel_loop3A_782 : i32 to index
        %parallel_loop3A_806 = arith.constant 48 : index
        %parallel_loop3A_807 = tpu.vector_load %arg10[%parallel_loop3A_804, %parallel_loop3A_805, %parallel_loop3A_806] {strides = array<i32>} : memref<2x640x64xf32, #tpu.memory_space<vmem>>, vector<16xf32>,
        %parallel_loop3A_808 = arith.mulf %parallel_loop3A_807, %parallel_loop3A_351 : vector<16xf32>
        %parallel_loop3A_809 = arith.addf %parallel_loop3A_802, %parallel_loop3A_808 : vector<16xf32>
        %parallel_loop3A_810 = arith.constant true
        %parallel_loop3A_811 = vector.broadcast %parallel_loop3A_810 : i1 to vector<16xi1>
        %parallel_loop3A_812 = tpu.scan <sum>, %parallel_loop3A_809 masked %parallel_loop3A_811 : vector<16xf32>, vector<16xi1> -> vector<16xf32>
        %parallel_loop3A_813 = arith.constant 12 : i32
        %parallel_loop3A_814 = vector.broadcast %parallel_loop3A_813 : i32 to vector<16xi32>
        %parallel_loop3A_815 = arith.addi %parallel_loop3A_360, %parallel_loop3A_814 : vector<16xi32>
        tpu.vector_store_idx %arg11[%parallel_loop3A_815], %parallel_loop3A_812 masked %eq3A_8 : memref<10240xf32, #tpu.memory_space<vmem>>[vector<16xi32>], vector<16xf32>, vector<16xi1>
        %parallel_loop3A_816 = arith.constant 13 : i32
        %parallel_loop3A_817 = arith.addi %parallel_loop3A_353, %parallel_loop3A_816 : i32
        %parallel_loop3A_818 = arith.constant 0 : i32
        %parallel_loop3A_819 = arith.index_cast %parallel_loop3A_818 : i32 to index
        %parallel_loop3A_820 = arith.index_cast %parallel_loop3A_817 : i32 to index
        %parallel_loop3A_821 = arith.constant 0 : index
        %parallel_loop3A_822 = tpu.vector_load %arg10[%parallel_loop3A_819, %parallel_loop3A_820, %parallel_loop3A_821] {strides = array<i32>} : memref<2x640x64xf32, #tpu.memory_space<vmem>>, vector<16xf32>,
        %parallel_loop3A_823 = arith.mulf %parallel_loop3A_822, %parallel_loop3A_336 : vector<16xf32>
        %parallel_loop3A_824 = arith.constant 0 : i32
        %parallel_loop3A_825 = arith.index_cast %parallel_loop3A_824 : i32 to index
        %parallel_loop3A_826 = arith.index_cast %parallel_loop3A_817 : i32 to index
        %parallel_loop3A_827 = arith.constant 16 : index
        %parallel_loop3A_828 = tpu.vector_load %arg10[%parallel_loop3A_825, %parallel_loop3A_826, %parallel_loop3A_827] {strides = array<i32>} : memref<2x640x64xf32, #tpu.memory_space<vmem>>, vector<16xf32>,
        %parallel_loop3A_829 = arith.mulf %parallel_loop3A_828, %parallel_loop3A_341 : vector<16xf32>
        %parallel_loop3A_830 = arith.addf %parallel_loop3A_823, %parallel_loop3A_829 : vector<16xf32>
        %parallel_loop3A_831 = arith.constant 0 : i32
        %parallel_loop3A_832 = arith.index_cast %parallel_loop3A_831 : i32 to index
        %parallel_loop3A_833 = arith.index_cast %parallel_loop3A_817 : i32 to index
        %parallel_loop3A_834 = arith.constant 32 : index
        %parallel_loop3A_835 = tpu.vector_load %arg10[%parallel_loop3A_832, %parallel_loop3A_833, %parallel_loop3A_834] {strides = array<i32>} : memref<2x640x64xf32, #tpu.memory_space<vmem>>, vector<16xf32>,
        %parallel_loop3A_836 = arith.mulf %parallel_loop3A_835, %parallel_loop3A_346 : vector<16xf32>
        %parallel_loop3A_837 = arith.addf %parallel_loop3A_830, %parallel_loop3A_836 : vector<16xf32>
        %parallel_loop3A_838 = arith.constant 0 : i32
        %parallel_loop3A_839 = arith.index_cast %parallel_loop3A_838 : i32 to index
        %parallel_loop3A_840 = arith.index_cast %parallel_loop3A_817 : i32 to index
        %parallel_loop3A_841 = arith.constant 48 : index
        %parallel_loop3A_842 = tpu.vector_load %arg10[%parallel_loop3A_839, %parallel_loop3A_840, %parallel_loop3A_841] {strides = array<i32>} : memref<2x640x64xf32, #tpu.memory_space<vmem>>, vector<16xf32>,
        %parallel_loop3A_843 = arith.mulf %parallel_loop3A_842, %parallel_loop3A_351 : vector<16xf32>
        %parallel_loop3A_844 = arith.addf %parallel_loop3A_837, %parallel_loop3A_843 : vector<16xf32>
        %parallel_loop3A_845 = arith.constant true
        %parallel_loop3A_846 = vector.broadcast %parallel_loop3A_845 : i1 to vector<16xi1>
        %parallel_loop3A_847 = tpu.scan <sum>, %parallel_loop3A_844 masked %parallel_loop3A_846 : vector<16xf32>, vector<16xi1> -> vector<16xf32>
        %parallel_loop3A_848 = arith.constant 13 : i32
        %parallel_loop3A_849 = vector.broadcast %parallel_loop3A_848 : i32 to vector<16xi32>
        %parallel_loop3A_850 = arith.addi %parallel_loop3A_360, %parallel_loop3A_849 : vector<16xi32>
        tpu.vector_store_idx %arg11[%parallel_loop3A_850], %parallel_loop3A_847 masked %eq3A_8 : memref<10240xf32, #tpu.memory_space<vmem>>[vector<16xi32>], vector<16xf32>, vector<16xi1>
        %parallel_loop3A_851 = arith.constant 14 : i32
        %parallel_loop3A_852 = arith.addi %parallel_loop3A_353, %parallel_loop3A_851 : i32
        %parallel_loop3A_853 = arith.constant 0 : i32
        %parallel_loop3A_854 = arith.index_cast %parallel_loop3A_853 : i32 to index
        %parallel_loop3A_855 = arith.index_cast %parallel_loop3A_852 : i32 to index
        %parallel_loop3A_856 = arith.constant 0 : index
        %parallel_loop3A_857 = tpu.vector_load %arg10[%parallel_loop3A_854, %parallel_loop3A_855, %parallel_loop3A_856] {strides = array<i32>} : memref<2x640x64xf32, #tpu.memory_space<vmem>>, vector<16xf32>,
        %parallel_loop3A_858 = arith.mulf %parallel_loop3A_857, %parallel_loop3A_336 : vector<16xf32>
        %parallel_loop3A_859 = arith.constant 0 : i32
        %parallel_loop3A_860 = arith.index_cast %parallel_loop3A_859 : i32 to index
        %parallel_loop3A_861 = arith.index_cast %parallel_loop3A_852 : i32 to index
        %parallel_loop3A_862 = arith.constant 16 : index
        %parallel_loop3A_863 = tpu.vector_load %arg10[%parallel_loop3A_860, %parallel_loop3A_861, %parallel_loop3A_862] {strides = array<i32>} : memref<2x640x64xf32, #tpu.memory_space<vmem>>, vector<16xf32>,
        %parallel_loop3A_864 = arith.mulf %parallel_loop3A_863, %parallel_loop3A_341 : vector<16xf32>
        %parallel_loop3A_865 = arith.addf %parallel_loop3A_858, %parallel_loop3A_864 : vector<16xf32>
        %parallel_loop3A_866 = arith.constant 0 : i32
        %parallel_loop3A_867 = arith.index_cast %parallel_loop3A_866 : i32 to index
        %parallel_loop3A_868 = arith.index_cast %parallel_loop3A_852 : i32 to index
        %parallel_loop3A_869 = arith.constant 32 : index
        %parallel_loop3A_870 = tpu.vector_load %arg10[%parallel_loop3A_867, %parallel_loop3A_868, %parallel_loop3A_869] {strides = array<i32>} : memref<2x640x64xf32, #tpu.memory_space<vmem>>, vector<16xf32>,
        %parallel_loop3A_871 = arith.mulf %parallel_loop3A_870, %parallel_loop3A_346 : vector<16xf32>
        %parallel_loop3A_872 = arith.addf %parallel_loop3A_865, %parallel_loop3A_871 : vector<16xf32>
        %parallel_loop3A_873 = arith.constant 0 : i32
        %parallel_loop3A_874 = arith.index_cast %parallel_loop3A_873 : i32 to index
        %parallel_loop3A_875 = arith.index_cast %parallel_loop3A_852 : i32 to index
        %parallel_loop3A_876 = arith.constant 48 : index
        %parallel_loop3A_877 = tpu.vector_load %arg10[%parallel_loop3A_874, %parallel_loop3A_875, %parallel_loop3A_876] {strides = array<i32>} : memref<2x640x64xf32, #tpu.memory_space<vmem>>, vector<16xf32>,
        %parallel_loop3A_878 = arith.mulf %parallel_loop3A_877, %parallel_loop3A_351 : vector<16xf32>
        %parallel_loop3A_879 = arith.addf %parallel_loop3A_872, %parallel_loop3A_878 : vector<16xf32>
        %parallel_loop3A_880 = arith.constant true
        %parallel_loop3A_881 = vector.broadcast %parallel_loop3A_880 : i1 to vector<16xi1>
        %parallel_loop3A_882 = tpu.scan <sum>, %parallel_loop3A_879 masked %parallel_loop3A_881 : vector<16xf32>, vector<16xi1> -> vector<16xf32>
        %parallel_loop3A_883 = arith.constant 14 : i32
        %parallel_loop3A_884 = vector.broadcast %parallel_loop3A_883 : i32 to vector<16xi32>
        %parallel_loop3A_885 = arith.addi %parallel_loop3A_360, %parallel_loop3A_884 : vector<16xi32>
        tpu.vector_store_idx %arg11[%parallel_loop3A_885], %parallel_loop3A_882 masked %eq3A_8 : memref<10240xf32, #tpu.memory_space<vmem>>[vector<16xi32>], vector<16xf32>, vector<16xi1>
        %parallel_loop3A_886 = arith.constant 15 : i32
        %parallel_loop3A_887 = arith.addi %parallel_loop3A_353, %parallel_loop3A_886 : i32
        %parallel_loop3A_888 = arith.constant 0 : i32
        %parallel_loop3A_889 = arith.index_cast %parallel_loop3A_888 : i32 to index
        %parallel_loop3A_890 = arith.index_cast %parallel_loop3A_887 : i32 to index
        %parallel_loop3A_891 = arith.constant 0 : index
        %parallel_loop3A_892 = tpu.vector_load %arg10[%parallel_loop3A_889, %parallel_loop3A_890, %parallel_loop3A_891] {strides = array<i32>} : memref<2x640x64xf32, #tpu.memory_space<vmem>>, vector<16xf32>,
        %parallel_loop3A_893 = arith.mulf %parallel_loop3A_892, %parallel_loop3A_336 : vector<16xf32>
        %parallel_loop3A_894 = arith.constant 0 : i32
        %parallel_loop3A_895 = arith.index_cast %parallel_loop3A_894 : i32 to index
        %parallel_loop3A_896 = arith.index_cast %parallel_loop3A_887 : i32 to index
        %parallel_loop3A_897 = arith.constant 16 : index
        %parallel_loop3A_898 = tpu.vector_load %arg10[%parallel_loop3A_895, %parallel_loop3A_896, %parallel_loop3A_897] {strides = array<i32>} : memref<2x640x64xf32, #tpu.memory_space<vmem>>, vector<16xf32>,
        %parallel_loop3A_899 = arith.mulf %parallel_loop3A_898, %parallel_loop3A_341 : vector<16xf32>
        %parallel_loop3A_900 = arith.addf %parallel_loop3A_893, %parallel_loop3A_899 : vector<16xf32>
        %parallel_loop3A_901 = arith.constant 0 : i32
        %parallel_loop3A_902 = arith.index_cast %parallel_loop3A_901 : i32 to index
        %parallel_loop3A_903 = arith.index_cast %parallel_loop3A_887 : i32 to index
        %parallel_loop3A_904 = arith.constant 32 : index
        %parallel_loop3A_905 = tpu.vector_load %arg10[%parallel_loop3A_902, %parallel_loop3A_903, %parallel_loop3A_904] {strides = array<i32>} : memref<2x640x64xf32, #tpu.memory_space<vmem>>, vector<16xf32>,
        %parallel_loop3A_906 = arith.mulf %parallel_loop3A_905, %parallel_loop3A_346 : vector<16xf32>
        %parallel_loop3A_907 = arith.addf %parallel_loop3A_900, %parallel_loop3A_906 : vector<16xf32>
        %parallel_loop3A_908 = arith.constant 0 : i32
        %parallel_loop3A_909 = arith.index_cast %parallel_loop3A_908 : i32 to index
        %parallel_loop3A_910 = arith.index_cast %parallel_loop3A_887 : i32 to index
        %parallel_loop3A_911 = arith.constant 48 : index
        %parallel_loop3A_912 = tpu.vector_load %arg10[%parallel_loop3A_909, %parallel_loop3A_910, %parallel_loop3A_911] {strides = array<i32>} : memref<2x640x64xf32, #tpu.memory_space<vmem>>, vector<16xf32>,
        %parallel_loop3A_913 = arith.mulf %parallel_loop3A_912, %parallel_loop3A_351 : vector<16xf32>
        %parallel_loop3A_914 = arith.addf %parallel_loop3A_907, %parallel_loop3A_913 : vector<16xf32>
        %parallel_loop3A_915 = arith.constant true
        %parallel_loop3A_916 = vector.broadcast %parallel_loop3A_915 : i1 to vector<16xi1>
        %parallel_loop3A_917 = tpu.scan <sum>, %parallel_loop3A_914 masked %parallel_loop3A_916 : vector<16xf32>, vector<16xi1> -> vector<16xf32>
        %parallel_loop3A_918 = arith.constant 15 : i32
        %parallel_loop3A_919 = vector.broadcast %parallel_loop3A_918 : i32 to vector<16xi32>
        %parallel_loop3A_920 = arith.addi %parallel_loop3A_360, %parallel_loop3A_919 : vector<16xi32>
        tpu.vector_store_idx %arg11[%parallel_loop3A_920], %parallel_loop3A_917 masked %eq3A_8 : memref<10240xf32, #tpu.memory_space<vmem>>[vector<16xi32>], vector<16xf32>, vector<16xi1>
        %parallel_loop3A_921 = arith.constant 16 : i32
        %parallel_loop3A_922 = arith.addi %parallel_loop3A_353, %parallel_loop3A_921 : i32
        %parallel_loop3A_923 = arith.constant 0 : i32
        %parallel_loop3A_924 = arith.index_cast %parallel_loop3A_923 : i32 to index
        %parallel_loop3A_925 = arith.index_cast %parallel_loop3A_922 : i32 to index
        %parallel_loop3A_926 = arith.constant 0 : index
        %parallel_loop3A_927 = tpu.vector_load %arg10[%parallel_loop3A_924, %parallel_loop3A_925, %parallel_loop3A_926] {strides = array<i32>} : memref<2x640x64xf32, #tpu.memory_space<vmem>>, vector<16xf32>,
        %parallel_loop3A_928 = arith.mulf %parallel_loop3A_927, %parallel_loop3A_336 : vector<16xf32>
        %parallel_loop3A_929 = arith.constant 0 : i32
        %parallel_loop3A_930 = arith.index_cast %parallel_loop3A_929 : i32 to index
        %parallel_loop3A_931 = arith.index_cast %parallel_loop3A_922 : i32 to index
        %parallel_loop3A_932 = arith.constant 16 : index
        %parallel_loop3A_933 = tpu.vector_load %arg10[%parallel_loop3A_930, %parallel_loop3A_931, %parallel_loop3A_932] {strides = array<i32>} : memref<2x640x64xf32, #tpu.memory_space<vmem>>, vector<16xf32>,
        %parallel_loop3A_934 = arith.mulf %parallel_loop3A_933, %parallel_loop3A_341 : vector<16xf32>
        %parallel_loop3A_935 = arith.addf %parallel_loop3A_928, %parallel_loop3A_934 : vector<16xf32>
        %parallel_loop3A_936 = arith.constant 0 : i32
        %parallel_loop3A_937 = arith.index_cast %parallel_loop3A_936 : i32 to index
        %parallel_loop3A_938 = arith.index_cast %parallel_loop3A_922 : i32 to index
        %parallel_loop3A_939 = arith.constant 32 : index
        %parallel_loop3A_940 = tpu.vector_load %arg10[%parallel_loop3A_937, %parallel_loop3A_938, %parallel_loop3A_939] {strides = array<i32>} : memref<2x640x64xf32, #tpu.memory_space<vmem>>, vector<16xf32>,
        %parallel_loop3A_941 = arith.mulf %parallel_loop3A_940, %parallel_loop3A_346 : vector<16xf32>
        %parallel_loop3A_942 = arith.addf %parallel_loop3A_935, %parallel_loop3A_941 : vector<16xf32>
        %parallel_loop3A_943 = arith.constant 0 : i32
        %parallel_loop3A_944 = arith.index_cast %parallel_loop3A_943 : i32 to index
        %parallel_loop3A_945 = arith.index_cast %parallel_loop3A_922 : i32 to index
        %parallel_loop3A_946 = arith.constant 48 : index
        %parallel_loop3A_947 = tpu.vector_load %arg10[%parallel_loop3A_944, %parallel_loop3A_945, %parallel_loop3A_946] {strides = array<i32>} : memref<2x640x64xf32, #tpu.memory_space<vmem>>, vector<16xf32>,
        %parallel_loop3A_948 = arith.mulf %parallel_loop3A_947, %parallel_loop3A_351 : vector<16xf32>
        %parallel_loop3A_949 = arith.addf %parallel_loop3A_942, %parallel_loop3A_948 : vector<16xf32>
        %parallel_loop3A_950 = arith.constant true
        %parallel_loop3A_951 = vector.broadcast %parallel_loop3A_950 : i1 to vector<16xi1>
        %parallel_loop3A_952 = tpu.scan <sum>, %parallel_loop3A_949 masked %parallel_loop3A_951 : vector<16xf32>, vector<16xi1> -> vector<16xf32>
        %parallel_loop3A_953 = arith.constant 16 : i32
        %parallel_loop3A_954 = vector.broadcast %parallel_loop3A_953 : i32 to vector<16xi32>
        %parallel_loop3A_955 = arith.addi %parallel_loop3A_360, %parallel_loop3A_954 : vector<16xi32>
        tpu.vector_store_idx %arg11[%parallel_loop3A_955], %parallel_loop3A_952 masked %eq3A_8 : memref<10240xf32, #tpu.memory_space<vmem>>[vector<16xi32>], vector<16xf32>, vector<16xi1>
        %parallel_loop3A_956 = arith.constant 17 : i32
        %parallel_loop3A_957 = arith.addi %parallel_loop3A_353, %parallel_loop3A_956 : i32
        %parallel_loop3A_958 = arith.constant 0 : i32
        %parallel_loop3A_959 = arith.index_cast %parallel_loop3A_958 : i32 to index
        %parallel_loop3A_960 = arith.index_cast %parallel_loop3A_957 : i32 to index
        %parallel_loop3A_961 = arith.constant 0 : index
        %parallel_loop3A_962 = tpu.vector_load %arg10[%parallel_loop3A_959, %parallel_loop3A_960, %parallel_loop3A_961] {strides = array<i32>} : memref<2x640x64xf32, #tpu.memory_space<vmem>>, vector<16xf32>,
        %parallel_loop3A_963 = arith.mulf %parallel_loop3A_962, %parallel_loop3A_336 : vector<16xf32>
        %parallel_loop3A_964 = arith.constant 0 : i32
        %parallel_loop3A_965 = arith.index_cast %parallel_loop3A_964 : i32 to index
        %parallel_loop3A_966 = arith.index_cast %parallel_loop3A_957 : i32 to index
        %parallel_loop3A_967 = arith.constant 16 : index
        %parallel_loop3A_968 = tpu.vector_load %arg10[%parallel_loop3A_965, %parallel_loop3A_966, %parallel_loop3A_967] {strides = array<i32>} : memref<2x640x64xf32, #tpu.memory_space<vmem>>, vector<16xf32>,
        %parallel_loop3A_969 = arith.mulf %parallel_loop3A_968, %parallel_loop3A_341 : vector<16xf32>
        %parallel_loop3A_970 = arith.addf %parallel_loop3A_963, %parallel_loop3A_969 : vector<16xf32>
        %parallel_loop3A_971 = arith.constant 0 : i32
        %parallel_loop3A_972 = arith.index_cast %parallel_loop3A_971 : i32 to index
        %parallel_loop3A_973 = arith.index_cast %parallel_loop3A_957 : i32 to index
        %parallel_loop3A_974 = arith.constant 32 : index
        %parallel_loop3A_975 = tpu.vector_load %arg10[%parallel_loop3A_972, %parallel_loop3A_973, %parallel_loop3A_974] {strides = array<i32>} : memref<2x640x64xf32, #tpu.memory_space<vmem>>, vector<16xf32>,
        %parallel_loop3A_976 = arith.mulf %parallel_loop3A_975, %parallel_loop3A_346 : vector<16xf32>
        %parallel_loop3A_977 = arith.addf %parallel_loop3A_970, %parallel_loop3A_976 : vector<16xf32>
        %parallel_loop3A_978 = arith.constant 0 : i32
        %parallel_loop3A_979 = arith.index_cast %parallel_loop3A_978 : i32 to index
        %parallel_loop3A_980 = arith.index_cast %parallel_loop3A_957 : i32 to index
        %parallel_loop3A_981 = arith.constant 48 : index
        %parallel_loop3A_982 = tpu.vector_load %arg10[%parallel_loop3A_979, %parallel_loop3A_980, %parallel_loop3A_981] {strides = array<i32>} : memref<2x640x64xf32, #tpu.memory_space<vmem>>, vector<16xf32>,
        %parallel_loop3A_983 = arith.mulf %parallel_loop3A_982, %parallel_loop3A_351 : vector<16xf32>
        %parallel_loop3A_984 = arith.addf %parallel_loop3A_977, %parallel_loop3A_983 : vector<16xf32>
        %parallel_loop3A_985 = arith.constant true
        %parallel_loop3A_986 = vector.broadcast %parallel_loop3A_985 : i1 to vector<16xi1>
        %parallel_loop3A_987 = tpu.scan <sum>, %parallel_loop3A_984 masked %parallel_loop3A_986 : vector<16xf32>, vector<16xi1> -> vector<16xf32>
        %parallel_loop3A_988 = arith.constant 17 : i32
        %parallel_loop3A_989 = vector.broadcast %parallel_loop3A_988 : i32 to vector<16xi32>
        %parallel_loop3A_990 = arith.addi %parallel_loop3A_360, %parallel_loop3A_989 : vector<16xi32>
        tpu.vector_store_idx %arg11[%parallel_loop3A_990], %parallel_loop3A_987 masked %eq3A_8 : memref<10240xf32, #tpu.memory_space<vmem>>[vector<16xi32>], vector<16xf32>, vector<16xi1>
        %parallel_loop3A_991 = arith.constant 18 : i32
        %parallel_loop3A_992 = arith.addi %parallel_loop3A_353, %parallel_loop3A_991 : i32
        %parallel_loop3A_993 = arith.constant 0 : i32
        %parallel_loop3A_994 = arith.index_cast %parallel_loop3A_993 : i32 to index
        %parallel_loop3A_995 = arith.index_cast %parallel_loop3A_992 : i32 to index
        %parallel_loop3A_996 = arith.constant 0 : index
        %parallel_loop3A_997 = tpu.vector_load %arg10[%parallel_loop3A_994, %parallel_loop3A_995, %parallel_loop3A_996] {strides = array<i32>} : memref<2x640x64xf32, #tpu.memory_space<vmem>>, vector<16xf32>,
        %parallel_loop3A_998 = arith.mulf %parallel_loop3A_997, %parallel_loop3A_336 : vector<16xf32>
        %parallel_loop3A_999 = arith.constant 0 : i32
        %parallel_loop3A_1000 = arith.index_cast %parallel_loop3A_999 : i32 to index
        %parallel_loop3A_1001 = arith.index_cast %parallel_loop3A_992 : i32 to index
        %parallel_loop3A_1002 = arith.constant 16 : index
        %parallel_loop3A_1003 = tpu.vector_load %arg10[%parallel_loop3A_1000, %parallel_loop3A_1001, %parallel_loop3A_1002] {strides = array<i32>} : memref<2x640x64xf32, #tpu.memory_space<vmem>>, vector<16xf32>,
        %parallel_loop3A_1004 = arith.mulf %parallel_loop3A_1003, %parallel_loop3A_341 : vector<16xf32>
        %parallel_loop3A_1005 = arith.addf %parallel_loop3A_998, %parallel_loop3A_1004 : vector<16xf32>
        %parallel_loop3A_1006 = arith.constant 0 : i32
        %parallel_loop3A_1007 = arith.index_cast %parallel_loop3A_1006 : i32 to index
        %parallel_loop3A_1008 = arith.index_cast %parallel_loop3A_992 : i32 to index
        %parallel_loop3A_1009 = arith.constant 32 : index
        %parallel_loop3A_1010 = tpu.vector_load %arg10[%parallel_loop3A_1007, %parallel_loop3A_1008, %parallel_loop3A_1009] {strides = array<i32>} : memref<2x640x64xf32, #tpu.memory_space<vmem>>, vector<16xf32>,
        %parallel_loop3A_1011 = arith.mulf %parallel_loop3A_1010, %parallel_loop3A_346 : vector<16xf32>
        %parallel_loop3A_1012 = arith.addf %parallel_loop3A_1005, %parallel_loop3A_1011 : vector<16xf32>
        %parallel_loop3A_1013 = arith.constant 0 : i32
        %parallel_loop3A_1014 = arith.index_cast %parallel_loop3A_1013 : i32 to index
        %parallel_loop3A_1015 = arith.index_cast %parallel_loop3A_992 : i32 to index
        %parallel_loop3A_1016 = arith.constant 48 : index
        %parallel_loop3A_1017 = tpu.vector_load %arg10[%parallel_loop3A_1014, %parallel_loop3A_1015, %parallel_loop3A_1016] {strides = array<i32>} : memref<2x640x64xf32, #tpu.memory_space<vmem>>, vector<16xf32>,
        %parallel_loop3A_1018 = arith.mulf %parallel_loop3A_1017, %parallel_loop3A_351 : vector<16xf32>
        %parallel_loop3A_1019 = arith.addf %parallel_loop3A_1012, %parallel_loop3A_1018 : vector<16xf32>
        %parallel_loop3A_1020 = arith.constant true
        %parallel_loop3A_1021 = vector.broadcast %parallel_loop3A_1020 : i1 to vector<16xi1>
        %parallel_loop3A_1022 = tpu.scan <sum>, %parallel_loop3A_1019 masked %parallel_loop3A_1021 : vector<16xf32>, vector<16xi1> -> vector<16xf32>
        %parallel_loop3A_1023 = arith.constant 18 : i32
        %parallel_loop3A_1024 = vector.broadcast %parallel_loop3A_1023 : i32 to vector<16xi32>
        %parallel_loop3A_1025 = arith.addi %parallel_loop3A_360, %parallel_loop3A_1024 : vector<16xi32>
        tpu.vector_store_idx %arg11[%parallel_loop3A_1025], %parallel_loop3A_1022 masked %eq3A_8 : memref<10240xf32, #tpu.memory_space<vmem>>[vector<16xi32>], vector<16xf32>, vector<16xi1>
        %parallel_loop3A_1026 = arith.constant 19 : i32
        %parallel_loop3A_1027 = arith.addi %parallel_loop3A_353, %parallel_loop3A_1026 : i32
        %parallel_loop3A_1028 = arith.constant 0 : i32
        %parallel_loop3A_1029 = arith.index_cast %parallel_loop3A_1028 : i32 to index
        %parallel_loop3A_1030 = arith.index_cast %parallel_loop3A_1027 : i32 to index
        %parallel_loop3A_1031 = arith.constant 0 : index
        %parallel_loop3A_1032 = tpu.vector_load %arg10[%parallel_loop3A_1029, %parallel_loop3A_1030, %parallel_loop3A_1031] {strides = array<i32>} : memref<2x640x64xf32, #tpu.memory_space<vmem>>, vector<16xf32>,
        %parallel_loop3A_1033 = arith.mulf %parallel_loop3A_1032, %parallel_loop3A_336 : vector<16xf32>
        %parallel_loop3A_1034 = arith.constant 0 : i32
        %parallel_loop3A_1035 = arith.index_cast %parallel_loop3A_1034 : i32 to index
        %parallel_loop3A_1036 = arith.index_cast %parallel_loop3A_1027 : i32 to index
        %parallel_loop3A_1037 = arith.constant 16 : index
        %parallel_loop3A_1038 = tpu.vector_load %arg10[%parallel_loop3A_1035, %parallel_loop3A_1036, %parallel_loop3A_1037] {strides = array<i32>} : memref<2x640x64xf32, #tpu.memory_space<vmem>>, vector<16xf32>,
        %parallel_loop3A_1039 = arith.mulf %parallel_loop3A_1038, %parallel_loop3A_341 : vector<16xf32>
        %parallel_loop3A_1040 = arith.addf %parallel_loop3A_1033, %parallel_loop3A_1039 : vector<16xf32>
        %parallel_loop3A_1041 = arith.constant 0 : i32
        %parallel_loop3A_1042 = arith.index_cast %parallel_loop3A_1041 : i32 to index
        %parallel_loop3A_1043 = arith.index_cast %parallel_loop3A_1027 : i32 to index
        %parallel_loop3A_1044 = arith.constant 32 : index
        %parallel_loop3A_1045 = tpu.vector_load %arg10[%parallel_loop3A_1042, %parallel_loop3A_1043, %parallel_loop3A_1044] {strides = array<i32>} : memref<2x640x64xf32, #tpu.memory_space<vmem>>, vector<16xf32>,
        %parallel_loop3A_1046 = arith.mulf %parallel_loop3A_1045, %parallel_loop3A_346 : vector<16xf32>
        %parallel_loop3A_1047 = arith.addf %parallel_loop3A_1040, %parallel_loop3A_1046 : vector<16xf32>
        %parallel_loop3A_1048 = arith.constant 0 : i32
        %parallel_loop3A_1049 = arith.index_cast %parallel_loop3A_1048 : i32 to index
        %parallel_loop3A_1050 = arith.index_cast %parallel_loop3A_1027 : i32 to index
        %parallel_loop3A_1051 = arith.constant 48 : index
        %parallel_loop3A_1052 = tpu.vector_load %arg10[%parallel_loop3A_1049, %parallel_loop3A_1050, %parallel_loop3A_1051] {strides = array<i32>} : memref<2x640x64xf32, #tpu.memory_space<vmem>>, vector<16xf32>,
        %parallel_loop3A_1053 = arith.mulf %parallel_loop3A_1052, %parallel_loop3A_351 : vector<16xf32>
        %parallel_loop3A_1054 = arith.addf %parallel_loop3A_1047, %parallel_loop3A_1053 : vector<16xf32>
        %parallel_loop3A_1055 = arith.constant true
        %parallel_loop3A_1056 = vector.broadcast %parallel_loop3A_1055 : i1 to vector<16xi1>
        %parallel_loop3A_1057 = tpu.scan <sum>, %parallel_loop3A_1054 masked %parallel_loop3A_1056 : vector<16xf32>, vector<16xi1> -> vector<16xf32>
        %parallel_loop3A_1058 = arith.constant 19 : i32
        %parallel_loop3A_1059 = vector.broadcast %parallel_loop3A_1058 : i32 to vector<16xi32>
        %parallel_loop3A_1060 = arith.addi %parallel_loop3A_360, %parallel_loop3A_1059 : vector<16xi32>
        tpu.vector_store_idx %arg11[%parallel_loop3A_1060], %parallel_loop3A_1057 masked %eq3A_8 : memref<10240xf32, #tpu.memory_space<vmem>>[vector<16xi32>], vector<16xf32>, vector<16xi1>
      } {sc.loop_unroll_factor = 4 : i64, sc.parallel_access}
      %add3A_233 = arith.constant 1 : i32
      %add3A_234 = arith.addi %add3A_139, %add3A_233 : i32
      %mul3A_235 = arith.constant 5 : i32
      %mul3A_236 = arith.muli %add3A_234, %mul3A_235 : i32
      %add3A_237 = arith.constant 0 : i32
      %add3A_238 = arith.addi %mul3A_236, %add3A_237 : i32
      %mul3A_239 = arith.constant 128 : i32
      %mul3A_240 = arith.muli %add3A_238, %mul3A_239 : i32
      %mul3A_241 = arith.constant 5 : i32
      %mul3A_242 = arith.muli %add3A_234, %mul3A_241 : i32
      %add3A_243 = arith.constant 1 : i32
      %add3A_244 = arith.addi %mul3A_242, %add3A_243 : i32
      %mul3A_245 = arith.constant 128 : i32
      %mul3A_246 = arith.muli %add3A_244, %mul3A_245 : i32
      %mul3A_247 = arith.constant 5 : i32
      %mul3A_248 = arith.muli %add3A_234, %mul3A_247 : i32
      %add3A_249 = arith.constant 2 : i32
      %add3A_250 = arith.addi %mul3A_248, %add3A_249 : i32
      %mul3A_251 = arith.constant 128 : i32
      %mul3A_252 = arith.muli %add3A_250, %mul3A_251 : i32
      %mul3A_253 = arith.constant 5 : i32
      %mul3A_254 = arith.muli %add3A_234, %mul3A_253 : i32
      %add3A_255 = arith.constant 3 : i32
      %add3A_256 = arith.addi %mul3A_254, %add3A_255 : i32
      %mul3A_257 = arith.constant 128 : i32
      %mul3A_258 = arith.muli %add3A_256, %mul3A_257 : i32
      %mul3A_259 = arith.constant 5 : i32
      %mul3A_260 = arith.muli %add3A_234, %mul3A_259 : i32
      %add3A_261 = arith.constant 4 : i32
      %add3A_262 = arith.addi %mul3A_260, %add3A_261 : i32
      %mul3A_263 = arith.constant 128 : i32
      %mul3A_264 = arith.muli %add3A_262, %mul3A_263 : i32
      %mul3A_265 = arith.constant 32 : i32
      %mul3A_266 = arith.muli %add3A_234, %mul3A_265 : i32
      %dma_wait3A_267 = arith.constant 1 : i32
      %dma_wait3A_268 = arith.constant 0 : i32
      %dma_wait3A_269 = arith.constant 0 : i32
      %dma_wait3A_270 = tpu.memref_slice %arg10[%dma_wait3A_267, %dma_wait3A_268, %dma_wait3A_269] : memref<2x640x64xf32, #tpu.memory_space<vmem>> -> memref<1x128x64xf32, #tpu.memory_space<vmem>>
      %dma_wait3A_271 = tpu.memref_squeeze %dma_wait3A_270 : memref<1x128x64xf32, #tpu.memory_space<vmem>> -> memref<128x64xf32, #tpu.memory_space<vmem>>
      %dma_wait3A_272 = tpu.memref_slice %arg8[%mul3A_240] : memref<10240xi32, #tpu.memory_space<vmem>> -> memref<128xi32, #tpu.memory_space<vmem>>
      %dma_wait3A_273 = arith.constant 0 : i32
      %dma_wait3A_274 = arith.constant 0 : i32
      %dma_wait3A_275 = tpu.memref_slice %arg5[%dma_wait3A_273, %dma_wait3A_274] : memref<100000x64xf32, #tpu.memory_space<hbm>> -> memref<100000x64xf32, #tpu.memory_space<hbm>>
      tpu.wait_indirect_dma semaphore(%arg13 : memref<!tpu.dma_semaphore, #tpu.memory_space<semaphore_mem>>) src(%dma_wait3A_275 : memref<100000x64xf32, #tpu.memory_space<hbm>>) dst(%dma_wait3A_271 : memref<128x64xf32, #tpu.memory_space<vmem>>)
      %dma_wait3A_276 = arith.constant 1 : i32
      %dma_wait3A_277 = arith.constant 128 : i32
      %dma_wait3A_278 = arith.constant 0 : i32
      %dma_wait3A_279 = tpu.memref_slice %arg10[%dma_wait3A_276, %dma_wait3A_277, %dma_wait3A_278] : memref<2x640x64xf32, #tpu.memory_space<vmem>> -> memref<1x128x64xf32, #tpu.memory_space<vmem>>
      %dma_wait3A_280 = tpu.memref_squeeze %dma_wait3A_279 : memref<1x128x64xf32, #tpu.memory_space<vmem>> -> memref<128x64xf32, #tpu.memory_space<vmem>>
      %dma_wait3A_281 = tpu.memref_slice %arg8[%mul3A_246] : memref<10240xi32, #tpu.memory_space<vmem>> -> memref<128xi32, #tpu.memory_space<vmem>>
      %dma_wait3A_282 = arith.constant 0 : i32
      %dma_wait3A_283 = arith.constant 0 : i32
      %dma_wait3A_284 = tpu.memref_slice %arg5[%dma_wait3A_282, %dma_wait3A_283] : memref<100000x64xf32, #tpu.memory_space<hbm>> -> memref<100000x64xf32, #tpu.memory_space<hbm>>
      tpu.wait_indirect_dma semaphore(%arg13 : memref<!tpu.dma_semaphore, #tpu.memory_space<semaphore_mem>>) src(%dma_wait3A_284 : memref<100000x64xf32, #tpu.memory_space<hbm>>) dst(%dma_wait3A_280 : memref<128x64xf32, #tpu.memory_space<vmem>>)
      %dma_wait3A_285 = arith.constant 1 : i32
      %dma_wait3A_286 = arith.constant 256 : i32
      %dma_wait3A_287 = arith.constant 0 : i32
      %dma_wait3A_288 = tpu.memref_slice %arg10[%dma_wait3A_285, %dma_wait3A_286, %dma_wait3A_287] : memref<2x640x64xf32, #tpu.memory_space<vmem>> -> memref<1x128x64xf32, #tpu.memory_space<vmem>>
      %dma_wait3A_289 = tpu.memref_squeeze %dma_wait3A_288 : memref<1x128x64xf32, #tpu.memory_space<vmem>> -> memref<128x64xf32, #tpu.memory_space<vmem>>
      %dma_wait3A_290 = tpu.memref_slice %arg8[%mul3A_252] : memref<10240xi32, #tpu.memory_space<vmem>> -> memref<128xi32, #tpu.memory_space<vmem>>
      %dma_wait3A_291 = arith.constant 0 : i32
      %dma_wait3A_292 = arith.constant 0 : i32
      %dma_wait3A_293 = tpu.memref_slice %arg5[%dma_wait3A_291, %dma_wait3A_292] : memref<100000x64xf32, #tpu.memory_space<hbm>> -> memref<100000x64xf32, #tpu.memory_space<hbm>>
      tpu.wait_indirect_dma semaphore(%arg13 : memref<!tpu.dma_semaphore, #tpu.memory_space<semaphore_mem>>) src(%dma_wait3A_293 : memref<100000x64xf32, #tpu.memory_space<hbm>>) dst(%dma_wait3A_289 : memref<128x64xf32, #tpu.memory_space<vmem>>)
      %dma_wait3A_294 = arith.constant 1 : i32
      %dma_wait3A_295 = arith.constant 384 : i32
      %dma_wait3A_296 = arith.constant 0 : i32
      %dma_wait3A_297 = tpu.memref_slice %arg10[%dma_wait3A_294, %dma_wait3A_295, %dma_wait3A_296] : memref<2x640x64xf32, #tpu.memory_space<vmem>> -> memref<1x128x64xf32, #tpu.memory_space<vmem>>
      %dma_wait3A_298 = tpu.memref_squeeze %dma_wait3A_297 : memref<1x128x64xf32, #tpu.memory_space<vmem>> -> memref<128x64xf32, #tpu.memory_space<vmem>>
      %dma_wait3A_299 = tpu.memref_slice %arg8[%mul3A_258] : memref<10240xi32, #tpu.memory_space<vmem>> -> memref<128xi32, #tpu.memory_space<vmem>>
      %dma_wait3A_300 = arith.constant 0 : i32
      %dma_wait3A_301 = arith.constant 0 : i32
      %dma_wait3A_302 = tpu.memref_slice %arg5[%dma_wait3A_300, %dma_wait3A_301] : memref<100000x64xf32, #tpu.memory_space<hbm>> -> memref<100000x64xf32, #tpu.memory_space<hbm>>
      tpu.wait_indirect_dma semaphore(%arg13 : memref<!tpu.dma_semaphore, #tpu.memory_space<semaphore_mem>>) src(%dma_wait3A_302 : memref<100000x64xf32, #tpu.memory_space<hbm>>) dst(%dma_wait3A_298 : memref<128x64xf32, #tpu.memory_space<vmem>>)
      %dma_wait3A_303 = arith.constant 1 : i32
      %dma_wait3A_304 = arith.constant 512 : i32
      %dma_wait3A_305 = arith.constant 0 : i32
      %dma_wait3A_306 = tpu.memref_slice %arg10[%dma_wait3A_303, %dma_wait3A_304, %dma_wait3A_305] : memref<2x640x64xf32, #tpu.memory_space<vmem>> -> memref<1x128x64xf32, #tpu.memory_space<vmem>>
      %dma_wait3A_307 = tpu.memref_squeeze %dma_wait3A_306 : memref<1x128x64xf32, #tpu.memory_space<vmem>> -> memref<128x64xf32, #tpu.memory_space<vmem>>
      %dma_wait3A_308 = tpu.memref_slice %arg8[%mul3A_264] : memref<10240xi32, #tpu.memory_space<vmem>> -> memref<128xi32, #tpu.memory_space<vmem>>
      %dma_wait3A_309 = arith.constant 0 : i32
      %dma_wait3A_310 = arith.constant 0 : i32
      %dma_wait3A_311 = tpu.memref_slice %arg5[%dma_wait3A_309, %dma_wait3A_310] : memref<100000x64xf32, #tpu.memory_space<hbm>> -> memref<100000x64xf32, #tpu.memory_space<hbm>>
      tpu.wait_indirect_dma semaphore(%arg13 : memref<!tpu.dma_semaphore, #tpu.memory_space<semaphore_mem>>) src(%dma_wait3A_311 : memref<100000x64xf32, #tpu.memory_space<hbm>>) dst(%dma_wait3A_307 : memref<128x64xf32, #tpu.memory_space<vmem>>)
      %dma_wait3A_312 = arith.constant 1 : i32
      %dma_wait3A_313 = arith.constant 0 : i32
      %dma_wait3A_314 = arith.constant 0 : i32
      %dma_wait3A_315 = tpu.memref_slice %arg9[%dma_wait3A_312, %dma_wait3A_313, %dma_wait3A_314] : memref<2x32x64xf32, #tpu.memory_space<vmem>> -> memref<1x32x64xf32, #tpu.memory_space<vmem>>
      %dma_wait3A_316 = tpu.memref_squeeze %dma_wait3A_315 : memref<1x32x64xf32, #tpu.memory_space<vmem>> -> memref<32x64xf32, #tpu.memory_space<vmem>>
      %dma_wait3A_317 = tpu.memref_slice %arg7[%mul3A_266] : memref<512xi32, #tpu.memory_space<vmem>> -> memref<32xi32, #tpu.memory_space<vmem>>
      %dma_wait3A_318 = arith.constant 0 : i32
      %dma_wait3A_319 = arith.constant 0 : i32
      %dma_wait3A_320 = tpu.memref_slice %arg4[%dma_wait3A_318, %dma_wait3A_319] : memref<100000x64xf32, #tpu.memory_space<hbm>> -> memref<100000x64xf32, #tpu.memory_space<hbm>>
      tpu.wait_indirect_dma semaphore(%arg13 : memref<!tpu.dma_semaphore, #tpu.memory_space<semaphore_mem>>) src(%dma_wait3A_320 : memref<100000x64xf32, #tpu.memory_space<hbm>>) dst(%dma_wait3A_316 : memref<32x64xf32, #tpu.memory_space<vmem>>)
      %add3A_321 = arith.constant 2 : i32
      %add3A_322 = arith.addi %add3A_234, %add3A_321 : i32
      %lt3A_323 = arith.constant 16 : i32
      %lt3A_324 = arith.cmpi slt, %add3A_322, %lt3A_323 : i32
      %convert_element_type3A_325 = arith.extui %lt3A_324 : i1 to i32
      %cond3A_326 = arith.constant 0 : i32
      %cond3A_327 = arith.cmpi ne, %convert_element_type3A_325, %cond3A_326 : i32
      scf.if %cond3A_327 {
        %add3A_331 = arith.constant 2 : i32
        %add3A_332 = arith.addi %add3A_234, %add3A_331 : i32
        %mul3A_333 = arith.constant 5 : i32
        %mul3A_334 = arith.muli %add3A_332, %mul3A_333 : i32
        %add3A_335 = arith.constant 0 : i32
        %add3A_336 = arith.addi %mul3A_334, %add3A_335 : i32
        %mul3A_337 = arith.constant 128 : i32
        %mul3A_338 = arith.muli %add3A_336, %mul3A_337 : i32
        %mul3A_339 = arith.constant 5 : i32
        %mul3A_340 = arith.muli %add3A_332, %mul3A_339 : i32
        %add3A_341 = arith.constant 1 : i32
        %add3A_342 = arith.addi %mul3A_340, %add3A_341 : i32
        %mul3A_343 = arith.constant 128 : i32
        %mul3A_344 = arith.muli %add3A_342, %mul3A_343 : i32
        %mul3A_345 = arith.constant 5 : i32
        %mul3A_346 = arith.muli %add3A_332, %mul3A_345 : i32
        %add3A_347 = arith.constant 2 : i32
        %add3A_348 = arith.addi %mul3A_346, %add3A_347 : i32
        %mul3A_349 = arith.constant 128 : i32
        %mul3A_350 = arith.muli %add3A_348, %mul3A_349 : i32
        %mul3A_351 = arith.constant 5 : i32
        %mul3A_352 = arith.muli %add3A_332, %mul3A_351 : i32
        %add3A_353 = arith.constant 3 : i32
        %add3A_354 = arith.addi %mul3A_352, %add3A_353 : i32
        %mul3A_355 = arith.constant 128 : i32
        %mul3A_356 = arith.muli %add3A_354, %mul3A_355 : i32
        %mul3A_357 = arith.constant 5 : i32
        %mul3A_358 = arith.muli %add3A_332, %mul3A_357 : i32
        %add3A_359 = arith.constant 4 : i32
        %add3A_360 = arith.addi %mul3A_358, %add3A_359 : i32
        %mul3A_361 = arith.constant 128 : i32
        %mul3A_362 = arith.muli %add3A_360, %mul3A_361 : i32
        %mul3A_363 = arith.constant 32 : i32
        %mul3A_364 = arith.muli %add3A_332, %mul3A_363 : i32
        %dma_start3A_365 = arith.constant 1 : i32
        %dma_start3A_366 = arith.constant 0 : i32
        %dma_start3A_367 = arith.constant 0 : i32
        %dma_start3A_368 = tpu.memref_slice %arg10[%dma_start3A_365, %dma_start3A_366, %dma_start3A_367] : memref<2x640x64xf32, #tpu.memory_space<vmem>> -> memref<1x128x64xf32, #tpu.memory_space<vmem>>
        %dma_start3A_369 = tpu.memref_squeeze %dma_start3A_368 : memref<1x128x64xf32, #tpu.memory_space<vmem>> -> memref<128x64xf32, #tpu.memory_space<vmem>>
        %dma_start3A_370 = tpu.memref_slice %arg8[%mul3A_338] : memref<10240xi32, #tpu.memory_space<vmem>> -> memref<128xi32, #tpu.memory_space<vmem>>
        %dma_start3A_371 = arith.constant 0 : i32
        %dma_start3A_372 = arith.constant 0 : i32
        %dma_start3A_373 = tpu.memref_slice %arg5[%dma_start3A_371, %dma_start3A_372] : memref<100000x64xf32, #tpu.memory_space<hbm>> -> memref<100000x64xf32, #tpu.memory_space<hbm>>
        tpu.enqueue_indirect_dma source(%dma_start3A_373 : memref<100000x64xf32, #tpu.memory_space<hbm>>) target(%dma_start3A_369 : memref<128x64xf32, #tpu.memory_space<vmem>>) offsets(%dma_start3A_370 : memref<128xi32, #tpu.memory_space<vmem>>) semaphore(%arg13 : memref<!tpu.dma_semaphore, #tpu.memory_space<semaphore_mem>>)
        %dma_start3A_374 = arith.constant 1 : i32
        %dma_start3A_375 = arith.constant 128 : i32
        %dma_start3A_376 = arith.constant 0 : i32
        %dma_start3A_377 = tpu.memref_slice %arg10[%dma_start3A_374, %dma_start3A_375, %dma_start3A_376] : memref<2x640x64xf32, #tpu.memory_space<vmem>> -> memref<1x128x64xf32, #tpu.memory_space<vmem>>
        %dma_start3A_378 = tpu.memref_squeeze %dma_start3A_377 : memref<1x128x64xf32, #tpu.memory_space<vmem>> -> memref<128x64xf32, #tpu.memory_space<vmem>>
        %dma_start3A_379 = tpu.memref_slice %arg8[%mul3A_344] : memref<10240xi32, #tpu.memory_space<vmem>> -> memref<128xi32, #tpu.memory_space<vmem>>
        %dma_start3A_380 = arith.constant 0 : i32
        %dma_start3A_381 = arith.constant 0 : i32
        %dma_start3A_382 = tpu.memref_slice %arg5[%dma_start3A_380, %dma_start3A_381] : memref<100000x64xf32, #tpu.memory_space<hbm>> -> memref<100000x64xf32, #tpu.memory_space<hbm>>
        tpu.enqueue_indirect_dma source(%dma_start3A_382 : memref<100000x64xf32, #tpu.memory_space<hbm>>) target(%dma_start3A_378 : memref<128x64xf32, #tpu.memory_space<vmem>>) offsets(%dma_start3A_379 : memref<128xi32, #tpu.memory_space<vmem>>) semaphore(%arg13 : memref<!tpu.dma_semaphore, #tpu.memory_space<semaphore_mem>>)
        %dma_start3A_383 = arith.constant 1 : i32
        %dma_start3A_384 = arith.constant 256 : i32
        %dma_start3A_385 = arith.constant 0 : i32
        %dma_start3A_386 = tpu.memref_slice %arg10[%dma_start3A_383, %dma_start3A_384, %dma_start3A_385] : memref<2x640x64xf32, #tpu.memory_space<vmem>> -> memref<1x128x64xf32, #tpu.memory_space<vmem>>
        %dma_start3A_387 = tpu.memref_squeeze %dma_start3A_386 : memref<1x128x64xf32, #tpu.memory_space<vmem>> -> memref<128x64xf32, #tpu.memory_space<vmem>>
        %dma_start3A_388 = tpu.memref_slice %arg8[%mul3A_350] : memref<10240xi32, #tpu.memory_space<vmem>> -> memref<128xi32, #tpu.memory_space<vmem>>
        %dma_start3A_389 = arith.constant 0 : i32
        %dma_start3A_390 = arith.constant 0 : i32
        %dma_start3A_391 = tpu.memref_slice %arg5[%dma_start3A_389, %dma_start3A_390] : memref<100000x64xf32, #tpu.memory_space<hbm>> -> memref<100000x64xf32, #tpu.memory_space<hbm>>
        tpu.enqueue_indirect_dma source(%dma_start3A_391 : memref<100000x64xf32, #tpu.memory_space<hbm>>) target(%dma_start3A_387 : memref<128x64xf32, #tpu.memory_space<vmem>>) offsets(%dma_start3A_388 : memref<128xi32, #tpu.memory_space<vmem>>) semaphore(%arg13 : memref<!tpu.dma_semaphore, #tpu.memory_space<semaphore_mem>>)
        %dma_start3A_392 = arith.constant 1 : i32
        %dma_start3A_393 = arith.constant 384 : i32
        %dma_start3A_394 = arith.constant 0 : i32
        %dma_start3A_395 = tpu.memref_slice %arg10[%dma_start3A_392, %dma_start3A_393, %dma_start3A_394] : memref<2x640x64xf32, #tpu.memory_space<vmem>> -> memref<1x128x64xf32, #tpu.memory_space<vmem>>
        %dma_start3A_396 = tpu.memref_squeeze %dma_start3A_395 : memref<1x128x64xf32, #tpu.memory_space<vmem>> -> memref<128x64xf32, #tpu.memory_space<vmem>>
        %dma_start3A_397 = tpu.memref_slice %arg8[%mul3A_356] : memref<10240xi32, #tpu.memory_space<vmem>> -> memref<128xi32, #tpu.memory_space<vmem>>
        %dma_start3A_398 = arith.constant 0 : i32
        %dma_start3A_399 = arith.constant 0 : i32
        %dma_start3A_400 = tpu.memref_slice %arg5[%dma_start3A_398, %dma_start3A_399] : memref<100000x64xf32, #tpu.memory_space<hbm>> -> memref<100000x64xf32, #tpu.memory_space<hbm>>
        tpu.enqueue_indirect_dma source(%dma_start3A_400 : memref<100000x64xf32, #tpu.memory_space<hbm>>) target(%dma_start3A_396 : memref<128x64xf32, #tpu.memory_space<vmem>>) offsets(%dma_start3A_397 : memref<128xi32, #tpu.memory_space<vmem>>) semaphore(%arg13 : memref<!tpu.dma_semaphore, #tpu.memory_space<semaphore_mem>>)
        %dma_start3A_401 = arith.constant 1 : i32
        %dma_start3A_402 = arith.constant 512 : i32
        %dma_start3A_403 = arith.constant 0 : i32
        %dma_start3A_404 = tpu.memref_slice %arg10[%dma_start3A_401, %dma_start3A_402, %dma_start3A_403] : memref<2x640x64xf32, #tpu.memory_space<vmem>> -> memref<1x128x64xf32, #tpu.memory_space<vmem>>
        %dma_start3A_405 = tpu.memref_squeeze %dma_start3A_404 : memref<1x128x64xf32, #tpu.memory_space<vmem>> -> memref<128x64xf32, #tpu.memory_space<vmem>>
        %dma_start3A_406 = tpu.memref_slice %arg8[%mul3A_362] : memref<10240xi32, #tpu.memory_space<vmem>> -> memref<128xi32, #tpu.memory_space<vmem>>
        %dma_start3A_407 = arith.constant 0 : i32
        %dma_start3A_408 = arith.constant 0 : i32
        %dma_start3A_409 = tpu.memref_slice %arg5[%dma_start3A_407, %dma_start3A_408] : memref<100000x64xf32, #tpu.memory_space<hbm>> -> memref<100000x64xf32, #tpu.memory_space<hbm>>
        tpu.enqueue_indirect_dma source(%dma_start3A_409 : memref<100000x64xf32, #tpu.memory_space<hbm>>) target(%dma_start3A_405 : memref<128x64xf32, #tpu.memory_space<vmem>>) offsets(%dma_start3A_406 : memref<128xi32, #tpu.memory_space<vmem>>) semaphore(%arg13 : memref<!tpu.dma_semaphore, #tpu.memory_space<semaphore_mem>>)
        %dma_start3A_410 = arith.constant 1 : i32
        %dma_start3A_411 = arith.constant 0 : i32
        %dma_start3A_412 = arith.constant 0 : i32
        %dma_start3A_413 = tpu.memref_slice %arg9[%dma_start3A_410, %dma_start3A_411, %dma_start3A_412] : memref<2x32x64xf32, #tpu.memory_space<vmem>> -> memref<1x32x64xf32, #tpu.memory_space<vmem>>
        %dma_start3A_414 = tpu.memref_squeeze %dma_start3A_413 : memref<1x32x64xf32, #tpu.memory_space<vmem>> -> memref<32x64xf32, #tpu.memory_space<vmem>>
        %dma_start3A_415 = tpu.memref_slice %arg7[%mul3A_364] : memref<512xi32, #tpu.memory_space<vmem>> -> memref<32xi32, #tpu.memory_space<vmem>>
        %dma_start3A_416 = arith.constant 0 : i32
        %dma_start3A_417 = arith.constant 0 : i32
        %dma_start3A_418 = tpu.memref_slice %arg4[%dma_start3A_416, %dma_start3A_417] : memref<100000x64xf32, #tpu.memory_space<hbm>> -> memref<100000x64xf32, #tpu.memory_space<hbm>>
        tpu.enqueue_indirect_dma source(%dma_start3A_418 : memref<100000x64xf32, #tpu.memory_space<hbm>>) target(%dma_start3A_414 : memref<32x64xf32, #tpu.memory_space<vmem>>) offsets(%dma_start3A_415 : memref<32xi32, #tpu.memory_space<vmem>>) semaphore(%arg13 : memref<!tpu.dma_semaphore, #tpu.memory_space<semaphore_mem>>)
      } else {
      }
      %parallel_loop3A_328 = arith.constant 0 : i32
      %parallel_loop3A_329 = arith.constant 32 : i32
      %parallel_loop3A_330 = arith.constant 1 : i32
      scf.for %parallel_loop3A_331 = %parallel_loop3A_328 to %parallel_loop3A_329 step %parallel_loop3A_330  : i32 {
        %parallel_loop3A_332 = arith.constant 1 : i32
        %parallel_loop3A_333 = arith.index_cast %parallel_loop3A_332 : i32 to index
        %parallel_loop3A_334 = arith.index_cast %parallel_loop3A_331 : i32 to index
        %parallel_loop3A_335 = arith.constant 0 : index
        %parallel_loop3A_336 = tpu.vector_load %arg9[%parallel_loop3A_333, %parallel_loop3A_334, %parallel_loop3A_335] {strides = array<i32>} : memref<2x32x64xf32, #tpu.memory_space<vmem>>, vector<16xf32>,
        %parallel_loop3A_337 = arith.constant 1 : i32
        %parallel_loop3A_338 = arith.index_cast %parallel_loop3A_337 : i32 to index
        %parallel_loop3A_339 = arith.index_cast %parallel_loop3A_331 : i32 to index
        %parallel_loop3A_340 = arith.constant 16 : index
        %parallel_loop3A_341 = tpu.vector_load %arg9[%parallel_loop3A_338, %parallel_loop3A_339, %parallel_loop3A_340] {strides = array<i32>} : memref<2x32x64xf32, #tpu.memory_space<vmem>>, vector<16xf32>,
        %parallel_loop3A_342 = arith.constant 1 : i32
        %parallel_loop3A_343 = arith.index_cast %parallel_loop3A_342 : i32 to index
        %parallel_loop3A_344 = arith.index_cast %parallel_loop3A_331 : i32 to index
        %parallel_loop3A_345 = arith.constant 32 : index
        %parallel_loop3A_346 = tpu.vector_load %arg9[%parallel_loop3A_343, %parallel_loop3A_344, %parallel_loop3A_345] {strides = array<i32>} : memref<2x32x64xf32, #tpu.memory_space<vmem>>, vector<16xf32>,
        %parallel_loop3A_347 = arith.constant 1 : i32
        %parallel_loop3A_348 = arith.index_cast %parallel_loop3A_347 : i32 to index
        %parallel_loop3A_349 = arith.index_cast %parallel_loop3A_331 : i32 to index
        %parallel_loop3A_350 = arith.constant 48 : index
        %parallel_loop3A_351 = tpu.vector_load %arg9[%parallel_loop3A_348, %parallel_loop3A_349, %parallel_loop3A_350] {strides = array<i32>} : memref<2x32x64xf32, #tpu.memory_space<vmem>>, vector<16xf32>,
        %parallel_loop3A_352 = arith.constant 20 : i32
        %parallel_loop3A_353 = arith.muli %parallel_loop3A_331, %parallel_loop3A_352 : i32
        %parallel_loop3A_354 = arith.constant 32 : i32
        %parallel_loop3A_355 = arith.muli %add3A_234, %parallel_loop3A_354 : i32
        %parallel_loop3A_356 = arith.addi %parallel_loop3A_355, %parallel_loop3A_331 : i32
        %parallel_loop3A_357 = arith.constant 20 : i32
        %parallel_loop3A_358 = arith.muli %parallel_loop3A_356, %parallel_loop3A_357 : i32
        %parallel_loop3A_359 = vector.broadcast %parallel_loop3A_358 : i32 to vector<16xi32>
        %parallel_loop3A_360 = arith.addi %parallel_loop3A_359, %mul3A_11 : vector<16xi32>
        %parallel_loop3A_361 = arith.constant 0 : i32
        %parallel_loop3A_362 = arith.addi %parallel_loop3A_353, %parallel_loop3A_361 : i32
        %parallel_loop3A_363 = arith.constant 1 : i32
        %parallel_loop3A_364 = arith.index_cast %parallel_loop3A_363 : i32 to index
        %parallel_loop3A_365 = arith.index_cast %parallel_loop3A_362 : i32 to index
        %parallel_loop3A_366 = arith.constant 0 : index
        %parallel_loop3A_367 = tpu.vector_load %arg10[%parallel_loop3A_364, %parallel_loop3A_365, %parallel_loop3A_366] {strides = array<i32>} : memref<2x640x64xf32, #tpu.memory_space<vmem>>, vector<16xf32>,
        %parallel_loop3A_368 = arith.mulf %parallel_loop3A_367, %parallel_loop3A_336 : vector<16xf32>
        %parallel_loop3A_369 = arith.constant 1 : i32
        %parallel_loop3A_370 = arith.index_cast %parallel_loop3A_369 : i32 to index
        %parallel_loop3A_371 = arith.index_cast %parallel_loop3A_362 : i32 to index
        %parallel_loop3A_372 = arith.constant 16 : index
        %parallel_loop3A_373 = tpu.vector_load %arg10[%parallel_loop3A_370, %parallel_loop3A_371, %parallel_loop3A_372] {strides = array<i32>} : memref<2x640x64xf32, #tpu.memory_space<vmem>>, vector<16xf32>,
        %parallel_loop3A_374 = arith.mulf %parallel_loop3A_373, %parallel_loop3A_341 : vector<16xf32>
        %parallel_loop3A_375 = arith.addf %parallel_loop3A_368, %parallel_loop3A_374 : vector<16xf32>
        %parallel_loop3A_376 = arith.constant 1 : i32
        %parallel_loop3A_377 = arith.index_cast %parallel_loop3A_376 : i32 to index
        %parallel_loop3A_378 = arith.index_cast %parallel_loop3A_362 : i32 to index
        %parallel_loop3A_379 = arith.constant 32 : index
        %parallel_loop3A_380 = tpu.vector_load %arg10[%parallel_loop3A_377, %parallel_loop3A_378, %parallel_loop3A_379] {strides = array<i32>} : memref<2x640x64xf32, #tpu.memory_space<vmem>>, vector<16xf32>,
        %parallel_loop3A_381 = arith.mulf %parallel_loop3A_380, %parallel_loop3A_346 : vector<16xf32>
        %parallel_loop3A_382 = arith.addf %parallel_loop3A_375, %parallel_loop3A_381 : vector<16xf32>
        %parallel_loop3A_383 = arith.constant 1 : i32
        %parallel_loop3A_384 = arith.index_cast %parallel_loop3A_383 : i32 to index
        %parallel_loop3A_385 = arith.index_cast %parallel_loop3A_362 : i32 to index
        %parallel_loop3A_386 = arith.constant 48 : index
        %parallel_loop3A_387 = tpu.vector_load %arg10[%parallel_loop3A_384, %parallel_loop3A_385, %parallel_loop3A_386] {strides = array<i32>} : memref<2x640x64xf32, #tpu.memory_space<vmem>>, vector<16xf32>,
        %parallel_loop3A_388 = arith.mulf %parallel_loop3A_387, %parallel_loop3A_351 : vector<16xf32>
        %parallel_loop3A_389 = arith.addf %parallel_loop3A_382, %parallel_loop3A_388 : vector<16xf32>
        %parallel_loop3A_390 = arith.constant true
        %parallel_loop3A_391 = vector.broadcast %parallel_loop3A_390 : i1 to vector<16xi1>
        %parallel_loop3A_392 = tpu.scan <sum>, %parallel_loop3A_389 masked %parallel_loop3A_391 : vector<16xf32>, vector<16xi1> -> vector<16xf32>
        %parallel_loop3A_393 = arith.constant 0 : i32
        %parallel_loop3A_394 = vector.broadcast %parallel_loop3A_393 : i32 to vector<16xi32>
        %parallel_loop3A_395 = arith.addi %parallel_loop3A_360, %parallel_loop3A_394 : vector<16xi32>
        tpu.vector_store_idx %arg11[%parallel_loop3A_395], %parallel_loop3A_392 masked %eq3A_8 : memref<10240xf32, #tpu.memory_space<vmem>>[vector<16xi32>], vector<16xf32>, vector<16xi1>
        %parallel_loop3A_396 = arith.constant 1 : i32
        %parallel_loop3A_397 = arith.addi %parallel_loop3A_353, %parallel_loop3A_396 : i32
        %parallel_loop3A_398 = arith.constant 1 : i32
        %parallel_loop3A_399 = arith.index_cast %parallel_loop3A_398 : i32 to index
        %parallel_loop3A_400 = arith.index_cast %parallel_loop3A_397 : i32 to index
        %parallel_loop3A_401 = arith.constant 0 : index
        %parallel_loop3A_402 = tpu.vector_load %arg10[%parallel_loop3A_399, %parallel_loop3A_400, %parallel_loop3A_401] {strides = array<i32>} : memref<2x640x64xf32, #tpu.memory_space<vmem>>, vector<16xf32>,
        %parallel_loop3A_403 = arith.mulf %parallel_loop3A_402, %parallel_loop3A_336 : vector<16xf32>
        %parallel_loop3A_404 = arith.constant 1 : i32
        %parallel_loop3A_405 = arith.index_cast %parallel_loop3A_404 : i32 to index
        %parallel_loop3A_406 = arith.index_cast %parallel_loop3A_397 : i32 to index
        %parallel_loop3A_407 = arith.constant 16 : index
        %parallel_loop3A_408 = tpu.vector_load %arg10[%parallel_loop3A_405, %parallel_loop3A_406, %parallel_loop3A_407] {strides = array<i32>} : memref<2x640x64xf32, #tpu.memory_space<vmem>>, vector<16xf32>,
        %parallel_loop3A_409 = arith.mulf %parallel_loop3A_408, %parallel_loop3A_341 : vector<16xf32>
        %parallel_loop3A_410 = arith.addf %parallel_loop3A_403, %parallel_loop3A_409 : vector<16xf32>
        %parallel_loop3A_411 = arith.constant 1 : i32
        %parallel_loop3A_412 = arith.index_cast %parallel_loop3A_411 : i32 to index
        %parallel_loop3A_413 = arith.index_cast %parallel_loop3A_397 : i32 to index
        %parallel_loop3A_414 = arith.constant 32 : index
        %parallel_loop3A_415 = tpu.vector_load %arg10[%parallel_loop3A_412, %parallel_loop3A_413, %parallel_loop3A_414] {strides = array<i32>} : memref<2x640x64xf32, #tpu.memory_space<vmem>>, vector<16xf32>,
        %parallel_loop3A_416 = arith.mulf %parallel_loop3A_415, %parallel_loop3A_346 : vector<16xf32>
        %parallel_loop3A_417 = arith.addf %parallel_loop3A_410, %parallel_loop3A_416 : vector<16xf32>
        %parallel_loop3A_418 = arith.constant 1 : i32
        %parallel_loop3A_419 = arith.index_cast %parallel_loop3A_418 : i32 to index
        %parallel_loop3A_420 = arith.index_cast %parallel_loop3A_397 : i32 to index
        %parallel_loop3A_421 = arith.constant 48 : index
        %parallel_loop3A_422 = tpu.vector_load %arg10[%parallel_loop3A_419, %parallel_loop3A_420, %parallel_loop3A_421] {strides = array<i32>} : memref<2x640x64xf32, #tpu.memory_space<vmem>>, vector<16xf32>,
        %parallel_loop3A_423 = arith.mulf %parallel_loop3A_422, %parallel_loop3A_351 : vector<16xf32>
        %parallel_loop3A_424 = arith.addf %parallel_loop3A_417, %parallel_loop3A_423 : vector<16xf32>
        %parallel_loop3A_425 = arith.constant true
        %parallel_loop3A_426 = vector.broadcast %parallel_loop3A_425 : i1 to vector<16xi1>
        %parallel_loop3A_427 = tpu.scan <sum>, %parallel_loop3A_424 masked %parallel_loop3A_426 : vector<16xf32>, vector<16xi1> -> vector<16xf32>
        %parallel_loop3A_428 = arith.constant 1 : i32
        %parallel_loop3A_429 = vector.broadcast %parallel_loop3A_428 : i32 to vector<16xi32>
        %parallel_loop3A_430 = arith.addi %parallel_loop3A_360, %parallel_loop3A_429 : vector<16xi32>
        tpu.vector_store_idx %arg11[%parallel_loop3A_430], %parallel_loop3A_427 masked %eq3A_8 : memref<10240xf32, #tpu.memory_space<vmem>>[vector<16xi32>], vector<16xf32>, vector<16xi1>
        %parallel_loop3A_431 = arith.constant 2 : i32
        %parallel_loop3A_432 = arith.addi %parallel_loop3A_353, %parallel_loop3A_431 : i32
        %parallel_loop3A_433 = arith.constant 1 : i32
        %parallel_loop3A_434 = arith.index_cast %parallel_loop3A_433 : i32 to index
        %parallel_loop3A_435 = arith.index_cast %parallel_loop3A_432 : i32 to index
        %parallel_loop3A_436 = arith.constant 0 : index
        %parallel_loop3A_437 = tpu.vector_load %arg10[%parallel_loop3A_434, %parallel_loop3A_435, %parallel_loop3A_436] {strides = array<i32>} : memref<2x640x64xf32, #tpu.memory_space<vmem>>, vector<16xf32>,
        %parallel_loop3A_438 = arith.mulf %parallel_loop3A_437, %parallel_loop3A_336 : vector<16xf32>
        %parallel_loop3A_439 = arith.constant 1 : i32
        %parallel_loop3A_440 = arith.index_cast %parallel_loop3A_439 : i32 to index
        %parallel_loop3A_441 = arith.index_cast %parallel_loop3A_432 : i32 to index
        %parallel_loop3A_442 = arith.constant 16 : index
        %parallel_loop3A_443 = tpu.vector_load %arg10[%parallel_loop3A_440, %parallel_loop3A_441, %parallel_loop3A_442] {strides = array<i32>} : memref<2x640x64xf32, #tpu.memory_space<vmem>>, vector<16xf32>,
        %parallel_loop3A_444 = arith.mulf %parallel_loop3A_443, %parallel_loop3A_341 : vector<16xf32>
        %parallel_loop3A_445 = arith.addf %parallel_loop3A_438, %parallel_loop3A_444 : vector<16xf32>
        %parallel_loop3A_446 = arith.constant 1 : i32
        %parallel_loop3A_447 = arith.index_cast %parallel_loop3A_446 : i32 to index
        %parallel_loop3A_448 = arith.index_cast %parallel_loop3A_432 : i32 to index
        %parallel_loop3A_449 = arith.constant 32 : index
        %parallel_loop3A_450 = tpu.vector_load %arg10[%parallel_loop3A_447, %parallel_loop3A_448, %parallel_loop3A_449] {strides = array<i32>} : memref<2x640x64xf32, #tpu.memory_space<vmem>>, vector<16xf32>,
        %parallel_loop3A_451 = arith.mulf %parallel_loop3A_450, %parallel_loop3A_346 : vector<16xf32>
        %parallel_loop3A_452 = arith.addf %parallel_loop3A_445, %parallel_loop3A_451 : vector<16xf32>
        %parallel_loop3A_453 = arith.constant 1 : i32
        %parallel_loop3A_454 = arith.index_cast %parallel_loop3A_453 : i32 to index
        %parallel_loop3A_455 = arith.index_cast %parallel_loop3A_432 : i32 to index
        %parallel_loop3A_456 = arith.constant 48 : index
        %parallel_loop3A_457 = tpu.vector_load %arg10[%parallel_loop3A_454, %parallel_loop3A_455, %parallel_loop3A_456] {strides = array<i32>} : memref<2x640x64xf32, #tpu.memory_space<vmem>>, vector<16xf32>,
        %parallel_loop3A_458 = arith.mulf %parallel_loop3A_457, %parallel_loop3A_351 : vector<16xf32>
        %parallel_loop3A_459 = arith.addf %parallel_loop3A_452, %parallel_loop3A_458 : vector<16xf32>
        %parallel_loop3A_460 = arith.constant true
        %parallel_loop3A_461 = vector.broadcast %parallel_loop3A_460 : i1 to vector<16xi1>
        %parallel_loop3A_462 = tpu.scan <sum>, %parallel_loop3A_459 masked %parallel_loop3A_461 : vector<16xf32>, vector<16xi1> -> vector<16xf32>
        %parallel_loop3A_463 = arith.constant 2 : i32
        %parallel_loop3A_464 = vector.broadcast %parallel_loop3A_463 : i32 to vector<16xi32>
        %parallel_loop3A_465 = arith.addi %parallel_loop3A_360, %parallel_loop3A_464 : vector<16xi32>
        tpu.vector_store_idx %arg11[%parallel_loop3A_465], %parallel_loop3A_462 masked %eq3A_8 : memref<10240xf32, #tpu.memory_space<vmem>>[vector<16xi32>], vector<16xf32>, vector<16xi1>
        %parallel_loop3A_466 = arith.constant 3 : i32
        %parallel_loop3A_467 = arith.addi %parallel_loop3A_353, %parallel_loop3A_466 : i32
        %parallel_loop3A_468 = arith.constant 1 : i32
        %parallel_loop3A_469 = arith.index_cast %parallel_loop3A_468 : i32 to index
        %parallel_loop3A_470 = arith.index_cast %parallel_loop3A_467 : i32 to index
        %parallel_loop3A_471 = arith.constant 0 : index
        %parallel_loop3A_472 = tpu.vector_load %arg10[%parallel_loop3A_469, %parallel_loop3A_470, %parallel_loop3A_471] {strides = array<i32>} : memref<2x640x64xf32, #tpu.memory_space<vmem>>, vector<16xf32>,
        %parallel_loop3A_473 = arith.mulf %parallel_loop3A_472, %parallel_loop3A_336 : vector<16xf32>
        %parallel_loop3A_474 = arith.constant 1 : i32
        %parallel_loop3A_475 = arith.index_cast %parallel_loop3A_474 : i32 to index
        %parallel_loop3A_476 = arith.index_cast %parallel_loop3A_467 : i32 to index
        %parallel_loop3A_477 = arith.constant 16 : index
        %parallel_loop3A_478 = tpu.vector_load %arg10[%parallel_loop3A_475, %parallel_loop3A_476, %parallel_loop3A_477] {strides = array<i32>} : memref<2x640x64xf32, #tpu.memory_space<vmem>>, vector<16xf32>,
        %parallel_loop3A_479 = arith.mulf %parallel_loop3A_478, %parallel_loop3A_341 : vector<16xf32>
        %parallel_loop3A_480 = arith.addf %parallel_loop3A_473, %parallel_loop3A_479 : vector<16xf32>
        %parallel_loop3A_481 = arith.constant 1 : i32
        %parallel_loop3A_482 = arith.index_cast %parallel_loop3A_481 : i32 to index
        %parallel_loop3A_483 = arith.index_cast %parallel_loop3A_467 : i32 to index
        %parallel_loop3A_484 = arith.constant 32 : index
        %parallel_loop3A_485 = tpu.vector_load %arg10[%parallel_loop3A_482, %parallel_loop3A_483, %parallel_loop3A_484] {strides = array<i32>} : memref<2x640x64xf32, #tpu.memory_space<vmem>>, vector<16xf32>,
        %parallel_loop3A_486 = arith.mulf %parallel_loop3A_485, %parallel_loop3A_346 : vector<16xf32>
        %parallel_loop3A_487 = arith.addf %parallel_loop3A_480, %parallel_loop3A_486 : vector<16xf32>
        %parallel_loop3A_488 = arith.constant 1 : i32
        %parallel_loop3A_489 = arith.index_cast %parallel_loop3A_488 : i32 to index
        %parallel_loop3A_490 = arith.index_cast %parallel_loop3A_467 : i32 to index
        %parallel_loop3A_491 = arith.constant 48 : index
        %parallel_loop3A_492 = tpu.vector_load %arg10[%parallel_loop3A_489, %parallel_loop3A_490, %parallel_loop3A_491] {strides = array<i32>} : memref<2x640x64xf32, #tpu.memory_space<vmem>>, vector<16xf32>,
        %parallel_loop3A_493 = arith.mulf %parallel_loop3A_492, %parallel_loop3A_351 : vector<16xf32>
        %parallel_loop3A_494 = arith.addf %parallel_loop3A_487, %parallel_loop3A_493 : vector<16xf32>
        %parallel_loop3A_495 = arith.constant true
        %parallel_loop3A_496 = vector.broadcast %parallel_loop3A_495 : i1 to vector<16xi1>
        %parallel_loop3A_497 = tpu.scan <sum>, %parallel_loop3A_494 masked %parallel_loop3A_496 : vector<16xf32>, vector<16xi1> -> vector<16xf32>
        %parallel_loop3A_498 = arith.constant 3 : i32
        %parallel_loop3A_499 = vector.broadcast %parallel_loop3A_498 : i32 to vector<16xi32>
        %parallel_loop3A_500 = arith.addi %parallel_loop3A_360, %parallel_loop3A_499 : vector<16xi32>
        tpu.vector_store_idx %arg11[%parallel_loop3A_500], %parallel_loop3A_497 masked %eq3A_8 : memref<10240xf32, #tpu.memory_space<vmem>>[vector<16xi32>], vector<16xf32>, vector<16xi1>
        %parallel_loop3A_501 = arith.constant 4 : i32
        %parallel_loop3A_502 = arith.addi %parallel_loop3A_353, %parallel_loop3A_501 : i32
        %parallel_loop3A_503 = arith.constant 1 : i32
        %parallel_loop3A_504 = arith.index_cast %parallel_loop3A_503 : i32 to index
        %parallel_loop3A_505 = arith.index_cast %parallel_loop3A_502 : i32 to index
        %parallel_loop3A_506 = arith.constant 0 : index
        %parallel_loop3A_507 = tpu.vector_load %arg10[%parallel_loop3A_504, %parallel_loop3A_505, %parallel_loop3A_506] {strides = array<i32>} : memref<2x640x64xf32, #tpu.memory_space<vmem>>, vector<16xf32>,
        %parallel_loop3A_508 = arith.mulf %parallel_loop3A_507, %parallel_loop3A_336 : vector<16xf32>
        %parallel_loop3A_509 = arith.constant 1 : i32
        %parallel_loop3A_510 = arith.index_cast %parallel_loop3A_509 : i32 to index
        %parallel_loop3A_511 = arith.index_cast %parallel_loop3A_502 : i32 to index
        %parallel_loop3A_512 = arith.constant 16 : index
        %parallel_loop3A_513 = tpu.vector_load %arg10[%parallel_loop3A_510, %parallel_loop3A_511, %parallel_loop3A_512] {strides = array<i32>} : memref<2x640x64xf32, #tpu.memory_space<vmem>>, vector<16xf32>,
        %parallel_loop3A_514 = arith.mulf %parallel_loop3A_513, %parallel_loop3A_341 : vector<16xf32>
        %parallel_loop3A_515 = arith.addf %parallel_loop3A_508, %parallel_loop3A_514 : vector<16xf32>
        %parallel_loop3A_516 = arith.constant 1 : i32
        %parallel_loop3A_517 = arith.index_cast %parallel_loop3A_516 : i32 to index
        %parallel_loop3A_518 = arith.index_cast %parallel_loop3A_502 : i32 to index
        %parallel_loop3A_519 = arith.constant 32 : index
        %parallel_loop3A_520 = tpu.vector_load %arg10[%parallel_loop3A_517, %parallel_loop3A_518, %parallel_loop3A_519] {strides = array<i32>} : memref<2x640x64xf32, #tpu.memory_space<vmem>>, vector<16xf32>,
        %parallel_loop3A_521 = arith.mulf %parallel_loop3A_520, %parallel_loop3A_346 : vector<16xf32>
        %parallel_loop3A_522 = arith.addf %parallel_loop3A_515, %parallel_loop3A_521 : vector<16xf32>
        %parallel_loop3A_523 = arith.constant 1 : i32
        %parallel_loop3A_524 = arith.index_cast %parallel_loop3A_523 : i32 to index
        %parallel_loop3A_525 = arith.index_cast %parallel_loop3A_502 : i32 to index
        %parallel_loop3A_526 = arith.constant 48 : index
        %parallel_loop3A_527 = tpu.vector_load %arg10[%parallel_loop3A_524, %parallel_loop3A_525, %parallel_loop3A_526] {strides = array<i32>} : memref<2x640x64xf32, #tpu.memory_space<vmem>>, vector<16xf32>,
        %parallel_loop3A_528 = arith.mulf %parallel_loop3A_527, %parallel_loop3A_351 : vector<16xf32>
        %parallel_loop3A_529 = arith.addf %parallel_loop3A_522, %parallel_loop3A_528 : vector<16xf32>
        %parallel_loop3A_530 = arith.constant true
        %parallel_loop3A_531 = vector.broadcast %parallel_loop3A_530 : i1 to vector<16xi1>
        %parallel_loop3A_532 = tpu.scan <sum>, %parallel_loop3A_529 masked %parallel_loop3A_531 : vector<16xf32>, vector<16xi1> -> vector<16xf32>
        %parallel_loop3A_533 = arith.constant 4 : i32
        %parallel_loop3A_534 = vector.broadcast %parallel_loop3A_533 : i32 to vector<16xi32>
        %parallel_loop3A_535 = arith.addi %parallel_loop3A_360, %parallel_loop3A_534 : vector<16xi32>
        tpu.vector_store_idx %arg11[%parallel_loop3A_535], %parallel_loop3A_532 masked %eq3A_8 : memref<10240xf32, #tpu.memory_space<vmem>>[vector<16xi32>], vector<16xf32>, vector<16xi1>
        %parallel_loop3A_536 = arith.constant 5 : i32
        %parallel_loop3A_537 = arith.addi %parallel_loop3A_353, %parallel_loop3A_536 : i32
        %parallel_loop3A_538 = arith.constant 1 : i32
        %parallel_loop3A_539 = arith.index_cast %parallel_loop3A_538 : i32 to index
        %parallel_loop3A_540 = arith.index_cast %parallel_loop3A_537 : i32 to index
        %parallel_loop3A_541 = arith.constant 0 : index
        %parallel_loop3A_542 = tpu.vector_load %arg10[%parallel_loop3A_539, %parallel_loop3A_540, %parallel_loop3A_541] {strides = array<i32>} : memref<2x640x64xf32, #tpu.memory_space<vmem>>, vector<16xf32>,
        %parallel_loop3A_543 = arith.mulf %parallel_loop3A_542, %parallel_loop3A_336 : vector<16xf32>
        %parallel_loop3A_544 = arith.constant 1 : i32
        %parallel_loop3A_545 = arith.index_cast %parallel_loop3A_544 : i32 to index
        %parallel_loop3A_546 = arith.index_cast %parallel_loop3A_537 : i32 to index
        %parallel_loop3A_547 = arith.constant 16 : index
        %parallel_loop3A_548 = tpu.vector_load %arg10[%parallel_loop3A_545, %parallel_loop3A_546, %parallel_loop3A_547] {strides = array<i32>} : memref<2x640x64xf32, #tpu.memory_space<vmem>>, vector<16xf32>,
        %parallel_loop3A_549 = arith.mulf %parallel_loop3A_548, %parallel_loop3A_341 : vector<16xf32>
        %parallel_loop3A_550 = arith.addf %parallel_loop3A_543, %parallel_loop3A_549 : vector<16xf32>
        %parallel_loop3A_551 = arith.constant 1 : i32
        %parallel_loop3A_552 = arith.index_cast %parallel_loop3A_551 : i32 to index
        %parallel_loop3A_553 = arith.index_cast %parallel_loop3A_537 : i32 to index
        %parallel_loop3A_554 = arith.constant 32 : index
        %parallel_loop3A_555 = tpu.vector_load %arg10[%parallel_loop3A_552, %parallel_loop3A_553, %parallel_loop3A_554] {strides = array<i32>} : memref<2x640x64xf32, #tpu.memory_space<vmem>>, vector<16xf32>,
        %parallel_loop3A_556 = arith.mulf %parallel_loop3A_555, %parallel_loop3A_346 : vector<16xf32>
        %parallel_loop3A_557 = arith.addf %parallel_loop3A_550, %parallel_loop3A_556 : vector<16xf32>
        %parallel_loop3A_558 = arith.constant 1 : i32
        %parallel_loop3A_559 = arith.index_cast %parallel_loop3A_558 : i32 to index
        %parallel_loop3A_560 = arith.index_cast %parallel_loop3A_537 : i32 to index
        %parallel_loop3A_561 = arith.constant 48 : index
        %parallel_loop3A_562 = tpu.vector_load %arg10[%parallel_loop3A_559, %parallel_loop3A_560, %parallel_loop3A_561] {strides = array<i32>} : memref<2x640x64xf32, #tpu.memory_space<vmem>>, vector<16xf32>,
        %parallel_loop3A_563 = arith.mulf %parallel_loop3A_562, %parallel_loop3A_351 : vector<16xf32>
        %parallel_loop3A_564 = arith.addf %parallel_loop3A_557, %parallel_loop3A_563 : vector<16xf32>
        %parallel_loop3A_565 = arith.constant true
        %parallel_loop3A_566 = vector.broadcast %parallel_loop3A_565 : i1 to vector<16xi1>
        %parallel_loop3A_567 = tpu.scan <sum>, %parallel_loop3A_564 masked %parallel_loop3A_566 : vector<16xf32>, vector<16xi1> -> vector<16xf32>
        %parallel_loop3A_568 = arith.constant 5 : i32
        %parallel_loop3A_569 = vector.broadcast %parallel_loop3A_568 : i32 to vector<16xi32>
        %parallel_loop3A_570 = arith.addi %parallel_loop3A_360, %parallel_loop3A_569 : vector<16xi32>
        tpu.vector_store_idx %arg11[%parallel_loop3A_570], %parallel_loop3A_567 masked %eq3A_8 : memref<10240xf32, #tpu.memory_space<vmem>>[vector<16xi32>], vector<16xf32>, vector<16xi1>
        %parallel_loop3A_571 = arith.constant 6 : i32
        %parallel_loop3A_572 = arith.addi %parallel_loop3A_353, %parallel_loop3A_571 : i32
        %parallel_loop3A_573 = arith.constant 1 : i32
        %parallel_loop3A_574 = arith.index_cast %parallel_loop3A_573 : i32 to index
        %parallel_loop3A_575 = arith.index_cast %parallel_loop3A_572 : i32 to index
        %parallel_loop3A_576 = arith.constant 0 : index
        %parallel_loop3A_577 = tpu.vector_load %arg10[%parallel_loop3A_574, %parallel_loop3A_575, %parallel_loop3A_576] {strides = array<i32>} : memref<2x640x64xf32, #tpu.memory_space<vmem>>, vector<16xf32>,
        %parallel_loop3A_578 = arith.mulf %parallel_loop3A_577, %parallel_loop3A_336 : vector<16xf32>
        %parallel_loop3A_579 = arith.constant 1 : i32
        %parallel_loop3A_580 = arith.index_cast %parallel_loop3A_579 : i32 to index
        %parallel_loop3A_581 = arith.index_cast %parallel_loop3A_572 : i32 to index
        %parallel_loop3A_582 = arith.constant 16 : index
        %parallel_loop3A_583 = tpu.vector_load %arg10[%parallel_loop3A_580, %parallel_loop3A_581, %parallel_loop3A_582] {strides = array<i32>} : memref<2x640x64xf32, #tpu.memory_space<vmem>>, vector<16xf32>,
        %parallel_loop3A_584 = arith.mulf %parallel_loop3A_583, %parallel_loop3A_341 : vector<16xf32>
        %parallel_loop3A_585 = arith.addf %parallel_loop3A_578, %parallel_loop3A_584 : vector<16xf32>
        %parallel_loop3A_586 = arith.constant 1 : i32
        %parallel_loop3A_587 = arith.index_cast %parallel_loop3A_586 : i32 to index
        %parallel_loop3A_588 = arith.index_cast %parallel_loop3A_572 : i32 to index
        %parallel_loop3A_589 = arith.constant 32 : index
        %parallel_loop3A_590 = tpu.vector_load %arg10[%parallel_loop3A_587, %parallel_loop3A_588, %parallel_loop3A_589] {strides = array<i32>} : memref<2x640x64xf32, #tpu.memory_space<vmem>>, vector<16xf32>,
        %parallel_loop3A_591 = arith.mulf %parallel_loop3A_590, %parallel_loop3A_346 : vector<16xf32>
        %parallel_loop3A_592 = arith.addf %parallel_loop3A_585, %parallel_loop3A_591 : vector<16xf32>
        %parallel_loop3A_593 = arith.constant 1 : i32
        %parallel_loop3A_594 = arith.index_cast %parallel_loop3A_593 : i32 to index
        %parallel_loop3A_595 = arith.index_cast %parallel_loop3A_572 : i32 to index
        %parallel_loop3A_596 = arith.constant 48 : index
        %parallel_loop3A_597 = tpu.vector_load %arg10[%parallel_loop3A_594, %parallel_loop3A_595, %parallel_loop3A_596] {strides = array<i32>} : memref<2x640x64xf32, #tpu.memory_space<vmem>>, vector<16xf32>,
        %parallel_loop3A_598 = arith.mulf %parallel_loop3A_597, %parallel_loop3A_351 : vector<16xf32>
        %parallel_loop3A_599 = arith.addf %parallel_loop3A_592, %parallel_loop3A_598 : vector<16xf32>
        %parallel_loop3A_600 = arith.constant true
        %parallel_loop3A_601 = vector.broadcast %parallel_loop3A_600 : i1 to vector<16xi1>
        %parallel_loop3A_602 = tpu.scan <sum>, %parallel_loop3A_599 masked %parallel_loop3A_601 : vector<16xf32>, vector<16xi1> -> vector<16xf32>
        %parallel_loop3A_603 = arith.constant 6 : i32
        %parallel_loop3A_604 = vector.broadcast %parallel_loop3A_603 : i32 to vector<16xi32>
        %parallel_loop3A_605 = arith.addi %parallel_loop3A_360, %parallel_loop3A_604 : vector<16xi32>
        tpu.vector_store_idx %arg11[%parallel_loop3A_605], %parallel_loop3A_602 masked %eq3A_8 : memref<10240xf32, #tpu.memory_space<vmem>>[vector<16xi32>], vector<16xf32>, vector<16xi1>
        %parallel_loop3A_606 = arith.constant 7 : i32
        %parallel_loop3A_607 = arith.addi %parallel_loop3A_353, %parallel_loop3A_606 : i32
        %parallel_loop3A_608 = arith.constant 1 : i32
        %parallel_loop3A_609 = arith.index_cast %parallel_loop3A_608 : i32 to index
        %parallel_loop3A_610 = arith.index_cast %parallel_loop3A_607 : i32 to index
        %parallel_loop3A_611 = arith.constant 0 : index
        %parallel_loop3A_612 = tpu.vector_load %arg10[%parallel_loop3A_609, %parallel_loop3A_610, %parallel_loop3A_611] {strides = array<i32>} : memref<2x640x64xf32, #tpu.memory_space<vmem>>, vector<16xf32>,
        %parallel_loop3A_613 = arith.mulf %parallel_loop3A_612, %parallel_loop3A_336 : vector<16xf32>
        %parallel_loop3A_614 = arith.constant 1 : i32
        %parallel_loop3A_615 = arith.index_cast %parallel_loop3A_614 : i32 to index
        %parallel_loop3A_616 = arith.index_cast %parallel_loop3A_607 : i32 to index
        %parallel_loop3A_617 = arith.constant 16 : index
        %parallel_loop3A_618 = tpu.vector_load %arg10[%parallel_loop3A_615, %parallel_loop3A_616, %parallel_loop3A_617] {strides = array<i32>} : memref<2x640x64xf32, #tpu.memory_space<vmem>>, vector<16xf32>,
        %parallel_loop3A_619 = arith.mulf %parallel_loop3A_618, %parallel_loop3A_341 : vector<16xf32>
        %parallel_loop3A_620 = arith.addf %parallel_loop3A_613, %parallel_loop3A_619 : vector<16xf32>
        %parallel_loop3A_621 = arith.constant 1 : i32
        %parallel_loop3A_622 = arith.index_cast %parallel_loop3A_621 : i32 to index
        %parallel_loop3A_623 = arith.index_cast %parallel_loop3A_607 : i32 to index
        %parallel_loop3A_624 = arith.constant 32 : index
        %parallel_loop3A_625 = tpu.vector_load %arg10[%parallel_loop3A_622, %parallel_loop3A_623, %parallel_loop3A_624] {strides = array<i32>} : memref<2x640x64xf32, #tpu.memory_space<vmem>>, vector<16xf32>,
        %parallel_loop3A_626 = arith.mulf %parallel_loop3A_625, %parallel_loop3A_346 : vector<16xf32>
        %parallel_loop3A_627 = arith.addf %parallel_loop3A_620, %parallel_loop3A_626 : vector<16xf32>
        %parallel_loop3A_628 = arith.constant 1 : i32
        %parallel_loop3A_629 = arith.index_cast %parallel_loop3A_628 : i32 to index
        %parallel_loop3A_630 = arith.index_cast %parallel_loop3A_607 : i32 to index
        %parallel_loop3A_631 = arith.constant 48 : index
        %parallel_loop3A_632 = tpu.vector_load %arg10[%parallel_loop3A_629, %parallel_loop3A_630, %parallel_loop3A_631] {strides = array<i32>} : memref<2x640x64xf32, #tpu.memory_space<vmem>>, vector<16xf32>,
        %parallel_loop3A_633 = arith.mulf %parallel_loop3A_632, %parallel_loop3A_351 : vector<16xf32>
        %parallel_loop3A_634 = arith.addf %parallel_loop3A_627, %parallel_loop3A_633 : vector<16xf32>
        %parallel_loop3A_635 = arith.constant true
        %parallel_loop3A_636 = vector.broadcast %parallel_loop3A_635 : i1 to vector<16xi1>
        %parallel_loop3A_637 = tpu.scan <sum>, %parallel_loop3A_634 masked %parallel_loop3A_636 : vector<16xf32>, vector<16xi1> -> vector<16xf32>
        %parallel_loop3A_638 = arith.constant 7 : i32
        %parallel_loop3A_639 = vector.broadcast %parallel_loop3A_638 : i32 to vector<16xi32>
        %parallel_loop3A_640 = arith.addi %parallel_loop3A_360, %parallel_loop3A_639 : vector<16xi32>
        tpu.vector_store_idx %arg11[%parallel_loop3A_640], %parallel_loop3A_637 masked %eq3A_8 : memref<10240xf32, #tpu.memory_space<vmem>>[vector<16xi32>], vector<16xf32>, vector<16xi1>
        %parallel_loop3A_641 = arith.constant 8 : i32
        %parallel_loop3A_642 = arith.addi %parallel_loop3A_353, %parallel_loop3A_641 : i32
        %parallel_loop3A_643 = arith.constant 1 : i32
        %parallel_loop3A_644 = arith.index_cast %parallel_loop3A_643 : i32 to index
        %parallel_loop3A_645 = arith.index_cast %parallel_loop3A_642 : i32 to index
        %parallel_loop3A_646 = arith.constant 0 : index
        %parallel_loop3A_647 = tpu.vector_load %arg10[%parallel_loop3A_644, %parallel_loop3A_645, %parallel_loop3A_646] {strides = array<i32>} : memref<2x640x64xf32, #tpu.memory_space<vmem>>, vector<16xf32>,
        %parallel_loop3A_648 = arith.mulf %parallel_loop3A_647, %parallel_loop3A_336 : vector<16xf32>
        %parallel_loop3A_649 = arith.constant 1 : i32
        %parallel_loop3A_650 = arith.index_cast %parallel_loop3A_649 : i32 to index
        %parallel_loop3A_651 = arith.index_cast %parallel_loop3A_642 : i32 to index
        %parallel_loop3A_652 = arith.constant 16 : index
        %parallel_loop3A_653 = tpu.vector_load %arg10[%parallel_loop3A_650, %parallel_loop3A_651, %parallel_loop3A_652] {strides = array<i32>} : memref<2x640x64xf32, #tpu.memory_space<vmem>>, vector<16xf32>,
        %parallel_loop3A_654 = arith.mulf %parallel_loop3A_653, %parallel_loop3A_341 : vector<16xf32>
        %parallel_loop3A_655 = arith.addf %parallel_loop3A_648, %parallel_loop3A_654 : vector<16xf32>
        %parallel_loop3A_656 = arith.constant 1 : i32
        %parallel_loop3A_657 = arith.index_cast %parallel_loop3A_656 : i32 to index
        %parallel_loop3A_658 = arith.index_cast %parallel_loop3A_642 : i32 to index
        %parallel_loop3A_659 = arith.constant 32 : index
        %parallel_loop3A_660 = tpu.vector_load %arg10[%parallel_loop3A_657, %parallel_loop3A_658, %parallel_loop3A_659] {strides = array<i32>} : memref<2x640x64xf32, #tpu.memory_space<vmem>>, vector<16xf32>,
        %parallel_loop3A_661 = arith.mulf %parallel_loop3A_660, %parallel_loop3A_346 : vector<16xf32>
        %parallel_loop3A_662 = arith.addf %parallel_loop3A_655, %parallel_loop3A_661 : vector<16xf32>
        %parallel_loop3A_663 = arith.constant 1 : i32
        %parallel_loop3A_664 = arith.index_cast %parallel_loop3A_663 : i32 to index
        %parallel_loop3A_665 = arith.index_cast %parallel_loop3A_642 : i32 to index
        %parallel_loop3A_666 = arith.constant 48 : index
        %parallel_loop3A_667 = tpu.vector_load %arg10[%parallel_loop3A_664, %parallel_loop3A_665, %parallel_loop3A_666] {strides = array<i32>} : memref<2x640x64xf32, #tpu.memory_space<vmem>>, vector<16xf32>,
        %parallel_loop3A_668 = arith.mulf %parallel_loop3A_667, %parallel_loop3A_351 : vector<16xf32>
        %parallel_loop3A_669 = arith.addf %parallel_loop3A_662, %parallel_loop3A_668 : vector<16xf32>
        %parallel_loop3A_670 = arith.constant true
        %parallel_loop3A_671 = vector.broadcast %parallel_loop3A_670 : i1 to vector<16xi1>
        %parallel_loop3A_672 = tpu.scan <sum>, %parallel_loop3A_669 masked %parallel_loop3A_671 : vector<16xf32>, vector<16xi1> -> vector<16xf32>
        %parallel_loop3A_673 = arith.constant 8 : i32
        %parallel_loop3A_674 = vector.broadcast %parallel_loop3A_673 : i32 to vector<16xi32>
        %parallel_loop3A_675 = arith.addi %parallel_loop3A_360, %parallel_loop3A_674 : vector<16xi32>
        tpu.vector_store_idx %arg11[%parallel_loop3A_675], %parallel_loop3A_672 masked %eq3A_8 : memref<10240xf32, #tpu.memory_space<vmem>>[vector<16xi32>], vector<16xf32>, vector<16xi1>
        %parallel_loop3A_676 = arith.constant 9 : i32
        %parallel_loop3A_677 = arith.addi %parallel_loop3A_353, %parallel_loop3A_676 : i32
        %parallel_loop3A_678 = arith.constant 1 : i32
        %parallel_loop3A_679 = arith.index_cast %parallel_loop3A_678 : i32 to index
        %parallel_loop3A_680 = arith.index_cast %parallel_loop3A_677 : i32 to index
        %parallel_loop3A_681 = arith.constant 0 : index
        %parallel_loop3A_682 = tpu.vector_load %arg10[%parallel_loop3A_679, %parallel_loop3A_680, %parallel_loop3A_681] {strides = array<i32>} : memref<2x640x64xf32, #tpu.memory_space<vmem>>, vector<16xf32>,
        %parallel_loop3A_683 = arith.mulf %parallel_loop3A_682, %parallel_loop3A_336 : vector<16xf32>
        %parallel_loop3A_684 = arith.constant 1 : i32
        %parallel_loop3A_685 = arith.index_cast %parallel_loop3A_684 : i32 to index
        %parallel_loop3A_686 = arith.index_cast %parallel_loop3A_677 : i32 to index
        %parallel_loop3A_687 = arith.constant 16 : index
        %parallel_loop3A_688 = tpu.vector_load %arg10[%parallel_loop3A_685, %parallel_loop3A_686, %parallel_loop3A_687] {strides = array<i32>} : memref<2x640x64xf32, #tpu.memory_space<vmem>>, vector<16xf32>,
        %parallel_loop3A_689 = arith.mulf %parallel_loop3A_688, %parallel_loop3A_341 : vector<16xf32>
        %parallel_loop3A_690 = arith.addf %parallel_loop3A_683, %parallel_loop3A_689 : vector<16xf32>
        %parallel_loop3A_691 = arith.constant 1 : i32
        %parallel_loop3A_692 = arith.index_cast %parallel_loop3A_691 : i32 to index
        %parallel_loop3A_693 = arith.index_cast %parallel_loop3A_677 : i32 to index
        %parallel_loop3A_694 = arith.constant 32 : index
        %parallel_loop3A_695 = tpu.vector_load %arg10[%parallel_loop3A_692, %parallel_loop3A_693, %parallel_loop3A_694] {strides = array<i32>} : memref<2x640x64xf32, #tpu.memory_space<vmem>>, vector<16xf32>,
        %parallel_loop3A_696 = arith.mulf %parallel_loop3A_695, %parallel_loop3A_346 : vector<16xf32>
        %parallel_loop3A_697 = arith.addf %parallel_loop3A_690, %parallel_loop3A_696 : vector<16xf32>
        %parallel_loop3A_698 = arith.constant 1 : i32
        %parallel_loop3A_699 = arith.index_cast %parallel_loop3A_698 : i32 to index
        %parallel_loop3A_700 = arith.index_cast %parallel_loop3A_677 : i32 to index
        %parallel_loop3A_701 = arith.constant 48 : index
        %parallel_loop3A_702 = tpu.vector_load %arg10[%parallel_loop3A_699, %parallel_loop3A_700, %parallel_loop3A_701] {strides = array<i32>} : memref<2x640x64xf32, #tpu.memory_space<vmem>>, vector<16xf32>,
        %parallel_loop3A_703 = arith.mulf %parallel_loop3A_702, %parallel_loop3A_351 : vector<16xf32>
        %parallel_loop3A_704 = arith.addf %parallel_loop3A_697, %parallel_loop3A_703 : vector<16xf32>
        %parallel_loop3A_705 = arith.constant true
        %parallel_loop3A_706 = vector.broadcast %parallel_loop3A_705 : i1 to vector<16xi1>
        %parallel_loop3A_707 = tpu.scan <sum>, %parallel_loop3A_704 masked %parallel_loop3A_706 : vector<16xf32>, vector<16xi1> -> vector<16xf32>
        %parallel_loop3A_708 = arith.constant 9 : i32
        %parallel_loop3A_709 = vector.broadcast %parallel_loop3A_708 : i32 to vector<16xi32>
        %parallel_loop3A_710 = arith.addi %parallel_loop3A_360, %parallel_loop3A_709 : vector<16xi32>
        tpu.vector_store_idx %arg11[%parallel_loop3A_710], %parallel_loop3A_707 masked %eq3A_8 : memref<10240xf32, #tpu.memory_space<vmem>>[vector<16xi32>], vector<16xf32>, vector<16xi1>
        %parallel_loop3A_711 = arith.constant 10 : i32
        %parallel_loop3A_712 = arith.addi %parallel_loop3A_353, %parallel_loop3A_711 : i32
        %parallel_loop3A_713 = arith.constant 1 : i32
        %parallel_loop3A_714 = arith.index_cast %parallel_loop3A_713 : i32 to index
        %parallel_loop3A_715 = arith.index_cast %parallel_loop3A_712 : i32 to index
        %parallel_loop3A_716 = arith.constant 0 : index
        %parallel_loop3A_717 = tpu.vector_load %arg10[%parallel_loop3A_714, %parallel_loop3A_715, %parallel_loop3A_716] {strides = array<i32>} : memref<2x640x64xf32, #tpu.memory_space<vmem>>, vector<16xf32>,
        %parallel_loop3A_718 = arith.mulf %parallel_loop3A_717, %parallel_loop3A_336 : vector<16xf32>
        %parallel_loop3A_719 = arith.constant 1 : i32
        %parallel_loop3A_720 = arith.index_cast %parallel_loop3A_719 : i32 to index
        %parallel_loop3A_721 = arith.index_cast %parallel_loop3A_712 : i32 to index
        %parallel_loop3A_722 = arith.constant 16 : index
        %parallel_loop3A_723 = tpu.vector_load %arg10[%parallel_loop3A_720, %parallel_loop3A_721, %parallel_loop3A_722] {strides = array<i32>} : memref<2x640x64xf32, #tpu.memory_space<vmem>>, vector<16xf32>,
        %parallel_loop3A_724 = arith.mulf %parallel_loop3A_723, %parallel_loop3A_341 : vector<16xf32>
        %parallel_loop3A_725 = arith.addf %parallel_loop3A_718, %parallel_loop3A_724 : vector<16xf32>
        %parallel_loop3A_726 = arith.constant 1 : i32
        %parallel_loop3A_727 = arith.index_cast %parallel_loop3A_726 : i32 to index
        %parallel_loop3A_728 = arith.index_cast %parallel_loop3A_712 : i32 to index
        %parallel_loop3A_729 = arith.constant 32 : index
        %parallel_loop3A_730 = tpu.vector_load %arg10[%parallel_loop3A_727, %parallel_loop3A_728, %parallel_loop3A_729] {strides = array<i32>} : memref<2x640x64xf32, #tpu.memory_space<vmem>>, vector<16xf32>,
        %parallel_loop3A_731 = arith.mulf %parallel_loop3A_730, %parallel_loop3A_346 : vector<16xf32>
        %parallel_loop3A_732 = arith.addf %parallel_loop3A_725, %parallel_loop3A_731 : vector<16xf32>
        %parallel_loop3A_733 = arith.constant 1 : i32
        %parallel_loop3A_734 = arith.index_cast %parallel_loop3A_733 : i32 to index
        %parallel_loop3A_735 = arith.index_cast %parallel_loop3A_712 : i32 to index
        %parallel_loop3A_736 = arith.constant 48 : index
        %parallel_loop3A_737 = tpu.vector_load %arg10[%parallel_loop3A_734, %parallel_loop3A_735, %parallel_loop3A_736] {strides = array<i32>} : memref<2x640x64xf32, #tpu.memory_space<vmem>>, vector<16xf32>,
        %parallel_loop3A_738 = arith.mulf %parallel_loop3A_737, %parallel_loop3A_351 : vector<16xf32>
        %parallel_loop3A_739 = arith.addf %parallel_loop3A_732, %parallel_loop3A_738 : vector<16xf32>
        %parallel_loop3A_740 = arith.constant true
        %parallel_loop3A_741 = vector.broadcast %parallel_loop3A_740 : i1 to vector<16xi1>
        %parallel_loop3A_742 = tpu.scan <sum>, %parallel_loop3A_739 masked %parallel_loop3A_741 : vector<16xf32>, vector<16xi1> -> vector<16xf32>
        %parallel_loop3A_743 = arith.constant 10 : i32
        %parallel_loop3A_744 = vector.broadcast %parallel_loop3A_743 : i32 to vector<16xi32>
        %parallel_loop3A_745 = arith.addi %parallel_loop3A_360, %parallel_loop3A_744 : vector<16xi32>
        tpu.vector_store_idx %arg11[%parallel_loop3A_745], %parallel_loop3A_742 masked %eq3A_8 : memref<10240xf32, #tpu.memory_space<vmem>>[vector<16xi32>], vector<16xf32>, vector<16xi1>
        %parallel_loop3A_746 = arith.constant 11 : i32
        %parallel_loop3A_747 = arith.addi %parallel_loop3A_353, %parallel_loop3A_746 : i32
        %parallel_loop3A_748 = arith.constant 1 : i32
        %parallel_loop3A_749 = arith.index_cast %parallel_loop3A_748 : i32 to index
        %parallel_loop3A_750 = arith.index_cast %parallel_loop3A_747 : i32 to index
        %parallel_loop3A_751 = arith.constant 0 : index
        %parallel_loop3A_752 = tpu.vector_load %arg10[%parallel_loop3A_749, %parallel_loop3A_750, %parallel_loop3A_751] {strides = array<i32>} : memref<2x640x64xf32, #tpu.memory_space<vmem>>, vector<16xf32>,
        %parallel_loop3A_753 = arith.mulf %parallel_loop3A_752, %parallel_loop3A_336 : vector<16xf32>
        %parallel_loop3A_754 = arith.constant 1 : i32
        %parallel_loop3A_755 = arith.index_cast %parallel_loop3A_754 : i32 to index
        %parallel_loop3A_756 = arith.index_cast %parallel_loop3A_747 : i32 to index
        %parallel_loop3A_757 = arith.constant 16 : index
        %parallel_loop3A_758 = tpu.vector_load %arg10[%parallel_loop3A_755, %parallel_loop3A_756, %parallel_loop3A_757] {strides = array<i32>} : memref<2x640x64xf32, #tpu.memory_space<vmem>>, vector<16xf32>,
        %parallel_loop3A_759 = arith.mulf %parallel_loop3A_758, %parallel_loop3A_341 : vector<16xf32>
        %parallel_loop3A_760 = arith.addf %parallel_loop3A_753, %parallel_loop3A_759 : vector<16xf32>
        %parallel_loop3A_761 = arith.constant 1 : i32
        %parallel_loop3A_762 = arith.index_cast %parallel_loop3A_761 : i32 to index
        %parallel_loop3A_763 = arith.index_cast %parallel_loop3A_747 : i32 to index
        %parallel_loop3A_764 = arith.constant 32 : index
        %parallel_loop3A_765 = tpu.vector_load %arg10[%parallel_loop3A_762, %parallel_loop3A_763, %parallel_loop3A_764] {strides = array<i32>} : memref<2x640x64xf32, #tpu.memory_space<vmem>>, vector<16xf32>,
        %parallel_loop3A_766 = arith.mulf %parallel_loop3A_765, %parallel_loop3A_346 : vector<16xf32>
        %parallel_loop3A_767 = arith.addf %parallel_loop3A_760, %parallel_loop3A_766 : vector<16xf32>
        %parallel_loop3A_768 = arith.constant 1 : i32
        %parallel_loop3A_769 = arith.index_cast %parallel_loop3A_768 : i32 to index
        %parallel_loop3A_770 = arith.index_cast %parallel_loop3A_747 : i32 to index
        %parallel_loop3A_771 = arith.constant 48 : index
        %parallel_loop3A_772 = tpu.vector_load %arg10[%parallel_loop3A_769, %parallel_loop3A_770, %parallel_loop3A_771] {strides = array<i32>} : memref<2x640x64xf32, #tpu.memory_space<vmem>>, vector<16xf32>,
        %parallel_loop3A_773 = arith.mulf %parallel_loop3A_772, %parallel_loop3A_351 : vector<16xf32>
        %parallel_loop3A_774 = arith.addf %parallel_loop3A_767, %parallel_loop3A_773 : vector<16xf32>
        %parallel_loop3A_775 = arith.constant true
        %parallel_loop3A_776 = vector.broadcast %parallel_loop3A_775 : i1 to vector<16xi1>
        %parallel_loop3A_777 = tpu.scan <sum>, %parallel_loop3A_774 masked %parallel_loop3A_776 : vector<16xf32>, vector<16xi1> -> vector<16xf32>
        %parallel_loop3A_778 = arith.constant 11 : i32
        %parallel_loop3A_779 = vector.broadcast %parallel_loop3A_778 : i32 to vector<16xi32>
        %parallel_loop3A_780 = arith.addi %parallel_loop3A_360, %parallel_loop3A_779 : vector<16xi32>
        tpu.vector_store_idx %arg11[%parallel_loop3A_780], %parallel_loop3A_777 masked %eq3A_8 : memref<10240xf32, #tpu.memory_space<vmem>>[vector<16xi32>], vector<16xf32>, vector<16xi1>
        %parallel_loop3A_781 = arith.constant 12 : i32
        %parallel_loop3A_782 = arith.addi %parallel_loop3A_353, %parallel_loop3A_781 : i32
        %parallel_loop3A_783 = arith.constant 1 : i32
        %parallel_loop3A_784 = arith.index_cast %parallel_loop3A_783 : i32 to index
        %parallel_loop3A_785 = arith.index_cast %parallel_loop3A_782 : i32 to index
        %parallel_loop3A_786 = arith.constant 0 : index
        %parallel_loop3A_787 = tpu.vector_load %arg10[%parallel_loop3A_784, %parallel_loop3A_785, %parallel_loop3A_786] {strides = array<i32>} : memref<2x640x64xf32, #tpu.memory_space<vmem>>, vector<16xf32>,
        %parallel_loop3A_788 = arith.mulf %parallel_loop3A_787, %parallel_loop3A_336 : vector<16xf32>
        %parallel_loop3A_789 = arith.constant 1 : i32
        %parallel_loop3A_790 = arith.index_cast %parallel_loop3A_789 : i32 to index
        %parallel_loop3A_791 = arith.index_cast %parallel_loop3A_782 : i32 to index
        %parallel_loop3A_792 = arith.constant 16 : index
        %parallel_loop3A_793 = tpu.vector_load %arg10[%parallel_loop3A_790, %parallel_loop3A_791, %parallel_loop3A_792] {strides = array<i32>} : memref<2x640x64xf32, #tpu.memory_space<vmem>>, vector<16xf32>,
        %parallel_loop3A_794 = arith.mulf %parallel_loop3A_793, %parallel_loop3A_341 : vector<16xf32>
        %parallel_loop3A_795 = arith.addf %parallel_loop3A_788, %parallel_loop3A_794 : vector<16xf32>
        %parallel_loop3A_796 = arith.constant 1 : i32
        %parallel_loop3A_797 = arith.index_cast %parallel_loop3A_796 : i32 to index
        %parallel_loop3A_798 = arith.index_cast %parallel_loop3A_782 : i32 to index
        %parallel_loop3A_799 = arith.constant 32 : index
        %parallel_loop3A_800 = tpu.vector_load %arg10[%parallel_loop3A_797, %parallel_loop3A_798, %parallel_loop3A_799] {strides = array<i32>} : memref<2x640x64xf32, #tpu.memory_space<vmem>>, vector<16xf32>,
        %parallel_loop3A_801 = arith.mulf %parallel_loop3A_800, %parallel_loop3A_346 : vector<16xf32>
        %parallel_loop3A_802 = arith.addf %parallel_loop3A_795, %parallel_loop3A_801 : vector<16xf32>
        %parallel_loop3A_803 = arith.constant 1 : i32
        %parallel_loop3A_804 = arith.index_cast %parallel_loop3A_803 : i32 to index
        %parallel_loop3A_805 = arith.index_cast %parallel_loop3A_782 : i32 to index
        %parallel_loop3A_806 = arith.constant 48 : index
        %parallel_loop3A_807 = tpu.vector_load %arg10[%parallel_loop3A_804, %parallel_loop3A_805, %parallel_loop3A_806] {strides = array<i32>} : memref<2x640x64xf32, #tpu.memory_space<vmem>>, vector<16xf32>,
        %parallel_loop3A_808 = arith.mulf %parallel_loop3A_807, %parallel_loop3A_351 : vector<16xf32>
        %parallel_loop3A_809 = arith.addf %parallel_loop3A_802, %parallel_loop3A_808 : vector<16xf32>
        %parallel_loop3A_810 = arith.constant true
        %parallel_loop3A_811 = vector.broadcast %parallel_loop3A_810 : i1 to vector<16xi1>
        %parallel_loop3A_812 = tpu.scan <sum>, %parallel_loop3A_809 masked %parallel_loop3A_811 : vector<16xf32>, vector<16xi1> -> vector<16xf32>
        %parallel_loop3A_813 = arith.constant 12 : i32
        %parallel_loop3A_814 = vector.broadcast %parallel_loop3A_813 : i32 to vector<16xi32>
        %parallel_loop3A_815 = arith.addi %parallel_loop3A_360, %parallel_loop3A_814 : vector<16xi32>
        tpu.vector_store_idx %arg11[%parallel_loop3A_815], %parallel_loop3A_812 masked %eq3A_8 : memref<10240xf32, #tpu.memory_space<vmem>>[vector<16xi32>], vector<16xf32>, vector<16xi1>
        %parallel_loop3A_816 = arith.constant 13 : i32
        %parallel_loop3A_817 = arith.addi %parallel_loop3A_353, %parallel_loop3A_816 : i32
        %parallel_loop3A_818 = arith.constant 1 : i32
        %parallel_loop3A_819 = arith.index_cast %parallel_loop3A_818 : i32 to index
        %parallel_loop3A_820 = arith.index_cast %parallel_loop3A_817 : i32 to index
        %parallel_loop3A_821 = arith.constant 0 : index
        %parallel_loop3A_822 = tpu.vector_load %arg10[%parallel_loop3A_819, %parallel_loop3A_820, %parallel_loop3A_821] {strides = array<i32>} : memref<2x640x64xf32, #tpu.memory_space<vmem>>, vector<16xf32>,
        %parallel_loop3A_823 = arith.mulf %parallel_loop3A_822, %parallel_loop3A_336 : vector<16xf32>
        %parallel_loop3A_824 = arith.constant 1 : i32
        %parallel_loop3A_825 = arith.index_cast %parallel_loop3A_824 : i32 to index
        %parallel_loop3A_826 = arith.index_cast %parallel_loop3A_817 : i32 to index
        %parallel_loop3A_827 = arith.constant 16 : index
        %parallel_loop3A_828 = tpu.vector_load %arg10[%parallel_loop3A_825, %parallel_loop3A_826, %parallel_loop3A_827] {strides = array<i32>} : memref<2x640x64xf32, #tpu.memory_space<vmem>>, vector<16xf32>,
        %parallel_loop3A_829 = arith.mulf %parallel_loop3A_828, %parallel_loop3A_341 : vector<16xf32>
        %parallel_loop3A_830 = arith.addf %parallel_loop3A_823, %parallel_loop3A_829 : vector<16xf32>
        %parallel_loop3A_831 = arith.constant 1 : i32
        %parallel_loop3A_832 = arith.index_cast %parallel_loop3A_831 : i32 to index
        %parallel_loop3A_833 = arith.index_cast %parallel_loop3A_817 : i32 to index
        %parallel_loop3A_834 = arith.constant 32 : index
        %parallel_loop3A_835 = tpu.vector_load %arg10[%parallel_loop3A_832, %parallel_loop3A_833, %parallel_loop3A_834] {strides = array<i32>} : memref<2x640x64xf32, #tpu.memory_space<vmem>>, vector<16xf32>,
        %parallel_loop3A_836 = arith.mulf %parallel_loop3A_835, %parallel_loop3A_346 : vector<16xf32>
        %parallel_loop3A_837 = arith.addf %parallel_loop3A_830, %parallel_loop3A_836 : vector<16xf32>
        %parallel_loop3A_838 = arith.constant 1 : i32
        %parallel_loop3A_839 = arith.index_cast %parallel_loop3A_838 : i32 to index
        %parallel_loop3A_840 = arith.index_cast %parallel_loop3A_817 : i32 to index
        %parallel_loop3A_841 = arith.constant 48 : index
        %parallel_loop3A_842 = tpu.vector_load %arg10[%parallel_loop3A_839, %parallel_loop3A_840, %parallel_loop3A_841] {strides = array<i32>} : memref<2x640x64xf32, #tpu.memory_space<vmem>>, vector<16xf32>,
        %parallel_loop3A_843 = arith.mulf %parallel_loop3A_842, %parallel_loop3A_351 : vector<16xf32>
        %parallel_loop3A_844 = arith.addf %parallel_loop3A_837, %parallel_loop3A_843 : vector<16xf32>
        %parallel_loop3A_845 = arith.constant true
        %parallel_loop3A_846 = vector.broadcast %parallel_loop3A_845 : i1 to vector<16xi1>
        %parallel_loop3A_847 = tpu.scan <sum>, %parallel_loop3A_844 masked %parallel_loop3A_846 : vector<16xf32>, vector<16xi1> -> vector<16xf32>
        %parallel_loop3A_848 = arith.constant 13 : i32
        %parallel_loop3A_849 = vector.broadcast %parallel_loop3A_848 : i32 to vector<16xi32>
        %parallel_loop3A_850 = arith.addi %parallel_loop3A_360, %parallel_loop3A_849 : vector<16xi32>
        tpu.vector_store_idx %arg11[%parallel_loop3A_850], %parallel_loop3A_847 masked %eq3A_8 : memref<10240xf32, #tpu.memory_space<vmem>>[vector<16xi32>], vector<16xf32>, vector<16xi1>
        %parallel_loop3A_851 = arith.constant 14 : i32
        %parallel_loop3A_852 = arith.addi %parallel_loop3A_353, %parallel_loop3A_851 : i32
        %parallel_loop3A_853 = arith.constant 1 : i32
        %parallel_loop3A_854 = arith.index_cast %parallel_loop3A_853 : i32 to index
        %parallel_loop3A_855 = arith.index_cast %parallel_loop3A_852 : i32 to index
        %parallel_loop3A_856 = arith.constant 0 : index
        %parallel_loop3A_857 = tpu.vector_load %arg10[%parallel_loop3A_854, %parallel_loop3A_855, %parallel_loop3A_856] {strides = array<i32>} : memref<2x640x64xf32, #tpu.memory_space<vmem>>, vector<16xf32>,
        %parallel_loop3A_858 = arith.mulf %parallel_loop3A_857, %parallel_loop3A_336 : vector<16xf32>
        %parallel_loop3A_859 = arith.constant 1 : i32
        %parallel_loop3A_860 = arith.index_cast %parallel_loop3A_859 : i32 to index
        %parallel_loop3A_861 = arith.index_cast %parallel_loop3A_852 : i32 to index
        %parallel_loop3A_862 = arith.constant 16 : index
        %parallel_loop3A_863 = tpu.vector_load %arg10[%parallel_loop3A_860, %parallel_loop3A_861, %parallel_loop3A_862] {strides = array<i32>} : memref<2x640x64xf32, #tpu.memory_space<vmem>>, vector<16xf32>,
        %parallel_loop3A_864 = arith.mulf %parallel_loop3A_863, %parallel_loop3A_341 : vector<16xf32>
        %parallel_loop3A_865 = arith.addf %parallel_loop3A_858, %parallel_loop3A_864 : vector<16xf32>
        %parallel_loop3A_866 = arith.constant 1 : i32
        %parallel_loop3A_867 = arith.index_cast %parallel_loop3A_866 : i32 to index
        %parallel_loop3A_868 = arith.index_cast %parallel_loop3A_852 : i32 to index
        %parallel_loop3A_869 = arith.constant 32 : index
        %parallel_loop3A_870 = tpu.vector_load %arg10[%parallel_loop3A_867, %parallel_loop3A_868, %parallel_loop3A_869] {strides = array<i32>} : memref<2x640x64xf32, #tpu.memory_space<vmem>>, vector<16xf32>,
        %parallel_loop3A_871 = arith.mulf %parallel_loop3A_870, %parallel_loop3A_346 : vector<16xf32>
        %parallel_loop3A_872 = arith.addf %parallel_loop3A_865, %parallel_loop3A_871 : vector<16xf32>
        %parallel_loop3A_873 = arith.constant 1 : i32
        %parallel_loop3A_874 = arith.index_cast %parallel_loop3A_873 : i32 to index
        %parallel_loop3A_875 = arith.index_cast %parallel_loop3A_852 : i32 to index
        %parallel_loop3A_876 = arith.constant 48 : index
        %parallel_loop3A_877 = tpu.vector_load %arg10[%parallel_loop3A_874, %parallel_loop3A_875, %parallel_loop3A_876] {strides = array<i32>} : memref<2x640x64xf32, #tpu.memory_space<vmem>>, vector<16xf32>,
        %parallel_loop3A_878 = arith.mulf %parallel_loop3A_877, %parallel_loop3A_351 : vector<16xf32>
        %parallel_loop3A_879 = arith.addf %parallel_loop3A_872, %parallel_loop3A_878 : vector<16xf32>
        %parallel_loop3A_880 = arith.constant true
        %parallel_loop3A_881 = vector.broadcast %parallel_loop3A_880 : i1 to vector<16xi1>
        %parallel_loop3A_882 = tpu.scan <sum>, %parallel_loop3A_879 masked %parallel_loop3A_881 : vector<16xf32>, vector<16xi1> -> vector<16xf32>
        %parallel_loop3A_883 = arith.constant 14 : i32
        %parallel_loop3A_884 = vector.broadcast %parallel_loop3A_883 : i32 to vector<16xi32>
        %parallel_loop3A_885 = arith.addi %parallel_loop3A_360, %parallel_loop3A_884 : vector<16xi32>
        tpu.vector_store_idx %arg11[%parallel_loop3A_885], %parallel_loop3A_882 masked %eq3A_8 : memref<10240xf32, #tpu.memory_space<vmem>>[vector<16xi32>], vector<16xf32>, vector<16xi1>
        %parallel_loop3A_886 = arith.constant 15 : i32
        %parallel_loop3A_887 = arith.addi %parallel_loop3A_353, %parallel_loop3A_886 : i32
        %parallel_loop3A_888 = arith.constant 1 : i32
        %parallel_loop3A_889 = arith.index_cast %parallel_loop3A_888 : i32 to index
        %parallel_loop3A_890 = arith.index_cast %parallel_loop3A_887 : i32 to index
        %parallel_loop3A_891 = arith.constant 0 : index
        %parallel_loop3A_892 = tpu.vector_load %arg10[%parallel_loop3A_889, %parallel_loop3A_890, %parallel_loop3A_891] {strides = array<i32>} : memref<2x640x64xf32, #tpu.memory_space<vmem>>, vector<16xf32>,
        %parallel_loop3A_893 = arith.mulf %parallel_loop3A_892, %parallel_loop3A_336 : vector<16xf32>
        %parallel_loop3A_894 = arith.constant 1 : i32
        %parallel_loop3A_895 = arith.index_cast %parallel_loop3A_894 : i32 to index
        %parallel_loop3A_896 = arith.index_cast %parallel_loop3A_887 : i32 to index
        %parallel_loop3A_897 = arith.constant 16 : index
        %parallel_loop3A_898 = tpu.vector_load %arg10[%parallel_loop3A_895, %parallel_loop3A_896, %parallel_loop3A_897] {strides = array<i32>} : memref<2x640x64xf32, #tpu.memory_space<vmem>>, vector<16xf32>,
        %parallel_loop3A_899 = arith.mulf %parallel_loop3A_898, %parallel_loop3A_341 : vector<16xf32>
        %parallel_loop3A_900 = arith.addf %parallel_loop3A_893, %parallel_loop3A_899 : vector<16xf32>
        %parallel_loop3A_901 = arith.constant 1 : i32
        %parallel_loop3A_902 = arith.index_cast %parallel_loop3A_901 : i32 to index
        %parallel_loop3A_903 = arith.index_cast %parallel_loop3A_887 : i32 to index
        %parallel_loop3A_904 = arith.constant 32 : index
        %parallel_loop3A_905 = tpu.vector_load %arg10[%parallel_loop3A_902, %parallel_loop3A_903, %parallel_loop3A_904] {strides = array<i32>} : memref<2x640x64xf32, #tpu.memory_space<vmem>>, vector<16xf32>,
        %parallel_loop3A_906 = arith.mulf %parallel_loop3A_905, %parallel_loop3A_346 : vector<16xf32>
        %parallel_loop3A_907 = arith.addf %parallel_loop3A_900, %parallel_loop3A_906 : vector<16xf32>
        %parallel_loop3A_908 = arith.constant 1 : i32
        %parallel_loop3A_909 = arith.index_cast %parallel_loop3A_908 : i32 to index
        %parallel_loop3A_910 = arith.index_cast %parallel_loop3A_887 : i32 to index
        %parallel_loop3A_911 = arith.constant 48 : index
        %parallel_loop3A_912 = tpu.vector_load %arg10[%parallel_loop3A_909, %parallel_loop3A_910, %parallel_loop3A_911] {strides = array<i32>} : memref<2x640x64xf32, #tpu.memory_space<vmem>>, vector<16xf32>,
        %parallel_loop3A_913 = arith.mulf %parallel_loop3A_912, %parallel_loop3A_351 : vector<16xf32>
        %parallel_loop3A_914 = arith.addf %parallel_loop3A_907, %parallel_loop3A_913 : vector<16xf32>
        %parallel_loop3A_915 = arith.constant true
        %parallel_loop3A_916 = vector.broadcast %parallel_loop3A_915 : i1 to vector<16xi1>
        %parallel_loop3A_917 = tpu.scan <sum>, %parallel_loop3A_914 masked %parallel_loop3A_916 : vector<16xf32>, vector<16xi1> -> vector<16xf32>
        %parallel_loop3A_918 = arith.constant 15 : i32
        %parallel_loop3A_919 = vector.broadcast %parallel_loop3A_918 : i32 to vector<16xi32>
        %parallel_loop3A_920 = arith.addi %parallel_loop3A_360, %parallel_loop3A_919 : vector<16xi32>
        tpu.vector_store_idx %arg11[%parallel_loop3A_920], %parallel_loop3A_917 masked %eq3A_8 : memref<10240xf32, #tpu.memory_space<vmem>>[vector<16xi32>], vector<16xf32>, vector<16xi1>
        %parallel_loop3A_921 = arith.constant 16 : i32
        %parallel_loop3A_922 = arith.addi %parallel_loop3A_353, %parallel_loop3A_921 : i32
        %parallel_loop3A_923 = arith.constant 1 : i32
        %parallel_loop3A_924 = arith.index_cast %parallel_loop3A_923 : i32 to index
        %parallel_loop3A_925 = arith.index_cast %parallel_loop3A_922 : i32 to index
        %parallel_loop3A_926 = arith.constant 0 : index
        %parallel_loop3A_927 = tpu.vector_load %arg10[%parallel_loop3A_924, %parallel_loop3A_925, %parallel_loop3A_926] {strides = array<i32>} : memref<2x640x64xf32, #tpu.memory_space<vmem>>, vector<16xf32>,
        %parallel_loop3A_928 = arith.mulf %parallel_loop3A_927, %parallel_loop3A_336 : vector<16xf32>
        %parallel_loop3A_929 = arith.constant 1 : i32
        %parallel_loop3A_930 = arith.index_cast %parallel_loop3A_929 : i32 to index
        %parallel_loop3A_931 = arith.index_cast %parallel_loop3A_922 : i32 to index
        %parallel_loop3A_932 = arith.constant 16 : index
        %parallel_loop3A_933 = tpu.vector_load %arg10[%parallel_loop3A_930, %parallel_loop3A_931, %parallel_loop3A_932] {strides = array<i32>} : memref<2x640x64xf32, #tpu.memory_space<vmem>>, vector<16xf32>,
        %parallel_loop3A_934 = arith.mulf %parallel_loop3A_933, %parallel_loop3A_341 : vector<16xf32>
        %parallel_loop3A_935 = arith.addf %parallel_loop3A_928, %parallel_loop3A_934 : vector<16xf32>
        %parallel_loop3A_936 = arith.constant 1 : i32
        %parallel_loop3A_937 = arith.index_cast %parallel_loop3A_936 : i32 to index
        %parallel_loop3A_938 = arith.index_cast %parallel_loop3A_922 : i32 to index
        %parallel_loop3A_939 = arith.constant 32 : index
        %parallel_loop3A_940 = tpu.vector_load %arg10[%parallel_loop3A_937, %parallel_loop3A_938, %parallel_loop3A_939] {strides = array<i32>} : memref<2x640x64xf32, #tpu.memory_space<vmem>>, vector<16xf32>,
        %parallel_loop3A_941 = arith.mulf %parallel_loop3A_940, %parallel_loop3A_346 : vector<16xf32>
        %parallel_loop3A_942 = arith.addf %parallel_loop3A_935, %parallel_loop3A_941 : vector<16xf32>
        %parallel_loop3A_943 = arith.constant 1 : i32
        %parallel_loop3A_944 = arith.index_cast %parallel_loop3A_943 : i32 to index
        %parallel_loop3A_945 = arith.index_cast %parallel_loop3A_922 : i32 to index
        %parallel_loop3A_946 = arith.constant 48 : index
        %parallel_loop3A_947 = tpu.vector_load %arg10[%parallel_loop3A_944, %parallel_loop3A_945, %parallel_loop3A_946] {strides = array<i32>} : memref<2x640x64xf32, #tpu.memory_space<vmem>>, vector<16xf32>,
        %parallel_loop3A_948 = arith.mulf %parallel_loop3A_947, %parallel_loop3A_351 : vector<16xf32>
        %parallel_loop3A_949 = arith.addf %parallel_loop3A_942, %parallel_loop3A_948 : vector<16xf32>
        %parallel_loop3A_950 = arith.constant true
        %parallel_loop3A_951 = vector.broadcast %parallel_loop3A_950 : i1 to vector<16xi1>
        %parallel_loop3A_952 = tpu.scan <sum>, %parallel_loop3A_949 masked %parallel_loop3A_951 : vector<16xf32>, vector<16xi1> -> vector<16xf32>
        %parallel_loop3A_953 = arith.constant 16 : i32
        %parallel_loop3A_954 = vector.broadcast %parallel_loop3A_953 : i32 to vector<16xi32>
        %parallel_loop3A_955 = arith.addi %parallel_loop3A_360, %parallel_loop3A_954 : vector<16xi32>
        tpu.vector_store_idx %arg11[%parallel_loop3A_955], %parallel_loop3A_952 masked %eq3A_8 : memref<10240xf32, #tpu.memory_space<vmem>>[vector<16xi32>], vector<16xf32>, vector<16xi1>
        %parallel_loop3A_956 = arith.constant 17 : i32
        %parallel_loop3A_957 = arith.addi %parallel_loop3A_353, %parallel_loop3A_956 : i32
        %parallel_loop3A_958 = arith.constant 1 : i32
        %parallel_loop3A_959 = arith.index_cast %parallel_loop3A_958 : i32 to index
        %parallel_loop3A_960 = arith.index_cast %parallel_loop3A_957 : i32 to index
        %parallel_loop3A_961 = arith.constant 0 : index
        %parallel_loop3A_962 = tpu.vector_load %arg10[%parallel_loop3A_959, %parallel_loop3A_960, %parallel_loop3A_961] {strides = array<i32>} : memref<2x640x64xf32, #tpu.memory_space<vmem>>, vector<16xf32>,
        %parallel_loop3A_963 = arith.mulf %parallel_loop3A_962, %parallel_loop3A_336 : vector<16xf32>
        %parallel_loop3A_964 = arith.constant 1 : i32
        %parallel_loop3A_965 = arith.index_cast %parallel_loop3A_964 : i32 to index
        %parallel_loop3A_966 = arith.index_cast %parallel_loop3A_957 : i32 to index
        %parallel_loop3A_967 = arith.constant 16 : index
        %parallel_loop3A_968 = tpu.vector_load %arg10[%parallel_loop3A_965, %parallel_loop3A_966, %parallel_loop3A_967] {strides = array<i32>} : memref<2x640x64xf32, #tpu.memory_space<vmem>>, vector<16xf32>,
        %parallel_loop3A_969 = arith.mulf %parallel_loop3A_968, %parallel_loop3A_341 : vector<16xf32>
        %parallel_loop3A_970 = arith.addf %parallel_loop3A_963, %parallel_loop3A_969 : vector<16xf32>
        %parallel_loop3A_971 = arith.constant 1 : i32
        %parallel_loop3A_972 = arith.index_cast %parallel_loop3A_971 : i32 to index
        %parallel_loop3A_973 = arith.index_cast %parallel_loop3A_957 : i32 to index
        %parallel_loop3A_974 = arith.constant 32 : index
        %parallel_loop3A_975 = tpu.vector_load %arg10[%parallel_loop3A_972, %parallel_loop3A_973, %parallel_loop3A_974] {strides = array<i32>} : memref<2x640x64xf32, #tpu.memory_space<vmem>>, vector<16xf32>,
        %parallel_loop3A_976 = arith.mulf %parallel_loop3A_975, %parallel_loop3A_346 : vector<16xf32>
        %parallel_loop3A_977 = arith.addf %parallel_loop3A_970, %parallel_loop3A_976 : vector<16xf32>
        %parallel_loop3A_978 = arith.constant 1 : i32
        %parallel_loop3A_979 = arith.index_cast %parallel_loop3A_978 : i32 to index
        %parallel_loop3A_980 = arith.index_cast %parallel_loop3A_957 : i32 to index
        %parallel_loop3A_981 = arith.constant 48 : index
        %parallel_loop3A_982 = tpu.vector_load %arg10[%parallel_loop3A_979, %parallel_loop3A_980, %parallel_loop3A_981] {strides = array<i32>} : memref<2x640x64xf32, #tpu.memory_space<vmem>>, vector<16xf32>,
        %parallel_loop3A_983 = arith.mulf %parallel_loop3A_982, %parallel_loop3A_351 : vector<16xf32>
        %parallel_loop3A_984 = arith.addf %parallel_loop3A_977, %parallel_loop3A_983 : vector<16xf32>
        %parallel_loop3A_985 = arith.constant true
        %parallel_loop3A_986 = vector.broadcast %parallel_loop3A_985 : i1 to vector<16xi1>
        %parallel_loop3A_987 = tpu.scan <sum>, %parallel_loop3A_984 masked %parallel_loop3A_986 : vector<16xf32>, vector<16xi1> -> vector<16xf32>
        %parallel_loop3A_988 = arith.constant 17 : i32
        %parallel_loop3A_989 = vector.broadcast %parallel_loop3A_988 : i32 to vector<16xi32>
        %parallel_loop3A_990 = arith.addi %parallel_loop3A_360, %parallel_loop3A_989 : vector<16xi32>
        tpu.vector_store_idx %arg11[%parallel_loop3A_990], %parallel_loop3A_987 masked %eq3A_8 : memref<10240xf32, #tpu.memory_space<vmem>>[vector<16xi32>], vector<16xf32>, vector<16xi1>
        %parallel_loop3A_991 = arith.constant 18 : i32
        %parallel_loop3A_992 = arith.addi %parallel_loop3A_353, %parallel_loop3A_991 : i32
        %parallel_loop3A_993 = arith.constant 1 : i32
        %parallel_loop3A_994 = arith.index_cast %parallel_loop3A_993 : i32 to index
        %parallel_loop3A_995 = arith.index_cast %parallel_loop3A_992 : i32 to index
        %parallel_loop3A_996 = arith.constant 0 : index
        %parallel_loop3A_997 = tpu.vector_load %arg10[%parallel_loop3A_994, %parallel_loop3A_995, %parallel_loop3A_996] {strides = array<i32>} : memref<2x640x64xf32, #tpu.memory_space<vmem>>, vector<16xf32>,
        %parallel_loop3A_998 = arith.mulf %parallel_loop3A_997, %parallel_loop3A_336 : vector<16xf32>
        %parallel_loop3A_999 = arith.constant 1 : i32
        %parallel_loop3A_1000 = arith.index_cast %parallel_loop3A_999 : i32 to index
        %parallel_loop3A_1001 = arith.index_cast %parallel_loop3A_992 : i32 to index
        %parallel_loop3A_1002 = arith.constant 16 : index
        %parallel_loop3A_1003 = tpu.vector_load %arg10[%parallel_loop3A_1000, %parallel_loop3A_1001, %parallel_loop3A_1002] {strides = array<i32>} : memref<2x640x64xf32, #tpu.memory_space<vmem>>, vector<16xf32>,
        %parallel_loop3A_1004 = arith.mulf %parallel_loop3A_1003, %parallel_loop3A_341 : vector<16xf32>
        %parallel_loop3A_1005 = arith.addf %parallel_loop3A_998, %parallel_loop3A_1004 : vector<16xf32>
        %parallel_loop3A_1006 = arith.constant 1 : i32
        %parallel_loop3A_1007 = arith.index_cast %parallel_loop3A_1006 : i32 to index
        %parallel_loop3A_1008 = arith.index_cast %parallel_loop3A_992 : i32 to index
        %parallel_loop3A_1009 = arith.constant 32 : index
        %parallel_loop3A_1010 = tpu.vector_load %arg10[%parallel_loop3A_1007, %parallel_loop3A_1008, %parallel_loop3A_1009] {strides = array<i32>} : memref<2x640x64xf32, #tpu.memory_space<vmem>>, vector<16xf32>,
        %parallel_loop3A_1011 = arith.mulf %parallel_loop3A_1010, %parallel_loop3A_346 : vector<16xf32>
        %parallel_loop3A_1012 = arith.addf %parallel_loop3A_1005, %parallel_loop3A_1011 : vector<16xf32>
        %parallel_loop3A_1013 = arith.constant 1 : i32
        %parallel_loop3A_1014 = arith.index_cast %parallel_loop3A_1013 : i32 to index
        %parallel_loop3A_1015 = arith.index_cast %parallel_loop3A_992 : i32 to index
        %parallel_loop3A_1016 = arith.constant 48 : index
        %parallel_loop3A_1017 = tpu.vector_load %arg10[%parallel_loop3A_1014, %parallel_loop3A_1015, %parallel_loop3A_1016] {strides = array<i32>} : memref<2x640x64xf32, #tpu.memory_space<vmem>>, vector<16xf32>,
        %parallel_loop3A_1018 = arith.mulf %parallel_loop3A_1017, %parallel_loop3A_351 : vector<16xf32>
        %parallel_loop3A_1019 = arith.addf %parallel_loop3A_1012, %parallel_loop3A_1018 : vector<16xf32>
        %parallel_loop3A_1020 = arith.constant true
        %parallel_loop3A_1021 = vector.broadcast %parallel_loop3A_1020 : i1 to vector<16xi1>
        %parallel_loop3A_1022 = tpu.scan <sum>, %parallel_loop3A_1019 masked %parallel_loop3A_1021 : vector<16xf32>, vector<16xi1> -> vector<16xf32>
        %parallel_loop3A_1023 = arith.constant 18 : i32
        %parallel_loop3A_1024 = vector.broadcast %parallel_loop3A_1023 : i32 to vector<16xi32>
        %parallel_loop3A_1025 = arith.addi %parallel_loop3A_360, %parallel_loop3A_1024 : vector<16xi32>
        tpu.vector_store_idx %arg11[%parallel_loop3A_1025], %parallel_loop3A_1022 masked %eq3A_8 : memref<10240xf32, #tpu.memory_space<vmem>>[vector<16xi32>], vector<16xf32>, vector<16xi1>
        %parallel_loop3A_1026 = arith.constant 19 : i32
        %parallel_loop3A_1027 = arith.addi %parallel_loop3A_353, %parallel_loop3A_1026 : i32
        %parallel_loop3A_1028 = arith.constant 1 : i32
        %parallel_loop3A_1029 = arith.index_cast %parallel_loop3A_1028 : i32 to index
        %parallel_loop3A_1030 = arith.index_cast %parallel_loop3A_1027 : i32 to index
        %parallel_loop3A_1031 = arith.constant 0 : index
        %parallel_loop3A_1032 = tpu.vector_load %arg10[%parallel_loop3A_1029, %parallel_loop3A_1030, %parallel_loop3A_1031] {strides = array<i32>} : memref<2x640x64xf32, #tpu.memory_space<vmem>>, vector<16xf32>,
        %parallel_loop3A_1033 = arith.mulf %parallel_loop3A_1032, %parallel_loop3A_336 : vector<16xf32>
        %parallel_loop3A_1034 = arith.constant 1 : i32
        %parallel_loop3A_1035 = arith.index_cast %parallel_loop3A_1034 : i32 to index
        %parallel_loop3A_1036 = arith.index_cast %parallel_loop3A_1027 : i32 to index
        %parallel_loop3A_1037 = arith.constant 16 : index
        %parallel_loop3A_1038 = tpu.vector_load %arg10[%parallel_loop3A_1035, %parallel_loop3A_1036, %parallel_loop3A_1037] {strides = array<i32>} : memref<2x640x64xf32, #tpu.memory_space<vmem>>, vector<16xf32>,
        %parallel_loop3A_1039 = arith.mulf %parallel_loop3A_1038, %parallel_loop3A_341 : vector<16xf32>
        %parallel_loop3A_1040 = arith.addf %parallel_loop3A_1033, %parallel_loop3A_1039 : vector<16xf32>
        %parallel_loop3A_1041 = arith.constant 1 : i32
        %parallel_loop3A_1042 = arith.index_cast %parallel_loop3A_1041 : i32 to index
        %parallel_loop3A_1043 = arith.index_cast %parallel_loop3A_1027 : i32 to index
        %parallel_loop3A_1044 = arith.constant 32 : index
        %parallel_loop3A_1045 = tpu.vector_load %arg10[%parallel_loop3A_1042, %parallel_loop3A_1043, %parallel_loop3A_1044] {strides = array<i32>} : memref<2x640x64xf32, #tpu.memory_space<vmem>>, vector<16xf32>,
        %parallel_loop3A_1046 = arith.mulf %parallel_loop3A_1045, %parallel_loop3A_346 : vector<16xf32>
        %parallel_loop3A_1047 = arith.addf %parallel_loop3A_1040, %parallel_loop3A_1046 : vector<16xf32>
        %parallel_loop3A_1048 = arith.constant 1 : i32
        %parallel_loop3A_1049 = arith.index_cast %parallel_loop3A_1048 : i32 to index
        %parallel_loop3A_1050 = arith.index_cast %parallel_loop3A_1027 : i32 to index
        %parallel_loop3A_1051 = arith.constant 48 : index
        %parallel_loop3A_1052 = tpu.vector_load %arg10[%parallel_loop3A_1049, %parallel_loop3A_1050, %parallel_loop3A_1051] {strides = array<i32>} : memref<2x640x64xf32, #tpu.memory_space<vmem>>, vector<16xf32>,
        %parallel_loop3A_1053 = arith.mulf %parallel_loop3A_1052, %parallel_loop3A_351 : vector<16xf32>
        %parallel_loop3A_1054 = arith.addf %parallel_loop3A_1047, %parallel_loop3A_1053 : vector<16xf32>
        %parallel_loop3A_1055 = arith.constant true
        %parallel_loop3A_1056 = vector.broadcast %parallel_loop3A_1055 : i1 to vector<16xi1>
        %parallel_loop3A_1057 = tpu.scan <sum>, %parallel_loop3A_1054 masked %parallel_loop3A_1056 : vector<16xf32>, vector<16xi1> -> vector<16xf32>
        %parallel_loop3A_1058 = arith.constant 19 : i32
        %parallel_loop3A_1059 = vector.broadcast %parallel_loop3A_1058 : i32 to vector<16xi32>
        %parallel_loop3A_1060 = arith.addi %parallel_loop3A_360, %parallel_loop3A_1059 : vector<16xi32>
        tpu.vector_store_idx %arg11[%parallel_loop3A_1060], %parallel_loop3A_1057 masked %eq3A_8 : memref<10240xf32, #tpu.memory_space<vmem>>[vector<16xi32>], vector<16xf32>, vector<16xi1>
      } {sc.loop_unroll_factor = 4 : i64, sc.parallel_access}
    }
    %scan3A_134 = arith.constant 8 : i32
    "tpu.region"() ({
      %run_scoped3A = tpu.sem_alloc : memref<!tpu.dma_semaphore, #tpu.memory_space<semaphore_mem>>
      %dma_start3A_135 = arith.constant 0 : i32
      %dma_start3A_136 = tpu.memref_slice %arg6[%add3A, %dma_start3A_135] : memref<32x10240xf32, #tpu.memory_space<hbm>> -> memref<1x10240xf32, #tpu.memory_space<hbm>>
      %dma_start3A_137 = tpu.memref_squeeze %dma_start3A_136 : memref<1x10240xf32, #tpu.memory_space<hbm>> -> memref<10240xf32, #tpu.memory_space<hbm>>
      %dma_start3A_138 = arith.constant 0 : i32
      %dma_start3A_139 = tpu.memref_slice %arg6[%add3A, %dma_start3A_138] : memref<32x10240xf32, #tpu.memory_space<hbm>> -> memref<1x10240xf32, #tpu.memory_space<hbm>>
      %dma_start3A_140 = tpu.memref_squeeze %dma_start3A_139 : memref<1x10240xf32, #tpu.memory_space<hbm>> -> memref<10240xf32, #tpu.memory_space<hbm>>
      tpu.enqueue_dma source(%arg11 : memref<10240xf32, #tpu.memory_space<vmem>>) target(%dma_start3A_140 : memref<10240xf32, #tpu.memory_space<hbm>>) target_semaphore(%run_scoped3A : memref<!tpu.dma_semaphore, #tpu.memory_space<semaphore_mem>>)
      %dma_wait3A = arith.constant 0 : i32
      %dma_wait3A_141 = tpu.memref_slice %arg6[%add3A, %dma_wait3A] : memref<32x10240xf32, #tpu.memory_space<hbm>> -> memref<1x10240xf32, #tpu.memory_space<hbm>>
      %dma_wait3A_142 = tpu.memref_squeeze %dma_wait3A_141 : memref<1x10240xf32, #tpu.memory_space<hbm>> -> memref<10240xf32, #tpu.memory_space<hbm>>
      %dma_wait3A_143 = arith.constant 0 : i32
      %dma_wait3A_144 = tpu.memref_slice %arg6[%add3A, %dma_wait3A_143] : memref<32x10240xf32, #tpu.memory_space<hbm>> -> memref<1x10240xf32, #tpu.memory_space<hbm>>
      %dma_wait3A_145 = tpu.memref_squeeze %dma_wait3A_144 : memref<1x10240xf32, #tpu.memory_space<hbm>> -> memref<10240xf32, #tpu.memory_space<hbm>>
      tpu.wait_dma2 semaphore(%run_scoped3A : memref<!tpu.dma_semaphore, #tpu.memory_space<semaphore_mem>>) src(%arg11 : memref<10240xf32, #tpu.memory_space<vmem>>) dst(%dma_wait3A_145 : memref<10240xf32, #tpu.memory_space<hbm>>)
      tpu.yield
    }) : () -> ()
    return
  }
}

module attributes {stable_mosaic.version = 14 : i64} {
  func.func @_tc_loss_body(%arg0: memref<32x10240xf32, #tpu.memory_space<vmem>>, %arg1: memref<1x1xf32, #tpu.memory_space<vmem>>) attributes {dimension_semantics = [], scalar_prefetch = 0 : i64, scratch_operands = 0 : i64, tpu.core_type = #tpu.core_type<tc>} {
    %get3A = arith.constant 0 : index
    %get3A_0 = arith.constant 0 : index
    %get3A_1 = vector.load %arg0[%get3A, %get3A_0] : memref<32x10240xf32, #tpu.memory_space<vmem>>, vector<32x10240xf32>
    %neg3A = arith.constant 0.000000e+00 : f32
    %neg3A_2 = vector.broadcast %neg3A : f32 to vector<32x10240xf32>
    %neg3A_3 = arith.subf %neg3A_2, %get3A_1 : vector<32x10240xf32>
    %max3A = arith.constant 0.000000e+00 : f32
    %max3A_4 = vector.broadcast %max3A : f32 to vector<32x10240xf32>
    %max3A_5 = arith.maximumf %neg3A_3, %max3A_4 : vector<32x10240xf32>
    %abs3A = math.absf %get3A_1 : vector<32x10240xf32>
    %neg3A_6 = arith.constant 0.000000e+00 : f32
    %neg3A_7 = vector.broadcast %neg3A_6 : f32 to vector<32x10240xf32>
    %neg3A_8 = arith.subf %neg3A_7, %abs3A : vector<32x10240xf32>
    %exp3A = math.exp %neg3A_8 : vector<32x10240xf32>
    %log1p3A = math.log1p %exp3A : vector<32x10240xf32>
    %add3A = arith.addf %max3A_5, %log1p3A : vector<32x10240xf32>
    %reduce_sum3A = vector.shape_cast %add3A : vector<32x10240xf32> to vector<1x32x10240xf32>
    %reduce_sum3A_9 = arith.constant dense<0.000000e+00> : vector<1xf32>
    %reduce_sum3A_10 = vector.multi_reduction <add>, %reduce_sum3A, %reduce_sum3A_9 [1, 2] : vector<1x32x10240xf32> to vector<1xf32>
    %reduce_sum3A_11 = vector.shape_cast %reduce_sum3A_10 : vector<1xf32> to vector<1x1x1xf32>
    %reduce_sum3A_12 = vector.extract %reduce_sum3A_11[0, 0, 0] : f32 from vector<1x1x1xf32>
    %div3A = arith.constant 3.276800e+05 : f32
    %div3A_13 = arith.divf %reduce_sum3A_12, %div3A : f32
    %reshape3A = vector.broadcast %div3A_13 : f32 to vector<1x1xf32>
    %swap3A = arith.constant 0 : index
    %swap3A_14 = arith.constant 0 : index
    %swap3A_15 = vector.load %arg1[%swap3A, %swap3A_14] : memref<1x1xf32, #tpu.memory_space<vmem>>, vector<1x1xf32>
    tpu.vector_store %arg1[%swap3A, %swap3A_14], %reshape3A {strides = array<i32>} : memref<1x1xf32, #tpu.memory_space<vmem>>, vector<1x1xf32>,
    return
  }
}

</mosaic_0001>

<sc_bundles>
// kernel: kernel.4.cloned.1.call-start
scs
__scs_entry_jumppad:
0x0: {  	(pc) =	sbr.rel $0x88, $3  }
0x1: {  	(tag) =	ssettag $0x0;
	lr =	simm.s32 $0x1  }
0x2: {  	[smem:$0x3F9D] =	sst lr;
	_ =	strace $0xD0000000  }
0x3: {  	_ = 	snop  }
0x4: {  	_ = 	snop  }
0x5: {  	_ = 	snop  }
0x6: {  	_ = 	snop  }
0x7: {  	_ = 	snop  }
__scs_overlays_trampoline_lowered:
0x8: {  	[smem:$0x3FAC] =	sst s0  }
0x9: {  	[smem:$0x3FAD] =	sst s1  }
0xa: {  	[smem:$0x3FAE] =	sst s2  }
0xb: {  	[smem:$0x3FAF] =	sst s3  }
0xc: {  	[smem:$0x3FB0] =	sst s4  }
0xd: {  	[smem:$0x3FB1] =	sst s5  }
0xe: {  	[smem:$0x3FB2] =	sst s6  }
0xf: {  	[smem:$0x3FB3] =	sst s7  }
0x10: {  	[smem:$0x3FB4] =	sst s8  }
0x11: {  	[smem:$0x3FB5] =	sst s9;
	s0 =	simm.s32 @!p0 $0x0  }
0x12: {  	s1 =	sld [smem:$0x3F9B];
	s0 =	simm.s32 @p0 $0x1  }
0x13: {  	[smem:$0x3FB6] =	sst s0;
	s0 =	simm.s32 @!p1 $0x0  }
0x14: {  	s2 =	sld [smem:$0x3F9A];
	s0 =	simm.s32 @p1 $0x1  }
0x15: {  	[smem:$0x3FB7] =	sst s0;
	s0 =	simm.s32 @!p2 $0x0  }
0x16: {  	s3 =	sld [smem:$0x3FDB];
	s0 =	simm.s32 @p2 $0x1  }
0x17: {  	s4 =	simm.s32 $0x1BF5;
	[smem:$0x3FB9] =	sst s0  }
0x18: {  	s0 =	sld [smem:$0x3F9C];
	_ =	swait.ge [sflag:s4], $0x0  }
0x19: {  	s7 =	sld [smem:$0x3F9D]  }
0x1a: {  	s8 =	sadd.s32 $0xFFFFE003, lr  }
0x1b: {  	s9 =	sadd.s32 $0xFFFFFEF7, lr;
	s5 =	simm.s32 $0xFFFFFFFF;
	p2 =	slt.u32 s8, $0xFFFFF086  }
0x1c: {  	p1 =	slt.u32 s9, $0xF7A;
	s5 =	simm.s32 @!p2 $0x0  }
0x1d: {  	s5 =	simm.s32 @p1 $0x1;
	p0 =	seq.s32 s7, s2  }
0x1e: {  	s7 =	smul.u32 @!p0 $0xF7A, s2;
	p2 =	seq.s32 @!p0 s5, $0x0  }
0x1f: {  	s9 =	smul.u32 $0xF7A, s1;
	s8 =	simm.s32 @!p0 $0x1BF5;
	p2 =	por !p2, p0  }
0x20: {  	[sflag:s8] =	ssyncset.s32 @!p0 $0xFFFFF086;
	s6 =	sadd.s32 @!p0 s3, s7;
	s7 =	simm.s32 @!p0 $0x108  }
0x21: {  	s3 =	sadd.s32 s3, s9;
	s6 =	sadd.s32 @!p0 $0x88, s6;
	s7 =	simm.s32 @p2 $0x1082  }
0x22: {  	[simem:s7], [sflag:s8] =	dma.local @!p0 [hbm:s6], $0xF7A  }
0x23: {  	s9 =	sor.u32 $0xD0000000, s2;
	s6 =	simm.s32 $0x108;
	_ =	swait.ge @!p0 [sflag:s8], $0x0  }
0x24: {  	s3 =	sadd.s32 $0x88, s3;
	s6 =	simm.s32 @!p1 $0x1082;
	[sflag:s4] =	ssyncset.s32 $0xFFFFF086  }
0x25: {  	[simem:s6], [sflag:s4] =	dma.local [hbm:s3], $0xF7A  }
0x26: {  	[smem:$0x3F9D] =	sst s1;
	(tag) =	ssettag s2;
	_ =	strace s9  }
0x27: {  	s1 =	sld [smem:$0x3FAD]  }
0x28: {  	s2 =	sld [smem:$0x3FAE]  }
0x29: {  	s4 =	sld [smem:$0x3FB0]  }
0x2a: {  	p0 =	seq.s32 s5, $0x0;
	s5 =	sld [smem:$0x3FB1]  }
0x2b: {  	s6 =	sld [smem:$0x3FB2]  }
0x2c: {  	s7 =	sld [smem:$0x3FB3]  }
0x2d: {  	s3 =	simm.s32 $0x108;
	s8 =	sld [smem:$0x3FB4]  }
0x2e: {  	s3 =	simm.s32 @!p0 $0x1082;
	s9 =	sld [smem:$0x3FB5]  }
0x2f: {  	lr =	sadd.s32 s0, s3;
	s0 =	sld [smem:$0x3FAC]  }
0x30: {  	s3 =	sld [smem:$0x3FAF]  }
0x31: {  	[smem:$0x3FB8] =	sst s10  }
0x32: {  	s10 =	sld [smem:$0x3FB6];
	_ =	sdelay $0x3  }
0x33: {  	p0 =	seq.s32 s10, $0x1;
	s10 =	sld [smem:$0x3FB8];
	_ =	sdelay $0x3  }
0x34: {  	[smem:$0x3FB8] =	sst s10  }
0x35: {  	s10 =	sld [smem:$0x3FB7];
	_ =	sdelay $0x3  }
0x36: {  	p1 =	seq.s32 s10, $0x1;
	s10 =	sld [smem:$0x3FB8];
	_ =	sdelay $0x3  }
0x37: {  	[smem:$0x3FB8] =	sst s10  }
0x38: {  	s10 =	sld [smem:$0x3FB9]  }
0x39: {  	_ = 	snop;
	(pc) =	sbr.ind lr, $3  }
0x3a: {  	_ = 	snop  }
0x3b: {  	_ = 	snop  }
0x3c: {  	p2 =	seq.s32 s10, $0x1;
	s10 =	sld [smem:$0x3FB8]  }
0x3d: {  	_ =	shalt  }
0x3e: {  	_ =	shalt  }
0x3f: {  	_ =	shalt  }
0x40: {  	_ =	shalt  }
0x41: {  	_ =	shalt  }
0x42: {  	_ =	shalt  }
0x43: {  	_ =	shalt  }
0x44: {  	_ =	shalt  }
0x45: {  	_ =	shalt  }
0x46: {  	_ =	shalt  }
0x47: {  	_ =	shalt  }
0x48: {  	_ =	shalt  }
0x49: {  	_ =	shalt  }
0x4a: {  	_ =	shalt  }
0x4b: {  	_ =	shalt  }
0x4c: {  	_ =	shalt  }
0x4d: {  	_ =	shalt  }
0x4e: {  	_ =	shalt  }
0x4f: {  	_ =	shalt  }
0x50: {  	_ =	shalt  }
0x51: {  	_ =	shalt  }
0x52: {  	_ =	shalt  }
0x53: {  	_ =	shalt  }
0x54: {  	_ =	shalt  }
0x55: {  	_ =	shalt  }
0x56: {  	_ =	shalt  }
0x57: {  	_ =	shalt  }
0x58: {  	_ =	shalt  }
0x59: {  	_ =	shalt  }
0x5a: {  	_ =	shalt  }
0x5b: {  	_ =	shalt  }
0x5c: {  	_ =	shalt  }
0x5d: {  	_ =	shalt  }
0x5e: {  	_ =	shalt  }
0x5f: {  	_ =	shalt  }
0x60: {  	_ =	shalt  }
0x61: {  	_ =	shalt  }
0x62: {  	_ =	shalt  }
0x63: {  	_ =	shalt  }
0x64: {  	_ =	shalt  }
0x65: {  	_ =	shalt  }
0x66: {  	_ =	shalt  }
0x67: {  	_ =	shalt  }
0x68: {  	_ =	shalt  }
0x69: {  	_ =	shalt  }
0x6a: {  	_ =	shalt  }
0x6b: {  	_ =	shalt  }
0x6c: {  	_ =	shalt  }
0x6d: {  	_ =	shalt  }
0x6e: {  	_ =	shalt  }
0x6f: {  	_ =	shalt  }
0x70: {  	_ =	shalt  }
0x71: {  	_ =	shalt  }
0x72: {  	_ =	shalt  }
0x73: {  	_ =	shalt  }
0x74: {  	_ =	shalt  }
0x75: {  	_ =	shalt  }
0x76: {  	_ =	shalt  }
0x77: {  	_ =	shalt  }
0x78: {  	_ =	shalt  }
0x79: {  	_ =	shalt  }
0x7a: {  	_ =	shalt  }
0x7b: {  	_ =	shalt  }
0x7c: {  	_ =	shalt  }
0x7d: {  	_ =	shalt  }
0x7e: {  	_ =	shalt  }
0x7f: {  	_ =	shalt  }
0x80: {  	_ =	shalt  }
0x81: {  	_ =	shalt  }
0x82: {  	_ =	shalt  }
0x83: {  	_ =	shalt  }
0x84: {  	_ =	shalt  }
0x85: {  	_ =	shalt  }
0x86: {  	_ =	shalt  }
0x87: {  	_ =	shalt  }
.Lfunc_end0:
.L_simem_size_0:
called_computation_lowered:
.L_overlay_start_0:
0x88: {  	s2 =	sld [smem:$0x3FD9]  }
0x89: {  	s3 =	sld [smem:$0x3FFE];
	_ =	sdelay $0x1  }
0x8a: {  	s1 =	srdreg.scid  }
0x8b: {  	s0 =	sand.u32 $0x1, s1  }
0x8c: {  	s17 =	sshll.u32 s0, $0xA;
	s2 =	sadd.s32 s3, s2  }
0x8d: {  	s2 =	sadd.s32 s2, s17  }
0x8e: {  	[smem:$0x3FC4] =	sst s2  }
0x8f: {  	_ = 	snop  }
0x90: {  	s2 =	sld [smem:$0x3FC9];
	(tm) =	ssettm $0x1  }
0x91: {  	s18 =	sld [smem:$0x3FFB];
	_ =	sdelay $0x3  }
0x92: {  	_ =	strace s18  }
0x93: {  	s3 =	sld [smem:$0x3FFC];
	_ =	sdelay $0x3  }
0x94: {  	_ =	strace s3  }
0x95: {  	s3 =	sld [smem:$0x3FFD];
	_ =	sdelay $0x3  }
0x96: {  	_ =	strace s3  }
0x97: {  	_ =	strace $0x8FFFFFFF  }
0x98: {  	s19 =	sld [smem:$0x3FDB];
	_ =	sdelay $0x1  }
0x99: {  	s4 =	simm.s32 $_scs_section_size  }
0x9a: {  	s5 =	simm.s32 $_size__tile_overlayer_lowered;
	s6 =	simm.s32 $_tile_overlayer_lowered  }
0x9b: {  	s22 =	simm.s32 $0x1BFF;
	s21 =	sshll.u32 s6, $0x1;
	s3 =	sadd.s32 s4, s19  }
0x9c: {  	s7 =	simm.s32 $0x0;
	s20 =	sshll.u32 s5, $0x1;
	s5 =	sadd.s32 s21, s3  }
0x9d: {  	[timem:s7], [sflag:s22] =	dma.local [hbm:s5], s20  }
0x9e: {  	_ =	swait.ge [sflag:s22], s20  }
0x9f: {  	s4 =	ssub.s32 $0x0, s20;
	[sflag:s22] =	ssyncset.done $0x0  }
0xa0: {  	[sflag:s22] =	ssyncadd.s32 s4;
	_ =	sdelay $0x1  }
0xa1: {  	s23 =	simm.s32 $0x1B8B  }
0xa2: {  	_ =	swait.ge [sflag:s23], $0x1  }
0xa3: {  	[sflag:s23] =	ssyncset.done $0x0  }
0xa4: {  	s25 =	simm.s32 $0x1B8E;
	s24 =	sld [smem:$0x3FFE];
	[sflag:s23] =	ssyncadd.s32 $0xFFFFFFFF  }
0xa5: {  	s26 =	simm.s32 $execute0_lowered;
	[smem:$0x3FD2] =	sst s25  }
0xa6: {  	s5 =	sshll.u32 s26, $0x1;
	_ =	strace $0x80000046;
	[dreg:$0x1] =	wrdreg $0xFFFFFFFF  }
0xa7: {  	s28 =	simm.s32 $_size_execute0_lowered;
	s3 =	sadd.s32 s3, s5;
	[dreg:$0x0] =	wrdreg $0x0  }
0xa8: {  	s5 =	sshll.u32 s28, $0x1;
	[dreg:$0x2] =	wrdreg s3  }
0xa9: {  	[dreg:$0x3] =	wrdreg s5  }
0xaa: {  	[dreg:$0x4] =	wrdreg $0xC0  }
0xab: {  	_ =	task [dreg:s7], $0x5FFFF  }
0xac: {  	[dreg:$0x1] =	wrdreg $0xFFFFFFFF  }
0xad: {  	[dreg:$0x0] =	wrdreg $0x60  }
0xae: {  	[dreg:$0x2] =	wrdreg s2  }
0xaf: {  	[dreg:$0x3] =	wrdreg s24  }
0xb0: {  	[dreg:$0x4] =	wrdreg $0x9  }
0xb1: {  	_ =	task.clear_ibuf [dreg:s7], $0x5FFFF;
	_ =	strace $0x90000046  }
0xb2: {  	s29 =	simm.s32 $0x9;
	_ =	strace $0x80000048  }
0xb3: {  	_ =	swait.ge [sflag:s29], $0x1  }
0xb4: {  	[sflag:s29] =	ssyncadd.s32 $0xFFFFFFFF  }
0xb5: {  	_ =	strace $0x90000048  }
0xb6: {  	_ =	sfence  }
0xb7: {  	s30 =	sld [smem:$0x0];
	_ =	sdelay $0x2  }
0xb8: {  	s31 =	sshll.u32 s1, $0xD;
	s1 =	sshrl.u32 s1, $0x2  }
0xb9: {  	s3 =	sand.u32 $0x4000, s31;
	s1 =	sadd.s32 s1, s30  }
0xba: {  	s0 =	sor.u32 s3, s0;
	s1 =	sshll.u32 s1, $0x11  }
0xbb: {  	s0 =	sor.u32 s1, s0  }
0xbc: {  	s0 =	sadd.s32 $0x8F2B, s0  }
0xbd: {  	[sflag:s0] =	ssyncadd.remote.s32 $0x1  }
0xbe: {  	_ =	sfence.sel $0xFFFF  }
0xbf: {  	[dreg:$0x0] =	wrdreg $0xFFFFFFFF;
	(pc) =	sbr.abs _section_cstart, $3  }
0xc0: {  	[dreg:$0x1] =	wrdreg $0xFFFFFFFF  }
0xc1: {  	_ =	task.clear_ibuf [dreg:s7], $0x2FFFF;
	_ =	strace $0x9FFFFFFF  }
0xc2: {  	(tm) =	ssettm $0x7FFFFFFF  }
0xc3: {  	_ =	shalt  }
tec
execute0_lowered:
.L_overlay_start_1:
0x0: {  	(tag) =	ssettag $0x1  }
0x1: {  	s0 =	rddreg [dreg:$0x0]  }
0x2: {  	s1 =	rddreg [dreg:$0x1];
	s3 =	srdreg.scid  }
0x3: {  	s4 =	stileid.u32;
	s2 =	simm.s32 $0x0;
	s9 =	simm.s32 $0x3  }
0x4: {  	s10 =	simm.s32 $0x200;
	s11 =	simm.s32 $0x80;
	s21 =	simm.s32 $0x20  }
0x5: {  	s25 =	simm.s32 $0x500;
	s26 =	simm.s32 $0xFA00;
	s28 =	simm.s32 $0x580  }
0x6: {  	s29 =	simm.s32 $0x11A00;
	s30 =	simm.s32 $0x600;
	s31 =	simm.s32 $0x13A00  }
0x7: {  	s12 =	simm.s32 $0x3200;
	s13 =	simm.s32 $0x1;
	s14 =	simm.s32 $0x17A00  }
0x8: {  	s15 =	simm.s32 $0x2;
	s3 =	sand.u32 $0x1, s3;
	s4 =	sshll.u32 s4, $0x1  }
0x9: {  	s16 =	simm.s32 $0x0;
	[smem:$0x7FF] =	sst s2;
	s5 =	sor.u32 s3, s4  }
0xa: {  	_ =	strace $0x80000047;
	s7 =	ssub.s32 $0x2, s3;
	s3 =	sadd.s32 $0x24C200, s1  }
0xb: {  	s6 =	smul.u32 $0x500, s5;
	s8 =	sshrl.u32 s7, $0x1;
	s5 =	sshll.u32 s5, $0x6  }
0xc: {  	s4 =	sadd.s32 $0x188C00, s1;
	s8 =	ssub.s32 s7, s8;
	s5 =	sadd.s32 s0, s5  }
0xd: {  	s0 =	simm.s32 $0x680;
	s1 =	sadd.s32 s6, s1;
	s8 =	smax.u32 s8, $0x1  }
0xe: {  	vm0 =	vcmask $0x3F3C;
	s6 =	sadd.s32 $0x2200, s1;
	s7 =	sadd.s32 $0xC200, s1;
	s1 =	simm.s32 $0x15A00  }
.LBB2_1:
0xf: {  	[tilespmem:s2], [sflag:$0x3] =	stream.linear.gather [hbm4b:s5+s2], $0x200, $0x38;
	[tilespmem:$0x1A200] =	vst v63  }
0x10: {  	_ =	swait.ge [sflag:s9], $0x200  }
0x11: {  	[sflag:s9] =	ssyncset.done $0x0  }
0x12: {  	[sflag:s9] =	ssyncadd.s32 $0xFFFFFE00  }
0x13: {  	[tilespmem:s10], [sflag:$0x3] =	stream.linear.gather [hbm4b:s6+s2], $0x2800, $0x38;
	[tilespmem:$0x1A200] =	vst v63  }
0x14: {  	_ =	swait.ge [sflag:s9], $0x2800  }
0x15: {  	[sflag:s9] =	ssyncset.done $0x0  }
0x16: {  	s17 =	simm.s32 $0x3A00;
	[sflag:s9] =	ssyncadd.s32 $0xFFFFD800  }
0x17: {  	[tilespmem:s17], [sflag:$0x1] =	stream.indirect.gather [hbm4b:s4+s11], $0x40, s10, s11, $0xb8;
	[tilespmem:$0x1A200] =	vst v63  }
0x18: {  	s19 =	simm.s32 $0x280;
	s18 =	simm.s32 $0x5A00  }
0x19: {  	[tilespmem:s18], [sflag:$0x1] =	stream.indirect.gather [hbm4b:s4+s11], $0x40, s19, s11, $0xb8;
	[tilespmem:$0x1A200] =	vst v63  }
0x1a: {  	s20 =	simm.s32 $0x300;
	s22 =	simm.s32 $0x7A00  }
0x1b: {  	[tilespmem:s22], [sflag:$0x1] =	stream.indirect.gather [hbm4b:s4+s11], $0x40, s20, s11, $0xb8;
	[tilespmem:$0x1A200] =	vst v63  }
0x1c: {  	s23 =	simm.s32 $0x380;
	s24 =	simm.s32 $0x9A00  }
0x1d: {  	[tilespmem:s24], [sflag:$0x1] =	stream.indirect.gather [hbm4b:s4+s11], $0x40, s23, s11, $0xb8;
	[tilespmem:$0x1A200] =	vst v63  }
0x1e: {  	s19 =	simm.s32 $0x400;
	s20 =	simm.s32 $0xBA00  }
0x1f: {  	[tilespmem:s20], [sflag:$0x1] =	stream.indirect.gather [hbm4b:s4+s11], $0x40, s19, s11, $0xb8;
	[tilespmem:$0x1A200] =	vst v63  }
0x20: {  	s22 =	simm.s32 $0x2A00  }
0x21: {  	[tilespmem:s22], [sflag:$0x1] =	stream.indirect.gather [hbm4b:s3+s21], $0x40, s2, s21, $0xb8;
	[tilespmem:$0x1A200] =	vst v63  }
0x22: {  	s23 =	simm.s32 $0x480;
	s24 =	simm.s32 $0xDA00  }
0x23: {  	[tilespmem:s24], [sflag:$0x2] =	stream.indirect.gather [hbm4b:s4+s11], $0x40, s23, s11, $0xb8;
	[tilespmem:$0x1A200] =	vst v63  }
0x24: {  	_ = 	snop  }
0x25: {  	[tilespmem:s26], [sflag:$0x2] =	stream.indirect.gather [hbm4b:s4+s11], $0x40, s25, s11, $0xb8;
	[tilespmem:$0x1A200] =	vst v63  }
0x26: {  	_ = 	snop  }
0x27: {  	[tilespmem:s29], [sflag:$0x2] =	stream.indirect.gather [hbm4b:s4+s11], $0x40, s28, s11, $0xb8;
	[tilespmem:$0x1A200] =	vst v63  }
0x28: {  	_ = 	snop  }
0x29: {  	[tilespmem:s31], [sflag:$0x2] =	stream.indirect.gather [hbm4b:s4+s11], $0x40, s30, s11, $0xb8;
	[tilespmem:$0x1A200] =	vst v63  }
0x2a: {  	_ = 	snop  }
0x2b: {  	[tilespmem:s1], [sflag:$0x2] =	stream.indirect.gather [hbm4b:s4+s11], $0x40, s0, s11, $0xb8;
	[tilespmem:$0x1A200] =	vst v63  }
0x2c: {  	s17 =	simm.s32 $0x0  }
0x2d: {  	[tilespmem:s12], [sflag:$0x2] =	stream.indirect.gather [hbm4b:s3+s21], $0x40, s21, s21, $0xb8;
	[tilespmem:$0x1A200] =	vst v63  }
.LBB2_2:
0x2e: {  	_ =	swait.ge [sflag:s13], $0x2000  }
0x2f: {  	[sflag:s13] =	ssyncset.done $0x0  }
0x30: {  	[sflag:s13] =	ssyncadd.s32 $0xFFFFE000  }
0x31: {  	_ =	swait.ge [sflag:s13], $0x2000  }
0x32: {  	[sflag:s13] =	ssyncset.done $0x0  }
0x33: {  	[sflag:s13] =	ssyncadd.s32 $0xFFFFE000  }
0x34: {  	_ =	swait.ge [sflag:s13], $0x2000  }
0x35: {  	[sflag:s13] =	ssyncset.done $0x0  }
0x36: {  	[sflag:s13] =	ssyncadd.s32 $0xFFFFE000  }
0x37: {  	_ =	swait.ge [sflag:s13], $0x2000  }
0x38: {  	[sflag:s13] =	ssyncset.done $0x0  }
0x39: {  	[sflag:s13] =	ssyncadd.s32 $0xFFFFE000  }
0x3a: {  	s18 =	sshll.u32 s17, $0x1;
	p0 =	seq.s32 s17, $0x7;
	_ =	swait.ge [sflag:s13], $0x2000  }
0x3b: {  	s19 =	sadd.s32 @!p0 $0x2, s18;
	[sflag:s13] =	ssyncset.done $0x0  }
0x3c: {  	s20 =	smul.u32 @!p0 $0xA00, s19;
	[sflag:s13] =	ssyncadd.s32 $0xFFFFE000  }
0x3d: {  	_ =	swait.ge [sflag:s13], $0x800  }
0x3e: {  	s23 =	simm.s32 @!p0 $0x80;
	s20 =	sshra.s32 @!p0 s20, $0x2;
	[sflag:s13] =	ssyncset.done $0x0  }
0x3f: {  	s24 =	simm.s32 @!p0 $0x3A00;
	s22 =	sadd.s32 @!p0 $0x200, s20;
	[sflag:s13] =	ssyncadd.s32 $0xFFFFF800  }
0x40: {  	[tilespmem:s24], [sflag:$0x1] =	stream.indirect.gather @!p0 [hbm4b:s4+s23], $0x40, s22, s23, $0xb8;
	[tilespmem:$0x1A200] =	vst v63  }
0x41: {  	s22 =	sadd.s32 @!p0 $0x280, s20;
	s24 =	simm.s32 @!p0 $0x5A00  }
0x42: {  	[tilespmem:s24], [sflag:$0x1] =	stream.indirect.gather @!p0 [hbm4b:s4+s23], $0x40, s22, s23, $0xb8;
	[tilespmem:$0x1A200] =	vst v63  }
0x43: {  	s22 =	sadd.s32 @!p0 $0x300, s20;
	s24 =	simm.s32 @!p0 $0x7A00  }
0x44: {  	[tilespmem:s24], [sflag:$0x1] =	stream.indirect.gather @!p0 [hbm4b:s4+s23], $0x40, s22, s23, $0xb8;
	[tilespmem:$0x1A200] =	vst v63  }
0x45: {  	s22 =	sadd.s32 @!p0 $0x380, s20;
	s24 =	simm.s32 @!p0 $0x9A00  }
0x46: {  	[tilespmem:s24], [sflag:$0x1] =	stream.indirect.gather @!p0 [hbm4b:s4+s23], $0x40, s22, s23, $0xb8;
	[tilespmem:$0x1A200] =	vst v63  }
0x47: {  	s19 =	sshll.u32 @!p0 s19, $0x5;
	s20 =	sadd.s32 @!p0 $0x400, s20;
	s22 =	simm.s32 @!p0 $0xBA00  }
0x48: {  	[tilespmem:s22], [sflag:$0x1] =	stream.indirect.gather @!p0 [hbm4b:s4+s23], $0x40, s20, s23, $0xb8;
	[tilespmem:$0x1A200] =	vst v63  }
0x49: {  	s19 =	sand.u32 @!p0 $0x3FFFFFE0, s19;
	s20 =	simm.s32 @!p0 $0x20;
	s22 =	simm.s32 @!p0 $0x2A00  }
0x4a: {  	[tilespmem:s22], [sflag:$0x1] =	stream.indirect.gather @!p0 [hbm4b:s3+s20], $0x40, s19, s20, $0xb8;
	[tilespmem:$0x1A200] =	vst v63  }
0x4b: {  	s19 =	sshll.u32 s17, $0x6;
	s20 =	simm.s32 $0x0  }
.LBB2_3:
0x4c: {  	s22 =	sshll.u32 s20, $0x6  }
0x4d: {  	s24 =	smul.u32 $0x1400, s20;
	s23 =	sand.u32 $0x3FFFFFC0, s22  }
0x4e: {  	v5 =	vld [tilespmem:s23+$0x2A00]  }
0x4f: {  	v8 =	vld [tilespmem:s23+$0x2A10];
	s22 =	sshra.s32 s24, $0x2  }
0x50: {  	v0 =	vld [tilespmem:s22+$0x3A00]  }
0x51: {  	v3 =	vld [tilespmem:s22+$0x3A10]  }
0x52: {  	v2 =	vld [tilespmem:s23+$0x2A20]  }
0x53: {  	v4 =	vld [tilespmem:s22+$0x3A20]  }
0x54: {  	v1 =	vld [tilespmem:s23+$0x2A30]  }
0x55: {  	v6 =	vld [tilespmem:s22+$0x3A30]  }
0x56: {  	v0 =	vmul.f32 v0, v5;
	v3 =	vmul.f32 v3, v8;
	_ =	sdelay $0x1  }
0x57: {  	v45 =	vmul.f32 v4, v2;
	v0 =	vadd.f32 v3, v0;
	_ =	sdelay $0x1  }
0x58: {  	v46 =	vmul.f32 v6, v1;
	v0 =	vadd.f32 v45, v0;
	_ =	sdelay $0x1  }
0x59: {  	v0 =	vadd.f32 v46, v0;
	_ =	sdelay $0x1  }
0x5a: {  	(xrf2) =	vadd.scan.msk.f32 $0xffff, v0;
	_ =	sdelay $0x2  }
0x5b: {  	s24 =	sadd.s32 s19, s20  }
0x5c: {  	s23 =	smul.u32 $0x14, s24;
	_ =	sdelay $0x1  }
0x5d: {  	v0 =	vmov s23;
	_ =	sdelay $0x3  }
0x5e: {  	v47, _, _ =	vpop (xrf2)  }
0x5f: {  	[tilespmem:v0+s14+$0x0] =	vst.idx.msk vm0, v47  }
0x60: {  	v3 =	vld [tilespmem:s22+$0x3A40]  }
0x61: {  	v48 =	vld [tilespmem:s22+$0x3A50];
	_ =	sdelay $0x1  }
0x62: {  	v49 =	vld [tilespmem:s22+$0x3A60];
	_ =	sdelay $0x1  }
0x63: {  	v7 =	vld [tilespmem:s22+$0x3A70]  }
0x64: {  	v3 =	vmul.f32 v3, v5;
	v4 =	vmul.f32 v48, v8;
	_ =	sdelay $0x1  }
0x65: {  	v50 =	vmul.f32 v49, v2;
	v3 =	vadd.f32 v4, v3;
	_ =	sdelay $0x1  }
0x66: {  	v51 =	vmul.f32 v7, v1;
	v3 =	vadd.f32 v50, v3;
	_ =	sdelay $0x1  }
0x67: {  	v3 =	vadd.f32 v51, v3;
	_ =	sdelay $0x1  }
0x68: {  	(xrf2) =	vadd.scan.msk.f32 $0xffff, v3;
	_ =	sdelay $0x5  }
0x69: {  	v52 =	vor.u32 $0x1, v0;
	_ =	sdelay $0x3  }
0x6a: {  	v53, _, _ =	vpop (xrf2)  }
0x6b: {  	[tilespmem:v52+s14+$0x0] =	vst.idx.msk vm0, v53  }
0x6c: {  	v3 =	vld [tilespmem:s22+$0x3A80]  }
0x6d: {  	v4 =	vld [tilespmem:s22+$0x3A90];
	_ =	sdelay $0x1  }
0x6e: {  	v54 =	vld [tilespmem:s22+$0x3AA0];
	_ =	sdelay $0x1  }
0x6f: {  	v55 =	vld [tilespmem:s22+$0x3AB0]  }
0x70: {  	v3 =	vmul.f32 v3, v5;
	v4 =	vmul.f32 v4, v8;
	_ =	sdelay $0x1  }
0x71: {  	v56 =	vmul.f32 v54, v2;
	v3 =	vadd.f32 v4, v3;
	_ =	sdelay $0x1  }
0x72: {  	v57 =	vmul.f32 v55, v1;
	v3 =	vadd.f32 v56, v3;
	_ =	sdelay $0x1  }
0x73: {  	v3 =	vadd.f32 v57, v3;
	_ =	sdelay $0x1  }
0x74: {  	(xrf2) =	vadd.scan.msk.f32 $0xffff, v3;
	_ =	sdelay $0x5  }
0x75: {  	v58 =	vor.u32 $0x2, v0;
	_ =	sdelay $0x3  }
0x76: {  	v59, _, _ =	vpop (xrf2)  }
0x77: {  	[tilespmem:v58+s14+$0x0] =	vst.idx.msk vm0, v59  }
0x78: {  	v3 =	vld [tilespmem:s22+$0x3AC0]  }
0x79: {  	v4 =	vld [tilespmem:s22+$0x3AD0];
	_ =	sdelay $0x1  }
0x7a: {  	v60 =	vld [tilespmem:s22+$0x3AE0];
	_ =	sdelay $0x1  }
0x7b: {  	v61 =	vld [tilespmem:s22+$0x3AF0]  }
0x7c: {  	v3 =	vmul.f32 v3, v5;
	v4 =	vmul.f32 v4, v8;
	_ =	sdelay $0x1  }
0x7d: {  	v62 =	vmul.f32 v60, v2;
	v3 =	vadd.f32 v4, v3;
	_ =	sdelay $0x1  }
0x7e: {  	v63 =	vmul.f32 v61, v1;
	v3 =	vadd.f32 v62, v3;
	_ =	sdelay $0x1  }
0x7f: {  	v3 =	vadd.f32 v63, v3;
	_ =	sdelay $0x1  }
0x80: {  	(xrf2) =	vadd.scan.msk.f32 $0xffff, v3;
	_ =	sdelay $0x5  }
0x81: {  	v9 =	vor.u32 $0x3, v0;
	_ =	sdelay $0x3  }
0x82: {  	v10, _, _ =	vpop (xrf2)  }
0x83: {  	[tilespmem:v9+s14+$0x0] =	vst.idx.msk vm0, v10  }
0x84: {  	v3 =	vld [tilespmem:s22+$0x3B00]  }
0x85: {  	v4 =	vld [tilespmem:s22+$0x3B10];
	_ =	sdelay $0x1  }
0x86: {  	v11 =	vld [tilespmem:s22+$0x3B20];
	_ =	sdelay $0x1  }
0x87: {  	v12 =	vld [tilespmem:s22+$0x3B30]  }
0x88: {  	v3 =	vmul.f32 v3, v5;
	v4 =	vmul.f32 v4, v8;
	_ =	sdelay $0x1  }
0x89: {  	v13 =	vmul.f32 v11, v2;
	v3 =	vadd.f32 v4, v3;
	_ =	sdelay $0x1  }
0x8a: {  	v14 =	vmul.f32 v12, v1;
	v3 =	vadd.f32 v13, v3;
	_ =	sdelay $0x1  }
0x8b: {  	v3 =	vadd.f32 v14, v3;
	_ =	sdelay $0x1  }
0x8c: {  	(xrf2) =	vadd.scan.msk.f32 $0xffff, v3;
	_ =	sdelay $0x5  }
0x8d: {  	v15 =	vor.u32 $0x4, v0;
	_ =	sdelay $0x3  }
0x8e: {  	v16, _, _ =	vpop (xrf2)  }
0x8f: {  	[tilespmem:v15+s14+$0x0] =	vst.idx.msk vm0, v16  }
0x90: {  	v3 =	vld [tilespmem:s22+$0x3B40]  }
0x91: {  	v4 =	vld [tilespmem:s22+$0x3B50];
	_ =	sdelay $0x1  }
0x92: {  	v17 =	vld [tilespmem:s22+$0x3B60];
	_ =	sdelay $0x1  }
0x93: {  	v18 =	vld [tilespmem:s22+$0x3B70]  }
0x94: {  	v3 =	vmul.f32 v3, v5;
	v4 =	vmul.f32 v4, v8;
	_ =	sdelay $0x1  }
0x95: {  	v19 =	vmul.f32 v17, v2;
	v3 =	vadd.f32 v4, v3;
	_ =	sdelay $0x1  }
0x96: {  	v20 =	vmul.f32 v18, v1;
	v3 =	vadd.f32 v19, v3;
	_ =	sdelay $0x1  }
0x97: {  	v3 =	vadd.f32 v20, v3;
	_ =	sdelay $0x1  }
0x98: {  	(xrf2) =	vadd.scan.msk.f32 $0xffff, v3;
	_ =	sdelay $0x5  }
0x99: {  	v21 =	vor.u32 $0x5, v0;
	_ =	sdelay $0x3  }
0x9a: {  	v22, _, _ =	vpop (xrf2)  }
0x9b: {  	[tilespmem:v21+s14+$0x0] =	vst.idx.msk vm0, v22  }
0x9c: {  	v3 =	vld [tilespmem:s22+$0x3B80]  }
0x9d: {  	v4 =	vld [tilespmem:s22+$0x3B90];
	_ =	sdelay $0x1  }
0x9e: {  	v23 =	vld [tilespmem:s22+$0x3BA0];
	_ =	sdelay $0x1  }
0x9f: {  	v24 =	vld [tilespmem:s22+$0x3BB0]  }
0xa0: {  	v3 =	vmul.f32 v3, v5;
	v4 =	vmul.f32 v4, v8;
	_ =	sdelay $0x1  }
0xa1: {  	v25 =	vmul.f32 v23, v2;
	v3 =	vadd.f32 v4, v3;
	_ =	sdelay $0x1  }
0xa2: {  	v26 =	vmul.f32 v24, v1;
	v3 =	vadd.f32 v25, v3;
	_ =	sdelay $0x1  }
0xa3: {  	v3 =	vadd.f32 v26, v3;
	_ =	sdelay $0x1  }
0xa4: {  	(xrf2) =	vadd.scan.msk.f32 $0xffff, v3;
	_ =	sdelay $0x5  }
0xa5: {  	v27 =	vor.u32 $0x6, v0;
	_ =	sdelay $0x3  }
0xa6: {  	v28, _, _ =	vpop (xrf2)  }
0xa7: {  	[tilespmem:v27+s14+$0x0] =	vst.idx.msk vm0, v28  }
0xa8: {  	v3 =	vld [tilespmem:s22+$0x3BC0]  }
0xa9: {  	v4 =	vld [tilespmem:s22+$0x3BD0];
	_ =	sdelay $0x1  }
0xaa: {  	v29 =	vld [tilespmem:s22+$0x3BE0];
	_ =	sdelay $0x1  }
0xab: {  	v30 =	vld [tilespmem:s22+$0x3BF0]  }
0xac: {  	v3 =	vmul.f32 v3, v5;
	v4 =	vmul.f32 v4, v8;
	_ =	sdelay $0x1  }
0xad: {  	v31 =	vmul.f32 v29, v2;
	v3 =	vadd.f32 v4, v3;
	_ =	sdelay $0x1  }
0xae: {  	v32 =	vmul.f32 v30, v1;
	v3 =	vadd.f32 v31, v3;
	_ =	sdelay $0x1  }
0xaf: {  	v3 =	vadd.f32 v32, v3;
	_ =	sdelay $0x1  }
0xb0: {  	(xrf2) =	vadd.scan.msk.f32 $0xffff, v3;
	_ =	sdelay $0x5  }
0xb1: {  	v33 =	vor.u32 $0x7, v0;
	_ =	sdelay $0x3  }
0xb2: {  	v34, _, _ =	vpop (xrf2)  }
0xb3: {  	[tilespmem:v33+s14+$0x0] =	vst.idx.msk vm0, v34  }
0xb4: {  	v3 =	vld [tilespmem:s22+$0x3C00]  }
0xb5: {  	v4 =	vld [tilespmem:s22+$0x3C10];
	_ =	sdelay $0x1  }
0xb6: {  	v35 =	vld [tilespmem:s22+$0x3C20];
	_ =	sdelay $0x1  }
0xb7: {  	v36 =	vld [tilespmem:s22+$0x3C30]  }
0xb8: {  	v3 =	vmul.f32 v3, v5;
	v4 =	vmul.f32 v4, v8;
	_ =	sdelay $0x1  }
0xb9: {  	v37 =	vmul.f32 v35, v2;
	v3 =	vadd.f32 v4, v3;
	_ =	sdelay $0x1  }
0xba: {  	v38 =	vmul.f32 v36, v1;
	v3 =	vadd.f32 v37, v3;
	_ =	sdelay $0x1  }
0xbb: {  	v3 =	vadd.f32 v38, v3;
	_ =	sdelay $0x1  }
0xbc: {  	(xrf2) =	vadd.scan.msk.f32 $0xffff, v3;
	_ =	sdelay $0x5  }
0xbd: {  	v39 =	vor.u32 $0x8, v0;
	_ =	sdelay $0x3  }
0xbe: {  	v40, _, _ =	vpop (xrf2)  }
0xbf: {  	[tilespmem:v39+s14+$0x0] =	vst.idx.msk vm0, v40  }
0xc0: {  	v3 =	vld [tilespmem:s22+$0x3C40]  }
0xc1: {  	v4 =	vld [tilespmem:s22+$0x3C50];
	_ =	sdelay $0x1  }
0xc2: {  	v41 =	vld [tilespmem:s22+$0x3C60];
	_ =	sdelay $0x1  }
0xc3: {  	v42 =	vld [tilespmem:s22+$0x3C70]  }
0xc4: {  	v3 =	vmul.f32 v3, v5;
	v4 =	vmul.f32 v4, v8;
	_ =	sdelay $0x1  }
0xc5: {  	v43 =	vmul.f32 v41, v2;
	v3 =	vadd.f32 v4, v3;
	_ =	sdelay $0x1  }
0xc6: {  	v44 =	vmul.f32 v42, v1;
	v3 =	vadd.f32 v43, v3;
	_ =	sdelay $0x1  }
0xc7: {  	v3 =	vadd.f32 v44, v3;
	_ =	sdelay $0x1  }
0xc8: {  	(xrf2) =	vadd.scan.msk.f32 $0xffff, v3;
	_ =	sdelay $0x5  }
0xc9: {  	v45 =	vor.u32 $0x9, v0;
	_ =	sdelay $0x3  }
0xca: {  	v46, _, _ =	vpop (xrf2)  }
0xcb: {  	[tilespmem:v45+s14+$0x0] =	vst.idx.msk vm0, v46  }
0xcc: {  	v3 =	vld [tilespmem:s22+$0x3C80]  }
0xcd: {  	v4 =	vld [tilespmem:s22+$0x3C90];
	_ =	sdelay $0x1  }
0xce: {  	v47 =	vld [tilespmem:s22+$0x3CA0];
	_ =	sdelay $0x1  }
0xcf: {  	v48 =	vld [tilespmem:s22+$0x3CB0]  }
0xd0: {  	v3 =	vmul.f32 v3, v5;
	v4 =	vmul.f32 v4, v8;
	_ =	sdelay $0x1  }
0xd1: {  	v49 =	vmul.f32 v47, v2;
	v3 =	vadd.f32 v4, v3;
	_ =	sdelay $0x1  }
0xd2: {  	v50 =	vmul.f32 v48, v1;
	v3 =	vadd.f32 v49, v3;
	_ =	sdelay $0x1  }
0xd3: {  	v3 =	vadd.f32 v50, v3;
	_ =	sdelay $0x1  }
0xd4: {  	(xrf2) =	vadd.scan.msk.f32 $0xffff, v3;
	_ =	sdelay $0x5  }
0xd5: {  	v51 =	vor.u32 $0xA, v0;
	_ =	sdelay $0x3  }
0xd6: {  	v52, _, _ =	vpop (xrf2)  }
0xd7: {  	[tilespmem:v51+s14+$0x0] =	vst.idx.msk vm0, v52  }
0xd8: {  	v3 =	vld [tilespmem:s22+$0x3CC0]  }
0xd9: {  	v4 =	vld [tilespmem:s22+$0x3CD0];
	_ =	sdelay $0x1  }
0xda: {  	v53 =	vld [tilespmem:s22+$0x3CE0];
	_ =	sdelay $0x1  }
0xdb: {  	v54 =	vld [tilespmem:s22+$0x3CF0]  }
0xdc: {  	v3 =	vmul.f32 v3, v5;
	v4 =	vmul.f32 v4, v8;
	_ =	sdelay $0x1  }
0xdd: {  	v55 =	vmul.f32 v53, v2;
	v3 =	vadd.f32 v4, v3;
	_ =	sdelay $0x1  }
0xde: {  	v56 =	vmul.f32 v54, v1;
	v3 =	vadd.f32 v55, v3;
	_ =	sdelay $0x1  }
0xdf: {  	v3 =	vadd.f32 v56, v3;
	_ =	sdelay $0x1  }
0xe0: {  	(xrf2) =	vadd.scan.msk.f32 $0xffff, v3;
	_ =	sdelay $0x5  }
0xe1: {  	v57 =	vor.u32 $0xB, v0;
	_ =	sdelay $0x3  }
0xe2: {  	v58, _, _ =	vpop (xrf2)  }
0xe3: {  	[tilespmem:v57+s14+$0x0] =	vst.idx.msk vm0, v58  }
0xe4: {  	v3 =	vld [tilespmem:s22+$0x3D00]  }
0xe5: {  	v4 =	vld [tilespmem:s22+$0x3D10];
	_ =	sdelay $0x1  }
0xe6: {  	v59 =	vld [tilespmem:s22+$0x3D20];
	_ =	sdelay $0x1  }
0xe7: {  	v60 =	vld [tilespmem:s22+$0x3D30]  }
0xe8: {  	v3 =	vmul.f32 v3, v5;
	v4 =	vmul.f32 v4, v8;
	_ =	sdelay $0x1  }
0xe9: {  	v61 =	vmul.f32 v59, v2;
	v3 =	vadd.f32 v4, v3;
	_ =	sdelay $0x1  }
0xea: {  	v62 =	vmul.f32 v60, v1;
	v3 =	vadd.f32 v61, v3;
	_ =	sdelay $0x1  }
0xeb: {  	v3 =	vadd.f32 v62, v3;
	_ =	sdelay $0x1  }
0xec: {  	(xrf2) =	vadd.scan.msk.f32 $0xffff, v3;
	_ =	sdelay $0x5  }
0xed: {  	v63 =	vor.u32 $0xC, v0;
	_ =	sdelay $0x3  }
0xee: {  	v9, _, _ =	vpop (xrf2)  }
0xef: {  	[tilespmem:v63+s14+$0x0] =	vst.idx.msk vm0, v9  }
0xf0: {  	v3 =	vld [tilespmem:s22+$0x3D40]  }
0xf1: {  	v4 =	vld [tilespmem:s22+$0x3D50];
	_ =	sdelay $0x1  }
0xf2: {  	v10 =	vld [tilespmem:s22+$0x3D60];
	_ =	sdelay $0x1  }
0xf3: {  	v11 =	vld [tilespmem:s22+$0x3D70]  }
0xf4: {  	v3 =	vmul.f32 v3, v5;
	v4 =	vmul.f32 v4, v8;
	_ =	sdelay $0x1  }
0xf5: {  	v12 =	vmul.f32 v10, v2;
	v3 =	vadd.f32 v4, v3;
	_ =	sdelay $0x1  }
0xf6: {  	v13 =	vmul.f32 v11, v1;
	v3 =	vadd.f32 v12, v3;
	_ =	sdelay $0x1  }
0xf7: {  	v3 =	vadd.f32 v13, v3;
	_ =	sdelay $0x1  }
0xf8: {  	(xrf2) =	vadd.scan.msk.f32 $0xffff, v3;
	_ =	sdelay $0x5  }
0xf9: {  	v14 =	vor.u32 $0xD, v0;
	_ =	sdelay $0x3  }
0xfa: {  	v15, _, _ =	vpop (xrf2)  }
0xfb: {  	[tilespmem:v14+s14+$0x0] =	vst.idx.msk vm0, v15  }
0xfc: {  	v3 =	vld [tilespmem:s22+$0x3D80]  }
0xfd: {  	v4 =	vld [tilespmem:s22+$0x3D90];
	_ =	sdelay $0x1  }
0xfe: {  	v16 =	vld [tilespmem:s22+$0x3DA0];
	_ =	sdelay $0x1  }
0xff: {  	v17 =	vld [tilespmem:s22+$0x3DB0]  }
0x100: {  	v3 =	vmul.f32 v3, v5;
	v4 =	vmul.f32 v4, v8;
	_ =	sdelay $0x1  }
0x101: {  	v18 =	vmul.f32 v16, v2;
	v3 =	vadd.f32 v4, v3;
	_ =	sdelay $0x1  }
0x102: {  	v19 =	vmul.f32 v17, v1;
	v3 =	vadd.f32 v18, v3;
	_ =	sdelay $0x1  }
0x103: {  	v3 =	vadd.f32 v19, v3;
	_ =	sdelay $0x1  }
0x104: {  	(xrf2) =	vadd.scan.msk.f32 $0xffff, v3;
	_ =	sdelay $0x5  }
0x105: {  	v20 =	vor.u32 $0xE, v0;
	_ =	sdelay $0x3  }
0x106: {  	v21, _, _ =	vpop (xrf2)  }
0x107: {  	[tilespmem:v20+s14+$0x0] =	vst.idx.msk vm0, v21  }
0x108: {  	v3 =	vld [tilespmem:s22+$0x3DC0]  }
0x109: {  	v4 =	vld [tilespmem:s22+$0x3DD0];
	_ =	sdelay $0x1  }
0x10a: {  	v22 =	vld [tilespmem:s22+$0x3DE0];
	_ =	sdelay $0x1  }
0x10b: {  	v23 =	vld [tilespmem:s22+$0x3DF0]  }
0x10c: {  	v3 =	vmul.f32 v3, v5;
	v4 =	vmul.f32 v4, v8;
	_ =	sdelay $0x1  }
0x10d: {  	v24 =	vmul.f32 v22, v2;
	v3 =	vadd.f32 v4, v3;
	_ =	sdelay $0x1  }
0x10e: {  	v25 =	vmul.f32 v23, v1;
	v3 =	vadd.f32 v24, v3;
	_ =	sdelay $0x1  }
0x10f: {  	v3 =	vadd.f32 v25, v3;
	_ =	sdelay $0x1  }
0x110: {  	(xrf2) =	vadd.scan.msk.f32 $0xffff, v3;
	_ =	sdelay $0x5  }
0x111: {  	v26 =	vor.u32 $0xF, v0;
	_ =	sdelay $0x3  }
0x112: {  	v27, _, _ =	vpop (xrf2)  }
0x113: {  	[tilespmem:v26+s14+$0x0] =	vst.idx.msk vm0, v27  }
0x114: {  	v3 =	vld [tilespmem:s22+$0x3E00]  }
0x115: {  	v4 =	vld [tilespmem:s22+$0x3E10];
	_ =	sdelay $0x1  }
0x116: {  	v28 =	vld [tilespmem:s22+$0x3E20];
	_ =	sdelay $0x1  }
0x117: {  	v29 =	vld [tilespmem:s22+$0x3E30]  }
0x118: {  	v3 =	vmul.f32 v3, v5;
	v4 =	vmul.f32 v4, v8;
	_ =	sdelay $0x1  }
0x119: {  	v30 =	vmul.f32 v28, v2;
	v3 =	vadd.f32 v4, v3;
	_ =	sdelay $0x1  }
0x11a: {  	v31 =	vmul.f32 v29, v1;
	v3 =	vadd.f32 v30, v3;
	_ =	sdelay $0x1  }
0x11b: {  	v3 =	vadd.f32 v31, v3;
	_ =	sdelay $0x1  }
0x11c: {  	(xrf2) =	vadd.scan.msk.f32 $0xffff, v3;
	_ =	sdelay $0x5  }
0x11d: {  	v32 =	vadd.s32 $0x10, v0;
	_ =	sdelay $0x3  }
0x11e: {  	v33, _, _ =	vpop (xrf2)  }
0x11f: {  	[tilespmem:v32+s14+$0x0] =	vst.idx.msk vm0, v33  }
0x120: {  	v3 =	vld [tilespmem:s22+$0x3E40]  }
0x121: {  	v4 =	vld [tilespmem:s22+$0x3E50];
	_ =	sdelay $0x1  }
0x122: {  	v34 =	vld [tilespmem:s22+$0x3E60];
	_ =	sdelay $0x1  }
0x123: {  	v35 =	vld [tilespmem:s22+$0x3E70]  }
0x124: {  	v3 =	vmul.f32 v3, v5;
	v4 =	vmul.f32 v4, v8;
	_ =	sdelay $0x1  }
0x125: {  	v36 =	vmul.f32 v34, v2;
	v3 =	vadd.f32 v4, v3;
	_ =	sdelay $0x1  }
0x126: {  	v37 =	vmul.f32 v35, v1;
	v3 =	vadd.f32 v36, v3;
	_ =	sdelay $0x1  }
0x127: {  	v3 =	vadd.f32 v37, v3;
	_ =	sdelay $0x1  }
0x128: {  	(xrf2) =	vadd.scan.msk.f32 $0xffff, v3;
	_ =	sdelay $0x5  }
0x129: {  	v38 =	vadd.s32 $0x11, v0;
	_ =	sdelay $0x3  }
0x12a: {  	v39, _, _ =	vpop (xrf2)  }
0x12b: {  	[tilespmem:v38+s14+$0x0] =	vst.idx.msk vm0, v39  }
0x12c: {  	v3 =	vld [tilespmem:s22+$0x3E80]  }
0x12d: {  	v4 =	vld [tilespmem:s22+$0x3E90];
	_ =	sdelay $0x1  }
0x12e: {  	v40 =	vld [tilespmem:s22+$0x3EA0];
	_ =	sdelay $0x1  }
0x12f: {  	v41 =	vld [tilespmem:s22+$0x3EB0]  }
0x130: {  	v3 =	vmul.f32 v3, v5;
	v4 =	vmul.f32 v4, v8;
	_ =	sdelay $0x1  }
0x131: {  	v42 =	vmul.f32 v40, v2;
	v3 =	vadd.f32 v4, v3;
	_ =	sdelay $0x1  }
0x132: {  	v43 =	vmul.f32 v41, v1;
	v3 =	vadd.f32 v42, v3;
	_ =	sdelay $0x1  }
0x133: {  	v3 =	vadd.f32 v43, v3;
	_ =	sdelay $0x1  }
0x134: {  	(xrf2) =	vadd.scan.msk.f32 $0xffff, v3;
	_ =	sdelay $0x5  }
0x135: {  	v44 =	vadd.s32 $0x12, v0;
	_ =	sdelay $0x3  }
0x136: {  	v45, _, _ =	vpop (xrf2)  }
0x137: {  	[tilespmem:v44+s14+$0x0] =	vst.idx.msk vm0, v45  }
0x138: {  	v9 =	vld [tilespmem:s22+$0x3EC0]  }
0x139: {  	s23 =	sor.u32 $0x1, s20;
	v10 =	vld [tilespmem:s22+$0x3ED0]  }
0x13a: {  	s24 =	sshll.u32 s23, $0x6;
	v11 =	vld [tilespmem:s22+$0x3EE0]  }
0x13b: {  	s24 =	sand.u32 $0x3FFFFFC0, s24;
	v12 =	vld [tilespmem:s22+$0x3EF0];
	s22 =	smul.u32 $0x1400, s23  }
0x13c: {  	v6 =	vld [tilespmem:s24+$0x2A00]  }
0x13d: {  	v7 =	vld [tilespmem:s24+$0x2A10];
	s22 =	sshra.s32 s22, $0x2  }
0x13e: {  	v13 =	vld [tilespmem:s22+$0x3A00]  }
0x13f: {  	v14 =	vld [tilespmem:s22+$0x3A10]  }
0x140: {  	v4 =	vld [tilespmem:s24+$0x2A20]  }
0x141: {  	v15 =	vld [tilespmem:s22+$0x3A20]  }
0x142: {  	v3 =	vld [tilespmem:s24+$0x2A30]  }
0x143: {  	v46 =	vld [tilespmem:s22+$0x3A30];
	v5 =	vmul.f32 v9, v5;
	v8 =	vmul.f32 v10, v8  }
0x144: {  	v47 =	vmul.f32 v13, v6;
	v48 =	vmul.f32 v14, v7  }
0x145: {  	v2 =	vmul.f32 v11, v2;
	v5 =	vadd.f32 v8, v5  }
0x146: {  	v50 =	vmul.f32 v15, v4;
	v49 =	vadd.f32 v48, v47  }
0x147: {  	v1 =	vmul.f32 v12, v1;
	v2 =	vadd.f32 v2, v5  }
0x148: {  	v52 =	vmul.f32 v46, v3;
	v51 =	vadd.f32 v50, v49  }
0x149: {  	v1 =	vadd.f32 v1, v2  }
0x14a: {  	v53 =	vadd.f32 v52, v51  }
0x14b: {  	(xrf2) =	vadd.scan.msk.f32 $0xffff, v1  }
0x14c: {  	(xrf2) =	vadd.scan.msk.f32 $0xffff, v53;
	_ =	sdelay $0x2  }
0x14d: {  	s23 =	sadd.s32 s19, s23  }
0x14e: {  	s23 =	smul.u32 $0x14, s23;
	_ =	sdelay $0x1  }
0x14f: {  	v5 =	vmov s23;
	_ =	sdelay $0x2  }
0x150: {  	v1, _, _ =	vpop (xrf2)  }
0x151: {  	v2, _, _ =	vpop (xrf2)  }
0x152: {  	[tilespmem:v5+s14+$0x0] =	vst.idx.msk vm0, v2  }
0x153: {  	v2 =	vld [tilespmem:s22+$0x3A40]  }
0x154: {  	v54 =	vld [tilespmem:s22+$0x3A50];
	_ =	sdelay $0x1  }
0x155: {  	v55 =	vld [tilespmem:s22+$0x3A60];
	_ =	sdelay $0x1  }
0x156: {  	v56 =	vld [tilespmem:s22+$0x3A70]  }
0x157: {  	v2 =	vmul.f32 v2, v6;
	v8 =	vmul.f32 v54, v7;
	_ =	sdelay $0x1  }
0x158: {  	v57 =	vmul.f32 v55, v4;
	v2 =	vadd.f32 v8, v2;
	_ =	sdelay $0x1  }
0x159: {  	v58 =	vmul.f32 v56, v3;
	v2 =	vadd.f32 v57, v2;
	_ =	sdelay $0x1  }
0x15a: {  	v2 =	vadd.f32 v58, v2;
	_ =	sdelay $0x1  }
0x15b: {  	(xrf2) =	vadd.scan.msk.f32 $0xffff, v2;
	_ =	sdelay $0x4  }
0x15c: {  	v2 =	vand.u32 $0x3FF0, v5  }
0x15d: {  	v59 =	vor.u32 $0x5, v2;
	_ =	sdelay $0x3  }
0x15e: {  	v60, _, _ =	vpop (xrf2)  }
0x15f: {  	[tilespmem:v59+s14+$0x0] =	vst.idx.msk vm0, v60  }
0x160: {  	v8 =	vld [tilespmem:s22+$0x3A80]  }
0x161: {  	v9 =	vld [tilespmem:s22+$0x3A90];
	_ =	sdelay $0x1  }
0x162: {  	v61 =	vld [tilespmem:s22+$0x3AA0];
	_ =	sdelay $0x1  }
0x163: {  	v62 =	vld [tilespmem:s22+$0x3AB0]  }
0x164: {  	v8 =	vmul.f32 v8, v6;
	v9 =	vmul.f32 v9, v7;
	_ =	sdelay $0x1  }
0x165: {  	v63 =	vmul.f32 v61, v4;
	v8 =	vadd.f32 v9, v8;
	_ =	sdelay $0x1  }
0x166: {  	v12 =	vmul.f32 v62, v3;
	v8 =	vadd.f32 v63, v8;
	_ =	sdelay $0x1  }
0x167: {  	v8 =	vadd.f32 v12, v8;
	_ =	sdelay $0x1  }
0x168: {  	(xrf2) =	vadd.scan.msk.f32 $0xffff, v8;
	_ =	sdelay $0x5  }
0x169: {  	v13 =	vor.u32 $0x6, v2;
	_ =	sdelay $0x3  }
0x16a: {  	v14, _, _ =	vpop (xrf2)  }
0x16b: {  	[tilespmem:v13+s14+$0x0] =	vst.idx.msk vm0, v14  }
0x16c: {  	v8 =	vld [tilespmem:s22+$0x3AC0]  }
0x16d: {  	v9 =	vld [tilespmem:s22+$0x3AD0];
	_ =	sdelay $0x1  }
0x16e: {  	v15 =	vld [tilespmem:s22+$0x3AE0];
	_ =	sdelay $0x1  }
0x16f: {  	v16 =	vld [tilespmem:s22+$0x3AF0]  }
0x170: {  	v8 =	vmul.f32 v8, v6;
	v9 =	vmul.f32 v9, v7;
	_ =	sdelay $0x1  }
0x171: {  	v17 =	vmul.f32 v15, v4;
	v8 =	vadd.f32 v9, v8;
	_ =	sdelay $0x1  }
0x172: {  	v18 =	vmul.f32 v16, v3;
	v8 =	vadd.f32 v17, v8;
	_ =	sdelay $0x1  }
0x173: {  	v8 =	vadd.f32 v18, v8;
	_ =	sdelay $0x1  }
0x174: {  	(xrf2) =	vadd.scan.msk.f32 $0xffff, v8;
	_ =	sdelay $0x5  }
0x175: {  	v19 =	vor.u32 $0x7, v2;
	_ =	sdelay $0x3  }
0x176: {  	v20, _, _ =	vpop (xrf2)  }
0x177: {  	[tilespmem:v19+s14+$0x0] =	vst.idx.msk vm0, v20  }
0x178: {  	v8 =	vld [tilespmem:s22+$0x3B00]  }
0x179: {  	v9 =	vld [tilespmem:s22+$0x3B10];
	_ =	sdelay $0x1  }
0x17a: {  	v21 =	vld [tilespmem:s22+$0x3B20];
	_ =	sdelay $0x1  }
0x17b: {  	v22 =	vld [tilespmem:s22+$0x3B30]  }
0x17c: {  	v8 =	vmul.f32 v8, v6;
	v9 =	vmul.f32 v9, v7;
	_ =	sdelay $0x1  }
0x17d: {  	v23 =	vmul.f32 v21, v4;
	v8 =	vadd.f32 v9, v8;
	_ =	sdelay $0x1  }
0x17e: {  	v24 =	vmul.f32 v22, v3;
	v8 =	vadd.f32 v23, v8;
	_ =	sdelay $0x1  }
0x17f: {  	v8 =	vadd.f32 v24, v8;
	_ =	sdelay $0x1  }
0x180: {  	(xrf2) =	vadd.scan.msk.f32 $0xffff, v8;
	_ =	sdelay $0x5  }
0x181: {  	v25 =	vadd.s32 $0x4, v5;
	_ =	sdelay $0x3  }
0x182: {  	v26, _, _ =	vpop (xrf2)  }
0x183: {  	[tilespmem:v25+s14+$0x0] =	vst.idx.msk vm0, v26  }
0x184: {  	v8 =	vld [tilespmem:s22+$0x3B40]  }
0x185: {  	v9 =	vld [tilespmem:s22+$0x3B50];
	_ =	sdelay $0x1  }
0x186: {  	v27 =	vld [tilespmem:s22+$0x3B60];
	_ =	sdelay $0x1  }
0x187: {  	v28 =	vld [tilespmem:s22+$0x3B70]  }
0x188: {  	v8 =	vmul.f32 v8, v6;
	v9 =	vmul.f32 v9, v7;
	_ =	sdelay $0x1  }
0x189: {  	v29 =	vmul.f32 v27, v4;
	v8 =	vadd.f32 v9, v8;
	_ =	sdelay $0x1  }
0x18a: {  	v30 =	vmul.f32 v28, v3;
	v8 =	vadd.f32 v29, v8;
	_ =	sdelay $0x1  }
0x18b: {  	v8 =	vadd.f32 v30, v8;
	_ =	sdelay $0x1  }
0x18c: {  	(xrf2) =	vadd.scan.msk.f32 $0xffff, v8;
	_ =	sdelay $0x5  }
0x18d: {  	v31 =	vadd.s32 $0x5, v5;
	_ =	sdelay $0x3  }
0x18e: {  	v32, _, _ =	vpop (xrf2)  }
0x18f: {  	[tilespmem:v31+s14+$0x0] =	vst.idx.msk vm0, v32  }
0x190: {  	v8 =	vld [tilespmem:s22+$0x3B80]  }
0x191: {  	v9 =	vld [tilespmem:s22+$0x3B90];
	_ =	sdelay $0x1  }
0x192: {  	v33 =	vld [tilespmem:s22+$0x3BA0];
	_ =	sdelay $0x1  }
0x193: {  	v34 =	vld [tilespmem:s22+$0x3BB0]  }
0x194: {  	v8 =	vmul.f32 v8, v6;
	v9 =	vmul.f32 v9, v7;
	_ =	sdelay $0x1  }
0x195: {  	v35 =	vmul.f32 v33, v4;
	v8 =	vadd.f32 v9, v8;
	_ =	sdelay $0x1  }
0x196: {  	v36 =	vmul.f32 v34, v3;
	v8 =	vadd.f32 v35, v8;
	_ =	sdelay $0x1  }
0x197: {  	v8 =	vadd.f32 v36, v8;
	_ =	sdelay $0x1  }
0x198: {  	(xrf2) =	vadd.scan.msk.f32 $0xffff, v8;
	_ =	sdelay $0x5  }
0x199: {  	v37 =	vadd.s32 $0x6, v5;
	_ =	sdelay $0x3  }
0x19a: {  	v38, _, _ =	vpop (xrf2)  }
0x19b: {  	[tilespmem:v37+s14+$0x0] =	vst.idx.msk vm0, v38  }
0x19c: {  	v8 =	vld [tilespmem:s22+$0x3BC0]  }
0x19d: {  	v9 =	vld [tilespmem:s22+$0x3BD0];
	_ =	sdelay $0x1  }
0x19e: {  	v39 =	vld [tilespmem:s22+$0x3BE0];
	_ =	sdelay $0x1  }
0x19f: {  	v40 =	vld [tilespmem:s22+$0x3BF0]  }
0x1a0: {  	v8 =	vmul.f32 v8, v6;
	v9 =	vmul.f32 v9, v7;
	_ =	sdelay $0x1  }
0x1a1: {  	v41 =	vmul.f32 v39, v4;
	v8 =	vadd.f32 v9, v8;
	_ =	sdelay $0x1  }
0x1a2: {  	v42 =	vmul.f32 v40, v3;
	v8 =	vadd.f32 v41, v8;
	_ =	sdelay $0x1  }
0x1a3: {  	v8 =	vadd.f32 v42, v8;
	_ =	sdelay $0x1  }
0x1a4: {  	(xrf2) =	vadd.scan.msk.f32 $0xffff, v8;
	_ =	sdelay $0x5  }
0x1a5: {  	v43 =	vadd.s32 $0x7, v5;
	_ =	sdelay $0x3  }
0x1a6: {  	v44, _, _ =	vpop (xrf2)  }
0x1a7: {  	[tilespmem:v43+s14+$0x0] =	vst.idx.msk vm0, v44  }
0x1a8: {  	v8 =	vld [tilespmem:s22+$0x3C00]  }
0x1a9: {  	v9 =	vld [tilespmem:s22+$0x3C10];
	_ =	sdelay $0x1  }
0x1aa: {  	v45 =	vld [tilespmem:s22+$0x3C20];
	_ =	sdelay $0x1  }
0x1ab: {  	v46 =	vld [tilespmem:s22+$0x3C30]  }
0x1ac: {  	v8 =	vmul.f32 v8, v6;
	v9 =	vmul.f32 v9, v7;
	_ =	sdelay $0x1  }
0x1ad: {  	v47 =	vmul.f32 v45, v4;
	v8 =	vadd.f32 v9, v8;
	_ =	sdelay $0x1  }
0x1ae: {  	v48 =	vmul.f32 v46, v3;
	v8 =	vadd.f32 v47, v8;
	_ =	sdelay $0x1  }
0x1af: {  	v8 =	vadd.f32 v48, v8;
	_ =	sdelay $0x1  }
0x1b0: {  	(xrf2) =	vadd.scan.msk.f32 $0xffff, v8;
	_ =	sdelay $0x5  }
0x1b1: {  	v49 =	vor.u32 $0xC, v5;
	_ =	sdelay $0x3  }
0x1b2: {  	v50, _, _ =	vpop (xrf2)  }
0x1b3: {  	[tilespmem:v49+s14+$0x0] =	vst.idx.msk vm0, v50  }
0x1b4: {  	v8 =	vld [tilespmem:s22+$0x3C40]  }
0x1b5: {  	v9 =	vld [tilespmem:s22+$0x3C50];
	_ =	sdelay $0x1  }
0x1b6: {  	v51 =	vld [tilespmem:s22+$0x3C60];
	_ =	sdelay $0x1  }
0x1b7: {  	v52 =	vld [tilespmem:s22+$0x3C70]  }
0x1b8: {  	v8 =	vmul.f32 v8, v6;
	v9 =	vmul.f32 v9, v7;
	_ =	sdelay $0x1  }
0x1b9: {  	v53 =	vmul.f32 v51, v4;
	v8 =	vadd.f32 v9, v8;
	_ =	sdelay $0x1  }
0x1ba: {  	v54 =	vmul.f32 v52, v3;
	v8 =	vadd.f32 v53, v8;
	_ =	sdelay $0x1  }
0x1bb: {  	v8 =	vadd.f32 v54, v8;
	_ =	sdelay $0x1  }
0x1bc: {  	(xrf2) =	vadd.scan.msk.f32 $0xffff, v8;
	_ =	sdelay $0x5  }
0x1bd: {  	v55 =	vor.u32 $0xD, v5;
	_ =	sdelay $0x3  }
0x1be: {  	v56, _, _ =	vpop (xrf2)  }
0x1bf: {  	[tilespmem:v55+s14+$0x0] =	vst.idx.msk vm0, v56  }
0x1c0: {  	v8 =	vld [tilespmem:s22+$0x3C80]  }
0x1c1: {  	v9 =	vld [tilespmem:s22+$0x3C90];
	_ =	sdelay $0x1  }
0x1c2: {  	v57 =	vld [tilespmem:s22+$0x3CA0];
	_ =	sdelay $0x1  }
0x1c3: {  	v58 =	vld [tilespmem:s22+$0x3CB0]  }
0x1c4: {  	v8 =	vmul.f32 v8, v6;
	v9 =	vmul.f32 v9, v7;
	_ =	sdelay $0x1  }
0x1c5: {  	v59 =	vmul.f32 v57, v4;
	v8 =	vadd.f32 v9, v8;
	_ =	sdelay $0x1  }
0x1c6: {  	v60 =	vmul.f32 v58, v3;
	v8 =	vadd.f32 v59, v8;
	_ =	sdelay $0x1  }
0x1c7: {  	v8 =	vadd.f32 v60, v8;
	_ =	sdelay $0x1  }
0x1c8: {  	(xrf2) =	vadd.scan.msk.f32 $0xffff, v8;
	_ =	sdelay $0x5  }
0x1c9: {  	v61 =	vor.u32 $0xE, v5;
	_ =	sdelay $0x3  }
0x1ca: {  	v62, _, _ =	vpop (xrf2)  }
0x1cb: {  	[tilespmem:v61+s14+$0x0] =	vst.idx.msk vm0, v62  }
0x1cc: {  	v8 =	vld [tilespmem:s22+$0x3CC0]  }
0x1cd: {  	v9 =	vld [tilespmem:s22+$0x3CD0];
	_ =	sdelay $0x1  }
0x1ce: {  	v63 =	vld [tilespmem:s22+$0x3CE0];
	_ =	sdelay $0x1  }
0x1cf: {  	v12 =	vld [tilespmem:s22+$0x3CF0]  }
0x1d0: {  	v8 =	vmul.f32 v8, v6;
	v9 =	vmul.f32 v9, v7;
	_ =	sdelay $0x1  }
0x1d1: {  	v13 =	vmul.f32 v63, v4;
	v8 =	vadd.f32 v9, v8;
	_ =	sdelay $0x1  }
0x1d2: {  	v14 =	vmul.f32 v12, v3;
	v8 =	vadd.f32 v13, v8;
	_ =	sdelay $0x1  }
0x1d3: {  	v8 =	vadd.f32 v14, v8;
	_ =	sdelay $0x1  }
0x1d4: {  	(xrf2) =	vadd.scan.msk.f32 $0xffff, v8;
	_ =	sdelay $0x5  }
0x1d5: {  	v15 =	vor.u32 $0xF, v5;
	_ =	sdelay $0x3  }
0x1d6: {  	v16, _, _ =	vpop (xrf2)  }
0x1d7: {  	[tilespmem:v15+s14+$0x0] =	vst.idx.msk vm0, v16  }
0x1d8: {  	v8 =	vld [tilespmem:s22+$0x3D00]  }
0x1d9: {  	v9 =	vld [tilespmem:s22+$0x3D10];
	_ =	sdelay $0x1  }
0x1da: {  	v17 =	vld [tilespmem:s22+$0x3D20];
	_ =	sdelay $0x1  }
0x1db: {  	v18 =	vld [tilespmem:s22+$0x3D30]  }
0x1dc: {  	v8 =	vmul.f32 v8, v6;
	v9 =	vmul.f32 v9, v7;
	_ =	sdelay $0x1  }
0x1dd: {  	v19 =	vmul.f32 v17, v4;
	v8 =	vadd.f32 v9, v8;
	_ =	sdelay $0x1  }
0x1de: {  	v20 =	vmul.f32 v18, v3;
	v8 =	vadd.f32 v19, v8;
	_ =	sdelay $0x1  }
0x1df: {  	v8 =	vadd.f32 v20, v8;
	_ =	sdelay $0x1  }
0x1e0: {  	(xrf2) =	vadd.scan.msk.f32 $0xffff, v8;
	_ =	sdelay $0x5  }
0x1e1: {  	v21 =	vadd.s32 $0xC, v5;
	_ =	sdelay $0x3  }
0x1e2: {  	v22, _, _ =	vpop (xrf2)  }
0x1e3: {  	[tilespmem:v21+s14+$0x0] =	vst.idx.msk vm0, v22  }
0x1e4: {  	v8 =	vld [tilespmem:s22+$0x3D40]  }
0x1e5: {  	v9 =	vld [tilespmem:s22+$0x3D50];
	_ =	sdelay $0x1  }
0x1e6: {  	v23 =	vld [tilespmem:s22+$0x3D60];
	_ =	sdelay $0x1  }
0x1e7: {  	v24 =	vld [tilespmem:s22+$0x3D70]  }
0x1e8: {  	v8 =	vmul.f32 v8, v6;
	v9 =	vmul.f32 v9, v7;
	_ =	sdelay $0x1  }
0x1e9: {  	v25 =	vmul.f32 v23, v4;
	v8 =	vadd.f32 v9, v8;
	_ =	sdelay $0x1  }
0x1ea: {  	v26 =	vmul.f32 v24, v3;
	v8 =	vadd.f32 v25, v8;
	_ =	sdelay $0x1  }
0x1eb: {  	v8 =	vadd.f32 v26, v8;
	_ =	sdelay $0x1  }
0x1ec: {  	(xrf2) =	vadd.scan.msk.f32 $0xffff, v8;
	_ =	sdelay $0x5  }
0x1ed: {  	v27 =	vadd.s32 $0xD, v5;
	_ =	sdelay $0x3  }
0x1ee: {  	v28, _, _ =	vpop (xrf2)  }
0x1ef: {  	[tilespmem:v27+s14+$0x0] =	vst.idx.msk vm0, v28  }
0x1f0: {  	v8 =	vld [tilespmem:s22+$0x3D80]  }
0x1f1: {  	v9 =	vld [tilespmem:s22+$0x3D90];
	_ =	sdelay $0x1  }
0x1f2: {  	v29 =	vld [tilespmem:s22+$0x3DA0];
	_ =	sdelay $0x1  }
0x1f3: {  	v30 =	vld [tilespmem:s22+$0x3DB0]  }
0x1f4: {  	v8 =	vmul.f32 v8, v6;
	v9 =	vmul.f32 v9, v7;
	_ =	sdelay $0x1  }
0x1f5: {  	v31 =	vmul.f32 v29, v4;
	v8 =	vadd.f32 v9, v8;
	_ =	sdelay $0x1  }
0x1f6: {  	v32 =	vmul.f32 v30, v3;
	v8 =	vadd.f32 v31, v8;
	_ =	sdelay $0x1  }
0x1f7: {  	v8 =	vadd.f32 v32, v8;
	_ =	sdelay $0x1  }
0x1f8: {  	(xrf2) =	vadd.scan.msk.f32 $0xffff, v8;
	_ =	sdelay $0x5  }
0x1f9: {  	v33 =	vadd.s32 $0xE, v5;
	_ =	sdelay $0x3  }
0x1fa: {  	v34, _, _ =	vpop (xrf2)  }
0x1fb: {  	[tilespmem:v33+s14+$0x0] =	vst.idx.msk vm0, v34  }
0x1fc: {  	v8 =	vld [tilespmem:s22+$0x3DC0]  }
0x1fd: {  	v9 =	vld [tilespmem:s22+$0x3DD0];
	_ =	sdelay $0x1  }
0x1fe: {  	v35 =	vld [tilespmem:s22+$0x3DE0];
	_ =	sdelay $0x1  }
0x1ff: {  	v36 =	vld [tilespmem:s22+$0x3DF0]  }
0x200: {  	v8 =	vmul.f32 v8, v6;
	v9 =	vmul.f32 v9, v7;
	_ =	sdelay $0x1  }
0x201: {  	v37 =	vmul.f32 v35, v4;
	v8 =	vadd.f32 v9, v8;
	_ =	sdelay $0x1  }
0x202: {  	v38 =	vmul.f32 v36, v3;
	v8 =	vadd.f32 v37, v8;
	_ =	sdelay $0x1  }
0x203: {  	v8 =	vadd.f32 v38, v8;
	_ =	sdelay $0x1  }
0x204: {  	(xrf2) =	vadd.scan.msk.f32 $0xffff, v8;
	_ =	sdelay $0x5  }
0x205: {  	v5 =	vadd.s32 $0xF, v5;
	_ =	sdelay $0x3  }
0x206: {  	v8, _, _ =	vpop (xrf2)  }
0x207: {  	[tilespmem:v5+s14+$0x0] =	vst.idx.msk vm0, v8  }
0x208: {  	v5 =	vld [tilespmem:s22+$0x3E00]  }
0x209: {  	v8 =	vld [tilespmem:s22+$0x3E10];
	_ =	sdelay $0x1  }
0x20a: {  	v39 =	vld [tilespmem:s22+$0x3E20];
	_ =	sdelay $0x1  }
0x20b: {  	v40 =	vld [tilespmem:s22+$0x3E30]  }
0x20c: {  	v5 =	vmul.f32 v5, v6;
	v8 =	vmul.f32 v8, v7;
	_ =	sdelay $0x1  }
0x20d: {  	v41 =	vmul.f32 v39, v4;
	v5 =	vadd.f32 v8, v5;
	_ =	sdelay $0x1  }
0x20e: {  	v42 =	vmul.f32 v40, v3;
	v5 =	vadd.f32 v41, v5;
	_ =	sdelay $0x1  }
0x20f: {  	v5 =	vadd.f32 v42, v5;
	_ =	sdelay $0x1  }
0x210: {  	(xrf2) =	vadd.scan.msk.f32 $0xffff, v5;
	_ =	sdelay $0x5  }
0x211: {  	v43 =	vadd.s32 $0x14, v2;
	_ =	sdelay $0x3  }
0x212: {  	v44, _, _ =	vpop (xrf2)  }
0x213: {  	[tilespmem:v43+s14+$0x0] =	vst.idx.msk vm0, v44  }
0x214: {  	v5 =	vld [tilespmem:s22+$0x3E40]  }
0x215: {  	v8 =	vld [tilespmem:s22+$0x3E50];
	_ =	sdelay $0x1  }
0x216: {  	v45 =	vld [tilespmem:s22+$0x3E60];
	_ =	sdelay $0x1  }
0x217: {  	v46 =	vld [tilespmem:s22+$0x3E70]  }
0x218: {  	v5 =	vmul.f32 v5, v6;
	v8 =	vmul.f32 v8, v7;
	_ =	sdelay $0x1  }
0x219: {  	v47 =	vmul.f32 v45, v4;
	v5 =	vadd.f32 v8, v5;
	_ =	sdelay $0x1  }
0x21a: {  	v48 =	vmul.f32 v46, v3;
	v5 =	vadd.f32 v47, v5;
	_ =	sdelay $0x1  }
0x21b: {  	v5 =	vadd.f32 v48, v5;
	_ =	sdelay $0x1  }
0x21c: {  	(xrf2) =	vadd.scan.msk.f32 $0xffff, v5;
	_ =	sdelay $0x5  }
0x21d: {  	v49 =	vadd.s32 $0x15, v2;
	_ =	sdelay $0x3  }
0x21e: {  	v50, _, _ =	vpop (xrf2)  }
0x21f: {  	[tilespmem:v49+s14+$0x0] =	vst.idx.msk vm0, v50  }
0x220: {  	v5 =	vld [tilespmem:s22+$0x3E80]  }
0x221: {  	v8 =	vld [tilespmem:s22+$0x3E90];
	_ =	sdelay $0x1  }
0x222: {  	v51 =	vld [tilespmem:s22+$0x3EA0];
	_ =	sdelay $0x1  }
0x223: {  	v52 =	vld [tilespmem:s22+$0x3EB0]  }
0x224: {  	v5 =	vmul.f32 v5, v6;
	v8 =	vmul.f32 v8, v7;
	_ =	sdelay $0x1  }
0x225: {  	v53 =	vmul.f32 v51, v4;
	v5 =	vadd.f32 v8, v5;
	_ =	sdelay $0x1  }
0x226: {  	v54 =	vmul.f32 v52, v3;
	v5 =	vadd.f32 v53, v5;
	_ =	sdelay $0x1  }
0x227: {  	v5 =	vadd.f32 v54, v5;
	_ =	sdelay $0x1  }
0x228: {  	(xrf2) =	vadd.scan.msk.f32 $0xffff, v5;
	_ =	sdelay $0x5  }
0x229: {  	v55 =	vadd.s32 $0x16, v2;
	_ =	sdelay $0x3  }
0x22a: {  	v56, _, _ =	vpop (xrf2)  }
0x22b: {  	[tilespmem:v55+s14+$0x0] =	vst.idx.msk vm0, v56  }
0x22c: {  	v57 =	vld [tilespmem:s22+$0x3EC0]  }
0x22d: {  	s23 =	sor.u32 $0x2, s20;
	v58 =	vld [tilespmem:s22+$0x3ED0]  }
0x22e: {  	s24 =	sshll.u32 s23, $0x6;
	v59 =	vld [tilespmem:s22+$0x3EE0]  }
0x22f: {  	s24 =	sand.u32 $0x3FFFFFC0, s24;
	v60 =	vld [tilespmem:s22+$0x3EF0];
	s22 =	smul.u32 $0x1400, s23  }
0x230: {  	v10 =	vld [tilespmem:s24+$0x2A10]  }
0x231: {  	v9 =	vld [tilespmem:s24+$0x2A00];
	s22 =	sshra.s32 s22, $0x2  }
0x232: {  	v61 =	vld [tilespmem:s22+$0x3A00]  }
0x233: {  	v16 =	vld [tilespmem:s22+$0x3A10]  }
0x234: {  	v8 =	vld [tilespmem:s24+$0x2A20]  }
0x235: {  	v17 =	vld [tilespmem:s22+$0x3A20]  }
0x236: {  	v5 =	vld [tilespmem:s24+$0x2A30]  }
0x237: {  	v62 =	vld [tilespmem:s22+$0x3A30];
	v6 =	vmul.f32 v57, v6;
	v7 =	vmul.f32 v58, v7  }
0x238: {  	v63 =	vmul.f32 v61, v9;
	v18 =	vmul.f32 v16, v10  }
0x239: {  	v4 =	vmul.f32 v59, v4;
	v6 =	vadd.f32 v7, v6  }
0x23a: {  	v20 =	vmul.f32 v17, v8;
	v19 =	vadd.f32 v18, v63  }
0x23b: {  	v3 =	vmul.f32 v60, v3;
	v4 =	vadd.f32 v4, v6  }
0x23c: {  	v22 =	vmul.f32 v62, v5;
	v21 =	vadd.f32 v20, v19  }
0x23d: {  	v3 =	vadd.f32 v3, v4  }
0x23e: {  	v23 =	vadd.f32 v22, v21  }
0x23f: {  	(xrf2) =	vadd.scan.msk.f32 $0xffff, v3  }
0x240: {  	(xrf2) =	vadd.scan.msk.f32 $0xffff, v23;
	_ =	sdelay $0x2  }
0x241: {  	s23 =	sadd.s32 s19, s23  }
0x242: {  	s23 =	smul.u32 $0x14, s23;
	_ =	sdelay $0x1  }
0x243: {  	v4 =	vmov s23;
	_ =	sdelay $0x2  }
0x244: {  	v3, _, _ =	vpop (xrf2)  }
0x245: {  	v24, _, _ =	vpop (xrf2)  }
0x246: {  	[tilespmem:v4+s14+$0x0] =	vst.idx.msk vm0, v24  }
0x247: {  	v6 =	vld [tilespmem:s22+$0x3A40]  }
0x248: {  	v25 =	vld [tilespmem:s22+$0x3A50];
	_ =	sdelay $0x1  }
0x249: {  	v26 =	vld [tilespmem:s22+$0x3A60];
	_ =	sdelay $0x1  }
0x24a: {  	v27 =	vld [tilespmem:s22+$0x3A70]  }
0x24b: {  	v6 =	vmul.f32 v6, v9;
	v7 =	vmul.f32 v25, v10;
	_ =	sdelay $0x1  }
0x24c: {  	v28 =	vmul.f32 v26, v8;
	v6 =	vadd.f32 v7, v6;
	_ =	sdelay $0x1  }
0x24d: {  	v29 =	vmul.f32 v27, v5;
	v6 =	vadd.f32 v28, v6;
	_ =	sdelay $0x1  }
0x24e: {  	v6 =	vadd.f32 v29, v6;
	_ =	sdelay $0x1  }
0x24f: {  	(xrf2) =	vadd.scan.msk.f32 $0xffff, v6;
	_ =	sdelay $0x5  }
0x250: {  	v30 =	vor.u32 $0x1, v4;
	_ =	sdelay $0x3  }
0x251: {  	v31, _, _ =	vpop (xrf2)  }
0x252: {  	[tilespmem:v30+s14+$0x0] =	vst.idx.msk vm0, v31  }
0x253: {  	v6 =	vld [tilespmem:s22+$0x3A80]  }
0x254: {  	v7 =	vld [tilespmem:s22+$0x3A90];
	_ =	sdelay $0x1  }
0x255: {  	v32 =	vld [tilespmem:s22+$0x3AA0];
	_ =	sdelay $0x1  }
0x256: {  	v33 =	vld [tilespmem:s22+$0x3AB0]  }
0x257: {  	v6 =	vmul.f32 v6, v9;
	v7 =	vmul.f32 v7, v10;
	_ =	sdelay $0x1  }
0x258: {  	v34 =	vmul.f32 v32, v8;
	v6 =	vadd.f32 v7, v6;
	_ =	sdelay $0x1  }
0x259: {  	v35 =	vmul.f32 v33, v5;
	v6 =	vadd.f32 v34, v6;
	_ =	sdelay $0x1  }
0x25a: {  	v6 =	vadd.f32 v35, v6;
	_ =	sdelay $0x1  }
0x25b: {  	(xrf2) =	vadd.scan.msk.f32 $0xffff, v6;
	_ =	sdelay $0x5  }
0x25c: {  	v36 =	vor.u32 $0x2, v4;
	_ =	sdelay $0x3  }
0x25d: {  	v37, _, _ =	vpop (xrf2)  }
0x25e: {  	[tilespmem:v36+s14+$0x0] =	vst.idx.msk vm0, v37  }
0x25f: {  	v6 =	vld [tilespmem:s22+$0x3AC0]  }
0x260: {  	v7 =	vld [tilespmem:s22+$0x3AD0];
	_ =	sdelay $0x1  }
0x261: {  	v38 =	vld [tilespmem:s22+$0x3AE0];
	_ =	sdelay $0x1  }
0x262: {  	v39 =	vld [tilespmem:s22+$0x3AF0]  }
0x263: {  	v6 =	vmul.f32 v6, v9;
	v7 =	vmul.f32 v7, v10;
	_ =	sdelay $0x1  }
0x264: {  	v40 =	vmul.f32 v38, v8;
	v6 =	vadd.f32 v7, v6;
	_ =	sdelay $0x1  }
0x265: {  	v41 =	vmul.f32 v39, v5;
	v6 =	vadd.f32 v40, v6;
	_ =	sdelay $0x1  }
0x266: {  	v6 =	vadd.f32 v41, v6;
	_ =	sdelay $0x1  }
0x267: {  	(xrf2) =	vadd.scan.msk.f32 $0xffff, v6;
	_ =	sdelay $0x5  }
0x268: {  	v42 =	vor.u32 $0x3, v4;
	_ =	sdelay $0x3  }
0x269: {  	v43, _, _ =	vpop (xrf2)  }
0x26a: {  	[tilespmem:v42+s14+$0x0] =	vst.idx.msk vm0, v43  }
0x26b: {  	v6 =	vld [tilespmem:s22+$0x3B00]  }
0x26c: {  	v7 =	vld [tilespmem:s22+$0x3B10];
	_ =	sdelay $0x1  }
0x26d: {  	v44 =	vld [tilespmem:s22+$0x3B20];
	_ =	sdelay $0x1  }
0x26e: {  	v45 =	vld [tilespmem:s22+$0x3B30]  }
0x26f: {  	v6 =	vmul.f32 v6, v9;
	v7 =	vmul.f32 v7, v10;
	_ =	sdelay $0x1  }
0x270: {  	v46 =	vmul.f32 v44, v8;
	v6 =	vadd.f32 v7, v6;
	_ =	sdelay $0x1  }
0x271: {  	v47 =	vmul.f32 v45, v5;
	v6 =	vadd.f32 v46, v6;
	_ =	sdelay $0x1  }
0x272: {  	v6 =	vadd.f32 v47, v6;
	_ =	sdelay $0x1  }
0x273: {  	(xrf2) =	vadd.scan.msk.f32 $0xffff, v6;
	_ =	sdelay $0x5  }
0x274: {  	v48 =	vor.u32 $0x4, v4;
	_ =	sdelay $0x3  }
0x275: {  	v49, _, _ =	vpop (xrf2)  }
0x276: {  	[tilespmem:v48+s14+$0x0] =	vst.idx.msk vm0, v49  }
0x277: {  	v6 =	vld [tilespmem:s22+$0x3B40]  }
0x278: {  	v7 =	vld [tilespmem:s22+$0x3B50];
	_ =	sdelay $0x1  }
0x279: {  	v50 =	vld [tilespmem:s22+$0x3B60];
	_ =	sdelay $0x1  }
0x27a: {  	v51 =	vld [tilespmem:s22+$0x3B70]  }
0x27b: {  	v6 =	vmul.f32 v6, v9;
	v7 =	vmul.f32 v7, v10;
	_ =	sdelay $0x1  }
0x27c: {  	v52 =	vmul.f32 v50, v8;
	v6 =	vadd.f32 v7, v6;
	_ =	sdelay $0x1  }
0x27d: {  	v53 =	vmul.f32 v51, v5;
	v6 =	vadd.f32 v52, v6;
	_ =	sdelay $0x1  }
0x27e: {  	v6 =	vadd.f32 v53, v6;
	_ =	sdelay $0x1  }
0x27f: {  	(xrf2) =	vadd.scan.msk.f32 $0xffff, v6;
	_ =	sdelay $0x5  }
0x280: {  	v54 =	vor.u32 $0x5, v4;
	_ =	sdelay $0x3  }
0x281: {  	v55, _, _ =	vpop (xrf2)  }
0x282: {  	[tilespmem:v54+s14+$0x0] =	vst.idx.msk vm0, v55  }
0x283: {  	v6 =	vld [tilespmem:s22+$0x3B80]  }
0x284: {  	v7 =	vld [tilespmem:s22+$0x3B90];
	_ =	sdelay $0x1  }
0x285: {  	v56 =	vld [tilespmem:s22+$0x3BA0];
	_ =	sdelay $0x1  }
0x286: {  	v57 =	vld [tilespmem:s22+$0x3BB0]  }
0x287: {  	v6 =	vmul.f32 v6, v9;
	v7 =	vmul.f32 v7, v10;
	_ =	sdelay $0x1  }
0x288: {  	v58 =	vmul.f32 v56, v8;
	v6 =	vadd.f32 v7, v6;
	_ =	sdelay $0x1  }
0x289: {  	v59 =	vmul.f32 v57, v5;
	v6 =	vadd.f32 v58, v6;
	_ =	sdelay $0x1  }
0x28a: {  	v6 =	vadd.f32 v59, v6;
	_ =	sdelay $0x1  }
0x28b: {  	(xrf2) =	vadd.scan.msk.f32 $0xffff, v6;
	_ =	sdelay $0x5  }
0x28c: {  	v60 =	vor.u32 $0x6, v4;
	_ =	sdelay $0x3  }
0x28d: {  	v61, _, _ =	vpop (xrf2)  }
0x28e: {  	[tilespmem:v60+s14+$0x0] =	vst.idx.msk vm0, v61  }
0x28f: {  	v6 =	vld [tilespmem:s22+$0x3BC0]  }
0x290: {  	v7 =	vld [tilespmem:s22+$0x3BD0];
	_ =	sdelay $0x1  }
0x291: {  	v62 =	vld [tilespmem:s22+$0x3BE0];
	_ =	sdelay $0x1  }
0x292: {  	v63 =	vld [tilespmem:s22+$0x3BF0]  }
0x293: {  	v6 =	vmul.f32 v6, v9;
	v7 =	vmul.f32 v7, v10;
	_ =	sdelay $0x1  }
0x294: {  	v16 =	vmul.f32 v62, v8;
	v6 =	vadd.f32 v7, v6;
	_ =	sdelay $0x1  }
0x295: {  	v17 =	vmul.f32 v63, v5;
	v6 =	vadd.f32 v16, v6;
	_ =	sdelay $0x1  }
0x296: {  	v6 =	vadd.f32 v17, v6;
	_ =	sdelay $0x1  }
0x297: {  	(xrf2) =	vadd.scan.msk.f32 $0xffff, v6;
	_ =	sdelay $0x5  }
0x298: {  	v18 =	vor.u32 $0x7, v4;
	_ =	sdelay $0x3  }
0x299: {  	v19, _, _ =	vpop (xrf2)  }
0x29a: {  	[tilespmem:v18+s14+$0x0] =	vst.idx.msk vm0, v19  }
0x29b: {  	v6 =	vld [tilespmem:s22+$0x3C00]  }
0x29c: {  	v7 =	vld [tilespmem:s22+$0x3C10];
	_ =	sdelay $0x1  }
0x29d: {  	v20 =	vld [tilespmem:s22+$0x3C20];
	_ =	sdelay $0x1  }
0x29e: {  	v21 =	vld [tilespmem:s22+$0x3C30]  }
0x29f: {  	v6 =	vmul.f32 v6, v9;
	v7 =	vmul.f32 v7, v10;
	_ =	sdelay $0x1  }
0x2a0: {  	v22 =	vmul.f32 v20, v8;
	v6 =	vadd.f32 v7, v6;
	_ =	sdelay $0x1  }
0x2a1: {  	v23 =	vmul.f32 v21, v5;
	v6 =	vadd.f32 v22, v6;
	_ =	sdelay $0x1  }
0x2a2: {  	v6 =	vadd.f32 v23, v6;
	_ =	sdelay $0x1  }
0x2a3: {  	(xrf2) =	vadd.scan.msk.f32 $0xffff, v6;
	_ =	sdelay $0x5  }
0x2a4: {  	v24 =	vadd.s32 $0x8, v4;
	_ =	sdelay $0x3  }
0x2a5: {  	v25, _, _ =	vpop (xrf2)  }
0x2a6: {  	[tilespmem:v24+s14+$0x0] =	vst.idx.msk vm0, v25  }
0x2a7: {  	v6 =	vld [tilespmem:s22+$0x3C40]  }
0x2a8: {  	v7 =	vld [tilespmem:s22+$0x3C50];
	_ =	sdelay $0x1  }
0x2a9: {  	v26 =	vld [tilespmem:s22+$0x3C60];
	_ =	sdelay $0x1  }
0x2aa: {  	v27 =	vld [tilespmem:s22+$0x3C70]  }
0x2ab: {  	v6 =	vmul.f32 v6, v9;
	v7 =	vmul.f32 v7, v10;
	_ =	sdelay $0x1  }
0x2ac: {  	v28 =	vmul.f32 v26, v8;
	v6 =	vadd.f32 v7, v6;
	_ =	sdelay $0x1  }
0x2ad: {  	v29 =	vmul.f32 v27, v5;
	v6 =	vadd.f32 v28, v6;
	_ =	sdelay $0x1  }
0x2ae: {  	v6 =	vadd.f32 v29, v6;
	_ =	sdelay $0x1  }
0x2af: {  	(xrf2) =	vadd.scan.msk.f32 $0xffff, v6;
	_ =	sdelay $0x5  }
0x2b0: {  	v30 =	vadd.s32 $0x9, v4;
	_ =	sdelay $0x3  }
0x2b1: {  	v31, _, _ =	vpop (xrf2)  }
0x2b2: {  	[tilespmem:v30+s14+$0x0] =	vst.idx.msk vm0, v31  }
0x2b3: {  	v6 =	vld [tilespmem:s22+$0x3C80]  }
0x2b4: {  	v7 =	vld [tilespmem:s22+$0x3C90];
	_ =	sdelay $0x1  }
0x2b5: {  	v32 =	vld [tilespmem:s22+$0x3CA0];
	_ =	sdelay $0x1  }
0x2b6: {  	v33 =	vld [tilespmem:s22+$0x3CB0]  }
0x2b7: {  	v6 =	vmul.f32 v6, v9;
	v7 =	vmul.f32 v7, v10;
	_ =	sdelay $0x1  }
0x2b8: {  	v34 =	vmul.f32 v32, v8;
	v6 =	vadd.f32 v7, v6;
	_ =	sdelay $0x1  }
0x2b9: {  	v35 =	vmul.f32 v33, v5;
	v6 =	vadd.f32 v34, v6;
	_ =	sdelay $0x1  }
0x2ba: {  	v6 =	vadd.f32 v35, v6;
	_ =	sdelay $0x1  }
0x2bb: {  	(xrf2) =	vadd.scan.msk.f32 $0xffff, v6;
	_ =	sdelay $0x5  }
0x2bc: {  	v36 =	vadd.s32 $0xA, v4;
	_ =	sdelay $0x3  }
0x2bd: {  	v37, _, _ =	vpop (xrf2)  }
0x2be: {  	[tilespmem:v36+s14+$0x0] =	vst.idx.msk vm0, v37  }
0x2bf: {  	v6 =	vld [tilespmem:s22+$0x3CC0]  }
0x2c0: {  	v7 =	vld [tilespmem:s22+$0x3CD0];
	_ =	sdelay $0x1  }
0x2c1: {  	v38 =	vld [tilespmem:s22+$0x3CE0];
	_ =	sdelay $0x1  }
0x2c2: {  	v39 =	vld [tilespmem:s22+$0x3CF0]  }
0x2c3: {  	v6 =	vmul.f32 v6, v9;
	v7 =	vmul.f32 v7, v10;
	_ =	sdelay $0x1  }
0x2c4: {  	v40 =	vmul.f32 v38, v8;
	v6 =	vadd.f32 v7, v6;
	_ =	sdelay $0x1  }
0x2c5: {  	v41 =	vmul.f32 v39, v5;
	v6 =	vadd.f32 v40, v6;
	_ =	sdelay $0x1  }
0x2c6: {  	v6 =	vadd.f32 v41, v6;
	_ =	sdelay $0x1  }
0x2c7: {  	(xrf2) =	vadd.scan.msk.f32 $0xffff, v6;
	_ =	sdelay $0x5  }
0x2c8: {  	v42 =	vadd.s32 $0xB, v4;
	_ =	sdelay $0x3  }
0x2c9: {  	v43, _, _ =	vpop (xrf2)  }
0x2ca: {  	[tilespmem:v42+s14+$0x0] =	vst.idx.msk vm0, v43  }
0x2cb: {  	v6 =	vld [tilespmem:s22+$0x3D00]  }
0x2cc: {  	v7 =	vld [tilespmem:s22+$0x3D10];
	_ =	sdelay $0x1  }
0x2cd: {  	v44 =	vld [tilespmem:s22+$0x3D20];
	_ =	sdelay $0x1  }
0x2ce: {  	v45 =	vld [tilespmem:s22+$0x3D30]  }
0x2cf: {  	v6 =	vmul.f32 v6, v9;
	v7 =	vmul.f32 v7, v10;
	_ =	sdelay $0x1  }
0x2d0: {  	v46 =	vmul.f32 v44, v8;
	v6 =	vadd.f32 v7, v6;
	_ =	sdelay $0x1  }
0x2d1: {  	v47 =	vmul.f32 v45, v5;
	v6 =	vadd.f32 v46, v6;
	_ =	sdelay $0x1  }
0x2d2: {  	v6 =	vadd.f32 v47, v6;
	_ =	sdelay $0x1  }
0x2d3: {  	(xrf2) =	vadd.scan.msk.f32 $0xffff, v6;
	_ =	sdelay $0x5  }
0x2d4: {  	v48 =	vadd.s32 $0xC, v4;
	_ =	sdelay $0x3  }
0x2d5: {  	v49, _, _ =	vpop (xrf2)  }
0x2d6: {  	[tilespmem:v48+s14+$0x0] =	vst.idx.msk vm0, v49  }
0x2d7: {  	v6 =	vld [tilespmem:s22+$0x3D40]  }
0x2d8: {  	v7 =	vld [tilespmem:s22+$0x3D50];
	_ =	sdelay $0x1  }
0x2d9: {  	v50 =	vld [tilespmem:s22+$0x3D60];
	_ =	sdelay $0x1  }
0x2da: {  	v51 =	vld [tilespmem:s22+$0x3D70]  }
0x2db: {  	v6 =	vmul.f32 v6, v9;
	v7 =	vmul.f32 v7, v10;
	_ =	sdelay $0x1  }
0x2dc: {  	v52 =	vmul.f32 v50, v8;
	v6 =	vadd.f32 v7, v6;
	_ =	sdelay $0x1  }
0x2dd: {  	v53 =	vmul.f32 v51, v5;
	v6 =	vadd.f32 v52, v6;
	_ =	sdelay $0x1  }
0x2de: {  	v6 =	vadd.f32 v53, v6;
	_ =	sdelay $0x1  }
0x2df: {  	(xrf2) =	vadd.scan.msk.f32 $0xffff, v6;
	_ =	sdelay $0x5  }
0x2e0: {  	v54 =	vadd.s32 $0xD, v4;
	_ =	sdelay $0x3  }
0x2e1: {  	v55, _, _ =	vpop (xrf2)  }
0x2e2: {  	[tilespmem:v54+s14+$0x0] =	vst.idx.msk vm0, v55  }
0x2e3: {  	v6 =	vld [tilespmem:s22+$0x3D80]  }
0x2e4: {  	v7 =	vld [tilespmem:s22+$0x3D90];
	_ =	sdelay $0x1  }
0x2e5: {  	v56 =	vld [tilespmem:s22+$0x3DA0];
	_ =	sdelay $0x1  }
0x2e6: {  	v57 =	vld [tilespmem:s22+$0x3DB0]  }
0x2e7: {  	v6 =	vmul.f32 v6, v9;
	v7 =	vmul.f32 v7, v10;
	_ =	sdelay $0x1  }
0x2e8: {  	v58 =	vmul.f32 v56, v8;
	v6 =	vadd.f32 v7, v6;
	_ =	sdelay $0x1  }
0x2e9: {  	v59 =	vmul.f32 v57, v5;
	v6 =	vadd.f32 v58, v6;
	_ =	sdelay $0x1  }
0x2ea: {  	v6 =	vadd.f32 v59, v6;
	_ =	sdelay $0x1  }
0x2eb: {  	(xrf2) =	vadd.scan.msk.f32 $0xffff, v6;
	_ =	sdelay $0x5  }
0x2ec: {  	v60 =	vadd.s32 $0xE, v4;
	_ =	sdelay $0x3  }
0x2ed: {  	v61, _, _ =	vpop (xrf2)  }
0x2ee: {  	[tilespmem:v60+s14+$0x0] =	vst.idx.msk vm0, v61  }
0x2ef: {  	v6 =	vld [tilespmem:s22+$0x3DC0]  }
0x2f0: {  	v7 =	vld [tilespmem:s22+$0x3DD0];
	_ =	sdelay $0x1  }
0x2f1: {  	v62 =	vld [tilespmem:s22+$0x3DE0];
	_ =	sdelay $0x1  }
0x2f2: {  	v63 =	vld [tilespmem:s22+$0x3DF0]  }
0x2f3: {  	v6 =	vmul.f32 v6, v9;
	v7 =	vmul.f32 v7, v10;
	_ =	sdelay $0x1  }
0x2f4: {  	v13 =	vmul.f32 v62, v8;
	v6 =	vadd.f32 v7, v6;
	_ =	sdelay $0x1  }
0x2f5: {  	v14 =	vmul.f32 v63, v5;
	v6 =	vadd.f32 v13, v6;
	_ =	sdelay $0x1  }
0x2f6: {  	v6 =	vadd.f32 v14, v6;
	_ =	sdelay $0x1  }
0x2f7: {  	(xrf2) =	vadd.scan.msk.f32 $0xffff, v6;
	_ =	sdelay $0x5  }
0x2f8: {  	v15 =	vadd.s32 $0xF, v4;
	_ =	sdelay $0x3  }
0x2f9: {  	v16, _, _ =	vpop (xrf2)  }
0x2fa: {  	[tilespmem:v15+s14+$0x0] =	vst.idx.msk vm0, v16  }
0x2fb: {  	v6 =	vld [tilespmem:s22+$0x3E00]  }
0x2fc: {  	v7 =	vld [tilespmem:s22+$0x3E10];
	_ =	sdelay $0x1  }
0x2fd: {  	v17 =	vld [tilespmem:s22+$0x3E20];
	_ =	sdelay $0x1  }
0x2fe: {  	v18 =	vld [tilespmem:s22+$0x3E30]  }
0x2ff: {  	v6 =	vmul.f32 v6, v9;
	v7 =	vmul.f32 v7, v10;
	_ =	sdelay $0x1  }
0x300: {  	v19 =	vmul.f32 v17, v8;
	v6 =	vadd.f32 v7, v6;
	_ =	sdelay $0x1  }
0x301: {  	v20 =	vmul.f32 v18, v5;
	v6 =	vadd.f32 v19, v6;
	_ =	sdelay $0x1  }
0x302: {  	v6 =	vadd.f32 v20, v6;
	_ =	sdelay $0x1  }
0x303: {  	(xrf2) =	vadd.scan.msk.f32 $0xffff, v6;
	_ =	sdelay $0x5  }
0x304: {  	v21 =	vadd.s32 $0x10, v4;
	_ =	sdelay $0x3  }
0x305: {  	v22, _, _ =	vpop (xrf2)  }
0x306: {  	[tilespmem:v21+s14+$0x0] =	vst.idx.msk vm0, v22  }
0x307: {  	v6 =	vld [tilespmem:s22+$0x3E40]  }
0x308: {  	v7 =	vld [tilespmem:s22+$0x3E50];
	_ =	sdelay $0x1  }
0x309: {  	v23 =	vld [tilespmem:s22+$0x3E60];
	_ =	sdelay $0x1  }
0x30a: {  	v24 =	vld [tilespmem:s22+$0x3E70]  }
0x30b: {  	v6 =	vmul.f32 v6, v9;
	v7 =	vmul.f32 v7, v10;
	_ =	sdelay $0x1  }
0x30c: {  	v25 =	vmul.f32 v23, v8;
	v6 =	vadd.f32 v7, v6;
	_ =	sdelay $0x1  }
0x30d: {  	v26 =	vmul.f32 v24, v5;
	v6 =	vadd.f32 v25, v6;
	_ =	sdelay $0x1  }
0x30e: {  	v6 =	vadd.f32 v26, v6;
	_ =	sdelay $0x1  }
0x30f: {  	(xrf2) =	vadd.scan.msk.f32 $0xffff, v6;
	_ =	sdelay $0x5  }
0x310: {  	v27 =	vadd.s32 $0x11, v4;
	_ =	sdelay $0x3  }
0x311: {  	v28, _, _ =	vpop (xrf2)  }
0x312: {  	[tilespmem:v27+s14+$0x0] =	vst.idx.msk vm0, v28  }
0x313: {  	v6 =	vld [tilespmem:s22+$0x3E80]  }
0x314: {  	v7 =	vld [tilespmem:s22+$0x3E90];
	_ =	sdelay $0x1  }
0x315: {  	v29 =	vld [tilespmem:s22+$0x3EA0];
	_ =	sdelay $0x1  }
0x316: {  	v30 =	vld [tilespmem:s22+$0x3EB0]  }
0x317: {  	v6 =	vmul.f32 v6, v9;
	v7 =	vmul.f32 v7, v10;
	_ =	sdelay $0x1  }
0x318: {  	v31 =	vmul.f32 v29, v8;
	v6 =	vadd.f32 v7, v6;
	_ =	sdelay $0x1  }
0x319: {  	v32 =	vmul.f32 v30, v5;
	v6 =	vadd.f32 v31, v6;
	_ =	sdelay $0x1  }
0x31a: {  	v6 =	vadd.f32 v32, v6;
	_ =	sdelay $0x1  }
0x31b: {  	(xrf2) =	vadd.scan.msk.f32 $0xffff, v6;
	_ =	sdelay $0x5  }
0x31c: {  	v33 =	vadd.s32 $0x12, v4;
	_ =	sdelay $0x3  }
0x31d: {  	v34, _, _ =	vpop (xrf2)  }
0x31e: {  	[tilespmem:v33+s14+$0x0] =	vst.idx.msk vm0, v34  }
0x31f: {  	v35 =	vld [tilespmem:s22+$0x3EC0]  }
0x320: {  	s23 =	sor.u32 $0x3, s20;
	v36 =	vld [tilespmem:s22+$0x3ED0]  }
0x321: {  	s24 =	sshll.u32 s23, $0x6;
	v37 =	vld [tilespmem:s22+$0x3EE0]  }
0x322: {  	s24 =	sand.u32 $0x3FFFFFC0, s24;
	v38 =	vld [tilespmem:s22+$0x3EF0];
	s22 =	smul.u32 $0x1400, s23  }
0x323: {  	v7 =	vld [tilespmem:s24+$0x2A10]  }
0x324: {  	v6 =	vld [tilespmem:s24+$0x2A00];
	s22 =	sshra.s32 s22, $0x2  }
0x325: {  	v39 =	vld [tilespmem:s22+$0x3A00]  }
0x326: {  	v18 =	vld [tilespmem:s22+$0x3A10]  }
0x327: {  	v11 =	vld [tilespmem:s24+$0x2A20]  }
0x328: {  	v19 =	vld [tilespmem:s22+$0x3A20]  }
0x329: {  	v12 =	vld [tilespmem:s24+$0x2A30]  }
0x32a: {  	v40 =	vld [tilespmem:s22+$0x3A30];
	v9 =	vmul.f32 v35, v9;
	v10 =	vmul.f32 v36, v10  }
0x32b: {  	v41 =	vmul.f32 v39, v6;
	v42 =	vmul.f32 v18, v7  }
0x32c: {  	v8 =	vmul.f32 v37, v8;
	v9 =	vadd.f32 v10, v9  }
0x32d: {  	v44 =	vmul.f32 v19, v11;
	v43 =	vadd.f32 v42, v41  }
0x32e: {  	v5 =	vmul.f32 v38, v5;
	v8 =	vadd.f32 v8, v9  }
0x32f: {  	v46 =	vmul.f32 v40, v12;
	v45 =	vadd.f32 v44, v43  }
0x330: {  	v5 =	vadd.f32 v5, v8  }
0x331: {  	v47 =	vadd.f32 v46, v45  }
0x332: {  	(xrf2) =	vadd.scan.msk.f32 $0xffff, v5  }
0x333: {  	(xrf2) =	vadd.scan.msk.f32 $0xffff, v47;
	_ =	sdelay $0x2  }
0x334: {  	s23 =	sadd.s32 s19, s23  }
0x335: {  	s23 =	smul.u32 $0x14, s23;
	_ =	sdelay $0x1  }
0x336: {  	v8 =	vmov s23;
	_ =	sdelay $0x2  }
0x337: {  	v5, _, _ =	vpop (xrf2)  }
0x338: {  	v48, _, _ =	vpop (xrf2)  }
0x339: {  	[tilespmem:v8+s14+$0x0] =	vst.idx.msk vm0, v48  }
0x33a: {  	v9 =	vld [tilespmem:s22+$0x3A40]  }
0x33b: {  	v49 =	vld [tilespmem:s22+$0x3A50];
	_ =	sdelay $0x1  }
0x33c: {  	v50 =	vld [tilespmem:s22+$0x3A60];
	_ =	sdelay $0x1  }
0x33d: {  	v51 =	vld [tilespmem:s22+$0x3A70]  }
0x33e: {  	v9 =	vmul.f32 v9, v6;
	v10 =	vmul.f32 v49, v7;
	_ =	sdelay $0x1  }
0x33f: {  	v52 =	vmul.f32 v50, v11;
	v9 =	vadd.f32 v10, v9;
	_ =	sdelay $0x1  }
0x340: {  	v53 =	vmul.f32 v51, v12;
	v9 =	vadd.f32 v52, v9;
	_ =	sdelay $0x1  }
0x341: {  	v9 =	vadd.f32 v53, v9;
	_ =	sdelay $0x1  }
0x342: {  	(xrf2) =	vadd.scan.msk.f32 $0xffff, v9;
	_ =	sdelay $0x5  }
0x343: {  	v54 =	vor.u32 $0x5, v8;
	_ =	sdelay $0x3  }
0x344: {  	v55, _, _ =	vpop (xrf2)  }
0x345: {  	[tilespmem:v54+s14+$0x0] =	vst.idx.msk vm0, v55  }
0x346: {  	v9 =	vld [tilespmem:s22+$0x3A80]  }
0x347: {  	v10 =	vld [tilespmem:s22+$0x3A90];
	_ =	sdelay $0x1  }
0x348: {  	v56 =	vld [tilespmem:s22+$0x3AA0];
	_ =	sdelay $0x1  }
0x349: {  	v57 =	vld [tilespmem:s22+$0x3AB0]  }
0x34a: {  	v9 =	vmul.f32 v9, v6;
	v10 =	vmul.f32 v10, v7;
	_ =	sdelay $0x1  }
0x34b: {  	v58 =	vmul.f32 v56, v11;
	v9 =	vadd.f32 v10, v9;
	_ =	sdelay $0x1  }
0x34c: {  	v59 =	vmul.f32 v57, v12;
	v9 =	vadd.f32 v58, v9;
	_ =	sdelay $0x1  }
0x34d: {  	v9 =	vadd.f32 v59, v9;
	_ =	sdelay $0x1  }
0x34e: {  	(xrf2) =	vadd.scan.msk.f32 $0xffff, v9;
	_ =	sdelay $0x5  }
0x34f: {  	v60 =	vor.u32 $0x6, v8;
	_ =	sdelay $0x3  }
0x350: {  	v61, _, _ =	vpop (xrf2)  }
0x351: {  	[tilespmem:v60+s14+$0x0] =	vst.idx.msk vm0, v61  }
0x352: {  	v9 =	vld [tilespmem:s22+$0x3AC0]  }
0x353: {  	v10 =	vld [tilespmem:s22+$0x3AD0];
	_ =	sdelay $0x1  }
0x354: {  	v62 =	vld [tilespmem:s22+$0x3AE0];
	_ =	sdelay $0x1  }
0x355: {  	v63 =	vld [tilespmem:s22+$0x3AF0]  }
0x356: {  	v9 =	vmul.f32 v9, v6;
	v10 =	vmul.f32 v10, v7;
	_ =	sdelay $0x1  }
0x357: {  	v13 =	vmul.f32 v62, v11;
	v9 =	vadd.f32 v10, v9;
	_ =	sdelay $0x1  }
0x358: {  	v14 =	vmul.f32 v63, v12;
	v9 =	vadd.f32 v13, v9;
	_ =	sdelay $0x1  }
0x359: {  	v9 =	vadd.f32 v14, v9;
	_ =	sdelay $0x1  }
0x35a: {  	(xrf2) =	vadd.scan.msk.f32 $0xffff, v9;
	_ =	sdelay $0x5  }
0x35b: {  	v15 =	vor.u32 $0x7, v8;
	_ =	sdelay $0x3  }
0x35c: {  	v16, _, _ =	vpop (xrf2)  }
0x35d: {  	[tilespmem:v15+s14+$0x0] =	vst.idx.msk vm0, v16  }
0x35e: {  	v9 =	vld [tilespmem:s22+$0x3B00]  }
0x35f: {  	v10 =	vld [tilespmem:s22+$0x3B10];
	_ =	sdelay $0x1  }
0x360: {  	v17 =	vld [tilespmem:s22+$0x3B20];
	_ =	sdelay $0x1  }
0x361: {  	v18 =	vld [tilespmem:s22+$0x3B30]  }
0x362: {  	v9 =	vmul.f32 v9, v6;
	v10 =	vmul.f32 v10, v7;
	_ =	sdelay $0x1  }
0x363: {  	v19 =	vmul.f32 v17, v11;
	v9 =	vadd.f32 v10, v9;
	_ =	sdelay $0x1  }
0x364: {  	v20 =	vmul.f32 v18, v12;
	v9 =	vadd.f32 v19, v9;
	_ =	sdelay $0x1  }
0x365: {  	v9 =	vadd.f32 v20, v9;
	_ =	sdelay $0x1  }
0x366: {  	(xrf2) =	vadd.scan.msk.f32 $0xffff, v9;
	_ =	sdelay $0x5  }
0x367: {  	v21 =	vadd.s32 $0x4, v8;
	_ =	sdelay $0x3  }
0x368: {  	v22, _, _ =	vpop (xrf2)  }
0x369: {  	[tilespmem:v21+s14+$0x0] =	vst.idx.msk vm0, v22  }
0x36a: {  	v9 =	vld [tilespmem:s22+$0x3B40]  }
0x36b: {  	v10 =	vld [tilespmem:s22+$0x3B50];
	_ =	sdelay $0x1  }
0x36c: {  	v23 =	vld [tilespmem:s22+$0x3B60];
	_ =	sdelay $0x1  }
0x36d: {  	v24 =	vld [tilespmem:s22+$0x3B70]  }
0x36e: {  	v9 =	vmul.f32 v9, v6;
	v10 =	vmul.f32 v10, v7;
	_ =	sdelay $0x1  }
0x36f: {  	v25 =	vmul.f32 v23, v11;
	v9 =	vadd.f32 v10, v9;
	_ =	sdelay $0x1  }
0x370: {  	v26 =	vmul.f32 v24, v12;
	v9 =	vadd.f32 v25, v9;
	_ =	sdelay $0x1  }
0x371: {  	v9 =	vadd.f32 v26, v9;
	_ =	sdelay $0x1  }
0x372: {  	(xrf2) =	vadd.scan.msk.f32 $0xffff, v9;
	_ =	sdelay $0x5  }
0x373: {  	v27 =	vadd.s32 $0x5, v8;
	_ =	sdelay $0x3  }
0x374: {  	v28, _, _ =	vpop (xrf2)  }
0x375: {  	[tilespmem:v27+s14+$0x0] =	vst.idx.msk vm0, v28  }
0x376: {  	v9 =	vld [tilespmem:s22+$0x3B80]  }
0x377: {  	v10 =	vld [tilespmem:s22+$0x3B90];
	_ =	sdelay $0x1  }
0x378: {  	v29 =	vld [tilespmem:s22+$0x3BA0];
	_ =	sdelay $0x1  }
0x379: {  	v30 =	vld [tilespmem:s22+$0x3BB0]  }
0x37a: {  	v9 =	vmul.f32 v9, v6;
	v10 =	vmul.f32 v10, v7;
	_ =	sdelay $0x1  }
0x37b: {  	v31 =	vmul.f32 v29, v11;
	v9 =	vadd.f32 v10, v9;
	_ =	sdelay $0x1  }
0x37c: {  	v32 =	vmul.f32 v30, v12;
	v9 =	vadd.f32 v31, v9;
	_ =	sdelay $0x1  }
0x37d: {  	v9 =	vadd.f32 v32, v9;
	_ =	sdelay $0x1  }
0x37e: {  	(xrf2) =	vadd.scan.msk.f32 $0xffff, v9;
	_ =	sdelay $0x5  }
0x37f: {  	v33 =	vadd.s32 $0x6, v8;
	_ =	sdelay $0x3  }
0x380: {  	v34, _, _ =	vpop (xrf2)  }
0x381: {  	[tilespmem:v33+s14+$0x0] =	vst.idx.msk vm0, v34  }
0x382: {  	v9 =	vld [tilespmem:s22+$0x3BC0]  }
0x383: {  	v10 =	vld [tilespmem:s22+$0x3BD0];
	_ =	sdelay $0x1  }
0x384: {  	v35 =	vld [tilespmem:s22+$0x3BE0];
	_ =	sdelay $0x1  }
0x385: {  	v36 =	vld [tilespmem:s22+$0x3BF0]  }
0x386: {  	v9 =	vmul.f32 v9, v6;
	v10 =	vmul.f32 v10, v7;
	_ =	sdelay $0x1  }
0x387: {  	v37 =	vmul.f32 v35, v11;
	v9 =	vadd.f32 v10, v9;
	_ =	sdelay $0x1  }
0x388: {  	v38 =	vmul.f32 v36, v12;
	v9 =	vadd.f32 v37, v9;
	_ =	sdelay $0x1  }
0x389: {  	v9 =	vadd.f32 v38, v9;
	_ =	sdelay $0x1  }
0x38a: {  	(xrf2) =	vadd.scan.msk.f32 $0xffff, v9;
	_ =	sdelay $0x5  }
0x38b: {  	v39 =	vadd.s32 $0x7, v8;
	_ =	sdelay $0x3  }
0x38c: {  	v40, _, _ =	vpop (xrf2)  }
0x38d: {  	[tilespmem:v39+s14+$0x0] =	vst.idx.msk vm0, v40  }
0x38e: {  	v9 =	vld [tilespmem:s22+$0x3C00]  }
0x38f: {  	v10 =	vld [tilespmem:s22+$0x3C10];
	_ =	sdelay $0x1  }
0x390: {  	v41 =	vld [tilespmem:s22+$0x3C20];
	_ =	sdelay $0x1  }
0x391: {  	v42 =	vld [tilespmem:s22+$0x3C30]  }
0x392: {  	v9 =	vmul.f32 v9, v6;
	v10 =	vmul.f32 v10, v7;
	_ =	sdelay $0x1  }
0x393: {  	v43 =	vmul.f32 v41, v11;
	v9 =	vadd.f32 v10, v9;
	_ =	sdelay $0x1  }
0x394: {  	v44 =	vmul.f32 v42, v12;
	v9 =	vadd.f32 v43, v9;
	_ =	sdelay $0x1  }
0x395: {  	v9 =	vadd.f32 v44, v9;
	_ =	sdelay $0x1  }
0x396: {  	(xrf2) =	vadd.scan.msk.f32 $0xffff, v9;
	_ =	sdelay $0x5  }
0x397: {  	v45 =	vadd.s32 $0x8, v8;
	_ =	sdelay $0x3  }
0x398: {  	v46, _, _ =	vpop (xrf2)  }
0x399: {  	[tilespmem:v45+s14+$0x0] =	vst.idx.msk vm0, v46  }
0x39a: {  	v10 =	vld [tilespmem:s22+$0x3C40]  }
0x39b: {  	v47 =	vld [tilespmem:s22+$0x3C50];
	_ =	sdelay $0x1  }
0x39c: {  	v48 =	vld [tilespmem:s22+$0x3C60];
	_ =	sdelay $0x1  }
0x39d: {  	v49 =	vld [tilespmem:s22+$0x3C70]  }
0x39e: {  	v10 =	vmul.f32 v10, v6;
	v13 =	vmul.f32 v47, v7;
	_ =	sdelay $0x1  }
0x39f: {  	v50 =	vmul.f32 v48, v11;
	v10 =	vadd.f32 v13, v10;
	_ =	sdelay $0x1  }
0x3a0: {  	v51 =	vmul.f32 v49, v12;
	v10 =	vadd.f32 v50, v10;
	_ =	sdelay $0x1  }
0x3a1: {  	v10 =	vadd.f32 v51, v10;
	_ =	sdelay $0x1  }
0x3a2: {  	(xrf2) =	vadd.scan.msk.f32 $0xffff, v10;
	_ =	sdelay $0x4  }
0x3a3: {  	v9 =	vand.u32 $0x7FFFFFF0, v45  }
0x3a4: {  	v52 =	vor.u32 $0x5, v9;
	_ =	sdelay $0x3  }
0x3a5: {  	v53, _, _ =	vpop (xrf2)  }
0x3a6: {  	[tilespmem:v52+s14+$0x0] =	vst.idx.msk vm0, v53  }
0x3a7: {  	v10 =	vld [tilespmem:s22+$0x3C80]  }
0x3a8: {  	v13 =	vld [tilespmem:s22+$0x3C90];
	_ =	sdelay $0x1  }
0x3a9: {  	v54 =	vld [tilespmem:s22+$0x3CA0];
	_ =	sdelay $0x1  }
0x3aa: {  	v55 =	vld [tilespmem:s22+$0x3CB0]  }
0x3ab: {  	v10 =	vmul.f32 v10, v6;
	v13 =	vmul.f32 v13, v7;
	_ =	sdelay $0x1  }
0x3ac: {  	v56 =	vmul.f32 v54, v11;
	v10 =	vadd.f32 v13, v10;
	_ =	sdelay $0x1  }
0x3ad: {  	v57 =	vmul.f32 v55, v12;
	v10 =	vadd.f32 v56, v10;
	_ =	sdelay $0x1  }
0x3ae: {  	v10 =	vadd.f32 v57, v10;
	_ =	sdelay $0x1  }
0x3af: {  	(xrf2) =	vadd.scan.msk.f32 $0xffff, v10;
	_ =	sdelay $0x5  }
0x3b0: {  	v58 =	vor.u32 $0x6, v9;
	_ =	sdelay $0x3  }
0x3b1: {  	v59, _, _ =	vpop (xrf2)  }
0x3b2: {  	[tilespmem:v58+s14+$0x0] =	vst.idx.msk vm0, v59  }
0x3b3: {  	v10 =	vld [tilespmem:s22+$0x3CC0]  }
0x3b4: {  	v13 =	vld [tilespmem:s22+$0x3CD0];
	_ =	sdelay $0x1  }
0x3b5: {  	v60 =	vld [tilespmem:s22+$0x3CE0];
	_ =	sdelay $0x1  }
0x3b6: {  	v61 =	vld [tilespmem:s22+$0x3CF0]  }
0x3b7: {  	v10 =	vmul.f32 v10, v6;
	v13 =	vmul.f32 v13, v7;
	_ =	sdelay $0x1  }
0x3b8: {  	v62 =	vmul.f32 v60, v11;
	v10 =	vadd.f32 v13, v10;
	_ =	sdelay $0x1  }
0x3b9: {  	v63 =	vmul.f32 v61, v12;
	v10 =	vadd.f32 v62, v10;
	_ =	sdelay $0x1  }
0x3ba: {  	v10 =	vadd.f32 v63, v10;
	_ =	sdelay $0x1  }
0x3bb: {  	(xrf2) =	vadd.scan.msk.f32 $0xffff, v10;
	_ =	sdelay $0x5  }
0x3bc: {  	v9 =	vor.u32 $0x7, v9;
	_ =	sdelay $0x3  }
0x3bd: {  	v10, _, _ =	vpop (xrf2)  }
0x3be: {  	[tilespmem:v9+s14+$0x0] =	vst.idx.msk vm0, v10  }
0x3bf: {  	v9 =	vld [tilespmem:s22+$0x3D00]  }
0x3c0: {  	v10 =	vld [tilespmem:s22+$0x3D10];
	_ =	sdelay $0x1  }
0x3c1: {  	v16 =	vld [tilespmem:s22+$0x3D20];
	_ =	sdelay $0x1  }
0x3c2: {  	v17 =	vld [tilespmem:s22+$0x3D30]  }
0x3c3: {  	v9 =	vmul.f32 v9, v6;
	v10 =	vmul.f32 v10, v7;
	_ =	sdelay $0x1  }
0x3c4: {  	v18 =	vmul.f32 v16, v11;
	v9 =	vadd.f32 v10, v9;
	_ =	sdelay $0x1  }
0x3c5: {  	v19 =	vmul.f32 v17, v12;
	v9 =	vadd.f32 v18, v9;
	_ =	sdelay $0x1  }
0x3c6: {  	v9 =	vadd.f32 v19, v9;
	_ =	sdelay $0x1  }
0x3c7: {  	(xrf2) =	vadd.scan.msk.f32 $0xffff, v9;
	_ =	sdelay $0x5  }
0x3c8: {  	v20 =	vadd.s32 $0xC, v8;
	_ =	sdelay $0x3  }
0x3c9: {  	v21, _, _ =	vpop (xrf2)  }
0x3ca: {  	[tilespmem:v20+s14+$0x0] =	vst.idx.msk vm0, v21  }
0x3cb: {  	v9 =	vld [tilespmem:s22+$0x3D40]  }
0x3cc: {  	v10 =	vld [tilespmem:s22+$0x3D50];
	_ =	sdelay $0x1  }
0x3cd: {  	v22 =	vld [tilespmem:s22+$0x3D60];
	_ =	sdelay $0x1  }
0x3ce: {  	v23 =	vld [tilespmem:s22+$0x3D70]  }
0x3cf: {  	v9 =	vmul.f32 v9, v6;
	v10 =	vmul.f32 v10, v7;
	_ =	sdelay $0x1  }
0x3d0: {  	v24 =	vmul.f32 v22, v11;
	v9 =	vadd.f32 v10, v9;
	_ =	sdelay $0x1  }
0x3d1: {  	v25 =	vmul.f32 v23, v12;
	v9 =	vadd.f32 v24, v9;
	_ =	sdelay $0x1  }
0x3d2: {  	v9 =	vadd.f32 v25, v9;
	_ =	sdelay $0x1  }
0x3d3: {  	(xrf2) =	vadd.scan.msk.f32 $0xffff, v9;
	_ =	sdelay $0x5  }
0x3d4: {  	v26 =	vadd.s32 $0xD, v8;
	_ =	sdelay $0x3  }
0x3d5: {  	v27, _, _ =	vpop (xrf2)  }
0x3d6: {  	[tilespmem:v26+s14+$0x0] =	vst.idx.msk vm0, v27  }
0x3d7: {  	v9 =	vld [tilespmem:s22+$0x3D80]  }
0x3d8: {  	v10 =	vld [tilespmem:s22+$0x3D90];
	_ =	sdelay $0x1  }
0x3d9: {  	v28 =	vld [tilespmem:s22+$0x3DA0];
	_ =	sdelay $0x1  }
0x3da: {  	v29 =	vld [tilespmem:s22+$0x3DB0]  }
0x3db: {  	v9 =	vmul.f32 v9, v6;
	v10 =	vmul.f32 v10, v7;
	_ =	sdelay $0x1  }
0x3dc: {  	v30 =	vmul.f32 v28, v11;
	v9 =	vadd.f32 v10, v9;
	_ =	sdelay $0x1  }
0x3dd: {  	v31 =	vmul.f32 v29, v12;
	v9 =	vadd.f32 v30, v9;
	_ =	sdelay $0x1  }
0x3de: {  	v9 =	vadd.f32 v31, v9;
	_ =	sdelay $0x1  }
0x3df: {  	(xrf2) =	vadd.scan.msk.f32 $0xffff, v9;
	_ =	sdelay $0x5  }
0x3e0: {  	v32 =	vadd.s32 $0xE, v8;
	_ =	sdelay $0x3  }
0x3e1: {  	v33, _, _ =	vpop (xrf2)  }
0x3e2: {  	[tilespmem:v32+s14+$0x0] =	vst.idx.msk vm0, v33  }
0x3e3: {  	v9 =	vld [tilespmem:s22+$0x3DC0]  }
0x3e4: {  	v10 =	vld [tilespmem:s22+$0x3DD0];
	_ =	sdelay $0x1  }
0x3e5: {  	v34 =	vld [tilespmem:s22+$0x3DE0];
	_ =	sdelay $0x1  }
0x3e6: {  	v35 =	vld [tilespmem:s22+$0x3DF0]  }
0x3e7: {  	v9 =	vmul.f32 v9, v6;
	v10 =	vmul.f32 v10, v7;
	_ =	sdelay $0x1  }
0x3e8: {  	v36 =	vmul.f32 v34, v11;
	v9 =	vadd.f32 v10, v9;
	_ =	sdelay $0x1  }
0x3e9: {  	v37 =	vmul.f32 v35, v12;
	v9 =	vadd.f32 v36, v9;
	_ =	sdelay $0x1  }
0x3ea: {  	v9 =	vadd.f32 v37, v9;
	_ =	sdelay $0x1  }
0x3eb: {  	(xrf2) =	vadd.scan.msk.f32 $0xffff, v9;
	_ =	sdelay $0x5  }
0x3ec: {  	v38 =	vadd.s32 $0xF, v8;
	_ =	sdelay $0x3  }
0x3ed: {  	v39, _, _ =	vpop (xrf2)  }
0x3ee: {  	[tilespmem:v38+s14+$0x0] =	vst.idx.msk vm0, v39  }
0x3ef: {  	v9 =	vld [tilespmem:s22+$0x3E00]  }
0x3f0: {  	v10 =	vld [tilespmem:s22+$0x3E10];
	_ =	sdelay $0x1  }
0x3f1: {  	v40 =	vld [tilespmem:s22+$0x3E20];
	_ =	sdelay $0x1  }
0x3f2: {  	v41 =	vld [tilespmem:s22+$0x3E30]  }
0x3f3: {  	v9 =	vmul.f32 v9, v6;
	v10 =	vmul.f32 v10, v7;
	_ =	sdelay $0x1  }
0x3f4: {  	v42 =	vmul.f32 v40, v11;
	v9 =	vadd.f32 v10, v9;
	_ =	sdelay $0x1  }
0x3f5: {  	v43 =	vmul.f32 v41, v12;
	v9 =	vadd.f32 v42, v9;
	_ =	sdelay $0x1  }
0x3f6: {  	v9 =	vadd.f32 v43, v9;
	_ =	sdelay $0x1  }
0x3f7: {  	(xrf2) =	vadd.scan.msk.f32 $0xffff, v9;
	_ =	sdelay $0x4  }
0x3f8: {  	v8 =	vand.u32 $0x3FF8, v8  }
0x3f9: {  	v44 =	vadd.s32 $0x14, v8;
	_ =	sdelay $0x3  }
0x3fa: {  	v45, _, _ =	vpop (xrf2)  }
0x3fb: {  	[tilespmem:v44+s14+$0x0] =	vst.idx.msk vm0, v45  }
0x3fc: {  	v9 =	vld [tilespmem:s22+$0x3E40]  }
0x3fd: {  	v10 =	vld [tilespmem:s22+$0x3E50];
	_ =	sdelay $0x1  }
0x3fe: {  	v46 =	vld [tilespmem:s22+$0x3E60];
	_ =	sdelay $0x1  }
0x3ff: {  	v47 =	vld [tilespmem:s22+$0x3E70]  }
0x400: {  	v9 =	vmul.f32 v9, v6;
	v10 =	vmul.f32 v10, v7;
	_ =	sdelay $0x1  }
0x401: {  	v48 =	vmul.f32 v46, v11;
	v9 =	vadd.f32 v10, v9;
	_ =	sdelay $0x1  }
0x402: {  	v49 =	vmul.f32 v47, v12;
	v9 =	vadd.f32 v48, v9;
	_ =	sdelay $0x1  }
0x403: {  	v9 =	vadd.f32 v49, v9;
	_ =	sdelay $0x1  }
0x404: {  	(xrf2) =	vadd.scan.msk.f32 $0xffff, v9;
	_ =	sdelay $0x5  }
0x405: {  	v50 =	vadd.s32 $0x15, v8;
	_ =	sdelay $0x3  }
0x406: {  	v51, _, _ =	vpop (xrf2)  }
0x407: {  	[tilespmem:v50+s14+$0x0] =	vst.idx.msk vm0, v51  }
0x408: {  	v9 =	vld [tilespmem:s22+$0x3E80]  }
0x409: {  	v10 =	vld [tilespmem:s22+$0x3E90];
	_ =	sdelay $0x1  }
0x40a: {  	v52 =	vld [tilespmem:s22+$0x3EA0];
	_ =	sdelay $0x1  }
0x40b: {  	v53 =	vld [tilespmem:s22+$0x3EB0]  }
0x40c: {  	v9 =	vmul.f32 v9, v6;
	v10 =	vmul.f32 v10, v7;
	_ =	sdelay $0x1  }
0x40d: {  	v54 =	vmul.f32 v52, v11;
	v9 =	vadd.f32 v10, v9;
	_ =	sdelay $0x1  }
0x40e: {  	v55 =	vmul.f32 v53, v12;
	v9 =	vadd.f32 v54, v9;
	_ =	sdelay $0x1  }
0x40f: {  	v9 =	vadd.f32 v55, v9;
	_ =	sdelay $0x1  }
0x410: {  	(xrf2) =	vadd.scan.msk.f32 $0xffff, v9;
	_ =	sdelay $0x5  }
0x411: {  	v56 =	vadd.s32 $0x16, v8;
	_ =	sdelay $0x3  }
0x412: {  	v57, _, _ =	vpop (xrf2)  }
0x413: {  	[tilespmem:v56+s14+$0x0] =	vst.idx.msk vm0, v57  }
0x414: {  	v9 =	vld [tilespmem:s22+$0x3EC0]  }
0x415: {  	v10 =	vld [tilespmem:s22+$0x3ED0];
	_ =	sdelay $0x1  }
0x416: {  	v58 =	vld [tilespmem:s22+$0x3EE0];
	_ =	sdelay $0x1  }
0x417: {  	v59 =	vld [tilespmem:s22+$0x3EF0]  }
0x418: {  	v6 =	vmul.f32 v9, v6;
	v7 =	vmul.f32 v10, v7;
	_ =	sdelay $0x1  }
0x419: {  	v60 =	vmul.f32 v58, v11;
	v6 =	vadd.f32 v7, v6;
	_ =	sdelay $0x1  }
0x41a: {  	v61 =	vmul.f32 v59, v12;
	v6 =	vadd.f32 v60, v6;
	_ =	sdelay $0x1  }
0x41b: {  	v6 =	vadd.f32 v61, v6;
	_ =	sdelay $0x1  }
0x41c: {  	(xrf2) =	vadd.scan.msk.f32 $0xffff, v6;
	_ =	sdelay $0x2  }
0x41d: {  	v0 =	vadd.s32 $0x13, v0  }
0x41e: {  	v2 =	vadd.s32 $0x17, v2  }
0x41f: {  	v4 =	vadd.s32 $0x13, v4  }
0x420: {  	p1 =	slt.u32 s20, $0x1C;
	v62 =	vadd.s32 $0x17, v8  }
.Ltmp0:
0x421: {  	_ = 	snop;
	(pc) =	sbr.rel @p1 .LBB2_3-.Ltmp0, $4  }
0x422: {  	[tilespmem:v0+s14+$0x0] =	vst.idx.msk vm0, v1  }
0x423: {  	[tilespmem:v2+s14+$0x0] =	vst.idx.msk vm0, v3  }
0x424: {  	s24 =	sadd.s32 $0x4, s20;
	[tilespmem:v4+s14+$0x0] =	vst.idx.msk vm0, v5;
	v63, _, _ =	vpop (xrf2)  }
0x425: {  	s20 =	smov.u32 s24;
	[tilespmem:v62+s14+$0x0] =	vst.idx.msk vm0, v63  }
0x426: {  	_ =	swait.ge [sflag:s15], $0x2000  }
0x427: {  	[sflag:s15] =	ssyncset.done $0x0  }
0x428: {  	[sflag:s15] =	ssyncadd.s32 $0xFFFFE000  }
0x429: {  	_ =	swait.ge [sflag:s15], $0x2000  }
0x42a: {  	[sflag:s15] =	ssyncset.done $0x0  }
0x42b: {  	[sflag:s15] =	ssyncadd.s32 $0xFFFFE000  }
0x42c: {  	_ =	swait.ge [sflag:s15], $0x2000  }
0x42d: {  	[sflag:s15] =	ssyncset.done $0x0  }
0x42e: {  	[sflag:s15] =	ssyncadd.s32 $0xFFFFE000  }
0x42f: {  	_ =	swait.ge [sflag:s15], $0x2000  }
0x430: {  	[sflag:s15] =	ssyncset.done $0x0  }
0x431: {  	[sflag:s15] =	ssyncadd.s32 $0xFFFFE000  }
0x432: {  	_ =	swait.ge [sflag:s15], $0x2000  }
0x433: {  	s18 =	sadd.s32 @!p0 $0x3, s18;
	[sflag:s15] =	ssyncset.done $0x0  }
0x434: {  	s20 =	smul.u32 @!p0 $0xA00, s18;
	[sflag:s15] =	ssyncadd.s32 $0xFFFFE000  }
0x435: {  	_ =	swait.ge [sflag:s15], $0x800  }
0x436: {  	s23 =	simm.s32 @!p0 $0x80;
	s20 =	sshra.s32 @!p0 s20, $0x2;
	[sflag:s15] =	ssyncset.done $0x0  }
0x437: {  	s24 =	simm.s32 @!p0 $0xDA00;
	s22 =	sadd.s32 @!p0 $0x200, s20;
	[sflag:s15] =	ssyncadd.s32 $0xFFFFF800  }
0x438: {  	[tilespmem:s24], [sflag:$0x2] =	stream.indirect.gather @!p0 [hbm4b:s4+s23], $0x40, s22, s23, $0xb8;
	[tilespmem:$0x1A200] =	vst v63  }
0x439: {  	s22 =	sadd.s32 @!p0 $0x280, s20;
	s24 =	simm.s32 @!p0 $0xFA00  }
0x43a: {  	[tilespmem:s24], [sflag:$0x2] =	stream.indirect.gather @!p0 [hbm4b:s4+s23], $0x40, s22, s23, $0xb8;
	[tilespmem:$0x1A200] =	vst v63  }
0x43b: {  	s22 =	sadd.s32 @!p0 $0x300, s20;
	s24 =	simm.s32 @!p0 $0x11A00  }
0x43c: {  	[tilespmem:s24], [sflag:$0x2] =	stream.indirect.gather @!p0 [hbm4b:s4+s23], $0x40, s22, s23, $0xb8;
	[tilespmem:$0x1A200] =	vst v63  }
0x43d: {  	s22 =	sadd.s32 @!p0 $0x380, s20;
	s24 =	simm.s32 @!p0 $0x13A00  }
0x43e: {  	[tilespmem:s24], [sflag:$0x2] =	stream.indirect.gather @!p0 [hbm4b:s4+s23], $0x40, s22, s23, $0xb8;
	[tilespmem:$0x1A200] =	vst v63  }
0x43f: {  	s18 =	sshll.u32 @!p0 s18, $0x5;
	s20 =	sadd.s32 @!p0 $0x400, s20;
	s22 =	simm.s32 @!p0 $0x15A00  }
0x440: {  	[tilespmem:s22], [sflag:$0x2] =	stream.indirect.gather @!p0 [hbm4b:s4+s23], $0x40, s20, s23, $0xb8;
	[tilespmem:$0x1A200] =	vst v63  }
0x441: {  	s18 =	sand.u32 @!p0 $0x3FFFFFE0, s18;
	s20 =	simm.s32 @!p0 $0x20;
	s22 =	simm.s32 @!p0 $0x3200  }
0x442: {  	[tilespmem:s22], [sflag:$0x2] =	stream.indirect.gather @!p0 [hbm4b:s3+s20], $0x40, s18, s20, $0xb8;
	[tilespmem:$0x1A200] =	vst v63  }
0x443: {  	s18 =	sor.u32 $0x20, s19;
	s19 =	simm.s32 $0x0  }
.LBB2_5:
0x444: {  	s20 =	sshll.u32 s19, $0x6  }
0x445: {  	s24 =	smul.u32 $0x1400, s19;
	s22 =	sand.u32 $0x3FFFFFC0, s20  }
0x446: {  	v5 =	vld [tilespmem:s22+$0x3200]  }
0x447: {  	v8 =	vld [tilespmem:s22+$0x3210];
	s20 =	sshra.s32 s24, $0x2  }
0x448: {  	v0 =	vld [tilespmem:s20+$0xDA00]  }
0x449: {  	v3 =	vld [tilespmem:s20+$0xDA10]  }
0x44a: {  	v2 =	vld [tilespmem:s22+$0x3220]  }
0x44b: {  	v4 =	vld [tilespmem:s20+$0xDA20]  }
0x44c: {  	v1 =	vld [tilespmem:s22+$0x3230]  }
0x44d: {  	v6 =	vld [tilespmem:s20+$0xDA30]  }
0x44e: {  	v0 =	vmul.f32 v0, v5;
	v3 =	vmul.f32 v3, v8;
	_ =	sdelay $0x1  }
0x44f: {  	v44 =	vmul.f32 v4, v2;
	v0 =	vadd.f32 v3, v0;
	_ =	sdelay $0x1  }
0x450: {  	v45 =	vmul.f32 v6, v1;
	v0 =	vadd.f32 v44, v0;
	_ =	sdelay $0x1  }
0x451: {  	v0 =	vadd.f32 v45, v0;
	_ =	sdelay $0x1  }
0x452: {  	(xrf2) =	vadd.scan.msk.f32 $0xffff, v0;
	_ =	sdelay $0x2  }
0x453: {  	s23 =	sadd.s32 s18, s19  }
0x454: {  	s22 =	smul.u32 $0x14, s23;
	_ =	sdelay $0x1  }
0x455: {  	v0 =	vmov s22;
	_ =	sdelay $0x3  }
0x456: {  	v46, _, _ =	vpop (xrf2)  }
0x457: {  	[tilespmem:v0+s14+$0x0] =	vst.idx.msk vm0, v46  }
0x458: {  	v3 =	vld [tilespmem:s20+$0xDA40]  }
0x459: {  	v47 =	vld [tilespmem:s20+$0xDA50];
	_ =	sdelay $0x1  }
0x45a: {  	v48 =	vld [tilespmem:s20+$0xDA60];
	_ =	sdelay $0x1  }
0x45b: {  	v7 =	vld [tilespmem:s20+$0xDA70]  }
0x45c: {  	v3 =	vmul.f32 v3, v5;
	v4 =	vmul.f32 v47, v8;
	_ =	sdelay $0x1  }
0x45d: {  	v49 =	vmul.f32 v48, v2;
	v3 =	vadd.f32 v4, v3;
	_ =	sdelay $0x1  }
0x45e: {  	v50 =	vmul.f32 v7, v1;
	v3 =	vadd.f32 v49, v3;
	_ =	sdelay $0x1  }
0x45f: {  	v3 =	vadd.f32 v50, v3;
	_ =	sdelay $0x1  }
0x460: {  	(xrf2) =	vadd.scan.msk.f32 $0xffff, v3;
	_ =	sdelay $0x5  }
0x461: {  	v51 =	vor.u32 $0x1, v0;
	_ =	sdelay $0x3  }
0x462: {  	v52, _, _ =	vpop (xrf2)  }
0x463: {  	[tilespmem:v51+s14+$0x0] =	vst.idx.msk vm0, v52  }
0x464: {  	v3 =	vld [tilespmem:s20+$0xDA80]  }
0x465: {  	v4 =	vld [tilespmem:s20+$0xDA90];
	_ =	sdelay $0x1  }
0x466: {  	v53 =	vld [tilespmem:s20+$0xDAA0];
	_ =	sdelay $0x1  }
0x467: {  	v54 =	vld [tilespmem:s20+$0xDAB0]  }
0x468: {  	v3 =	vmul.f32 v3, v5;
	v4 =	vmul.f32 v4, v8;
	_ =	sdelay $0x1  }
0x469: {  	v55 =	vmul.f32 v53, v2;
	v3 =	vadd.f32 v4, v3;
	_ =	sdelay $0x1  }
0x46a: {  	v56 =	vmul.f32 v54, v1;
	v3 =	vadd.f32 v55, v3;
	_ =	sdelay $0x1  }
0x46b: {  	v3 =	vadd.f32 v56, v3;
	_ =	sdelay $0x1  }
0x46c: {  	(xrf2) =	vadd.scan.msk.f32 $0xffff, v3;
	_ =	sdelay $0x5  }
0x46d: {  	v57 =	vor.u32 $0x2, v0;
	_ =	sdelay $0x3  }
0x46e: {  	v58, _, _ =	vpop (xrf2)  }
0x46f: {  	[tilespmem:v57+s14+$0x0] =	vst.idx.msk vm0, v58  }
0x470: {  	v3 =	vld [tilespmem:s20+$0xDAC0]  }
0x471: {  	v4 =	vld [tilespmem:s20+$0xDAD0];
	_ =	sdelay $0x1  }
0x472: {  	v59 =	vld [tilespmem:s20+$0xDAE0];
	_ =	sdelay $0x1  }
0x473: {  	v60 =	vld [tilespmem:s20+$0xDAF0]  }
0x474: {  	v3 =	vmul.f32 v3, v5;
	v4 =	vmul.f32 v4, v8;
	_ =	sdelay $0x1  }
0x475: {  	v61 =	vmul.f32 v59, v2;
	v3 =	vadd.f32 v4, v3;
	_ =	sdelay $0x1  }
0x476: {  	v62 =	vmul.f32 v60, v1;
	v3 =	vadd.f32 v61, v3;
	_ =	sdelay $0x1  }
0x477: {  	v3 =	vadd.f32 v62, v3;
	_ =	sdelay $0x1  }
0x478: {  	(xrf2) =	vadd.scan.msk.f32 $0xffff, v3;
	_ =	sdelay $0x5  }
0x479: {  	v63 =	vor.u32 $0x3, v0;
	_ =	sdelay $0x3  }
0x47a: {  	v9, _, _ =	vpop (xrf2)  }
0x47b: {  	[tilespmem:v63+s14+$0x0] =	vst.idx.msk vm0, v9  }
0x47c: {  	v3 =	vld [tilespmem:s20+$0xDB00]  }
0x47d: {  	v4 =	vld [tilespmem:s20+$0xDB10];
	_ =	sdelay $0x1  }
0x47e: {  	v10 =	vld [tilespmem:s20+$0xDB20];
	_ =	sdelay $0x1  }
0x47f: {  	v11 =	vld [tilespmem:s20+$0xDB30]  }
0x480: {  	v3 =	vmul.f32 v3, v5;
	v4 =	vmul.f32 v4, v8;
	_ =	sdelay $0x1  }
0x481: {  	v12 =	vmul.f32 v10, v2;
	v3 =	vadd.f32 v4, v3;
	_ =	sdelay $0x1  }
0x482: {  	v13 =	vmul.f32 v11, v1;
	v3 =	vadd.f32 v12, v3;
	_ =	sdelay $0x1  }
0x483: {  	v3 =	vadd.f32 v13, v3;
	_ =	sdelay $0x1  }
0x484: {  	(xrf2) =	vadd.scan.msk.f32 $0xffff, v3;
	_ =	sdelay $0x5  }
0x485: {  	v14 =	vor.u32 $0x4, v0;
	_ =	sdelay $0x3  }
0x486: {  	v15, _, _ =	vpop (xrf2)  }
0x487: {  	[tilespmem:v14+s14+$0x0] =	vst.idx.msk vm0, v15  }
0x488: {  	v3 =	vld [tilespmem:s20+$0xDB40]  }
0x489: {  	v4 =	vld [tilespmem:s20+$0xDB50];
	_ =	sdelay $0x1  }
0x48a: {  	v16 =	vld [tilespmem:s20+$0xDB60];
	_ =	sdelay $0x1  }
0x48b: {  	v17 =	vld [tilespmem:s20+$0xDB70]  }
0x48c: {  	v3 =	vmul.f32 v3, v5;
	v4 =	vmul.f32 v4, v8;
	_ =	sdelay $0x1  }
0x48d: {  	v18 =	vmul.f32 v16, v2;
	v3 =	vadd.f32 v4, v3;
	_ =	sdelay $0x1  }
0x48e: {  	v19 =	vmul.f32 v17, v1;
	v3 =	vadd.f32 v18, v3;
	_ =	sdelay $0x1  }
0x48f: {  	v3 =	vadd.f32 v19, v3;
	_ =	sdelay $0x1  }
0x490: {  	(xrf2) =	vadd.scan.msk.f32 $0xffff, v3;
	_ =	sdelay $0x5  }
0x491: {  	v20 =	vor.u32 $0x5, v0;
	_ =	sdelay $0x3  }
0x492: {  	v21, _, _ =	vpop (xrf2)  }
0x493: {  	[tilespmem:v20+s14+$0x0] =	vst.idx.msk vm0, v21  }
0x494: {  	v3 =	vld [tilespmem:s20+$0xDB80]  }
0x495: {  	v4 =	vld [tilespmem:s20+$0xDB90];
	_ =	sdelay $0x1  }
0x496: {  	v22 =	vld [tilespmem:s20+$0xDBA0];
	_ =	sdelay $0x1  }
0x497: {  	v23 =	vld [tilespmem:s20+$0xDBB0]  }
0x498: {  	v3 =	vmul.f32 v3, v5;
	v4 =	vmul.f32 v4, v8;
	_ =	sdelay $0x1  }
0x499: {  	v24 =	vmul.f32 v22, v2;
	v3 =	vadd.f32 v4, v3;
	_ =	sdelay $0x1  }
0x49a: {  	v25 =	vmul.f32 v23, v1;
	v3 =	vadd.f32 v24, v3;
	_ =	sdelay $0x1  }
0x49b: {  	v3 =	vadd.f32 v25, v3;
	_ =	sdelay $0x1  }
0x49c: {  	(xrf2) =	vadd.scan.msk.f32 $0xffff, v3;
	_ =	sdelay $0x5  }
0x49d: {  	v26 =	vor.u32 $0x6, v0;
	_ =	sdelay $0x3  }
0x49e: {  	v27, _, _ =	vpop (xrf2)  }
0x49f: {  	[tilespmem:v26+s14+$0x0] =	vst.idx.msk vm0, v27  }
0x4a0: {  	v3 =	vld [tilespmem:s20+$0xDBC0]  }
0x4a1: {  	v4 =	vld [tilespmem:s20+$0xDBD0];
	_ =	sdelay $0x1  }
0x4a2: {  	v28 =	vld [tilespmem:s20+$0xDBE0];
	_ =	sdelay $0x1  }
0x4a3: {  	v29 =	vld [tilespmem:s20+$0xDBF0]  }
0x4a4: {  	v3 =	vmul.f32 v3, v5;
	v4 =	vmul.f32 v4, v8;
	_ =	sdelay $0x1  }
0x4a5: {  	v30 =	vmul.f32 v28, v2;
	v3 =	vadd.f32 v4, v3;
	_ =	sdelay $0x1  }
0x4a6: {  	v31 =	vmul.f32 v29, v1;
	v3 =	vadd.f32 v30, v3;
	_ =	sdelay $0x1  }
0x4a7: {  	v3 =	vadd.f32 v31, v3;
	_ =	sdelay $0x1  }
0x4a8: {  	(xrf2) =	vadd.scan.msk.f32 $0xffff, v3;
	_ =	sdelay $0x5  }
0x4a9: {  	v32 =	vor.u32 $0x7, v0;
	_ =	sdelay $0x3  }
0x4aa: {  	v33, _, _ =	vpop (xrf2)  }
0x4ab: {  	[tilespmem:v32+s14+$0x0] =	vst.idx.msk vm0, v33  }
0x4ac: {  	v3 =	vld [tilespmem:s20+$0xDC00]  }
0x4ad: {  	v4 =	vld [tilespmem:s20+$0xDC10];
	_ =	sdelay $0x1  }
0x4ae: {  	v34 =	vld [tilespmem:s20+$0xDC20];
	_ =	sdelay $0x1  }
0x4af: {  	v35 =	vld [tilespmem:s20+$0xDC30]  }
0x4b0: {  	v3 =	vmul.f32 v3, v5;
	v4 =	vmul.f32 v4, v8;
	_ =	sdelay $0x1  }
0x4b1: {  	v36 =	vmul.f32 v34, v2;
	v3 =	vadd.f32 v4, v3;
	_ =	sdelay $0x1  }
0x4b2: {  	v37 =	vmul.f32 v35, v1;
	v3 =	vadd.f32 v36, v3;
	_ =	sdelay $0x1  }
0x4b3: {  	v3 =	vadd.f32 v37, v3;
	_ =	sdelay $0x1  }
0x4b4: {  	(xrf2) =	vadd.scan.msk.f32 $0xffff, v3;
	_ =	sdelay $0x5  }
0x4b5: {  	v38 =	vor.u32 $0x8, v0;
	_ =	sdelay $0x3  }
0x4b6: {  	v39, _, _ =	vpop (xrf2)  }
0x4b7: {  	[tilespmem:v38+s14+$0x0] =	vst.idx.msk vm0, v39  }
0x4b8: {  	v3 =	vld [tilespmem:s20+$0xDC40]  }
0x4b9: {  	v4 =	vld [tilespmem:s20+$0xDC50];
	_ =	sdelay $0x1  }
0x4ba: {  	v40 =	vld [tilespmem:s20+$0xDC60];
	_ =	sdelay $0x1  }
0x4bb: {  	v41 =	vld [tilespmem:s20+$0xDC70]  }
0x4bc: {  	v3 =	vmul.f32 v3, v5;
	v4 =	vmul.f32 v4, v8;
	_ =	sdelay $0x1  }
0x4bd: {  	v42 =	vmul.f32 v40, v2;
	v3 =	vadd.f32 v4, v3;
	_ =	sdelay $0x1  }
0x4be: {  	v43 =	vmul.f32 v41, v1;
	v3 =	vadd.f32 v42, v3;
	_ =	sdelay $0x1  }
0x4bf: {  	v3 =	vadd.f32 v43, v3;
	_ =	sdelay $0x1  }
0x4c0: {  	(xrf2) =	vadd.scan.msk.f32 $0xffff, v3;
	_ =	sdelay $0x5  }
0x4c1: {  	v44 =	vor.u32 $0x9, v0;
	_ =	sdelay $0x3  }
0x4c2: {  	v45, _, _ =	vpop (xrf2)  }
0x4c3: {  	[tilespmem:v44+s14+$0x0] =	vst.idx.msk vm0, v45  }
0x4c4: {  	v3 =	vld [tilespmem:s20+$0xDC80]  }
0x4c5: {  	v4 =	vld [tilespmem:s20+$0xDC90];
	_ =	sdelay $0x1  }
0x4c6: {  	v46 =	vld [tilespmem:s20+$0xDCA0];
	_ =	sdelay $0x1  }
0x4c7: {  	v47 =	vld [tilespmem:s20+$0xDCB0]  }
0x4c8: {  	v3 =	vmul.f32 v3, v5;
	v4 =	vmul.f32 v4, v8;
	_ =	sdelay $0x1  }
0x4c9: {  	v48 =	vmul.f32 v46, v2;
	v3 =	vadd.f32 v4, v3;
	_ =	sdelay $0x1  }
0x4ca: {  	v49 =	vmul.f32 v47, v1;
	v3 =	vadd.f32 v48, v3;
	_ =	sdelay $0x1  }
0x4cb: {  	v3 =	vadd.f32 v49, v3;
	_ =	sdelay $0x1  }
0x4cc: {  	(xrf2) =	vadd.scan.msk.f32 $0xffff, v3;
	_ =	sdelay $0x5  }
0x4cd: {  	v50 =	vor.u32 $0xA, v0;
	_ =	sdelay $0x3  }
0x4ce: {  	v51, _, _ =	vpop (xrf2)  }
0x4cf: {  	[tilespmem:v50+s14+$0x0] =	vst.idx.msk vm0, v51  }
0x4d0: {  	v3 =	vld [tilespmem:s20+$0xDCC0]  }
0x4d1: {  	v4 =	vld [tilespmem:s20+$0xDCD0];
	_ =	sdelay $0x1  }
0x4d2: {  	v52 =	vld [tilespmem:s20+$0xDCE0];
	_ =	sdelay $0x1  }
0x4d3: {  	v53 =	vld [tilespmem:s20+$0xDCF0]  }
0x4d4: {  	v3 =	vmul.f32 v3, v5;
	v4 =	vmul.f32 v4, v8;
	_ =	sdelay $0x1  }
0x4d5: {  	v54 =	vmul.f32 v52, v2;
	v3 =	vadd.f32 v4, v3;
	_ =	sdelay $0x1  }
0x4d6: {  	v55 =	vmul.f32 v53, v1;
	v3 =	vadd.f32 v54, v3;
	_ =	sdelay $0x1  }
0x4d7: {  	v3 =	vadd.f32 v55, v3;
	_ =	sdelay $0x1  }
0x4d8: {  	(xrf2) =	vadd.scan.msk.f32 $0xffff, v3;
	_ =	sdelay $0x5  }
0x4d9: {  	v56 =	vor.u32 $0xB, v0;
	_ =	sdelay $0x3  }
0x4da: {  	v57, _, _ =	vpop (xrf2)  }
0x4db: {  	[tilespmem:v56+s14+$0x0] =	vst.idx.msk vm0, v57  }
0x4dc: {  	v3 =	vld [tilespmem:s20+$0xDD00]  }
0x4dd: {  	v4 =	vld [tilespmem:s20+$0xDD10];
	_ =	sdelay $0x1  }
0x4de: {  	v58 =	vld [tilespmem:s20+$0xDD20];
	_ =	sdelay $0x1  }
0x4df: {  	v59 =	vld [tilespmem:s20+$0xDD30]  }
0x4e0: {  	v3 =	vmul.f32 v3, v5;
	v4 =	vmul.f32 v4, v8;
	_ =	sdelay $0x1  }
0x4e1: {  	v60 =	vmul.f32 v58, v2;
	v3 =	vadd.f32 v4, v3;
	_ =	sdelay $0x1  }
0x4e2: {  	v61 =	vmul.f32 v59, v1;
	v3 =	vadd.f32 v60, v3;
	_ =	sdelay $0x1  }
0x4e3: {  	v3 =	vadd.f32 v61, v3;
	_ =	sdelay $0x1  }
0x4e4: {  	(xrf2) =	vadd.scan.msk.f32 $0xffff, v3;
	_ =	sdelay $0x5  }
0x4e5: {  	v62 =	vor.u32 $0xC, v0;
	_ =	sdelay $0x3  }
0x4e6: {  	v63, _, _ =	vpop (xrf2)  }
0x4e7: {  	[tilespmem:v62+s14+$0x0] =	vst.idx.msk vm0, v63  }
0x4e8: {  	v3 =	vld [tilespmem:s20+$0xDD40]  }
0x4e9: {  	v4 =	vld [tilespmem:s20+$0xDD50];
	_ =	sdelay $0x1  }
0x4ea: {  	v9 =	vld [tilespmem:s20+$0xDD60];
	_ =	sdelay $0x1  }
0x4eb: {  	v10 =	vld [tilespmem:s20+$0xDD70]  }
0x4ec: {  	v3 =	vmul.f32 v3, v5;
	v4 =	vmul.f32 v4, v8;
	_ =	sdelay $0x1  }
0x4ed: {  	v11 =	vmul.f32 v9, v2;
	v3 =	vadd.f32 v4, v3;
	_ =	sdelay $0x1  }
0x4ee: {  	v12 =	vmul.f32 v10, v1;
	v3 =	vadd.f32 v11, v3;
	_ =	sdelay $0x1  }
0x4ef: {  	v3 =	vadd.f32 v12, v3;
	_ =	sdelay $0x1  }
0x4f0: {  	(xrf2) =	vadd.scan.msk.f32 $0xffff, v3;
	_ =	sdelay $0x5  }
0x4f1: {  	v13 =	vor.u32 $0xD, v0;
	_ =	sdelay $0x3  }
0x4f2: {  	v14, _, _ =	vpop (xrf2)  }
0x4f3: {  	[tilespmem:v13+s14+$0x0] =	vst.idx.msk vm0, v14  }
0x4f4: {  	v3 =	vld [tilespmem:s20+$0xDD80]  }
0x4f5: {  	v4 =	vld [tilespmem:s20+$0xDD90];
	_ =	sdelay $0x1  }
0x4f6: {  	v15 =	vld [tilespmem:s20+$0xDDA0];
	_ =	sdelay $0x1  }
0x4f7: {  	v16 =	vld [tilespmem:s20+$0xDDB0]  }
0x4f8: {  	v3 =	vmul.f32 v3, v5;
	v4 =	vmul.f32 v4, v8;
	_ =	sdelay $0x1  }
0x4f9: {  	v17 =	vmul.f32 v15, v2;
	v3 =	vadd.f32 v4, v3;
	_ =	sdelay $0x1  }
0x4fa: {  	v18 =	vmul.f32 v16, v1;
	v3 =	vadd.f32 v17, v3;
	_ =	sdelay $0x1  }
0x4fb: {  	v3 =	vadd.f32 v18, v3;
	_ =	sdelay $0x1  }
0x4fc: {  	(xrf2) =	vadd.scan.msk.f32 $0xffff, v3;
	_ =	sdelay $0x5  }
0x4fd: {  	v19 =	vor.u32 $0xE, v0;
	_ =	sdelay $0x3  }
0x4fe: {  	v20, _, _ =	vpop (xrf2)  }
0x4ff: {  	[tilespmem:v19+s14+$0x0] =	vst.idx.msk vm0, v20  }
0x500: {  	v3 =	vld [tilespmem:s20+$0xDDC0]  }
0x501: {  	v4 =	vld [tilespmem:s20+$0xDDD0];
	_ =	sdelay $0x1  }
0x502: {  	v21 =	vld [tilespmem:s20+$0xDDE0];
	_ =	sdelay $0x1  }
0x503: {  	v22 =	vld [tilespmem:s20+$0xDDF0]  }
0x504: {  	v3 =	vmul.f32 v3, v5;
	v4 =	vmul.f32 v4, v8;
	_ =	sdelay $0x1  }
0x505: {  	v23 =	vmul.f32 v21, v2;
	v3 =	vadd.f32 v4, v3;
	_ =	sdelay $0x1  }
0x506: {  	v24 =	vmul.f32 v22, v1;
	v3 =	vadd.f32 v23, v3;
	_ =	sdelay $0x1  }
0x507: {  	v3 =	vadd.f32 v24, v3;
	_ =	sdelay $0x1  }
0x508: {  	(xrf2) =	vadd.scan.msk.f32 $0xffff, v3;
	_ =	sdelay $0x5  }
0x509: {  	v25 =	vor.u32 $0xF, v0;
	_ =	sdelay $0x3  }
0x50a: {  	v26, _, _ =	vpop (xrf2)  }
0x50b: {  	[tilespmem:v25+s14+$0x0] =	vst.idx.msk vm0, v26  }
0x50c: {  	v3 =	vld [tilespmem:s20+$0xDE00]  }
0x50d: {  	v4 =	vld [tilespmem:s20+$0xDE10];
	_ =	sdelay $0x1  }
0x50e: {  	v27 =	vld [tilespmem:s20+$0xDE20];
	_ =	sdelay $0x1  }
0x50f: {  	v28 =	vld [tilespmem:s20+$0xDE30]  }
0x510: {  	v3 =	vmul.f32 v3, v5;
	v4 =	vmul.f32 v4, v8;
	_ =	sdelay $0x1  }
0x511: {  	v29 =	vmul.f32 v27, v2;
	v3 =	vadd.f32 v4, v3;
	_ =	sdelay $0x1  }
0x512: {  	v30 =	vmul.f32 v28, v1;
	v3 =	vadd.f32 v29, v3;
	_ =	sdelay $0x1  }
0x513: {  	v3 =	vadd.f32 v30, v3;
	_ =	sdelay $0x1  }
0x514: {  	(xrf2) =	vadd.scan.msk.f32 $0xffff, v3;
	_ =	sdelay $0x5  }
0x515: {  	v31 =	vadd.s32 $0x10, v0;
	_ =	sdelay $0x3  }
0x516: {  	v32, _, _ =	vpop (xrf2)  }
0x517: {  	[tilespmem:v31+s14+$0x0] =	vst.idx.msk vm0, v32  }
0x518: {  	v3 =	vld [tilespmem:s20+$0xDE40]  }
0x519: {  	v4 =	vld [tilespmem:s20+$0xDE50];
	_ =	sdelay $0x1  }
0x51a: {  	v33 =	vld [tilespmem:s20+$0xDE60];
	_ =	sdelay $0x1  }
0x51b: {  	v34 =	vld [tilespmem:s20+$0xDE70]  }
0x51c: {  	v3 =	vmul.f32 v3, v5;
	v4 =	vmul.f32 v4, v8;
	_ =	sdelay $0x1  }
0x51d: {  	v35 =	vmul.f32 v33, v2;
	v3 =	vadd.f32 v4, v3;
	_ =	sdelay $0x1  }
0x51e: {  	v36 =	vmul.f32 v34, v1;
	v3 =	vadd.f32 v35, v3;
	_ =	sdelay $0x1  }
0x51f: {  	v3 =	vadd.f32 v36, v3;
	_ =	sdelay $0x1  }
0x520: {  	(xrf2) =	vadd.scan.msk.f32 $0xffff, v3;
	_ =	sdelay $0x5  }
0x521: {  	v37 =	vadd.s32 $0x11, v0;
	_ =	sdelay $0x3  }
0x522: {  	v38, _, _ =	vpop (xrf2)  }
0x523: {  	[tilespmem:v37+s14+$0x0] =	vst.idx.msk vm0, v38  }
0x524: {  	v3 =	vld [tilespmem:s20+$0xDE80]  }
0x525: {  	v4 =	vld [tilespmem:s20+$0xDE90];
	_ =	sdelay $0x1  }
0x526: {  	v39 =	vld [tilespmem:s20+$0xDEA0];
	_ =	sdelay $0x1  }
0x527: {  	v40 =	vld [tilespmem:s20+$0xDEB0]  }
0x528: {  	v3 =	vmul.f32 v3, v5;
	v4 =	vmul.f32 v4, v8;
	_ =	sdelay $0x1  }
0x529: {  	v41 =	vmul.f32 v39, v2;
	v3 =	vadd.f32 v4, v3;
	_ =	sdelay $0x1  }
0x52a: {  	v42 =	vmul.f32 v40, v1;
	v3 =	vadd.f32 v41, v3;
	_ =	sdelay $0x1  }
0x52b: {  	v3 =	vadd.f32 v42, v3;
	_ =	sdelay $0x1  }
0x52c: {  	(xrf2) =	vadd.scan.msk.f32 $0xffff, v3;
	_ =	sdelay $0x5  }
0x52d: {  	v43 =	vadd.s32 $0x12, v0  }
0x52e: {  	s22 =	sor.u32 $0x1, s19  }
0x52f: {  	s23 =	sshll.u32 s22, $0x6  }
0x530: {  	s23 =	sand.u32 $0x3FFFFFC0, s23  }
0x531: {  	v6 =	vld [tilespmem:s23+$0x3200];
	v44, _, _ =	vpop (xrf2)  }
0x532: {  	v7 =	vld [tilespmem:s23+$0x3210];
	[tilespmem:v43+s14+$0x0] =	vst.idx.msk vm0, v44  }
0x533: {  	v9 =	vld [tilespmem:s20+$0xDEC0]  }
0x534: {  	s24 =	smul.u32 $0x1400, s22;
	v10 =	vld [tilespmem:s20+$0xDED0]  }
0x535: {  	v11 =	vld [tilespmem:s20+$0xDEE0]  }
0x536: {  	v12 =	vld [tilespmem:s20+$0xDEF0];
	s20 =	sshra.s32 s24, $0x2  }
0x537: {  	v13 =	vld [tilespmem:s20+$0xDA00]  }
0x538: {  	v14 =	vld [tilespmem:s20+$0xDA10]  }
0x539: {  	v4 =	vld [tilespmem:s23+$0x3220]  }
0x53a: {  	v15 =	vld [tilespmem:s20+$0xDA20]  }
0x53b: {  	v3 =	vld [tilespmem:s23+$0x3230]  }
0x53c: {  	v45 =	vld [tilespmem:s20+$0xDA30];
	v5 =	vmul.f32 v9, v5;
	v8 =	vmul.f32 v10, v8  }
0x53d: {  	v46 =	vmul.f32 v13, v6;
	v47 =	vmul.f32 v14, v7  }
0x53e: {  	v2 =	vmul.f32 v11, v2;
	v5 =	vadd.f32 v8, v5  }
0x53f: {  	v49 =	vmul.f32 v15, v4;
	v48 =	vadd.f32 v47, v46  }
0x540: {  	v1 =	vmul.f32 v12, v1;
	v2 =	vadd.f32 v2, v5  }
0x541: {  	v51 =	vmul.f32 v45, v3;
	v50 =	vadd.f32 v49, v48  }
0x542: {  	v1 =	vadd.f32 v1, v2  }
0x543: {  	v52 =	vadd.f32 v51, v50  }
0x544: {  	(xrf2) =	vadd.scan.msk.f32 $0xffff, v1  }
0x545: {  	(xrf2) =	vadd.scan.msk.f32 $0xffff, v52;
	_ =	sdelay $0x2  }
0x546: {  	s22 =	sadd.s32 s18, s22  }
0x547: {  	s22 =	smul.u32 $0x14, s22;
	_ =	sdelay $0x1  }
0x548: {  	v2 =	vmov s22;
	_ =	sdelay $0x2  }
0x549: {  	v1, _, _ =	vpop (xrf2)  }
0x54a: {  	v53, _, _ =	vpop (xrf2)  }
0x54b: {  	[tilespmem:v2+s14+$0x0] =	vst.idx.msk vm0, v53  }
0x54c: {  	v5 =	vld [tilespmem:s20+$0xDA40]  }
0x54d: {  	v54 =	vld [tilespmem:s20+$0xDA50];
	_ =	sdelay $0x1  }
0x54e: {  	v55 =	vld [tilespmem:s20+$0xDA60];
	_ =	sdelay $0x1  }
0x54f: {  	v56 =	vld [tilespmem:s20+$0xDA70]  }
0x550: {  	v5 =	vmul.f32 v5, v6;
	v8 =	vmul.f32 v54, v7;
	_ =	sdelay $0x1  }
0x551: {  	v57 =	vmul.f32 v55, v4;
	v5 =	vadd.f32 v8, v5;
	_ =	sdelay $0x1  }
0x552: {  	v58 =	vmul.f32 v56, v3;
	v5 =	vadd.f32 v57, v5;
	_ =	sdelay $0x1  }
0x553: {  	v5 =	vadd.f32 v58, v5;
	_ =	sdelay $0x1  }
0x554: {  	(xrf2) =	vadd.scan.msk.f32 $0xffff, v5;
	_ =	sdelay $0x4  }
0x555: {  	v5 =	vand.u32 $0x7FFFFFF0, v2  }
0x556: {  	v59 =	vor.u32 $0x5, v5;
	_ =	sdelay $0x3  }
0x557: {  	v60, _, _ =	vpop (xrf2)  }
0x558: {  	[tilespmem:v59+s14+$0x0] =	vst.idx.msk vm0, v60  }
0x559: {  	v8 =	vld [tilespmem:s20+$0xDA80]  }
0x55a: {  	v9 =	vld [tilespmem:s20+$0xDA90];
	_ =	sdelay $0x1  }
0x55b: {  	v61 =	vld [tilespmem:s20+$0xDAA0];
	_ =	sdelay $0x1  }
0x55c: {  	v62 =	vld [tilespmem:s20+$0xDAB0]  }
0x55d: {  	v8 =	vmul.f32 v8, v6;
	v9 =	vmul.f32 v9, v7;
	_ =	sdelay $0x1  }
0x55e: {  	v63 =	vmul.f32 v61, v4;
	v8 =	vadd.f32 v9, v8;
	_ =	sdelay $0x1  }
0x55f: {  	v12 =	vmul.f32 v62, v3;
	v8 =	vadd.f32 v63, v8;
	_ =	sdelay $0x1  }
0x560: {  	v8 =	vadd.f32 v12, v8;
	_ =	sdelay $0x1  }
0x561: {  	(xrf2) =	vadd.scan.msk.f32 $0xffff, v8;
	_ =	sdelay $0x5  }
0x562: {  	v13 =	vor.u32 $0x6, v5;
	_ =	sdelay $0x3  }
0x563: {  	v14, _, _ =	vpop (xrf2)  }
0x564: {  	[tilespmem:v13+s14+$0x0] =	vst.idx.msk vm0, v14  }
0x565: {  	v8 =	vld [tilespmem:s20+$0xDAC0]  }
0x566: {  	v9 =	vld [tilespmem:s20+$0xDAD0];
	_ =	sdelay $0x1  }
0x567: {  	v15 =	vld [tilespmem:s20+$0xDAE0];
	_ =	sdelay $0x1  }
0x568: {  	v16 =	vld [tilespmem:s20+$0xDAF0]  }
0x569: {  	v8 =	vmul.f32 v8, v6;
	v9 =	vmul.f32 v9, v7;
	_ =	sdelay $0x1  }
0x56a: {  	v17 =	vmul.f32 v15, v4;
	v8 =	vadd.f32 v9, v8;
	_ =	sdelay $0x1  }
0x56b: {  	v18 =	vmul.f32 v16, v3;
	v8 =	vadd.f32 v17, v8;
	_ =	sdelay $0x1  }
0x56c: {  	v8 =	vadd.f32 v18, v8;
	_ =	sdelay $0x1  }
0x56d: {  	(xrf2) =	vadd.scan.msk.f32 $0xffff, v8;
	_ =	sdelay $0x5  }
0x56e: {  	v19 =	vor.u32 $0x7, v5;
	_ =	sdelay $0x3  }
0x56f: {  	v20, _, _ =	vpop (xrf2)  }
0x570: {  	[tilespmem:v19+s14+$0x0] =	vst.idx.msk vm0, v20  }
0x571: {  	v8 =	vld [tilespmem:s20+$0xDB00]  }
0x572: {  	v9 =	vld [tilespmem:s20+$0xDB10];
	_ =	sdelay $0x1  }
0x573: {  	v21 =	vld [tilespmem:s20+$0xDB20];
	_ =	sdelay $0x1  }
0x574: {  	v22 =	vld [tilespmem:s20+$0xDB30]  }
0x575: {  	v8 =	vmul.f32 v8, v6;
	v9 =	vmul.f32 v9, v7;
	_ =	sdelay $0x1  }
0x576: {  	v23 =	vmul.f32 v21, v4;
	v8 =	vadd.f32 v9, v8;
	_ =	sdelay $0x1  }
0x577: {  	v24 =	vmul.f32 v22, v3;
	v8 =	vadd.f32 v23, v8;
	_ =	sdelay $0x1  }
0x578: {  	v8 =	vadd.f32 v24, v8;
	_ =	sdelay $0x1  }
0x579: {  	(xrf2) =	vadd.scan.msk.f32 $0xffff, v8;
	_ =	sdelay $0x5  }
0x57a: {  	v25 =	vadd.s32 $0x4, v2;
	_ =	sdelay $0x3  }
0x57b: {  	v26, _, _ =	vpop (xrf2)  }
0x57c: {  	[tilespmem:v25+s14+$0x0] =	vst.idx.msk vm0, v26  }
0x57d: {  	v8 =	vld [tilespmem:s20+$0xDB40]  }
0x57e: {  	v9 =	vld [tilespmem:s20+$0xDB50];
	_ =	sdelay $0x1  }
0x57f: {  	v27 =	vld [tilespmem:s20+$0xDB60];
	_ =	sdelay $0x1  }
0x580: {  	v28 =	vld [tilespmem:s20+$0xDB70]  }
0x581: {  	v8 =	vmul.f32 v8, v6;
	v9 =	vmul.f32 v9, v7;
	_ =	sdelay $0x1  }
0x582: {  	v29 =	vmul.f32 v27, v4;
	v8 =	vadd.f32 v9, v8;
	_ =	sdelay $0x1  }
0x583: {  	v30 =	vmul.f32 v28, v3;
	v8 =	vadd.f32 v29, v8;
	_ =	sdelay $0x1  }
0x584: {  	v8 =	vadd.f32 v30, v8;
	_ =	sdelay $0x1  }
0x585: {  	(xrf2) =	vadd.scan.msk.f32 $0xffff, v8;
	_ =	sdelay $0x5  }
0x586: {  	v31 =	vadd.s32 $0x5, v2;
	_ =	sdelay $0x3  }
0x587: {  	v32, _, _ =	vpop (xrf2)  }
0x588: {  	[tilespmem:v31+s14+$0x0] =	vst.idx.msk vm0, v32  }
0x589: {  	v8 =	vld [tilespmem:s20+$0xDB80]  }
0x58a: {  	v9 =	vld [tilespmem:s20+$0xDB90];
	_ =	sdelay $0x1  }
0x58b: {  	v33 =	vld [tilespmem:s20+$0xDBA0];
	_ =	sdelay $0x1  }
0x58c: {  	v34 =	vld [tilespmem:s20+$0xDBB0]  }
0x58d: {  	v8 =	vmul.f32 v8, v6;
	v9 =	vmul.f32 v9, v7;
	_ =	sdelay $0x1  }
0x58e: {  	v35 =	vmul.f32 v33, v4;
	v8 =	vadd.f32 v9, v8;
	_ =	sdelay $0x1  }
0x58f: {  	v36 =	vmul.f32 v34, v3;
	v8 =	vadd.f32 v35, v8;
	_ =	sdelay $0x1  }
0x590: {  	v8 =	vadd.f32 v36, v8;
	_ =	sdelay $0x1  }
0x591: {  	(xrf2) =	vadd.scan.msk.f32 $0xffff, v8;
	_ =	sdelay $0x5  }
0x592: {  	v37 =	vadd.s32 $0x6, v2;
	_ =	sdelay $0x3  }
0x593: {  	v38, _, _ =	vpop (xrf2)  }
0x594: {  	[tilespmem:v37+s14+$0x0] =	vst.idx.msk vm0, v38  }
0x595: {  	v8 =	vld [tilespmem:s20+$0xDBC0]  }
0x596: {  	v9 =	vld [tilespmem:s20+$0xDBD0];
	_ =	sdelay $0x1  }
0x597: {  	v39 =	vld [tilespmem:s20+$0xDBE0];
	_ =	sdelay $0x1  }
0x598: {  	v40 =	vld [tilespmem:s20+$0xDBF0]  }
0x599: {  	v8 =	vmul.f32 v8, v6;
	v9 =	vmul.f32 v9, v7;
	_ =	sdelay $0x1  }
0x59a: {  	v41 =	vmul.f32 v39, v4;
	v8 =	vadd.f32 v9, v8;
	_ =	sdelay $0x1  }
0x59b: {  	v42 =	vmul.f32 v40, v3;
	v8 =	vadd.f32 v41, v8;
	_ =	sdelay $0x1  }
0x59c: {  	v8 =	vadd.f32 v42, v8;
	_ =	sdelay $0x1  }
0x59d: {  	(xrf2) =	vadd.scan.msk.f32 $0xffff, v8;
	_ =	sdelay $0x5  }
0x59e: {  	v43 =	vadd.s32 $0x7, v2;
	_ =	sdelay $0x3  }
0x59f: {  	v44, _, _ =	vpop (xrf2)  }
0x5a0: {  	[tilespmem:v43+s14+$0x0] =	vst.idx.msk vm0, v44  }
0x5a1: {  	v8 =	vld [tilespmem:s20+$0xDC00]  }
0x5a2: {  	v9 =	vld [tilespmem:s20+$0xDC10];
	_ =	sdelay $0x1  }
0x5a3: {  	v45 =	vld [tilespmem:s20+$0xDC20];
	_ =	sdelay $0x1  }
0x5a4: {  	v46 =	vld [tilespmem:s20+$0xDC30]  }
0x5a5: {  	v8 =	vmul.f32 v8, v6;
	v9 =	vmul.f32 v9, v7;
	_ =	sdelay $0x1  }
0x5a6: {  	v47 =	vmul.f32 v45, v4;
	v8 =	vadd.f32 v9, v8;
	_ =	sdelay $0x1  }
0x5a7: {  	v48 =	vmul.f32 v46, v3;
	v8 =	vadd.f32 v47, v8;
	_ =	sdelay $0x1  }
0x5a8: {  	v8 =	vadd.f32 v48, v8;
	_ =	sdelay $0x1  }
0x5a9: {  	(xrf2) =	vadd.scan.msk.f32 $0xffff, v8;
	_ =	sdelay $0x5  }
0x5aa: {  	v49 =	vor.u32 $0xC, v2;
	_ =	sdelay $0x3  }
0x5ab: {  	v50, _, _ =	vpop (xrf2)  }
0x5ac: {  	[tilespmem:v49+s14+$0x0] =	vst.idx.msk vm0, v50  }
0x5ad: {  	v8 =	vld [tilespmem:s20+$0xDC40]  }
0x5ae: {  	v9 =	vld [tilespmem:s20+$0xDC50];
	_ =	sdelay $0x1  }
0x5af: {  	v51 =	vld [tilespmem:s20+$0xDC60];
	_ =	sdelay $0x1  }
0x5b0: {  	v52 =	vld [tilespmem:s20+$0xDC70]  }
0x5b1: {  	v8 =	vmul.f32 v8, v6;
	v9 =	vmul.f32 v9, v7;
	_ =	sdelay $0x1  }
0x5b2: {  	v53 =	vmul.f32 v51, v4;
	v8 =	vadd.f32 v9, v8;
	_ =	sdelay $0x1  }
0x5b3: {  	v54 =	vmul.f32 v52, v3;
	v8 =	vadd.f32 v53, v8;
	_ =	sdelay $0x1  }
0x5b4: {  	v8 =	vadd.f32 v54, v8;
	_ =	sdelay $0x1  }
0x5b5: {  	(xrf2) =	vadd.scan.msk.f32 $0xffff, v8;
	_ =	sdelay $0x5  }
0x5b6: {  	v55 =	vor.u32 $0x9, v2;
	_ =	sdelay $0x3  }
0x5b7: {  	v56, _, _ =	vpop (xrf2)  }
0x5b8: {  	[tilespmem:v55+s14+$0x0] =	vst.idx.msk vm0, v56  }
0x5b9: {  	v8 =	vld [tilespmem:s20+$0xDC80]  }
0x5ba: {  	v9 =	vld [tilespmem:s20+$0xDC90];
	_ =	sdelay $0x1  }
0x5bb: {  	v57 =	vld [tilespmem:s20+$0xDCA0];
	_ =	sdelay $0x1  }
0x5bc: {  	v58 =	vld [tilespmem:s20+$0xDCB0]  }
0x5bd: {  	v8 =	vmul.f32 v8, v6;
	v9 =	vmul.f32 v9, v7;
	_ =	sdelay $0x1  }
0x5be: {  	v59 =	vmul.f32 v57, v4;
	v8 =	vadd.f32 v9, v8;
	_ =	sdelay $0x1  }
0x5bf: {  	v60 =	vmul.f32 v58, v3;
	v8 =	vadd.f32 v59, v8;
	_ =	sdelay $0x1  }
0x5c0: {  	v8 =	vadd.f32 v60, v8;
	_ =	sdelay $0x1  }
0x5c1: {  	(xrf2) =	vadd.scan.msk.f32 $0xffff, v8;
	_ =	sdelay $0x5  }
0x5c2: {  	v61 =	vor.u32 $0xA, v2;
	_ =	sdelay $0x3  }
0x5c3: {  	v62, _, _ =	vpop (xrf2)  }
0x5c4: {  	[tilespmem:v61+s14+$0x0] =	vst.idx.msk vm0, v62  }
0x5c5: {  	v8 =	vld [tilespmem:s20+$0xDCC0]  }
0x5c6: {  	v9 =	vld [tilespmem:s20+$0xDCD0];
	_ =	sdelay $0x1  }
0x5c7: {  	v63 =	vld [tilespmem:s20+$0xDCE0];
	_ =	sdelay $0x1  }
0x5c8: {  	v12 =	vld [tilespmem:s20+$0xDCF0]  }
0x5c9: {  	v8 =	vmul.f32 v8, v6;
	v9 =	vmul.f32 v9, v7;
	_ =	sdelay $0x1  }
0x5ca: {  	v13 =	vmul.f32 v63, v4;
	v8 =	vadd.f32 v9, v8;
	_ =	sdelay $0x1  }
0x5cb: {  	v14 =	vmul.f32 v12, v3;
	v8 =	vadd.f32 v13, v8;
	_ =	sdelay $0x1  }
0x5cc: {  	v8 =	vadd.f32 v14, v8;
	_ =	sdelay $0x1  }
0x5cd: {  	(xrf2) =	vadd.scan.msk.f32 $0xffff, v8;
	_ =	sdelay $0x5  }
0x5ce: {  	v15 =	vor.u32 $0xB, v2;
	_ =	sdelay $0x3  }
0x5cf: {  	v16, _, _ =	vpop (xrf2)  }
0x5d0: {  	[tilespmem:v15+s14+$0x0] =	vst.idx.msk vm0, v16  }
0x5d1: {  	v8 =	vld [tilespmem:s20+$0xDD00]  }
0x5d2: {  	v9 =	vld [tilespmem:s20+$0xDD10];
	_ =	sdelay $0x1  }
0x5d3: {  	v17 =	vld [tilespmem:s20+$0xDD20];
	_ =	sdelay $0x1  }
0x5d4: {  	v18 =	vld [tilespmem:s20+$0xDD30]  }
0x5d5: {  	v8 =	vmul.f32 v8, v6;
	v9 =	vmul.f32 v9, v7;
	_ =	sdelay $0x1  }
0x5d6: {  	v19 =	vmul.f32 v17, v4;
	v8 =	vadd.f32 v9, v8;
	_ =	sdelay $0x1  }
0x5d7: {  	v20 =	vmul.f32 v18, v3;
	v8 =	vadd.f32 v19, v8;
	_ =	sdelay $0x1  }
0x5d8: {  	v8 =	vadd.f32 v20, v8;
	_ =	sdelay $0x1  }
0x5d9: {  	(xrf2) =	vadd.scan.msk.f32 $0xffff, v8;
	_ =	sdelay $0x5  }
0x5da: {  	v21 =	vadd.s32 $0xC, v2;
	_ =	sdelay $0x3  }
0x5db: {  	v22, _, _ =	vpop (xrf2)  }
0x5dc: {  	[tilespmem:v21+s14+$0x0] =	vst.idx.msk vm0, v22  }
0x5dd: {  	v8 =	vld [tilespmem:s20+$0xDD40]  }
0x5de: {  	v9 =	vld [tilespmem:s20+$0xDD50];
	_ =	sdelay $0x1  }
0x5df: {  	v23 =	vld [tilespmem:s20+$0xDD60];
	_ =	sdelay $0x1  }
0x5e0: {  	v24 =	vld [tilespmem:s20+$0xDD70]  }
0x5e1: {  	v8 =	vmul.f32 v8, v6;
	v9 =	vmul.f32 v9, v7;
	_ =	sdelay $0x1  }
0x5e2: {  	v25 =	vmul.f32 v23, v4;
	v8 =	vadd.f32 v9, v8;
	_ =	sdelay $0x1  }
0x5e3: {  	v26 =	vmul.f32 v24, v3;
	v8 =	vadd.f32 v25, v8;
	_ =	sdelay $0x1  }
0x5e4: {  	v8 =	vadd.f32 v26, v8;
	_ =	sdelay $0x1  }
0x5e5: {  	(xrf2) =	vadd.scan.msk.f32 $0xffff, v8;
	_ =	sdelay $0x5  }
0x5e6: {  	v27 =	vadd.s32 $0xD, v2;
	_ =	sdelay $0x3  }
0x5e7: {  	v28, _, _ =	vpop (xrf2)  }
0x5e8: {  	[tilespmem:v27+s14+$0x0] =	vst.idx.msk vm0, v28  }
0x5e9: {  	v8 =	vld [tilespmem:s20+$0xDD80]  }
0x5ea: {  	v9 =	vld [tilespmem:s20+$0xDD90];
	_ =	sdelay $0x1  }
0x5eb: {  	v29 =	vld [tilespmem:s20+$0xDDA0];
	_ =	sdelay $0x1  }
0x5ec: {  	v30 =	vld [tilespmem:s20+$0xDDB0]  }
0x5ed: {  	v8 =	vmul.f32 v8, v6;
	v9 =	vmul.f32 v9, v7;
	_ =	sdelay $0x1  }
0x5ee: {  	v31 =	vmul.f32 v29, v4;
	v8 =	vadd.f32 v9, v8;
	_ =	sdelay $0x1  }
0x5ef: {  	v32 =	vmul.f32 v30, v3;
	v8 =	vadd.f32 v31, v8;
	_ =	sdelay $0x1  }
0x5f0: {  	v8 =	vadd.f32 v32, v8;
	_ =	sdelay $0x1  }
0x5f1: {  	(xrf2) =	vadd.scan.msk.f32 $0xffff, v8;
	_ =	sdelay $0x5  }
0x5f2: {  	v33 =	vadd.s32 $0xE, v2;
	_ =	sdelay $0x3  }
0x5f3: {  	v34, _, _ =	vpop (xrf2)  }
0x5f4: {  	[tilespmem:v33+s14+$0x0] =	vst.idx.msk vm0, v34  }
0x5f5: {  	v8 =	vld [tilespmem:s20+$0xDDC0]  }
0x5f6: {  	v9 =	vld [tilespmem:s20+$0xDDD0];
	_ =	sdelay $0x1  }
0x5f7: {  	v35 =	vld [tilespmem:s20+$0xDDE0];
	_ =	sdelay $0x1  }
0x5f8: {  	v36 =	vld [tilespmem:s20+$0xDDF0]  }
0x5f9: {  	v8 =	vmul.f32 v8, v6;
	v9 =	vmul.f32 v9, v7;
	_ =	sdelay $0x1  }
0x5fa: {  	v37 =	vmul.f32 v35, v4;
	v8 =	vadd.f32 v9, v8;
	_ =	sdelay $0x1  }
0x5fb: {  	v38 =	vmul.f32 v36, v3;
	v8 =	vadd.f32 v37, v8;
	_ =	sdelay $0x1  }
0x5fc: {  	v8 =	vadd.f32 v38, v8;
	_ =	sdelay $0x1  }
0x5fd: {  	(xrf2) =	vadd.scan.msk.f32 $0xffff, v8;
	_ =	sdelay $0x5  }
0x5fe: {  	v39 =	vadd.s32 $0xF, v2;
	_ =	sdelay $0x3  }
0x5ff: {  	v40, _, _ =	vpop (xrf2)  }
0x600: {  	[tilespmem:v39+s14+$0x0] =	vst.idx.msk vm0, v40  }
0x601: {  	v8 =	vld [tilespmem:s20+$0xDE00]  }
0x602: {  	v9 =	vld [tilespmem:s20+$0xDE10];
	_ =	sdelay $0x1  }
0x603: {  	v41 =	vld [tilespmem:s20+$0xDE20];
	_ =	sdelay $0x1  }
0x604: {  	v42 =	vld [tilespmem:s20+$0xDE30]  }
0x605: {  	v8 =	vmul.f32 v8, v6;
	v9 =	vmul.f32 v9, v7;
	_ =	sdelay $0x1  }
0x606: {  	v43 =	vmul.f32 v41, v4;
	v8 =	vadd.f32 v9, v8;
	_ =	sdelay $0x1  }
0x607: {  	v44 =	vmul.f32 v42, v3;
	v8 =	vadd.f32 v43, v8;
	_ =	sdelay $0x1  }
0x608: {  	v8 =	vadd.f32 v44, v8;
	_ =	sdelay $0x1  }
0x609: {  	(xrf2) =	vadd.scan.msk.f32 $0xffff, v8;
	_ =	sdelay $0x5  }
0x60a: {  	v5 =	vadd.s32 $0x14, v5;
	_ =	sdelay $0x3  }
0x60b: {  	v8, _, _ =	vpop (xrf2)  }
0x60c: {  	[tilespmem:v5+s14+$0x0] =	vst.idx.msk vm0, v8  }
0x60d: {  	v5 =	vld [tilespmem:s20+$0xDE40]  }
0x60e: {  	v8 =	vld [tilespmem:s20+$0xDE50];
	_ =	sdelay $0x1  }
0x60f: {  	v45 =	vld [tilespmem:s20+$0xDE60];
	_ =	sdelay $0x1  }
0x610: {  	v46 =	vld [tilespmem:s20+$0xDE70]  }
0x611: {  	v5 =	vmul.f32 v5, v6;
	v8 =	vmul.f32 v8, v7;
	_ =	sdelay $0x1  }
0x612: {  	v47 =	vmul.f32 v45, v4;
	v5 =	vadd.f32 v8, v5;
	_ =	sdelay $0x1  }
0x613: {  	v48 =	vmul.f32 v46, v3;
	v5 =	vadd.f32 v47, v5;
	_ =	sdelay $0x1  }
0x614: {  	v5 =	vadd.f32 v48, v5;
	_ =	sdelay $0x1  }
0x615: {  	(xrf2) =	vadd.scan.msk.f32 $0xffff, v5;
	_ =	sdelay $0x5  }
0x616: {  	v49 =	vadd.s32 $0x11, v2;
	_ =	sdelay $0x3  }
0x617: {  	v50, _, _ =	vpop (xrf2)  }
0x618: {  	[tilespmem:v49+s14+$0x0] =	vst.idx.msk vm0, v50  }
0x619: {  	v5 =	vld [tilespmem:s20+$0xDE80]  }
0x61a: {  	v8 =	vld [tilespmem:s20+$0xDE90];
	_ =	sdelay $0x1  }
0x61b: {  	v51 =	vld [tilespmem:s20+$0xDEA0];
	_ =	sdelay $0x1  }
0x61c: {  	v52 =	vld [tilespmem:s20+$0xDEB0]  }
0x61d: {  	v5 =	vmul.f32 v5, v6;
	v8 =	vmul.f32 v8, v7;
	_ =	sdelay $0x1  }
0x61e: {  	v53 =	vmul.f32 v51, v4;
	v5 =	vadd.f32 v8, v5;
	_ =	sdelay $0x1  }
0x61f: {  	v54 =	vmul.f32 v52, v3;
	v5 =	vadd.f32 v53, v5;
	_ =	sdelay $0x1  }
0x620: {  	v5 =	vadd.f32 v54, v5;
	_ =	sdelay $0x1  }
0x621: {  	(xrf2) =	vadd.scan.msk.f32 $0xffff, v5;
	_ =	sdelay $0x5  }
0x622: {  	v55 =	vadd.s32 $0x12, v2  }
0x623: {  	s22 =	sor.u32 $0x2, s19  }
0x624: {  	s24 =	sshll.u32 s22, $0x6  }
0x625: {  	s23 =	sand.u32 $0x3FFFFFC0, s24  }
0x626: {  	v10 =	vld [tilespmem:s23+$0x3210];
	v56, _, _ =	vpop (xrf2)  }
0x627: {  	v9 =	vld [tilespmem:s23+$0x3200];
	[tilespmem:v55+s14+$0x0] =	vst.idx.msk vm0, v56  }
0x628: {  	v57 =	vld [tilespmem:s20+$0xDEC0]  }
0x629: {  	s24 =	smul.u32 $0x1400, s22;
	v58 =	vld [tilespmem:s20+$0xDED0]  }
0x62a: {  	v59 =	vld [tilespmem:s20+$0xDEE0]  }
0x62b: {  	v60 =	vld [tilespmem:s20+$0xDEF0];
	s20 =	sshra.s32 s24, $0x2  }
0x62c: {  	v61 =	vld [tilespmem:s20+$0xDA00]  }
0x62d: {  	v16 =	vld [tilespmem:s20+$0xDA10]  }
0x62e: {  	v8 =	vld [tilespmem:s23+$0x3220]  }
0x62f: {  	v17 =	vld [tilespmem:s20+$0xDA20]  }
0x630: {  	v5 =	vld [tilespmem:s23+$0x3230]  }
0x631: {  	v62 =	vld [tilespmem:s20+$0xDA30];
	v6 =	vmul.f32 v57, v6;
	v7 =	vmul.f32 v58, v7  }
0x632: {  	v63 =	vmul.f32 v61, v9;
	v18 =	vmul.f32 v16, v10  }
0x633: {  	v4 =	vmul.f32 v59, v4;
	v6 =	vadd.f32 v7, v6  }
0x634: {  	v20 =	vmul.f32 v17, v8;
	v19 =	vadd.f32 v18, v63  }
0x635: {  	v3 =	vmul.f32 v60, v3;
	v4 =	vadd.f32 v4, v6  }
0x636: {  	v22 =	vmul.f32 v62, v5;
	v21 =	vadd.f32 v20, v19  }
0x637: {  	v3 =	vadd.f32 v3, v4  }
0x638: {  	v23 =	vadd.f32 v22, v21  }
0x639: {  	(xrf2) =	vadd.scan.msk.f32 $0xffff, v3  }
0x63a: {  	(xrf2) =	vadd.scan.msk.f32 $0xffff, v23;
	_ =	sdelay $0x2  }
0x63b: {  	s22 =	sadd.s32 s18, s22  }
0x63c: {  	s22 =	smul.u32 $0x14, s22;
	_ =	sdelay $0x1  }
0x63d: {  	v4 =	vmov s22;
	_ =	sdelay $0x2  }
0x63e: {  	v3, _, _ =	vpop (xrf2)  }
0x63f: {  	v24, _, _ =	vpop (xrf2)  }
0x640: {  	[tilespmem:v4+s14+$0x0] =	vst.idx.msk vm0, v24  }
0x641: {  	v6 =	vld [tilespmem:s20+$0xDA40]  }
0x642: {  	v25 =	vld [tilespmem:s20+$0xDA50];
	_ =	sdelay $0x1  }
0x643: {  	v26 =	vld [tilespmem:s20+$0xDA60];
	_ =	sdelay $0x1  }
0x644: {  	v27 =	vld [tilespmem:s20+$0xDA70]  }
0x645: {  	v6 =	vmul.f32 v6, v9;
	v7 =	vmul.f32 v25, v10;
	_ =	sdelay $0x1  }
0x646: {  	v28 =	vmul.f32 v26, v8;
	v6 =	vadd.f32 v7, v6;
	_ =	sdelay $0x1  }
0x647: {  	v29 =	vmul.f32 v27, v5;
	v6 =	vadd.f32 v28, v6;
	_ =	sdelay $0x1  }
0x648: {  	v6 =	vadd.f32 v29, v6;
	_ =	sdelay $0x1  }
0x649: {  	(xrf2) =	vadd.scan.msk.f32 $0xffff, v6;
	_ =	sdelay $0x5  }
0x64a: {  	v30 =	vor.u32 $0x1, v4;
	_ =	sdelay $0x3  }
0x64b: {  	v31, _, _ =	vpop (xrf2)  }
0x64c: {  	[tilespmem:v30+s14+$0x0] =	vst.idx.msk vm0, v31  }
0x64d: {  	v6 =	vld [tilespmem:s20+$0xDA80]  }
0x64e: {  	v7 =	vld [tilespmem:s20+$0xDA90];
	_ =	sdelay $0x1  }
0x64f: {  	v32 =	vld [tilespmem:s20+$0xDAA0];
	_ =	sdelay $0x1  }
0x650: {  	v33 =	vld [tilespmem:s20+$0xDAB0]  }
0x651: {  	v6 =	vmul.f32 v6, v9;
	v7 =	vmul.f32 v7, v10;
	_ =	sdelay $0x1  }
0x652: {  	v34 =	vmul.f32 v32, v8;
	v6 =	vadd.f32 v7, v6;
	_ =	sdelay $0x1  }
0x653: {  	v35 =	vmul.f32 v33, v5;
	v6 =	vadd.f32 v34, v6;
	_ =	sdelay $0x1  }
0x654: {  	v6 =	vadd.f32 v35, v6;
	_ =	sdelay $0x1  }
0x655: {  	(xrf2) =	vadd.scan.msk.f32 $0xffff, v6;
	_ =	sdelay $0x5  }
0x656: {  	v36 =	vor.u32 $0x2, v4;
	_ =	sdelay $0x3  }
0x657: {  	v37, _, _ =	vpop (xrf2)  }
0x658: {  	[tilespmem:v36+s14+$0x0] =	vst.idx.msk vm0, v37  }
0x659: {  	v6 =	vld [tilespmem:s20+$0xDAC0]  }
0x65a: {  	v7 =	vld [tilespmem:s20+$0xDAD0];
	_ =	sdelay $0x1  }
0x65b: {  	v38 =	vld [tilespmem:s20+$0xDAE0];
	_ =	sdelay $0x1  }
0x65c: {  	v39 =	vld [tilespmem:s20+$0xDAF0]  }
0x65d: {  	v6 =	vmul.f32 v6, v9;
	v7 =	vmul.f32 v7, v10;
	_ =	sdelay $0x1  }
0x65e: {  	v40 =	vmul.f32 v38, v8;
	v6 =	vadd.f32 v7, v6;
	_ =	sdelay $0x1  }
0x65f: {  	v41 =	vmul.f32 v39, v5;
	v6 =	vadd.f32 v40, v6;
	_ =	sdelay $0x1  }
0x660: {  	v6 =	vadd.f32 v41, v6;
	_ =	sdelay $0x1  }
0x661: {  	(xrf2) =	vadd.scan.msk.f32 $0xffff, v6;
	_ =	sdelay $0x5  }
0x662: {  	v42 =	vor.u32 $0x3, v4;
	_ =	sdelay $0x3  }
0x663: {  	v43, _, _ =	vpop (xrf2)  }
0x664: {  	[tilespmem:v42+s14+$0x0] =	vst.idx.msk vm0, v43  }
0x665: {  	v6 =	vld [tilespmem:s20+$0xDB00]  }
0x666: {  	v7 =	vld [tilespmem:s20+$0xDB10];
	_ =	sdelay $0x1  }
0x667: {  	v44 =	vld [tilespmem:s20+$0xDB20];
	_ =	sdelay $0x1  }
0x668: {  	v45 =	vld [tilespmem:s20+$0xDB30]  }
0x669: {  	v6 =	vmul.f32 v6, v9;
	v7 =	vmul.f32 v7, v10;
	_ =	sdelay $0x1  }
0x66a: {  	v46 =	vmul.f32 v44, v8;
	v6 =	vadd.f32 v7, v6;
	_ =	sdelay $0x1  }
0x66b: {  	v47 =	vmul.f32 v45, v5;
	v6 =	vadd.f32 v46, v6;
	_ =	sdelay $0x1  }
0x66c: {  	v6 =	vadd.f32 v47, v6;
	_ =	sdelay $0x1  }
0x66d: {  	(xrf2) =	vadd.scan.msk.f32 $0xffff, v6;
	_ =	sdelay $0x5  }
0x66e: {  	v48 =	vor.u32 $0x4, v4;
	_ =	sdelay $0x3  }
0x66f: {  	v49, _, _ =	vpop (xrf2)  }
0x670: {  	[tilespmem:v48+s14+$0x0] =	vst.idx.msk vm0, v49  }
0x671: {  	v6 =	vld [tilespmem:s20+$0xDB40]  }
0x672: {  	v7 =	vld [tilespmem:s20+$0xDB50];
	_ =	sdelay $0x1  }
0x673: {  	v50 =	vld [tilespmem:s20+$0xDB60];
	_ =	sdelay $0x1  }
0x674: {  	v51 =	vld [tilespmem:s20+$0xDB70]  }
0x675: {  	v6 =	vmul.f32 v6, v9;
	v7 =	vmul.f32 v7, v10;
	_ =	sdelay $0x1  }
0x676: {  	v52 =	vmul.f32 v50, v8;
	v6 =	vadd.f32 v7, v6;
	_ =	sdelay $0x1  }
0x677: {  	v53 =	vmul.f32 v51, v5;
	v6 =	vadd.f32 v52, v6;
	_ =	sdelay $0x1  }
0x678: {  	v6 =	vadd.f32 v53, v6;
	_ =	sdelay $0x1  }
0x679: {  	(xrf2) =	vadd.scan.msk.f32 $0xffff, v6;
	_ =	sdelay $0x5  }
0x67a: {  	v54 =	vor.u32 $0x5, v4;
	_ =	sdelay $0x3  }
0x67b: {  	v55, _, _ =	vpop (xrf2)  }
0x67c: {  	[tilespmem:v54+s14+$0x0] =	vst.idx.msk vm0, v55  }
0x67d: {  	v6 =	vld [tilespmem:s20+$0xDB80]  }
0x67e: {  	v7 =	vld [tilespmem:s20+$0xDB90];
	_ =	sdelay $0x1  }
0x67f: {  	v56 =	vld [tilespmem:s20+$0xDBA0];
	_ =	sdelay $0x1  }
0x680: {  	v57 =	vld [tilespmem:s20+$0xDBB0]  }
0x681: {  	v6 =	vmul.f32 v6, v9;
	v7 =	vmul.f32 v7, v10;
	_ =	sdelay $0x1  }
0x682: {  	v58 =	vmul.f32 v56, v8;
	v6 =	vadd.f32 v7, v6;
	_ =	sdelay $0x1  }
0x683: {  	v59 =	vmul.f32 v57, v5;
	v6 =	vadd.f32 v58, v6;
	_ =	sdelay $0x1  }
0x684: {  	v6 =	vadd.f32 v59, v6;
	_ =	sdelay $0x1  }
0x685: {  	(xrf2) =	vadd.scan.msk.f32 $0xffff, v6;
	_ =	sdelay $0x5  }
0x686: {  	v60 =	vor.u32 $0x6, v4;
	_ =	sdelay $0x3  }
0x687: {  	v61, _, _ =	vpop (xrf2)  }
0x688: {  	[tilespmem:v60+s14+$0x0] =	vst.idx.msk vm0, v61  }
0x689: {  	v6 =	vld [tilespmem:s20+$0xDBC0]  }
0x68a: {  	v7 =	vld [tilespmem:s20+$0xDBD0];
	_ =	sdelay $0x1  }
0x68b: {  	v62 =	vld [tilespmem:s20+$0xDBE0];
	_ =	sdelay $0x1  }
0x68c: {  	v63 =	vld [tilespmem:s20+$0xDBF0]  }
0x68d: {  	v6 =	vmul.f32 v6, v9;
	v7 =	vmul.f32 v7, v10;
	_ =	sdelay $0x1  }
0x68e: {  	v16 =	vmul.f32 v62, v8;
	v6 =	vadd.f32 v7, v6;
	_ =	sdelay $0x1  }
0x68f: {  	v17 =	vmul.f32 v63, v5;
	v6 =	vadd.f32 v16, v6;
	_ =	sdelay $0x1  }
0x690: {  	v6 =	vadd.f32 v17, v6;
	_ =	sdelay $0x1  }
0x691: {  	(xrf2) =	vadd.scan.msk.f32 $0xffff, v6;
	_ =	sdelay $0x5  }
0x692: {  	v18 =	vor.u32 $0x7, v4;
	_ =	sdelay $0x3  }
0x693: {  	v19, _, _ =	vpop (xrf2)  }
0x694: {  	[tilespmem:v18+s14+$0x0] =	vst.idx.msk vm0, v19  }
0x695: {  	v6 =	vld [tilespmem:s20+$0xDC00]  }
0x696: {  	v7 =	vld [tilespmem:s20+$0xDC10];
	_ =	sdelay $0x1  }
0x697: {  	v20 =	vld [tilespmem:s20+$0xDC20];
	_ =	sdelay $0x1  }
0x698: {  	v21 =	vld [tilespmem:s20+$0xDC30]  }
0x699: {  	v6 =	vmul.f32 v6, v9;
	v7 =	vmul.f32 v7, v10;
	_ =	sdelay $0x1  }
0x69a: {  	v22 =	vmul.f32 v20, v8;
	v6 =	vadd.f32 v7, v6;
	_ =	sdelay $0x1  }
0x69b: {  	v23 =	vmul.f32 v21, v5;
	v6 =	vadd.f32 v22, v6;
	_ =	sdelay $0x1  }
0x69c: {  	v6 =	vadd.f32 v23, v6;
	_ =	sdelay $0x1  }
0x69d: {  	(xrf2) =	vadd.scan.msk.f32 $0xffff, v6;
	_ =	sdelay $0x5  }
0x69e: {  	v24 =	vadd.s32 $0x8, v4;
	_ =	sdelay $0x3  }
0x69f: {  	v25, _, _ =	vpop (xrf2)  }
0x6a0: {  	[tilespmem:v24+s14+$0x0] =	vst.idx.msk vm0, v25  }
0x6a1: {  	v6 =	vld [tilespmem:s20+$0xDC40]  }
0x6a2: {  	v7 =	vld [tilespmem:s20+$0xDC50];
	_ =	sdelay $0x1  }
0x6a3: {  	v26 =	vld [tilespmem:s20+$0xDC60];
	_ =	sdelay $0x1  }
0x6a4: {  	v27 =	vld [tilespmem:s20+$0xDC70]  }
0x6a5: {  	v6 =	vmul.f32 v6, v9;
	v7 =	vmul.f32 v7, v10;
	_ =	sdelay $0x1  }
0x6a6: {  	v28 =	vmul.f32 v26, v8;
	v6 =	vadd.f32 v7, v6;
	_ =	sdelay $0x1  }
0x6a7: {  	v29 =	vmul.f32 v27, v5;
	v6 =	vadd.f32 v28, v6;
	_ =	sdelay $0x1  }
0x6a8: {  	v6 =	vadd.f32 v29, v6;
	_ =	sdelay $0x1  }
0x6a9: {  	(xrf2) =	vadd.scan.msk.f32 $0xffff, v6;
	_ =	sdelay $0x5  }
0x6aa: {  	v30 =	vadd.s32 $0x9, v4;
	_ =	sdelay $0x3  }
0x6ab: {  	v31, _, _ =	vpop (xrf2)  }
0x6ac: {  	[tilespmem:v30+s14+$0x0] =	vst.idx.msk vm0, v31  }
0x6ad: {  	v6 =	vld [tilespmem:s20+$0xDC80]  }
0x6ae: {  	v7 =	vld [tilespmem:s20+$0xDC90];
	_ =	sdelay $0x1  }
0x6af: {  	v32 =	vld [tilespmem:s20+$0xDCA0];
	_ =	sdelay $0x1  }
0x6b0: {  	v33 =	vld [tilespmem:s20+$0xDCB0]  }
0x6b1: {  	v6 =	vmul.f32 v6, v9;
	v7 =	vmul.f32 v7, v10;
	_ =	sdelay $0x1  }
0x6b2: {  	v34 =	vmul.f32 v32, v8;
	v6 =	vadd.f32 v7, v6;
	_ =	sdelay $0x1  }
0x6b3: {  	v35 =	vmul.f32 v33, v5;
	v6 =	vadd.f32 v34, v6;
	_ =	sdelay $0x1  }
0x6b4: {  	v6 =	vadd.f32 v35, v6;
	_ =	sdelay $0x1  }
0x6b5: {  	(xrf2) =	vadd.scan.msk.f32 $0xffff, v6;
	_ =	sdelay $0x5  }
0x6b6: {  	v36 =	vadd.s32 $0xA, v4;
	_ =	sdelay $0x3  }
0x6b7: {  	v37, _, _ =	vpop (xrf2)  }
0x6b8: {  	[tilespmem:v36+s14+$0x0] =	vst.idx.msk vm0, v37  }
0x6b9: {  	v6 =	vld [tilespmem:s20+$0xDCC0]  }
0x6ba: {  	v7 =	vld [tilespmem:s20+$0xDCD0];
	_ =	sdelay $0x1  }
0x6bb: {  	v38 =	vld [tilespmem:s20+$0xDCE0];
	_ =	sdelay $0x1  }
0x6bc: {  	v39 =	vld [tilespmem:s20+$0xDCF0]  }
0x6bd: {  	v6 =	vmul.f32 v6, v9;
	v7 =	vmul.f32 v7, v10;
	_ =	sdelay $0x1  }
0x6be: {  	v40 =	vmul.f32 v38, v8;
	v6 =	vadd.f32 v7, v6;
	_ =	sdelay $0x1  }
0x6bf: {  	v41 =	vmul.f32 v39, v5;
	v6 =	vadd.f32 v40, v6;
	_ =	sdelay $0x1  }
0x6c0: {  	v6 =	vadd.f32 v41, v6;
	_ =	sdelay $0x1  }
0x6c1: {  	(xrf2) =	vadd.scan.msk.f32 $0xffff, v6;
	_ =	sdelay $0x5  }
0x6c2: {  	v42 =	vadd.s32 $0xB, v4;
	_ =	sdelay $0x3  }
0x6c3: {  	v43, _, _ =	vpop (xrf2)  }
0x6c4: {  	[tilespmem:v42+s14+$0x0] =	vst.idx.msk vm0, v43  }
0x6c5: {  	v6 =	vld [tilespmem:s20+$0xDD00]  }
0x6c6: {  	v7 =	vld [tilespmem:s20+$0xDD10];
	_ =	sdelay $0x1  }
0x6c7: {  	v44 =	vld [tilespmem:s20+$0xDD20];
	_ =	sdelay $0x1  }
0x6c8: {  	v45 =	vld [tilespmem:s20+$0xDD30]  }
0x6c9: {  	v6 =	vmul.f32 v6, v9;
	v7 =	vmul.f32 v7, v10;
	_ =	sdelay $0x1  }
0x6ca: {  	v46 =	vmul.f32 v44, v8;
	v6 =	vadd.f32 v7, v6;
	_ =	sdelay $0x1  }
0x6cb: {  	v47 =	vmul.f32 v45, v5;
	v6 =	vadd.f32 v46, v6;
	_ =	sdelay $0x1  }
0x6cc: {  	v6 =	vadd.f32 v47, v6;
	_ =	sdelay $0x1  }
0x6cd: {  	(xrf2) =	vadd.scan.msk.f32 $0xffff, v6;
	_ =	sdelay $0x5  }
0x6ce: {  	v48 =	vadd.s32 $0xC, v4;
	_ =	sdelay $0x3  }
0x6cf: {  	v49, _, _ =	vpop (xrf2)  }
0x6d0: {  	[tilespmem:v48+s14+$0x0] =	vst.idx.msk vm0, v49  }
0x6d1: {  	v6 =	vld [tilespmem:s20+$0xDD40]  }
0x6d2: {  	v7 =	vld [tilespmem:s20+$0xDD50];
	_ =	sdelay $0x1  }
0x6d3: {  	v50 =	vld [tilespmem:s20+$0xDD60];
	_ =	sdelay $0x1  }
0x6d4: {  	v51 =	vld [tilespmem:s20+$0xDD70]  }
0x6d5: {  	v6 =	vmul.f32 v6, v9;
	v7 =	vmul.f32 v7, v10;
	_ =	sdelay $0x1  }
0x6d6: {  	v52 =	vmul.f32 v50, v8;
	v6 =	vadd.f32 v7, v6;
	_ =	sdelay $0x1  }
0x6d7: {  	v53 =	vmul.f32 v51, v5;
	v6 =	vadd.f32 v52, v6;
	_ =	sdelay $0x1  }
0x6d8: {  	v6 =	vadd.f32 v53, v6;
	_ =	sdelay $0x1  }
0x6d9: {  	(xrf2) =	vadd.scan.msk.f32 $0xffff, v6;
	_ =	sdelay $0x5  }
0x6da: {  	v54 =	vadd.s32 $0xD, v4;
	_ =	sdelay $0x3  }
0x6db: {  	v55, _, _ =	vpop (xrf2)  }
0x6dc: {  	[tilespmem:v54+s14+$0x0] =	vst.idx.msk vm0, v55  }
0x6dd: {  	v6 =	vld [tilespmem:s20+$0xDD80]  }
0x6de: {  	v7 =	vld [tilespmem:s20+$0xDD90];
	_ =	sdelay $0x1  }
0x6df: {  	v56 =	vld [tilespmem:s20+$0xDDA0];
	_ =	sdelay $0x1  }
0x6e0: {  	v57 =	vld [tilespmem:s20+$0xDDB0]  }
0x6e1: {  	v6 =	vmul.f32 v6, v9;
	v7 =	vmul.f32 v7, v10;
	_ =	sdelay $0x1  }
0x6e2: {  	v58 =	vmul.f32 v56, v8;
	v6 =	vadd.f32 v7, v6;
	_ =	sdelay $0x1  }
0x6e3: {  	v59 =	vmul.f32 v57, v5;
	v6 =	vadd.f32 v58, v6;
	_ =	sdelay $0x1  }
0x6e4: {  	v6 =	vadd.f32 v59, v6;
	_ =	sdelay $0x1  }
0x6e5: {  	(xrf2) =	vadd.scan.msk.f32 $0xffff, v6;
	_ =	sdelay $0x5  }
0x6e6: {  	v60 =	vadd.s32 $0xE, v4;
	_ =	sdelay $0x3  }
0x6e7: {  	v61, _, _ =	vpop (xrf2)  }
0x6e8: {  	[tilespmem:v60+s14+$0x0] =	vst.idx.msk vm0, v61  }
0x6e9: {  	v6 =	vld [tilespmem:s20+$0xDDC0]  }
0x6ea: {  	v7 =	vld [tilespmem:s20+$0xDDD0];
	_ =	sdelay $0x1  }
0x6eb: {  	v62 =	vld [tilespmem:s20+$0xDDE0];
	_ =	sdelay $0x1  }
0x6ec: {  	v63 =	vld [tilespmem:s20+$0xDDF0]  }
0x6ed: {  	v6 =	vmul.f32 v6, v9;
	v7 =	vmul.f32 v7, v10;
	_ =	sdelay $0x1  }
0x6ee: {  	v13 =	vmul.f32 v62, v8;
	v6 =	vadd.f32 v7, v6;
	_ =	sdelay $0x1  }
0x6ef: {  	v14 =	vmul.f32 v63, v5;
	v6 =	vadd.f32 v13, v6;
	_ =	sdelay $0x1  }
0x6f0: {  	v6 =	vadd.f32 v14, v6;
	_ =	sdelay $0x1  }
0x6f1: {  	(xrf2) =	vadd.scan.msk.f32 $0xffff, v6;
	_ =	sdelay $0x5  }
0x6f2: {  	v15 =	vadd.s32 $0xF, v4;
	_ =	sdelay $0x3  }
0x6f3: {  	v16, _, _ =	vpop (xrf2)  }
0x6f4: {  	[tilespmem:v15+s14+$0x0] =	vst.idx.msk vm0, v16  }
0x6f5: {  	v6 =	vld [tilespmem:s20+$0xDE00]  }
0x6f6: {  	v7 =	vld [tilespmem:s20+$0xDE10];
	_ =	sdelay $0x1  }
0x6f7: {  	v17 =	vld [tilespmem:s20+$0xDE20];
	_ =	sdelay $0x1  }
0x6f8: {  	v18 =	vld [tilespmem:s20+$0xDE30]  }
0x6f9: {  	v6 =	vmul.f32 v6, v9;
	v7 =	vmul.f32 v7, v10;
	_ =	sdelay $0x1  }
0x6fa: {  	v19 =	vmul.f32 v17, v8;
	v6 =	vadd.f32 v7, v6;
	_ =	sdelay $0x1  }
0x6fb: {  	v20 =	vmul.f32 v18, v5;
	v6 =	vadd.f32 v19, v6;
	_ =	sdelay $0x1  }
0x6fc: {  	v6 =	vadd.f32 v20, v6;
	_ =	sdelay $0x1  }
0x6fd: {  	(xrf2) =	vadd.scan.msk.f32 $0xffff, v6;
	_ =	sdelay $0x5  }
0x6fe: {  	v21 =	vadd.s32 $0x10, v4;
	_ =	sdelay $0x3  }
0x6ff: {  	v22, _, _ =	vpop (xrf2)  }
0x700: {  	[tilespmem:v21+s14+$0x0] =	vst.idx.msk vm0, v22  }
0x701: {  	v6 =	vld [tilespmem:s20+$0xDE40]  }
0x702: {  	v7 =	vld [tilespmem:s20+$0xDE50];
	_ =	sdelay $0x1  }
0x703: {  	v23 =	vld [tilespmem:s20+$0xDE60];
	_ =	sdelay $0x1  }
0x704: {  	v24 =	vld [tilespmem:s20+$0xDE70]  }
0x705: {  	v6 =	vmul.f32 v6, v9;
	v7 =	vmul.f32 v7, v10;
	_ =	sdelay $0x1  }
0x706: {  	v25 =	vmul.f32 v23, v8;
	v6 =	vadd.f32 v7, v6;
	_ =	sdelay $0x1  }
0x707: {  	v26 =	vmul.f32 v24, v5;
	v6 =	vadd.f32 v25, v6;
	_ =	sdelay $0x1  }
0x708: {  	v6 =	vadd.f32 v26, v6;
	_ =	sdelay $0x1  }
0x709: {  	(xrf2) =	vadd.scan.msk.f32 $0xffff, v6;
	_ =	sdelay $0x5  }
0x70a: {  	v27 =	vadd.s32 $0x11, v4;
	_ =	sdelay $0x3  }
0x70b: {  	v28, _, _ =	vpop (xrf2)  }
0x70c: {  	[tilespmem:v27+s14+$0x0] =	vst.idx.msk vm0, v28  }
0x70d: {  	v6 =	vld [tilespmem:s20+$0xDE80]  }
0x70e: {  	v7 =	vld [tilespmem:s20+$0xDE90];
	_ =	sdelay $0x1  }
0x70f: {  	v29 =	vld [tilespmem:s20+$0xDEA0];
	_ =	sdelay $0x1  }
0x710: {  	v30 =	vld [tilespmem:s20+$0xDEB0]  }
0x711: {  	v6 =	vmul.f32 v6, v9;
	v7 =	vmul.f32 v7, v10;
	_ =	sdelay $0x1  }
0x712: {  	v31 =	vmul.f32 v29, v8;
	v6 =	vadd.f32 v7, v6;
	_ =	sdelay $0x1  }
0x713: {  	v32 =	vmul.f32 v30, v5;
	v6 =	vadd.f32 v31, v6;
	_ =	sdelay $0x1  }
0x714: {  	v6 =	vadd.f32 v32, v6;
	_ =	sdelay $0x1  }
0x715: {  	(xrf2) =	vadd.scan.msk.f32 $0xffff, v6;
	_ =	sdelay $0x5  }
0x716: {  	v33 =	vadd.s32 $0x12, v4  }
0x717: {  	s22 =	sor.u32 $0x3, s19  }
0x718: {  	s24 =	sshll.u32 s22, $0x6  }
0x719: {  	s23 =	sand.u32 $0x3FFFFFC0, s24  }
0x71a: {  	v7 =	vld [tilespmem:s23+$0x3210];
	v34, _, _ =	vpop (xrf2)  }
0x71b: {  	v6 =	vld [tilespmem:s23+$0x3200];
	[tilespmem:v33+s14+$0x0] =	vst.idx.msk vm0, v34  }
0x71c: {  	v35 =	vld [tilespmem:s20+$0xDEC0]  }
0x71d: {  	s24 =	smul.u32 $0x1400, s22;
	v36 =	vld [tilespmem:s20+$0xDED0]  }
0x71e: {  	v37 =	vld [tilespmem:s20+$0xDEE0]  }
0x71f: {  	v38 =	vld [tilespmem:s20+$0xDEF0];
	s20 =	sshra.s32 s24, $0x2  }
0x720: {  	v39 =	vld [tilespmem:s20+$0xDA00]  }
0x721: {  	v18 =	vld [tilespmem:s20+$0xDA10]  }
0x722: {  	v11 =	vld [tilespmem:s23+$0x3220]  }
0x723: {  	v19 =	vld [tilespmem:s20+$0xDA20]  }
0x724: {  	v12 =	vld [tilespmem:s23+$0x3230]  }
0x725: {  	v40 =	vld [tilespmem:s20+$0xDA30];
	v9 =	vmul.f32 v35, v9;
	v10 =	vmul.f32 v36, v10  }
0x726: {  	v41 =	vmul.f32 v39, v6;
	v42 =	vmul.f32 v18, v7  }
0x727: {  	v8 =	vmul.f32 v37, v8;
	v9 =	vadd.f32 v10, v9  }
0x728: {  	v44 =	vmul.f32 v19, v11;
	v43 =	vadd.f32 v42, v41  }
0x729: {  	v5 =	vmul.f32 v38, v5;
	v8 =	vadd.f32 v8, v9  }
0x72a: {  	v46 =	vmul.f32 v40, v12;
	v45 =	vadd.f32 v44, v43  }
0x72b: {  	v5 =	vadd.f32 v5, v8  }
0x72c: {  	v47 =	vadd.f32 v46, v45  }
0x72d: {  	(xrf2) =	vadd.scan.msk.f32 $0xffff, v5  }
0x72e: {  	(xrf2) =	vadd.scan.msk.f32 $0xffff, v47;
	_ =	sdelay $0x2  }
0x72f: {  	s22 =	sadd.s32 s18, s22  }
0x730: {  	s22 =	smul.u32 $0x14, s22;
	_ =	sdelay $0x1  }
0x731: {  	v8 =	vmov s22;
	_ =	sdelay $0x2  }
0x732: {  	v5, _, _ =	vpop (xrf2)  }
0x733: {  	v48, _, _ =	vpop (xrf2)  }
0x734: {  	[tilespmem:v8+s14+$0x0] =	vst.idx.msk vm0, v48  }
0x735: {  	v9 =	vld [tilespmem:s20+$0xDA40]  }
0x736: {  	v49 =	vld [tilespmem:s20+$0xDA50];
	_ =	sdelay $0x1  }
0x737: {  	v50 =	vld [tilespmem:s20+$0xDA60];
	_ =	sdelay $0x1  }
0x738: {  	v51 =	vld [tilespmem:s20+$0xDA70]  }
0x739: {  	v9 =	vmul.f32 v9, v6;
	v10 =	vmul.f32 v49, v7;
	_ =	sdelay $0x1  }
0x73a: {  	v52 =	vmul.f32 v50, v11;
	v9 =	vadd.f32 v10, v9;
	_ =	sdelay $0x1  }
0x73b: {  	v53 =	vmul.f32 v51, v12;
	v9 =	vadd.f32 v52, v9;
	_ =	sdelay $0x1  }
0x73c: {  	v9 =	vadd.f32 v53, v9;
	_ =	sdelay $0x1  }
0x73d: {  	(xrf2) =	vadd.scan.msk.f32 $0xffff, v9;
	_ =	sdelay $0x5  }
0x73e: {  	v54 =	vor.u32 $0x5, v8;
	_ =	sdelay $0x3  }
0x73f: {  	v55, _, _ =	vpop (xrf2)  }
0x740: {  	[tilespmem:v54+s14+$0x0] =	vst.idx.msk vm0, v55  }
0x741: {  	v9 =	vld [tilespmem:s20+$0xDA80]  }
0x742: {  	v10 =	vld [tilespmem:s20+$0xDA90];
	_ =	sdelay $0x1  }
0x743: {  	v56 =	vld [tilespmem:s20+$0xDAA0];
	_ =	sdelay $0x1  }
0x744: {  	v57 =	vld [tilespmem:s20+$0xDAB0]  }
0x745: {  	v9 =	vmul.f32 v9, v6;
	v10 =	vmul.f32 v10, v7;
	_ =	sdelay $0x1  }
0x746: {  	v58 =	vmul.f32 v56, v11;
	v9 =	vadd.f32 v10, v9;
	_ =	sdelay $0x1  }
0x747: {  	v59 =	vmul.f32 v57, v12;
	v9 =	vadd.f32 v58, v9;
	_ =	sdelay $0x1  }
0x748: {  	v9 =	vadd.f32 v59, v9;
	_ =	sdelay $0x1  }
0x749: {  	(xrf2) =	vadd.scan.msk.f32 $0xffff, v9;
	_ =	sdelay $0x5  }
0x74a: {  	v60 =	vor.u32 $0x6, v8;
	_ =	sdelay $0x3  }
0x74b: {  	v61, _, _ =	vpop (xrf2)  }
0x74c: {  	[tilespmem:v60+s14+$0x0] =	vst.idx.msk vm0, v61  }
0x74d: {  	v9 =	vld [tilespmem:s20+$0xDAC0]  }
0x74e: {  	v10 =	vld [tilespmem:s20+$0xDAD0];
	_ =	sdelay $0x1  }
0x74f: {  	v62 =	vld [tilespmem:s20+$0xDAE0];
	_ =	sdelay $0x1  }
0x750: {  	v63 =	vld [tilespmem:s20+$0xDAF0]  }
0x751: {  	v9 =	vmul.f32 v9, v6;
	v10 =	vmul.f32 v10, v7;
	_ =	sdelay $0x1  }
0x752: {  	v13 =	vmul.f32 v62, v11;
	v9 =	vadd.f32 v10, v9;
	_ =	sdelay $0x1  }
0x753: {  	v15 =	vmul.f32 v63, v12;
	v9 =	vadd.f32 v13, v9;
	_ =	sdelay $0x1  }
0x754: {  	v9 =	vadd.f32 v15, v9;
	_ =	sdelay $0x1  }
0x755: {  	(xrf2) =	vadd.scan.msk.f32 $0xffff, v9;
	_ =	sdelay $0x5  }
0x756: {  	v16 =	vor.u32 $0x7, v8;
	_ =	sdelay $0x3  }
0x757: {  	v17, _, _ =	vpop (xrf2)  }
0x758: {  	[tilespmem:v16+s14+$0x0] =	vst.idx.msk vm0, v17  }
0x759: {  	v9 =	vld [tilespmem:s20+$0xDB00]  }
0x75a: {  	v10 =	vld [tilespmem:s20+$0xDB10];
	_ =	sdelay $0x1  }
0x75b: {  	v18 =	vld [tilespmem:s20+$0xDB20];
	_ =	sdelay $0x1  }
0x75c: {  	v19 =	vld [tilespmem:s20+$0xDB30]  }
0x75d: {  	v9 =	vmul.f32 v9, v6;
	v10 =	vmul.f32 v10, v7;
	_ =	sdelay $0x1  }
0x75e: {  	v20 =	vmul.f32 v18, v11;
	v9 =	vadd.f32 v10, v9;
	_ =	sdelay $0x1  }
0x75f: {  	v21 =	vmul.f32 v19, v12;
	v9 =	vadd.f32 v20, v9;
	_ =	sdelay $0x1  }
0x760: {  	v9 =	vadd.f32 v21, v9;
	_ =	sdelay $0x1  }
0x761: {  	(xrf2) =	vadd.scan.msk.f32 $0xffff, v9;
	_ =	sdelay $0x5  }
0x762: {  	v22 =	vadd.s32 $0x4, v8;
	_ =	sdelay $0x3  }
0x763: {  	v23, _, _ =	vpop (xrf2)  }
0x764: {  	[tilespmem:v22+s14+$0x0] =	vst.idx.msk vm0, v23  }
0x765: {  	v9 =	vld [tilespmem:s20+$0xDB40]  }
0x766: {  	v10 =	vld [tilespmem:s20+$0xDB50];
	_ =	sdelay $0x1  }
0x767: {  	v24 =	vld [tilespmem:s20+$0xDB60];
	_ =	sdelay $0x1  }
0x768: {  	v25 =	vld [tilespmem:s20+$0xDB70]  }
0x769: {  	v9 =	vmul.f32 v9, v6;
	v10 =	vmul.f32 v10, v7;
	_ =	sdelay $0x1  }
0x76a: {  	v26 =	vmul.f32 v24, v11;
	v9 =	vadd.f32 v10, v9;
	_ =	sdelay $0x1  }
0x76b: {  	v27 =	vmul.f32 v25, v12;
	v9 =	vadd.f32 v26, v9;
	_ =	sdelay $0x1  }
0x76c: {  	v9 =	vadd.f32 v27, v9;
	_ =	sdelay $0x1  }
0x76d: {  	(xrf2) =	vadd.scan.msk.f32 $0xffff, v9;
	_ =	sdelay $0x5  }
0x76e: {  	v28 =	vadd.s32 $0x5, v8;
	_ =	sdelay $0x3  }
0x76f: {  	v29, _, _ =	vpop (xrf2)  }
0x770: {  	[tilespmem:v28+s14+$0x0] =	vst.idx.msk vm0, v29  }
0x771: {  	v9 =	vld [tilespmem:s20+$0xDB80]  }
0x772: {  	v10 =	vld [tilespmem:s20+$0xDB90];
	_ =	sdelay $0x1  }
0x773: {  	v30 =	vld [tilespmem:s20+$0xDBA0];
	_ =	sdelay $0x1  }
0x774: {  	v31 =	vld [tilespmem:s20+$0xDBB0]  }
0x775: {  	v9 =	vmul.f32 v9, v6;
	v10 =	vmul.f32 v10, v7;
	_ =	sdelay $0x1  }
0x776: {  	v32 =	vmul.f32 v30, v11;
	v9 =	vadd.f32 v10, v9;
	_ =	sdelay $0x1  }
0x777: {  	v33 =	vmul.f32 v31, v12;
	v9 =	vadd.f32 v32, v9;
	_ =	sdelay $0x1  }
0x778: {  	v9 =	vadd.f32 v33, v9;
	_ =	sdelay $0x1  }
0x779: {  	(xrf2) =	vadd.scan.msk.f32 $0xffff, v9;
	_ =	sdelay $0x5  }
0x77a: {  	v34 =	vadd.s32 $0x6, v8;
	_ =	sdelay $0x3  }
0x77b: {  	v35, _, _ =	vpop (xrf2)  }
0x77c: {  	[tilespmem:v34+s14+$0x0] =	vst.idx.msk vm0, v35  }
0x77d: {  	v9 =	vld [tilespmem:s20+$0xDBC0]  }
0x77e: {  	v10 =	vld [tilespmem:s20+$0xDBD0];
	_ =	sdelay $0x1  }
0x77f: {  	v36 =	vld [tilespmem:s20+$0xDBE0];
	_ =	sdelay $0x1  }
0x780: {  	v37 =	vld [tilespmem:s20+$0xDBF0]  }
0x781: {  	v9 =	vmul.f32 v9, v6;
	v10 =	vmul.f32 v10, v7;
	_ =	sdelay $0x1  }
0x782: {  	v38 =	vmul.f32 v36, v11;
	v9 =	vadd.f32 v10, v9;
	_ =	sdelay $0x1  }
0x783: {  	v39 =	vmul.f32 v37, v12;
	v9 =	vadd.f32 v38, v9;
	_ =	sdelay $0x1  }
0x784: {  	v9 =	vadd.f32 v39, v9;
	_ =	sdelay $0x1  }
0x785: {  	(xrf2) =	vadd.scan.msk.f32 $0xffff, v9;
	_ =	sdelay $0x5  }
0x786: {  	v40 =	vadd.s32 $0x7, v8;
	_ =	sdelay $0x3  }
0x787: {  	v41, _, _ =	vpop (xrf2)  }
0x788: {  	[tilespmem:v40+s14+$0x0] =	vst.idx.msk vm0, v41  }
0x789: {  	v9 =	vld [tilespmem:s20+$0xDC00]  }
0x78a: {  	v10 =	vld [tilespmem:s20+$0xDC10];
	_ =	sdelay $0x1  }
0x78b: {  	v42 =	vld [tilespmem:s20+$0xDC20];
	_ =	sdelay $0x1  }
0x78c: {  	v43 =	vld [tilespmem:s20+$0xDC30]  }
0x78d: {  	v9 =	vmul.f32 v9, v6;
	v10 =	vmul.f32 v10, v7;
	_ =	sdelay $0x1  }
0x78e: {  	v44 =	vmul.f32 v42, v11;
	v9 =	vadd.f32 v10, v9;
	_ =	sdelay $0x1  }
0x78f: {  	v45 =	vmul.f32 v43, v12;
	v9 =	vadd.f32 v44, v9;
	_ =	sdelay $0x1  }
0x790: {  	v9 =	vadd.f32 v45, v9;
	_ =	sdelay $0x1  }
0x791: {  	(xrf2) =	vadd.scan.msk.f32 $0xffff, v9;
	_ =	sdelay $0x4  }
0x792: {  	v9 =	vand.u32 $0x7FFFFFF8, v8  }
0x793: {  	v46 =	vadd.s32 $0xC, v9;
	_ =	sdelay $0x3  }
0x794: {  	v47, _, _ =	vpop (xrf2)  }
0x795: {  	[tilespmem:v46+s14+$0x0] =	vst.idx.msk vm0, v47  }
0x796: {  	v10 =	vld [tilespmem:s20+$0xDC40]  }
0x797: {  	v13 =	vld [tilespmem:s20+$0xDC50];
	_ =	sdelay $0x1  }
0x798: {  	v48 =	vld [tilespmem:s20+$0xDC60];
	_ =	sdelay $0x1  }
0x799: {  	v49 =	vld [tilespmem:s20+$0xDC70]  }
0x79a: {  	v10 =	vmul.f32 v10, v6;
	v13 =	vmul.f32 v13, v7;
	_ =	sdelay $0x1  }
0x79b: {  	v50 =	vmul.f32 v48, v11;
	v10 =	vadd.f32 v13, v10;
	_ =	sdelay $0x1  }
0x79c: {  	v51 =	vmul.f32 v49, v12;
	v10 =	vadd.f32 v50, v10;
	_ =	sdelay $0x1  }
0x79d: {  	v10 =	vadd.f32 v51, v10;
	_ =	sdelay $0x1  }
0x79e: {  	(xrf2) =	vadd.scan.msk.f32 $0xffff, v10;
	_ =	sdelay $0x5  }
0x79f: {  	v52 =	vadd.s32 $0x9, v8;
	_ =	sdelay $0x3  }
0x7a0: {  	v53, _, _ =	vpop (xrf2)  }
0x7a1: {  	[tilespmem:v52+s14+$0x0] =	vst.idx.msk vm0, v53  }
0x7a2: {  	v10 =	vld [tilespmem:s20+$0xDC80]  }
0x7a3: {  	v13 =	vld [tilespmem:s20+$0xDC90];
	_ =	sdelay $0x1  }
0x7a4: {  	v54 =	vld [tilespmem:s20+$0xDCA0];
	_ =	sdelay $0x1  }
0x7a5: {  	v55 =	vld [tilespmem:s20+$0xDCB0]  }
0x7a6: {  	v10 =	vmul.f32 v10, v6;
	v13 =	vmul.f32 v13, v7;
	_ =	sdelay $0x1  }
0x7a7: {  	v56 =	vmul.f32 v54, v11;
	v10 =	vadd.f32 v13, v10;
	_ =	sdelay $0x1  }
0x7a8: {  	v57 =	vmul.f32 v55, v12;
	v10 =	vadd.f32 v56, v10;
	_ =	sdelay $0x1  }
0x7a9: {  	v10 =	vadd.f32 v57, v10;
	_ =	sdelay $0x1  }
0x7aa: {  	(xrf2) =	vadd.scan.msk.f32 $0xffff, v10;
	_ =	sdelay $0x5  }
0x7ab: {  	v58 =	vadd.s32 $0xA, v8;
	_ =	sdelay $0x3  }
0x7ac: {  	v59, _, _ =	vpop (xrf2)  }
0x7ad: {  	[tilespmem:v58+s14+$0x0] =	vst.idx.msk vm0, v59  }
0x7ae: {  	v10 =	vld [tilespmem:s20+$0xDCC0]  }
0x7af: {  	v13 =	vld [tilespmem:s20+$0xDCD0];
	_ =	sdelay $0x1  }
0x7b0: {  	v60 =	vld [tilespmem:s20+$0xDCE0];
	_ =	sdelay $0x1  }
0x7b1: {  	v61 =	vld [tilespmem:s20+$0xDCF0]  }
0x7b2: {  	v10 =	vmul.f32 v10, v6;
	v13 =	vmul.f32 v13, v7;
	_ =	sdelay $0x1  }
0x7b3: {  	v62 =	vmul.f32 v60, v11;
	v10 =	vadd.f32 v13, v10;
	_ =	sdelay $0x1  }
0x7b4: {  	v63 =	vmul.f32 v61, v12;
	v10 =	vadd.f32 v62, v10;
	_ =	sdelay $0x1  }
0x7b5: {  	v10 =	vadd.f32 v63, v10;
	_ =	sdelay $0x1  }
0x7b6: {  	(xrf2) =	vadd.scan.msk.f32 $0xffff, v10;
	_ =	sdelay $0x5  }
0x7b7: {  	v16 =	vadd.s32 $0xB, v8;
	_ =	sdelay $0x3  }
0x7b8: {  	v17, _, _ =	vpop (xrf2)  }
0x7b9: {  	[tilespmem:v16+s14+$0x0] =	vst.idx.msk vm0, v17  }
0x7ba: {  	v10 =	vld [tilespmem:s20+$0xDD00]  }
0x7bb: {  	v13 =	vld [tilespmem:s20+$0xDD10];
	_ =	sdelay $0x1  }
0x7bc: {  	v18 =	vld [tilespmem:s20+$0xDD20];
	_ =	sdelay $0x1  }
0x7bd: {  	v19 =	vld [tilespmem:s20+$0xDD30]  }
0x7be: {  	v10 =	vmul.f32 v10, v6;
	v13 =	vmul.f32 v13, v7;
	_ =	sdelay $0x1  }
0x7bf: {  	v20 =	vmul.f32 v18, v11;
	v10 =	vadd.f32 v13, v10;
	_ =	sdelay $0x1  }
0x7c0: {  	v21 =	vmul.f32 v19, v12;
	v10 =	vadd.f32 v20, v10;
	_ =	sdelay $0x1  }
0x7c1: {  	v10 =	vadd.f32 v21, v10;
	_ =	sdelay $0x1  }
0x7c2: {  	(xrf2) =	vadd.scan.msk.f32 $0xffff, v10;
	_ =	sdelay $0x5  }
0x7c3: {  	v22 =	vadd.s32 $0xC, v8;
	_ =	sdelay $0x3  }
0x7c4: {  	v23, _, _ =	vpop (xrf2)  }
0x7c5: {  	[tilespmem:v22+s14+$0x0] =	vst.idx.msk vm0, v23  }
0x7c6: {  	v10 =	vld [tilespmem:s20+$0xDD40]  }
0x7c7: {  	v13 =	vld [tilespmem:s20+$0xDD50];
	_ =	sdelay $0x1  }
0x7c8: {  	v24 =	vld [tilespmem:s20+$0xDD60];
	_ =	sdelay $0x1  }
0x7c9: {  	v25 =	vld [tilespmem:s20+$0xDD70]  }
0x7ca: {  	v10 =	vmul.f32 v10, v6;
	v13 =	vmul.f32 v13, v7;
	_ =	sdelay $0x1  }
0x7cb: {  	v26 =	vmul.f32 v24, v11;
	v10 =	vadd.f32 v13, v10;
	_ =	sdelay $0x1  }
0x7cc: {  	v27 =	vmul.f32 v25, v12;
	v10 =	vadd.f32 v26, v10;
	_ =	sdelay $0x1  }
0x7cd: {  	v10 =	vadd.f32 v27, v10;
	_ =	sdelay $0x1  }
0x7ce: {  	(xrf2) =	vadd.scan.msk.f32 $0xffff, v10;
	_ =	sdelay $0x5  }
0x7cf: {  	v28 =	vadd.s32 $0xD, v8;
	_ =	sdelay $0x3  }
0x7d0: {  	v29, _, _ =	vpop (xrf2)  }
0x7d1: {  	[tilespmem:v28+s14+$0x0] =	vst.idx.msk vm0, v29  }
0x7d2: {  	v10 =	vld [tilespmem:s20+$0xDD80]  }
0x7d3: {  	v13 =	vld [tilespmem:s20+$0xDD90];
	_ =	sdelay $0x1  }
0x7d4: {  	v30 =	vld [tilespmem:s20+$0xDDA0];
	_ =	sdelay $0x1  }
0x7d5: {  	v31 =	vld [tilespmem:s20+$0xDDB0]  }
0x7d6: {  	v10 =	vmul.f32 v10, v6;
	v13 =	vmul.f32 v13, v7;
	_ =	sdelay $0x1  }
0x7d7: {  	v32 =	vmul.f32 v30, v11;
	v10 =	vadd.f32 v13, v10;
	_ =	sdelay $0x1  }
0x7d8: {  	v33 =	vmul.f32 v31, v12;
	v10 =	vadd.f32 v32, v10;
	_ =	sdelay $0x1  }
0x7d9: {  	v10 =	vadd.f32 v33, v10;
	_ =	sdelay $0x1  }
0x7da: {  	(xrf2) =	vadd.scan.msk.f32 $0xffff, v10;
	_ =	sdelay $0x5  }
0x7db: {  	v34 =	vadd.s32 $0xE, v8;
	_ =	sdelay $0x3  }
0x7dc: {  	v35, _, _ =	vpop (xrf2)  }
0x7dd: {  	[tilespmem:v34+s14+$0x0] =	vst.idx.msk vm0, v35  }
0x7de: {  	v10 =	vld [tilespmem:s20+$0xDDC0]  }
0x7df: {  	v13 =	vld [tilespmem:s20+$0xDDD0];
	_ =	sdelay $0x1  }
0x7e0: {  	v36 =	vld [tilespmem:s20+$0xDDE0];
	_ =	sdelay $0x1  }
0x7e1: {  	v37 =	vld [tilespmem:s20+$0xDDF0]  }
0x7e2: {  	v10 =	vmul.f32 v10, v6;
	v13 =	vmul.f32 v13, v7;
	_ =	sdelay $0x1  }
0x7e3: {  	v38 =	vmul.f32 v36, v11;
	v10 =	vadd.f32 v13, v10;
	_ =	sdelay $0x1  }
0x7e4: {  	v39 =	vmul.f32 v37, v12;
	v10 =	vadd.f32 v38, v10;
	_ =	sdelay $0x1  }
0x7e5: {  	v10 =	vadd.f32 v39, v10;
	_ =	sdelay $0x1  }
0x7e6: {  	(xrf2) =	vadd.scan.msk.f32 $0xffff, v10;
	_ =	sdelay $0x5  }
0x7e7: {  	v40 =	vadd.s32 $0xF, v8;
	_ =	sdelay $0x3  }
0x7e8: {  	v41, _, _ =	vpop (xrf2)  }
0x7e9: {  	[tilespmem:v40+s14+$0x0] =	vst.idx.msk vm0, v41  }
0x7ea: {  	v10 =	vld [tilespmem:s20+$0xDE00]  }
0x7eb: {  	v13 =	vld [tilespmem:s20+$0xDE10];
	_ =	sdelay $0x1  }
0x7ec: {  	v42 =	vld [tilespmem:s20+$0xDE20];
	_ =	sdelay $0x1  }
0x7ed: {  	v43 =	vld [tilespmem:s20+$0xDE30]  }
0x7ee: {  	v10 =	vmul.f32 v10, v6;
	v13 =	vmul.f32 v13, v7;
	_ =	sdelay $0x1  }
0x7ef: {  	v44 =	vmul.f32 v42, v11;
	v10 =	vadd.f32 v13, v10;
	_ =	sdelay $0x1  }
0x7f0: {  	v45 =	vmul.f32 v43, v12;
	v10 =	vadd.f32 v44, v10;
	_ =	sdelay $0x1  }
0x7f1: {  	v10 =	vadd.f32 v45, v10;
	_ =	sdelay $0x1  }
0x7f2: {  	(xrf2) =	vadd.scan.msk.f32 $0xffff, v10;
	_ =	sdelay $0x5  }
0x7f3: {  	v9 =	vadd.s32 $0x14, v9;
	_ =	sdelay $0x3  }
0x7f4: {  	v10, _, _ =	vpop (xrf2)  }
0x7f5: {  	[tilespmem:v9+s14+$0x0] =	vst.idx.msk vm0, v10  }
0x7f6: {  	v9 =	vld [tilespmem:s20+$0xDE40]  }
0x7f7: {  	v10 =	vld [tilespmem:s20+$0xDE50];
	_ =	sdelay $0x1  }
0x7f8: {  	v46 =	vld [tilespmem:s20+$0xDE60];
	_ =	sdelay $0x1  }
0x7f9: {  	v47 =	vld [tilespmem:s20+$0xDE70]  }
0x7fa: {  	v9 =	vmul.f32 v9, v6;
	v10 =	vmul.f32 v10, v7;
	_ =	sdelay $0x1  }
0x7fb: {  	v48 =	vmul.f32 v46, v11;
	v9 =	vadd.f32 v10, v9;
	_ =	sdelay $0x1  }
0x7fc: {  	v49 =	vmul.f32 v47, v12;
	v9 =	vadd.f32 v48, v9;
	_ =	sdelay $0x1  }
0x7fd: {  	v9 =	vadd.f32 v49, v9;
	_ =	sdelay $0x1  }
0x7fe: {  	(xrf2) =	vadd.scan.msk.f32 $0xffff, v9;
	_ =	sdelay $0x5  }
0x7ff: {  	v50 =	vadd.s32 $0x11, v8;
	_ =	sdelay $0x3  }
0x800: {  	v51, _, _ =	vpop (xrf2)  }
0x801: {  	[tilespmem:v50+s14+$0x0] =	vst.idx.msk vm0, v51  }
0x802: {  	v9 =	vld [tilespmem:s20+$0xDE80]  }
0x803: {  	v10 =	vld [tilespmem:s20+$0xDE90];
	_ =	sdelay $0x1  }
0x804: {  	v52 =	vld [tilespmem:s20+$0xDEA0];
	_ =	sdelay $0x1  }
0x805: {  	v53 =	vld [tilespmem:s20+$0xDEB0]  }
0x806: {  	v9 =	vmul.f32 v9, v6;
	v10 =	vmul.f32 v10, v7;
	_ =	sdelay $0x1  }
0x807: {  	v54 =	vmul.f32 v52, v11;
	v9 =	vadd.f32 v10, v9;
	_ =	sdelay $0x1  }
0x808: {  	v55 =	vmul.f32 v53, v12;
	v9 =	vadd.f32 v54, v9;
	_ =	sdelay $0x1  }
0x809: {  	v9 =	vadd.f32 v55, v9;
	_ =	sdelay $0x1  }
0x80a: {  	(xrf2) =	vadd.scan.msk.f32 $0xffff, v9;
	_ =	sdelay $0x5  }
0x80b: {  	v56 =	vadd.s32 $0x12, v8;
	_ =	sdelay $0x3  }
0x80c: {  	v57, _, _ =	vpop (xrf2)  }
0x80d: {  	[tilespmem:v56+s14+$0x0] =	vst.idx.msk vm0, v57  }
0x80e: {  	v9 =	vld [tilespmem:s20+$0xDEC0]  }
0x80f: {  	v10 =	vld [tilespmem:s20+$0xDED0];
	_ =	sdelay $0x1  }
0x810: {  	v58 =	vld [tilespmem:s20+$0xDEE0];
	_ =	sdelay $0x1  }
0x811: {  	v59 =	vld [tilespmem:s20+$0xDEF0]  }
0x812: {  	v6 =	vmul.f32 v9, v6;
	v7 =	vmul.f32 v10, v7;
	_ =	sdelay $0x1  }
0x813: {  	v60 =	vmul.f32 v58, v11;
	v6 =	vadd.f32 v7, v6;
	_ =	sdelay $0x1  }
0x814: {  	v61 =	vmul.f32 v59, v12;
	v6 =	vadd.f32 v60, v6;
	_ =	sdelay $0x1  }
0x815: {  	v6 =	vadd.f32 v61, v6;
	_ =	sdelay $0x1  }
0x816: {  	(xrf2) =	vadd.scan.msk.f32 $0xffff, v6;
	_ =	sdelay $0x2  }
0x817: {  	v0 =	vadd.s32 $0x13, v0  }
0x818: {  	v2 =	vadd.s32 $0x13, v2  }
0x819: {  	v4 =	vadd.s32 $0x13, v4  }
0x81a: {  	p0 =	slt.u32 s19, $0x1C;
	v62 =	vadd.s32 $0x13, v8  }
.Ltmp1:
0x81b: {  	_ = 	snop;
	(pc) =	sbr.rel @p0 .LBB2_5-.Ltmp1, $4  }
0x81c: {  	[tilespmem:v0+s14+$0x0] =	vst.idx.msk vm0, v1  }
0x81d: {  	[tilespmem:v2+s14+$0x0] =	vst.idx.msk vm0, v3  }
0x81e: {  	s24 =	sadd.s32 $0x4, s19;
	[tilespmem:v4+s14+$0x0] =	vst.idx.msk vm0, v5;
	v63, _, _ =	vpop (xrf2)  }
0x81f: {  	s19 =	smov.u32 s24;
	[tilespmem:v62+s14+$0x0] =	vst.idx.msk vm0, v63  }
0x820: {  	s17 =	sadd.s32 $0x1, s17  }
0x821: {  	p0 =	sne.s32 s17, $0x8  }
.Ltmp2:
0x822: {  	_ = 	snop;
	(pc) =	sbr.rel @p0 .LBB2_2-.Ltmp2, $1  }
0x823: {  	_ =	sdelay $0x3  }
0x824: {  	s16 =	sadd.s32 $0x1, s16  }
0x825: {  	p0 =	sne.s32 s16, s8  }
.Ltmp3:
0x826: {  	_ = 	snop;
	(pc) =	sbr.rel @p0 .LBB2_1-.Ltmp3, $4  }
0x827: {  	[hbm4b:s7+s2] =	stream.linear.scatter [tilespmem:s14], [sflag:$0x3], $0x2800, $0x38;
	[tilespmem:$0x1A200] =	vst v63  }
0x828: {  	_ =	swait.ge [sflag:s9], $0x2800  }
0x829: {  	[sflag:s9] =	ssyncset.done $0x0  }
0x82a: {  	[sflag:s9] =	ssyncadd.s32 $0xFFFFD800  }
0x82b: {  	_ =	sfence.sel $0x180000  }
0x82c: {  	[bflag:$0x0] =	sbarrier.arrive $0xFFFF  }
0x82d: {  	_ =	strace $0x90000047  }
0x82e: {  	s0 =	stileid.u32;
	[bflag:$0x2] =	sbarrier.arrive $0xFFFF  }
0x82f: {  	p0 =	sne.s32 s0, $0x0;
	s0 =	rddreg [dreg:$0x2]  }
0x830: {  	s0 =	sadd.s32 @!p0 $0x100000, s0  }
0x831: {  	[sflag:s0] =	ssyncadd.tile.s32 @!p0 $0x1;
	_ =	shalt  }
.Lfunc_end2:
_tile_overlayer_lowered:
.L_overlay_start_2:
0x832: {  	(tag) =	ssettag $0x2  }
0x833: {  	s0 =	rddreg [dreg:$0x0];
	s2 =	stileid.u32  }
0x834: {  	s1 =	rddreg [dreg:$0x1];
	p0 =	sne.s32 s2, $0x0  }
0x835: {  	s3 =	rddreg [dreg:$0x2];
	[bflag:$0x3] =	sbarrier.arrive $0xFFFF;
	s2 =	simm.s32 @!p0 $0x1C03  }
0x836: {  	[timem:s3], [sflag:s2] =	dma.local @!p0 [hbm:s0], s1  }
0x837: {  	s0 =	simm.s32 @!p0 $0x3  }
0x838: {  	_ =	swait.ge @!p0 [sflag:s0], s1  }
0x839: {  	s1 =	ssub.s32 @!p0 $0x0, s1;
	[sflag:s0] =	ssyncset.done @!p0 $0x0  }
0x83a: {  	[sflag:s0] =	ssyncadd.s32 @!p0 s1  }
0x83b: {  	[bflag:$0x3] =	sbarrier.arrive $0xFFFF  }
0x83c: {  	_ =	shalt  }

</sc_bundles>
